<compile_context>
chip_gen: v7x
topology: tpu7x:2x2x1
jax: 0.10.2.dev20260603
libtpu: 0.0.44.dev20260713+nightly
codegen_flags: <defaults>
</compile_context>

<pallas_src>
import functools

import jax
import jax.numpy as jnp
from jax import lax
from jax.experimental import pallas as pl
from jax.experimental.pallas import tpu as pltpu
from jax.experimental.pallas import tpu_sc as plsc

B, C, H, W = 4, 96, 224, 224
HW = H * W
NW = 32
CH = 112
TPW = B * HW // NW
NCH = TPW // CH
GRP = CH // 16

_mesh = plsc.VectorSubcoreMesh(core_axis_name="c", subcore_axis_name="s")


@functools.partial(
    pl.kernel,
    mesh=_mesh,
    compiler_params=pltpu.CompilerParams(use_tc_tiling_on_sc=False),
    out_type=jax.ShapeDtypeStruct((B * HW, C), jnp.float32),
    scratch_types=[
        pltpu.VMEM((CH,), jnp.int32),
        pltpu.VMEM((CH,), jnp.int32),
        pltpu.VMEM((CH,), jnp.int32),
        pltpu.VMEM((CH,), jnp.int32),
        pltpu.VMEM((CH,), jnp.int32),
        pltpu.VMEM((CH,), jnp.float32),
        pltpu.VMEM((CH,), jnp.float32),
        pltpu.VMEM((CH,), jnp.float32),
        pltpu.VMEM((CH,), jnp.float32),
        pltpu.VMEM((CH, C), jnp.float32),
        pltpu.VMEM((CH, C), jnp.float32),
        pltpu.VMEM((CH, C), jnp.float32),
        pltpu.VMEM((CH, C), jnp.float32),
        pltpu.VMEM((CH, C), jnp.float32),
        pltpu.SemaphoreType.DMA,
    ],
)
def _sc_gather(xt_hbm, n0_hbm, n1_hbm, n2_hbm, n3_hbm,
               v0_hbm, v1_hbm, v2_hbm, v3_hbm, sidx_hbm, out_hbm,
               sidx_v, i0, i1, i2, i3, w0, w1, w2, w3,
               nb0, nb1, nb2, nb3, ob, sem):
    wid = lax.axis_index("s") * 2 + lax.axis_index("c")
    wbase = wid * TPW

    def chunk_body(ci, carry):
        gbase = wbase + ci * CH
        pltpu.sync_copy(sidx_hbm.at[pl.ds(gbase, CH)], sidx_v)
        cps = [
            pltpu.async_copy(n0_hbm.at[sidx_v], i0, sem),
            pltpu.async_copy(n1_hbm.at[sidx_v], i1, sem),
            pltpu.async_copy(n2_hbm.at[sidx_v], i2, sem),
            pltpu.async_copy(n3_hbm.at[sidx_v], i3, sem),
            pltpu.async_copy(v0_hbm.at[sidx_v], w0, sem),
            pltpu.async_copy(v1_hbm.at[sidx_v], w1, sem),
            pltpu.async_copy(v2_hbm.at[sidx_v], w2, sem),
            pltpu.async_copy(v3_hbm.at[sidx_v], w3, sem),
        ]
        for cp in cps:
            cp.wait()

        cps = [
            pltpu.async_copy(xt_hbm.at[i0], nb0, sem),
            pltpu.async_copy(xt_hbm.at[i1], nb1, sem),
            pltpu.async_copy(xt_hbm.at[i2], nb2, sem),
            pltpu.async_copy(xt_hbm.at[i3], nb3, sem),
        ]
        for cp in cps:
            cp.wait()

        def tok_body(g, c2):
            base = g * 16
            aw0 = w0[pl.ds(base, 16)]
            aw1 = w1[pl.ds(base, 16)]
            aw2 = w2[pl.ds(base, 16)]
            aw3 = w3[pl.ds(base, 16)]
            for l in range(16):
                t = base + l
                a0 = aw0[l]
                a1 = aw1[l]
                a2 = aw2[l]
                a3 = aw3[l]
                for v in range(C // 16):
                    s = pl.ds(v * 16, 16)
                    ob[t, s] = nb0[t, s] * a0 + nb1[t, s] * a1 \
                        + nb2[t, s] * a2 + nb3[t, s] * a3
            return c2

        lax.fori_loop(0, GRP, tok_body, 0)
        pltpu.sync_copy(ob, out_hbm.at[pl.ds(gbase, CH)])
        return carry

    lax.fori_loop(0, NCH, chunk_body, 0)


def kernel(x, delta_p, delta_t):
    b, c, h, w = x.shape
    hw = h * w

    gyy, gxx = jnp.meshgrid(jnp.linspace(-1.0, 1.0, h),
                            jnp.linspace(-1.0, 1.0, w), indexing="ij")
    gx = gxx[None] + delta_p[:, 0]
    gy = gyy[None] + delta_p[:, 1]
    ix = ((gx + 1.0) * w - 1.0) / 2.0
    iy = ((gy + 1.0) * h - 1.0) / 2.0
    ix0 = jnp.floor(ix)
    iy0 = jnp.floor(iy)
    ix1 = ix0 + 1.0
    iy1 = iy0 + 1.0
    wx1 = ix - ix0
    wy1 = iy - iy0
    wx0 = 1.0 - wx1
    wy0 = 1.0 - wy1

    boff = (jnp.arange(b, dtype=jnp.int32) * hw)[:, None, None]

    def corner(ixq, iyq, wt):
        valid = (ixq >= 0.0) & (ixq <= w - 1.0) & (iyq >= 0.0) & (iyq <= h - 1.0)
        ixc = jnp.clip(ixq, 0.0, w - 1.0).astype(jnp.int32)
        iyc = jnp.clip(iyq, 0.0, h - 1.0).astype(jnp.int32)
        n = iyc * w + ixc + boff
        wv = jnp.where(valid, wt, 0.0)
        return n.reshape(b * hw), wv.reshape(b * hw)

    n00, w00 = corner(ix0, iy0, wx0 * wy0)
    n01, w01 = corner(ix1, iy0, wx1 * wy0)
    n10, w10 = corner(ix0, iy1, wx0 * wy1)
    n11, w11 = corner(ix1, iy1, wx1 * wy1)

    ref_idx = (jnp.arange(hw, dtype=jnp.float32).reshape(1, 1, h, w)
               / (hw - 1) * 2.0 - 1.0)
    keys = (ref_idx + delta_t).reshape(b, hw)
    sidx = jnp.argsort(keys, axis=1).astype(jnp.int32)
    sidx = (sidx + (jnp.arange(b, dtype=jnp.int32) * hw)[:, None]).reshape(b * hw)

    xt = jnp.transpose(x.reshape(b, c, hw), (0, 2, 1)).reshape(b * hw, c)

    out = _sc_gather(xt, n00, n01, n10, n11, w00, w01, w10, w11, sidx)
    return out.reshape(b, hw, c)

# --- scband reference (transcript-rebuilt; emitter-appended) ---
"""Pipeline reference for scband-deformable-scanning-87995289961134 (READ-ONLY COPY).

The authoritative reference and input builder live on the scoring server;
editing this copy changes nothing except your own understanding.
"""

import jax, jax.numpy as jnp
import numpy as np


def bilinear_grid_sample(x, grid):
    # x: [b, c, H, W]; grid: [b, H, W, 2] with (x, y) in [-1, 1]
    # mode='bilinear', padding_mode='zeros', align_corners=False
    b, c, H, W = x.shape
    gx = grid[..., 0]
    gy = grid[..., 1]
    ix = ((gx + 1.0) * W - 1.0) / 2.0
    iy = ((gy + 1.0) * H - 1.0) / 2.0
    ix0 = jnp.floor(ix)
    iy0 = jnp.floor(iy)
    ix1 = ix0 + 1.0
    iy1 = iy0 + 1.0
    wx1 = ix - ix0
    wy1 = iy - iy0
    wx0 = 1.0 - wx1
    wy0 = 1.0 - wy1
    bidx = jnp.arange(b)[:, None, None]

    def sample(ixq, iyq):
        valid = (ixq >= 0.0) & (ixq <= W - 1.0) & (iyq >= 0.0) & (iyq <= H - 1.0)
        ixc = jnp.clip(ixq, 0.0, W - 1.0).astype(jnp.int32)
        iyc = jnp.clip(iyq, 0.0, H - 1.0).astype(jnp.int32)
        vals = x[bidx, :, iyc, ixc]  # [b, H, W, c]
        vals = jnp.where(valid[..., None], vals, 0.0)
        return jnp.transpose(vals, (0, 3, 1, 2))  # [b, c, H, W]

    v00 = sample(ix0, iy0)
    v01 = sample(ix1, iy0)
    v10 = sample(ix0, iy1)
    v11 = sample(ix1, iy1)
    w00 = (wx0 * wy0)[:, None, :, :]
    w01 = (wx1 * wy0)[:, None, :, :]
    w10 = (wx0 * wy1)[:, None, :, :]
    w11 = (wx1 * wy1)[:, None, :, :]
    return v00 * w00 + v01 * w01 + v10 * w10 + v11 * w11


def setup_inputs(seed: int = 0):
    key = jax.random.key(seed)
    k1, k2, k3 = jax.random.split(key, 3)
    b, c, h, w = 4, 96, 224, 224
    x = jax.random.normal(k1, (b, c, h, w), dtype=jnp.float32)
    delta_p = jax.random.normal(k2, (b, 2, h, w), dtype=jnp.float32)
    delta_t = jax.random.normal(k3, (b, 1, h, w), dtype=jnp.float32)
    return {"x": x, "delta_p": delta_p, "delta_t": delta_t}


def reference(x, delta_p, delta_t):
    b, c, h, w = x.shape
    gyy, gxx = jnp.meshgrid(jnp.linspace(-1.0, 1.0, h), jnp.linspace(-1.0, 1.0, w), indexing='ij')
    grid = jnp.broadcast_to(jnp.stack([gxx, gyy], axis=0)[None], (b, 2, h, w))
    deformed_grid = jnp.transpose(grid + delta_p, (0, 2, 3, 1))  # [b, h, w, 2]
    deformed_features = bilinear_grid_sample(x, deformed_grid)  # [b, c, h, w]
    ref_indices = jnp.arange(h * w, dtype=jnp.float32).reshape(1, 1, h, w) / (h * w - 1) * 2.0 - 1.0
    deformed_indices = (ref_indices + delta_t).reshape(b, -1)  # [b, h*w]
    sorted_indices = jnp.argsort(deformed_indices, axis=1)  # [b, h*w]
    flat = deformed_features.reshape(b, c, h * w)
    idx = jnp.broadcast_to(sorted_indices[:, None, :], flat.shape)
    gathered = jnp.take_along_axis(flat, idx, axis=2)  # [b, c, h*w]
    return jnp.transpose(gathered, (0, 2, 1))  # [b, h*w, c]

if __name__ == "__main__":
    import jax
    _d = setup_inputs()
    print(jax.jit(kernel)(*tuple(_d.values())))

</pallas_src>

<mosaic_0001>
#map = affine_map<(d0, d1) -> (0, 0)>
#map1 = affine_map<(d0, d1) -> (0)>
module attributes {stable_mosaic.version = 14 : i64} {
  func.func @_sc_gather(%arg0: i32, %arg1: i32, %arg2: memref<200704x96xf32, #tpu.memory_space<hbm>>, %arg3: memref<200704xi32, #tpu.memory_space<hbm>>, %arg4: memref<200704xi32, #tpu.memory_space<hbm>>, %arg5: memref<200704xi32, #tpu.memory_space<hbm>>, %arg6: memref<200704xi32, #tpu.memory_space<hbm>>, %arg7: memref<200704xf32, #tpu.memory_space<hbm>>, %arg8: memref<200704xf32, #tpu.memory_space<hbm>>, %arg9: memref<200704xf32, #tpu.memory_space<hbm>>, %arg10: memref<200704xf32, #tpu.memory_space<hbm>>, %arg11: memref<200704xi32, #tpu.memory_space<hbm>>, %arg12: memref<200704x96xf32, #tpu.memory_space<hbm>>, %arg13: memref<112xi32, #tpu.memory_space<vmem>>, %arg14: memref<112xi32, #tpu.memory_space<vmem>>, %arg15: memref<112xi32, #tpu.memory_space<vmem>>, %arg16: memref<112xi32, #tpu.memory_space<vmem>>, %arg17: memref<112xi32, #tpu.memory_space<vmem>>, %arg18: memref<112xf32, #tpu.memory_space<vmem>>, %arg19: memref<112xf32, #tpu.memory_space<vmem>>, %arg20: memref<112xf32, #tpu.memory_space<vmem>>, %arg21: memref<112xf32, #tpu.memory_space<vmem>>, %arg22: memref<112x96xf32, #tpu.memory_space<vmem>>, %arg23: memref<112x96xf32, #tpu.memory_space<vmem>>, %arg24: memref<112x96xf32, #tpu.memory_space<vmem>>, %arg25: memref<112x96xf32, #tpu.memory_space<vmem>>, %arg26: memref<112x96xf32, #tpu.memory_space<vmem>>, %arg27: memref<!tpu.dma_semaphore, #tpu.memory_space<semaphore_mem>>) attributes {dimension_semantics = [#tpu.dimension_semantics<core_parallel>, #tpu.dimension_semantics<subcore_parallel>], iteration_bounds = array<i64: 2, 16>, scalar_prefetch = 0 : i64, scratch_operands = 15 : i64, tpu.core_type = #tpu.core_type<sc_vector_subcore>, window_params = [{transform_indices = #map}, {transform_indices = #map1}, {transform_indices = #map1}, {transform_indices = #map1}, {transform_indices = #map1}, {transform_indices = #map1}, {transform_indices = #map1}, {transform_indices = #map1}, {transform_indices = #map1}, {transform_indices = #map1}, {transform_indices = #map}]} {
    %mul3A = arith.constant 2 : i32
    %mul3A_0 = arith.muli %arg1, %mul3A : i32
    %add3A = arith.addi %mul3A_0, %arg0 : i32
    %mul3A_1 = arith.constant 6272 : i32
    %mul3A_2 = arith.muli %add3A, %mul3A_1 : i32
    %scan3A = arith.constant 0 : i32
    %scan3A_3 = arith.constant 0 : i32
    %scan3A_4 = arith.constant 56 : i32
    %scan3A_5 = arith.addi %scan3A_3, %scan3A_4 : i32
    %scan3A_6 = arith.constant 1 : i32
    scf.for %scan3A_8 = %scan3A_3 to %scan3A_5 step %scan3A_6  : i32 {
      %mul3A_9 = arith.constant 112 : i32
      %mul3A_10 = arith.muli %scan3A_8, %mul3A_9 : i32
      %add3A_11 = arith.addi %mul3A_2, %mul3A_10 : i32
      "tpu.region"() ({
        %run_scoped3A = tpu.sem_alloc : memref<!tpu.dma_semaphore, #tpu.memory_space<semaphore_mem>>
        %dma_start3A_72 = tpu.memref_slice %arg11[%add3A_11] : memref<200704xi32, #tpu.memory_space<hbm>> -> memref<112xi32, #tpu.memory_space<hbm>>
        %dma_start3A_73 = tpu.memref_slice %arg11[%add3A_11] : memref<200704xi32, #tpu.memory_space<hbm>> -> memref<112xi32, #tpu.memory_space<hbm>>
        tpu.enqueue_dma source(%dma_start3A_73 : memref<112xi32, #tpu.memory_space<hbm>>) target(%arg13 : memref<112xi32, #tpu.memory_space<vmem>>) target_semaphore(%run_scoped3A : memref<!tpu.dma_semaphore, #tpu.memory_space<semaphore_mem>>)
        %dma_wait3A_74 = tpu.memref_slice %arg11[%add3A_11] : memref<200704xi32, #tpu.memory_space<hbm>> -> memref<112xi32, #tpu.memory_space<hbm>>
        %dma_wait3A_75 = tpu.memref_slice %arg11[%add3A_11] : memref<200704xi32, #tpu.memory_space<hbm>> -> memref<112xi32, #tpu.memory_space<hbm>>
        tpu.wait_dma2 semaphore(%run_scoped3A : memref<!tpu.dma_semaphore, #tpu.memory_space<semaphore_mem>>) src(%dma_wait3A_75 : memref<112xi32, #tpu.memory_space<hbm>>) dst(%arg13 : memref<112xi32, #tpu.memory_space<vmem>>)
        tpu.yield
      }) : () -> ()
      %dma_start3A = arith.constant 0 : i32
      %dma_start3A_12 = tpu.memref_slice %arg3[%dma_start3A] : memref<200704xi32, #tpu.memory_space<hbm>> -> memref<200704xi32, #tpu.memory_space<hbm>>
      tpu.enqueue_indirect_dma source(%dma_start3A_12 : memref<200704xi32, #tpu.memory_space<hbm>>) target(%arg14 : memref<112xi32, #tpu.memory_space<vmem>>) offsets(%arg13 : memref<112xi32, #tpu.memory_space<vmem>>) semaphore(%arg27 : memref<!tpu.dma_semaphore, #tpu.memory_space<semaphore_mem>>)
      %dma_start3A_13 = arith.constant 0 : i32
      %dma_start3A_14 = tpu.memref_slice %arg4[%dma_start3A_13] : memref<200704xi32, #tpu.memory_space<hbm>> -> memref<200704xi32, #tpu.memory_space<hbm>>
      tpu.enqueue_indirect_dma source(%dma_start3A_14 : memref<200704xi32, #tpu.memory_space<hbm>>) target(%arg15 : memref<112xi32, #tpu.memory_space<vmem>>) offsets(%arg13 : memref<112xi32, #tpu.memory_space<vmem>>) semaphore(%arg27 : memref<!tpu.dma_semaphore, #tpu.memory_space<semaphore_mem>>)
      %dma_start3A_15 = arith.constant 0 : i32
      %dma_start3A_16 = tpu.memref_slice %arg5[%dma_start3A_15] : memref<200704xi32, #tpu.memory_space<hbm>> -> memref<200704xi32, #tpu.memory_space<hbm>>
      tpu.enqueue_indirect_dma source(%dma_start3A_16 : memref<200704xi32, #tpu.memory_space<hbm>>) target(%arg16 : memref<112xi32, #tpu.memory_space<vmem>>) offsets(%arg13 : memref<112xi32, #tpu.memory_space<vmem>>) semaphore(%arg27 : memref<!tpu.dma_semaphore, #tpu.memory_space<semaphore_mem>>)
      %dma_start3A_17 = arith.constant 0 : i32
      %dma_start3A_18 = tpu.memref_slice %arg6[%dma_start3A_17] : memref<200704xi32, #tpu.memory_space<hbm>> -> memref<200704xi32, #tpu.memory_space<hbm>>
      tpu.enqueue_indirect_dma source(%dma_start3A_18 : memref<200704xi32, #tpu.memory_space<hbm>>) target(%arg17 : memref<112xi32, #tpu.memory_space<vmem>>) offsets(%arg13 : memref<112xi32, #tpu.memory_space<vmem>>) semaphore(%arg27 : memref<!tpu.dma_semaphore, #tpu.memory_space<semaphore_mem>>)
      %dma_start3A_19 = arith.constant 0 : i32
      %dma_start3A_20 = tpu.memref_slice %arg7[%dma_start3A_19] : memref<200704xf32, #tpu.memory_space<hbm>> -> memref<200704xf32, #tpu.memory_space<hbm>>
      tpu.enqueue_indirect_dma source(%dma_start3A_20 : memref<200704xf32, #tpu.memory_space<hbm>>) target(%arg18 : memref<112xf32, #tpu.memory_space<vmem>>) offsets(%arg13 : memref<112xi32, #tpu.memory_space<vmem>>) semaphore(%arg27 : memref<!tpu.dma_semaphore, #tpu.memory_space<semaphore_mem>>)
      %dma_start3A_21 = arith.constant 0 : i32
      %dma_start3A_22 = tpu.memref_slice %arg8[%dma_start3A_21] : memref<200704xf32, #tpu.memory_space<hbm>> -> memref<200704xf32, #tpu.memory_space<hbm>>
      tpu.enqueue_indirect_dma source(%dma_start3A_22 : memref<200704xf32, #tpu.memory_space<hbm>>) target(%arg19 : memref<112xf32, #tpu.memory_space<vmem>>) offsets(%arg13 : memref<112xi32, #tpu.memory_space<vmem>>) semaphore(%arg27 : memref<!tpu.dma_semaphore, #tpu.memory_space<semaphore_mem>>)
      %dma_start3A_23 = arith.constant 0 : i32
      %dma_start3A_24 = tpu.memref_slice %arg9[%dma_start3A_23] : memref<200704xf32, #tpu.memory_space<hbm>> -> memref<200704xf32, #tpu.memory_space<hbm>>
      tpu.enqueue_indirect_dma source(%dma_start3A_24 : memref<200704xf32, #tpu.memory_space<hbm>>) target(%arg20 : memref<112xf32, #tpu.memory_space<vmem>>) offsets(%arg13 : memref<112xi32, #tpu.memory_space<vmem>>) semaphore(%arg27 : memref<!tpu.dma_semaphore, #tpu.memory_space<semaphore_mem>>)
      %dma_start3A_25 = arith.constant 0 : i32
      %dma_start3A_26 = tpu.memref_slice %arg10[%dma_start3A_25] : memref<200704xf32, #tpu.memory_space<hbm>> -> memref<200704xf32, #tpu.memory_space<hbm>>
      tpu.enqueue_indirect_dma source(%dma_start3A_26 : memref<200704xf32, #tpu.memory_space<hbm>>) target(%arg21 : memref<112xf32, #tpu.memory_space<vmem>>) offsets(%arg13 : memref<112xi32, #tpu.memory_space<vmem>>) semaphore(%arg27 : memref<!tpu.dma_semaphore, #tpu.memory_space<semaphore_mem>>)
      %dma_wait3A = arith.constant 0 : i32
      %dma_wait3A_27 = tpu.memref_slice %arg3[%dma_wait3A] : memref<200704xi32, #tpu.memory_space<hbm>> -> memref<200704xi32, #tpu.memory_space<hbm>>
      tpu.wait_indirect_dma semaphore(%arg27 : memref<!tpu.dma_semaphore, #tpu.memory_space<semaphore_mem>>) src(%dma_wait3A_27 : memref<200704xi32, #tpu.memory_space<hbm>>) dst(%arg14 : memref<112xi32, #tpu.memory_space<vmem>>)
      %dma_wait3A_28 = arith.constant 0 : i32
      %dma_wait3A_29 = tpu.memref_slice %arg4[%dma_wait3A_28] : memref<200704xi32, #tpu.memory_space<hbm>> -> memref<200704xi32, #tpu.memory_space<hbm>>
      tpu.wait_indirect_dma semaphore(%arg27 : memref<!tpu.dma_semaphore, #tpu.memory_space<semaphore_mem>>) src(%dma_wait3A_29 : memref<200704xi32, #tpu.memory_space<hbm>>) dst(%arg15 : memref<112xi32, #tpu.memory_space<vmem>>)
      %dma_wait3A_30 = arith.constant 0 : i32
      %dma_wait3A_31 = tpu.memref_slice %arg5[%dma_wait3A_30] : memref<200704xi32, #tpu.memory_space<hbm>> -> memref<200704xi32, #tpu.memory_space<hbm>>
      tpu.wait_indirect_dma semaphore(%arg27 : memref<!tpu.dma_semaphore, #tpu.memory_space<semaphore_mem>>) src(%dma_wait3A_31 : memref<200704xi32, #tpu.memory_space<hbm>>) dst(%arg16 : memref<112xi32, #tpu.memory_space<vmem>>)
      %dma_wait3A_32 = arith.constant 0 : i32
      %dma_wait3A_33 = tpu.memref_slice %arg6[%dma_wait3A_32] : memref<200704xi32, #tpu.memory_space<hbm>> -> memref<200704xi32, #tpu.memory_space<hbm>>
      tpu.wait_indirect_dma semaphore(%arg27 : memref<!tpu.dma_semaphore, #tpu.memory_space<semaphore_mem>>) src(%dma_wait3A_33 : memref<200704xi32, #tpu.memory_space<hbm>>) dst(%arg17 : memref<112xi32, #tpu.memory_space<vmem>>)
      %dma_wait3A_34 = arith.constant 0 : i32
      %dma_wait3A_35 = tpu.memref_slice %arg7[%dma_wait3A_34] : memref<200704xf32, #tpu.memory_space<hbm>> -> memref<200704xf32, #tpu.memory_space<hbm>>
      tpu.wait_indirect_dma semaphore(%arg27 : memref<!tpu.dma_semaphore, #tpu.memory_space<semaphore_mem>>) src(%dma_wait3A_35 : memref<200704xf32, #tpu.memory_space<hbm>>) dst(%arg18 : memref<112xf32, #tpu.memory_space<vmem>>)
      %dma_wait3A_36 = arith.constant 0 : i32
      %dma_wait3A_37 = tpu.memref_slice %arg8[%dma_wait3A_36] : memref<200704xf32, #tpu.memory_space<hbm>> -> memref<200704xf32, #tpu.memory_space<hbm>>
      tpu.wait_indirect_dma semaphore(%arg27 : memref<!tpu.dma_semaphore, #tpu.memory_space<semaphore_mem>>) src(%dma_wait3A_37 : memref<200704xf32, #tpu.memory_space<hbm>>) dst(%arg19 : memref<112xf32, #tpu.memory_space<vmem>>)
      %dma_wait3A_38 = arith.constant 0 : i32
      %dma_wait3A_39 = tpu.memref_slice %arg9[%dma_wait3A_38] : memref<200704xf32, #tpu.memory_space<hbm>> -> memref<200704xf32, #tpu.memory_space<hbm>>
      tpu.wait_indirect_dma semaphore(%arg27 : memref<!tpu.dma_semaphore, #tpu.memory_space<semaphore_mem>>) src(%dma_wait3A_39 : memref<200704xf32, #tpu.memory_space<hbm>>) dst(%arg20 : memref<112xf32, #tpu.memory_space<vmem>>)
      %dma_wait3A_40 = arith.constant 0 : i32
      %dma_wait3A_41 = tpu.memref_slice %arg10[%dma_wait3A_40] : memref<200704xf32, #tpu.memory_space<hbm>> -> memref<200704xf32, #tpu.memory_space<hbm>>
      tpu.wait_indirect_dma semaphore(%arg27 : memref<!tpu.dma_semaphore, #tpu.memory_space<semaphore_mem>>) src(%dma_wait3A_41 : memref<200704xf32, #tpu.memory_space<hbm>>) dst(%arg21 : memref<112xf32, #tpu.memory_space<vmem>>)
      %dma_start3A_42 = arith.constant 0 : i32
      %dma_start3A_43 = arith.constant 0 : i32
      %dma_start3A_44 = tpu.memref_slice %arg2[%dma_start3A_42, %dma_start3A_43] : memref<200704x96xf32, #tpu.memory_space<hbm>> -> memref<200704x96xf32, #tpu.memory_space<hbm>>
      tpu.enqueue_indirect_dma source(%dma_start3A_44 : memref<200704x96xf32, #tpu.memory_space<hbm>>) target(%arg22 : memref<112x96xf32, #tpu.memory_space<vmem>>) offsets(%arg14 : memref<112xi32, #tpu.memory_space<vmem>>) semaphore(%arg27 : memref<!tpu.dma_semaphore, #tpu.memory_space<semaphore_mem>>)
      %dma_start3A_45 = arith.constant 0 : i32
      %dma_start3A_46 = arith.constant 0 : i32
      %dma_start3A_47 = tpu.memref_slice %arg2[%dma_start3A_45, %dma_start3A_46] : memref<200704x96xf32, #tpu.memory_space<hbm>> -> memref<200704x96xf32, #tpu.memory_space<hbm>>
      tpu.enqueue_indirect_dma source(%dma_start3A_47 : memref<200704x96xf32, #tpu.memory_space<hbm>>) target(%arg23 : memref<112x96xf32, #tpu.memory_space<vmem>>) offsets(%arg15 : memref<112xi32, #tpu.memory_space<vmem>>) semaphore(%arg27 : memref<!tpu.dma_semaphore, #tpu.memory_space<semaphore_mem>>)
      %dma_start3A_48 = arith.constant 0 : i32
      %dma_start3A_49 = arith.constant 0 : i32
      %dma_start3A_50 = tpu.memref_slice %arg2[%dma_start3A_48, %dma_start3A_49] : memref<200704x96xf32, #tpu.memory_space<hbm>> -> memref<200704x96xf32, #tpu.memory_space<hbm>>
      tpu.enqueue_indirect_dma source(%dma_start3A_50 : memref<200704x96xf32, #tpu.memory_space<hbm>>) target(%arg24 : memref<112x96xf32, #tpu.memory_space<vmem>>) offsets(%arg16 : memref<112xi32, #tpu.memory_space<vmem>>) semaphore(%arg27 : memref<!tpu.dma_semaphore, #tpu.memory_space<semaphore_mem>>)
      %dma_start3A_51 = arith.constant 0 : i32
      %dma_start3A_52 = arith.constant 0 : i32
      %dma_start3A_53 = tpu.memref_slice %arg2[%dma_start3A_51, %dma_start3A_52] : memref<200704x96xf32, #tpu.memory_space<hbm>> -> memref<200704x96xf32, #tpu.memory_space<hbm>>
      tpu.enqueue_indirect_dma source(%dma_start3A_53 : memref<200704x96xf32, #tpu.memory_space<hbm>>) target(%arg25 : memref<112x96xf32, #tpu.memory_space<vmem>>) offsets(%arg17 : memref<112xi32, #tpu.memory_space<vmem>>) semaphore(%arg27 : memref<!tpu.dma_semaphore, #tpu.memory_space<semaphore_mem>>)
      %dma_wait3A_54 = arith.constant 0 : i32
      %dma_wait3A_55 = arith.constant 0 : i32
      %dma_wait3A_56 = tpu.memref_slice %arg2[%dma_wait3A_54, %dma_wait3A_55] : memref<200704x96xf32, #tpu.memory_space<hbm>> -> memref<200704x96xf32, #tpu.memory_space<hbm>>
      tpu.wait_indirect_dma semaphore(%arg27 : memref<!tpu.dma_semaphore, #tpu.memory_space<semaphore_mem>>) src(%dma_wait3A_56 : memref<200704x96xf32, #tpu.memory_space<hbm>>) dst(%arg22 : memref<112x96xf32, #tpu.memory_space<vmem>>)
      %dma_wait3A_57 = arith.constant 0 : i32
      %dma_wait3A_58 = arith.constant 0 : i32
      %dma_wait3A_59 = tpu.memref_slice %arg2[%dma_wait3A_57, %dma_wait3A_58] : memref<200704x96xf32, #tpu.memory_space<hbm>> -> memref<200704x96xf32, #tpu.memory_space<hbm>>
      tpu.wait_indirect_dma semaphore(%arg27 : memref<!tpu.dma_semaphore, #tpu.memory_space<semaphore_mem>>) src(%dma_wait3A_59 : memref<200704x96xf32, #tpu.memory_space<hbm>>) dst(%arg23 : memref<112x96xf32, #tpu.memory_space<vmem>>)
      %dma_wait3A_60 = arith.constant 0 : i32
      %dma_wait3A_61 = arith.constant 0 : i32
      %dma_wait3A_62 = tpu.memref_slice %arg2[%dma_wait3A_60, %dma_wait3A_61] : memref<200704x96xf32, #tpu.memory_space<hbm>> -> memref<200704x96xf32, #tpu.memory_space<hbm>>
      tpu.wait_indirect_dma semaphore(%arg27 : memref<!tpu.dma_semaphore, #tpu.memory_space<semaphore_mem>>) src(%dma_wait3A_62 : memref<200704x96xf32, #tpu.memory_space<hbm>>) dst(%arg24 : memref<112x96xf32, #tpu.memory_space<vmem>>)
      %dma_wait3A_63 = arith.constant 0 : i32
      %dma_wait3A_64 = arith.constant 0 : i32
      %dma_wait3A_65 = tpu.memref_slice %arg2[%dma_wait3A_63, %dma_wait3A_64] : memref<200704x96xf32, #tpu.memory_space<hbm>> -> memref<200704x96xf32, #tpu.memory_space<hbm>>
      tpu.wait_indirect_dma semaphore(%arg27 : memref<!tpu.dma_semaphore, #tpu.memory_space<semaphore_mem>>) src(%dma_wait3A_65 : memref<200704x96xf32, #tpu.memory_space<hbm>>) dst(%arg25 : memref<112x96xf32, #tpu.memory_space<vmem>>)
      %scan3A_66 = arith.constant 0 : i32
      %scan3A_67 = arith.constant 0 : i32
      %scan3A_68 = arith.constant 7 : i32
      %scan3A_69 = arith.addi %scan3A_67, %scan3A_68 : i32
      %scan3A_70 = arith.constant 1 : i32
      scf.for %scan3A_72 = %scan3A_67 to %scan3A_69 step %scan3A_70  : i32 {
        %mul3A_73 = arith.constant 16 : i32
        %mul3A_74 = arith.muli %scan3A_72, %mul3A_73 : i32
        %get3A = arith.index_cast %mul3A_74 : i32 to index
        %get3A_75 = tpu.vector_load %arg18[%get3A] {strides = array<i32>} : memref<112xf32, #tpu.memory_space<vmem>>, vector<16xf32>,
        %get3A_76 = vector.shape_cast %get3A_75 : vector<16xf32> to vector<16xf32>
        %get3A_77 = arith.index_cast %mul3A_74 : i32 to index
        %get3A_78 = tpu.vector_load %arg19[%get3A_77] {strides = array<i32>} : memref<112xf32, #tpu.memory_space<vmem>>, vector<16xf32>,
        %get3A_79 = vector.shape_cast %get3A_78 : vector<16xf32> to vector<16xf32>
        %get3A_80 = arith.index_cast %mul3A_74 : i32 to index
        %get3A_81 = tpu.vector_load %arg20[%get3A_80] {strides = array<i32>} : memref<112xf32, #tpu.memory_space<vmem>>, vector<16xf32>,
        %get3A_82 = vector.shape_cast %get3A_81 : vector<16xf32> to vector<16xf32>
        %get3A_83 = arith.index_cast %mul3A_74 : i32 to index
        %get3A_84 = tpu.vector_load %arg21[%get3A_83] {strides = array<i32>} : memref<112xf32, #tpu.memory_space<vmem>>, vector<16xf32>,
        %get3A_85 = vector.shape_cast %get3A_84 : vector<16xf32> to vector<16xf32>
        %add3A_86 = arith.constant 0 : i32
        %add3A_87 = arith.addi %mul3A_74, %add3A_86 : i32
        %slice3A = vector.extract_strided_slice %get3A_76 {offsets = [0], sizes = [1], strides = [1]} : vector<16xf32> to vector<1xf32>
        %squeeze3A = vector.extract %slice3A[0] : f32 from vector<1xf32>
        %slice3A_88 = vector.extract_strided_slice %get3A_79 {offsets = [0], sizes = [1], strides = [1]} : vector<16xf32> to vector<1xf32>
        %squeeze3A_89 = vector.extract %slice3A_88[0] : f32 from vector<1xf32>
        %slice3A_90 = vector.extract_strided_slice %get3A_82 {offsets = [0], sizes = [1], strides = [1]} : vector<16xf32> to vector<1xf32>
        %squeeze3A_91 = vector.extract %slice3A_90[0] : f32 from vector<1xf32>
        %slice3A_92 = vector.extract_strided_slice %get3A_85 {offsets = [0], sizes = [1], strides = [1]} : vector<16xf32> to vector<1xf32>
        %squeeze3A_93 = vector.extract %slice3A_92[0] : f32 from vector<1xf32>
        %get3A_94 = arith.index_cast %add3A_87 : i32 to index
        %get3A_95 = arith.constant 0 : index
        %get3A_96 = tpu.vector_load %arg22[%get3A_94, %get3A_95] {strides = array<i32>} : memref<112x96xf32, #tpu.memory_space<vmem>>, vector<1x16xf32>,
        %get3A_97 = vector.shape_cast %get3A_96 : vector<1x16xf32> to vector<16xf32>
        %mul3A_98 = vector.broadcast %squeeze3A : f32 to vector<16xf32>
        %mul3A_99 = arith.mulf %get3A_97, %mul3A_98 : vector<16xf32>
        %get3A_100 = arith.index_cast %add3A_87 : i32 to index
        %get3A_101 = arith.constant 0 : index
        %get3A_102 = tpu.vector_load %arg23[%get3A_100, %get3A_101] {strides = array<i32>} : memref<112x96xf32, #tpu.memory_space<vmem>>, vector<1x16xf32>,
        %get3A_103 = vector.shape_cast %get3A_102 : vector<1x16xf32> to vector<16xf32>
        %mul3A_104 = vector.broadcast %squeeze3A_89 : f32 to vector<16xf32>
        %mul3A_105 = arith.mulf %get3A_103, %mul3A_104 : vector<16xf32>
        %add3A_106 = arith.addf %mul3A_99, %mul3A_105 : vector<16xf32>
        %get3A_107 = arith.index_cast %add3A_87 : i32 to index
        %get3A_108 = arith.constant 0 : index
        %get3A_109 = tpu.vector_load %arg24[%get3A_107, %get3A_108] {strides = array<i32>} : memref<112x96xf32, #tpu.memory_space<vmem>>, vector<1x16xf32>,
        %get3A_110 = vector.shape_cast %get3A_109 : vector<1x16xf32> to vector<16xf32>
        %mul3A_111 = vector.broadcast %squeeze3A_91 : f32 to vector<16xf32>
        %mul3A_112 = arith.mulf %get3A_110, %mul3A_111 : vector<16xf32>
        %add3A_113 = arith.addf %add3A_106, %mul3A_112 : vector<16xf32>
        %get3A_114 = arith.index_cast %add3A_87 : i32 to index
        %get3A_115 = arith.constant 0 : index
        %get3A_116 = tpu.vector_load %arg25[%get3A_114, %get3A_115] {strides = array<i32>} : memref<112x96xf32, #tpu.memory_space<vmem>>, vector<1x16xf32>,
        %get3A_117 = vector.shape_cast %get3A_116 : vector<1x16xf32> to vector<16xf32>
        %mul3A_118 = vector.broadcast %squeeze3A_93 : f32 to vector<16xf32>
        %mul3A_119 = arith.mulf %get3A_117, %mul3A_118 : vector<16xf32>
        %add3A_120 = arith.addf %add3A_113, %mul3A_119 : vector<16xf32>
        %swap3A = arith.index_cast %add3A_87 : i32 to index
        %swap3A_121 = arith.constant 0 : index
        %swap3A_122 = tpu.vector_load %arg26[%swap3A, %swap3A_121] {strides = array<i32>} : memref<112x96xf32, #tpu.memory_space<vmem>>, vector<1x16xf32>,
        %swap3A_123 = vector.shape_cast %swap3A_122 : vector<1x16xf32> to vector<16xf32>
        %swap3A_124 = vector.shape_cast %add3A_120 : vector<16xf32> to vector<1x16xf32>
        tpu.vector_store %arg26[%swap3A, %swap3A_121], %swap3A_124 {strides = array<i32>} : memref<112x96xf32, #tpu.memory_space<vmem>>, vector<1x16xf32>,
        %get3A_125 = arith.index_cast %add3A_87 : i32 to index
        %get3A_126 = arith.constant 16 : index
        %get3A_127 = tpu.vector_load %arg22[%get3A_125, %get3A_126] {strides = array<i32>} : memref<112x96xf32, #tpu.memory_space<vmem>>, vector<1x16xf32>,
        %get3A_128 = vector.shape_cast %get3A_127 : vector<1x16xf32> to vector<16xf32>
        %mul3A_129 = vector.broadcast %squeeze3A : f32 to vector<16xf32>
        %mul3A_130 = arith.mulf %get3A_128, %mul3A_129 : vector<16xf32>
        %get3A_131 = arith.index_cast %add3A_87 : i32 to index
        %get3A_132 = arith.constant 16 : index
        %get3A_133 = tpu.vector_load %arg23[%get3A_131, %get3A_132] {strides = array<i32>} : memref<112x96xf32, #tpu.memory_space<vmem>>, vector<1x16xf32>,
        %get3A_134 = vector.shape_cast %get3A_133 : vector<1x16xf32> to vector<16xf32>
        %mul3A_135 = vector.broadcast %squeeze3A_89 : f32 to vector<16xf32>
        %mul3A_136 = arith.mulf %get3A_134, %mul3A_135 : vector<16xf32>
        %add3A_137 = arith.addf %mul3A_130, %mul3A_136 : vector<16xf32>
        %get3A_138 = arith.index_cast %add3A_87 : i32 to index
        %get3A_139 = arith.constant 16 : index
        %get3A_140 = tpu.vector_load %arg24[%get3A_138, %get3A_139] {strides = array<i32>} : memref<112x96xf32, #tpu.memory_space<vmem>>, vector<1x16xf32>,
        %get3A_141 = vector.shape_cast %get3A_140 : vector<1x16xf32> to vector<16xf32>
        %mul3A_142 = vector.broadcast %squeeze3A_91 : f32 to vector<16xf32>
        %mul3A_143 = arith.mulf %get3A_141, %mul3A_142 : vector<16xf32>
        %add3A_144 = arith.addf %add3A_137, %mul3A_143 : vector<16xf32>
        %get3A_145 = arith.index_cast %add3A_87 : i32 to index
        %get3A_146 = arith.constant 16 : index
        %get3A_147 = tpu.vector_load %arg25[%get3A_145, %get3A_146] {strides = array<i32>} : memref<112x96xf32, #tpu.memory_space<vmem>>, vector<1x16xf32>,
        %get3A_148 = vector.shape_cast %get3A_147 : vector<1x16xf32> to vector<16xf32>
        %mul3A_149 = vector.broadcast %squeeze3A_93 : f32 to vector<16xf32>
        %mul3A_150 = arith.mulf %get3A_148, %mul3A_149 : vector<16xf32>
        %add3A_151 = arith.addf %add3A_144, %mul3A_150 : vector<16xf32>
        %swap3A_152 = arith.index_cast %add3A_87 : i32 to index
        %swap3A_153 = arith.constant 16 : index
        %swap3A_154 = tpu.vector_load %arg26[%swap3A_152, %swap3A_153] {strides = array<i32>} : memref<112x96xf32, #tpu.memory_space<vmem>>, vector<1x16xf32>,
        %swap3A_155 = vector.shape_cast %swap3A_154 : vector<1x16xf32> to vector<16xf32>
        %swap3A_156 = vector.shape_cast %add3A_151 : vector<16xf32> to vector<1x16xf32>
        tpu.vector_store %arg26[%swap3A_152, %swap3A_153], %swap3A_156 {strides = array<i32>} : memref<112x96xf32, #tpu.memory_space<vmem>>, vector<1x16xf32>,
        %get3A_157 = arith.index_cast %add3A_87 : i32 to index
        %get3A_158 = arith.constant 32 : index
        %get3A_159 = tpu.vector_load %arg22[%get3A_157, %get3A_158] {strides = array<i32>} : memref<112x96xf32, #tpu.memory_space<vmem>>, vector<1x16xf32>,
        %get3A_160 = vector.shape_cast %get3A_159 : vector<1x16xf32> to vector<16xf32>
        %mul3A_161 = vector.broadcast %squeeze3A : f32 to vector<16xf32>
        %mul3A_162 = arith.mulf %get3A_160, %mul3A_161 : vector<16xf32>
        %get3A_163 = arith.index_cast %add3A_87 : i32 to index
        %get3A_164 = arith.constant 32 : index
        %get3A_165 = tpu.vector_load %arg23[%get3A_163, %get3A_164] {strides = array<i32>} : memref<112x96xf32, #tpu.memory_space<vmem>>, vector<1x16xf32>,
        %get3A_166 = vector.shape_cast %get3A_165 : vector<1x16xf32> to vector<16xf32>
        %mul3A_167 = vector.broadcast %squeeze3A_89 : f32 to vector<16xf32>
        %mul3A_168 = arith.mulf %get3A_166, %mul3A_167 : vector<16xf32>
        %add3A_169 = arith.addf %mul3A_162, %mul3A_168 : vector<16xf32>
        %get3A_170 = arith.index_cast %add3A_87 : i32 to index
        %get3A_171 = arith.constant 32 : index
        %get3A_172 = tpu.vector_load %arg24[%get3A_170, %get3A_171] {strides = array<i32>} : memref<112x96xf32, #tpu.memory_space<vmem>>, vector<1x16xf32>,
        %get3A_173 = vector.shape_cast %get3A_172 : vector<1x16xf32> to vector<16xf32>
        %mul3A_174 = vector.broadcast %squeeze3A_91 : f32 to vector<16xf32>
        %mul3A_175 = arith.mulf %get3A_173, %mul3A_174 : vector<16xf32>
        %add3A_176 = arith.addf %add3A_169, %mul3A_175 : vector<16xf32>
        %get3A_177 = arith.index_cast %add3A_87 : i32 to index
        %get3A_178 = arith.constant 32 : index
        %get3A_179 = tpu.vector_load %arg25[%get3A_177, %get3A_178] {strides = array<i32>} : memref<112x96xf32, #tpu.memory_space<vmem>>, vector<1x16xf32>,
        %get3A_180 = vector.shape_cast %get3A_179 : vector<1x16xf32> to vector<16xf32>
        %mul3A_181 = vector.broadcast %squeeze3A_93 : f32 to vector<16xf32>
        %mul3A_182 = arith.mulf %get3A_180, %mul3A_181 : vector<16xf32>
        %add3A_183 = arith.addf %add3A_176, %mul3A_182 : vector<16xf32>
        %swap3A_184 = arith.index_cast %add3A_87 : i32 to index
        %swap3A_185 = arith.constant 32 : index
        %swap3A_186 = tpu.vector_load %arg26[%swap3A_184, %swap3A_185] {strides = array<i32>} : memref<112x96xf32, #tpu.memory_space<vmem>>, vector<1x16xf32>,
        %swap3A_187 = vector.shape_cast %swap3A_186 : vector<1x16xf32> to vector<16xf32>
        %swap3A_188 = vector.shape_cast %add3A_183 : vector<16xf32> to vector<1x16xf32>
        tpu.vector_store %arg26[%swap3A_184, %swap3A_185], %swap3A_188 {strides = array<i32>} : memref<112x96xf32, #tpu.memory_space<vmem>>, vector<1x16xf32>,
        %get3A_189 = arith.index_cast %add3A_87 : i32 to index
        %get3A_190 = arith.constant 48 : index
        %get3A_191 = tpu.vector_load %arg22[%get3A_189, %get3A_190] {strides = array<i32>} : memref<112x96xf32, #tpu.memory_space<vmem>>, vector<1x16xf32>,
        %get3A_192 = vector.shape_cast %get3A_191 : vector<1x16xf32> to vector<16xf32>
        %mul3A_193 = vector.broadcast %squeeze3A : f32 to vector<16xf32>
        %mul3A_194 = arith.mulf %get3A_192, %mul3A_193 : vector<16xf32>
        %get3A_195 = arith.index_cast %add3A_87 : i32 to index
        %get3A_196 = arith.constant 48 : index
        %get3A_197 = tpu.vector_load %arg23[%get3A_195, %get3A_196] {strides = array<i32>} : memref<112x96xf32, #tpu.memory_space<vmem>>, vector<1x16xf32>,
        %get3A_198 = vector.shape_cast %get3A_197 : vector<1x16xf32> to vector<16xf32>
        %mul3A_199 = vector.broadcast %squeeze3A_89 : f32 to vector<16xf32>
        %mul3A_200 = arith.mulf %get3A_198, %mul3A_199 : vector<16xf32>
        %add3A_201 = arith.addf %mul3A_194, %mul3A_200 : vector<16xf32>
        %get3A_202 = arith.index_cast %add3A_87 : i32 to index
        %get3A_203 = arith.constant 48 : index
        %get3A_204 = tpu.vector_load %arg24[%get3A_202, %get3A_203] {strides = array<i32>} : memref<112x96xf32, #tpu.memory_space<vmem>>, vector<1x16xf32>,
        %get3A_205 = vector.shape_cast %get3A_204 : vector<1x16xf32> to vector<16xf32>
        %mul3A_206 = vector.broadcast %squeeze3A_91 : f32 to vector<16xf32>
        %mul3A_207 = arith.mulf %get3A_205, %mul3A_206 : vector<16xf32>
        %add3A_208 = arith.addf %add3A_201, %mul3A_207 : vector<16xf32>
        %get3A_209 = arith.index_cast %add3A_87 : i32 to index
        %get3A_210 = arith.constant 48 : index
        %get3A_211 = tpu.vector_load %arg25[%get3A_209, %get3A_210] {strides = array<i32>} : memref<112x96xf32, #tpu.memory_space<vmem>>, vector<1x16xf32>,
        %get3A_212 = vector.shape_cast %get3A_211 : vector<1x16xf32> to vector<16xf32>
        %mul3A_213 = vector.broadcast %squeeze3A_93 : f32 to vector<16xf32>
        %mul3A_214 = arith.mulf %get3A_212, %mul3A_213 : vector<16xf32>
        %add3A_215 = arith.addf %add3A_208, %mul3A_214 : vector<16xf32>
        %swap3A_216 = arith.index_cast %add3A_87 : i32 to index
        %swap3A_217 = arith.constant 48 : index
        %swap3A_218 = tpu.vector_load %arg26[%swap3A_216, %swap3A_217] {strides = array<i32>} : memref<112x96xf32, #tpu.memory_space<vmem>>, vector<1x16xf32>,
        %swap3A_219 = vector.shape_cast %swap3A_218 : vector<1x16xf32> to vector<16xf32>
        %swap3A_220 = vector.shape_cast %add3A_215 : vector<16xf32> to vector<1x16xf32>
        tpu.vector_store %arg26[%swap3A_216, %swap3A_217], %swap3A_220 {strides = array<i32>} : memref<112x96xf32, #tpu.memory_space<vmem>>, vector<1x16xf32>,
        %get3A_221 = arith.index_cast %add3A_87 : i32 to index
        %get3A_222 = arith.constant 64 : index
        %get3A_223 = tpu.vector_load %arg22[%get3A_221, %get3A_222] {strides = array<i32>} : memref<112x96xf32, #tpu.memory_space<vmem>>, vector<1x16xf32>,
        %get3A_224 = vector.shape_cast %get3A_223 : vector<1x16xf32> to vector<16xf32>
        %mul3A_225 = vector.broadcast %squeeze3A : f32 to vector<16xf32>
        %mul3A_226 = arith.mulf %get3A_224, %mul3A_225 : vector<16xf32>
        %get3A_227 = arith.index_cast %add3A_87 : i32 to index
        %get3A_228 = arith.constant 64 : index
        %get3A_229 = tpu.vector_load %arg23[%get3A_227, %get3A_228] {strides = array<i32>} : memref<112x96xf32, #tpu.memory_space<vmem>>, vector<1x16xf32>,
        %get3A_230 = vector.shape_cast %get3A_229 : vector<1x16xf32> to vector<16xf32>
        %mul3A_231 = vector.broadcast %squeeze3A_89 : f32 to vector<16xf32>
        %mul3A_232 = arith.mulf %get3A_230, %mul3A_231 : vector<16xf32>
        %add3A_233 = arith.addf %mul3A_226, %mul3A_232 : vector<16xf32>
        %get3A_234 = arith.index_cast %add3A_87 : i32 to index
        %get3A_235 = arith.constant 64 : index
        %get3A_236 = tpu.vector_load %arg24[%get3A_234, %get3A_235] {strides = array<i32>} : memref<112x96xf32, #tpu.memory_space<vmem>>, vector<1x16xf32>,
        %get3A_237 = vector.shape_cast %get3A_236 : vector<1x16xf32> to vector<16xf32>
        %mul3A_238 = vector.broadcast %squeeze3A_91 : f32 to vector<16xf32>
        %mul3A_239 = arith.mulf %get3A_237, %mul3A_238 : vector<16xf32>
        %add3A_240 = arith.addf %add3A_233, %mul3A_239 : vector<16xf32>
        %get3A_241 = arith.index_cast %add3A_87 : i32 to index
        %get3A_242 = arith.constant 64 : index
        %get3A_243 = tpu.vector_load %arg25[%get3A_241, %get3A_242] {strides = array<i32>} : memref<112x96xf32, #tpu.memory_space<vmem>>, vector<1x16xf32>,
        %get3A_244 = vector.shape_cast %get3A_243 : vector<1x16xf32> to vector<16xf32>
        %mul3A_245 = vector.broadcast %squeeze3A_93 : f32 to vector<16xf32>
        %mul3A_246 = arith.mulf %get3A_244, %mul3A_245 : vector<16xf32>
        %add3A_247 = arith.addf %add3A_240, %mul3A_246 : vector<16xf32>
        %swap3A_248 = arith.index_cast %add3A_87 : i32 to index
        %swap3A_249 = arith.constant 64 : index
        %swap3A_250 = tpu.vector_load %arg26[%swap3A_248, %swap3A_249] {strides = array<i32>} : memref<112x96xf32, #tpu.memory_space<vmem>>, vector<1x16xf32>,
        %swap3A_251 = vector.shape_cast %swap3A_250 : vector<1x16xf32> to vector<16xf32>
        %swap3A_252 = vector.shape_cast %add3A_247 : vector<16xf32> to vector<1x16xf32>
        tpu.vector_store %arg26[%swap3A_248, %swap3A_249], %swap3A_252 {strides = array<i32>} : memref<112x96xf32, #tpu.memory_space<vmem>>, vector<1x16xf32>,
        %get3A_253 = arith.index_cast %add3A_87 : i32 to index
        %get3A_254 = arith.constant 80 : index
        %get3A_255 = tpu.vector_load %arg22[%get3A_253, %get3A_254] {strides = array<i32>} : memref<112x96xf32, #tpu.memory_space<vmem>>, vector<1x16xf32>,
        %get3A_256 = vector.shape_cast %get3A_255 : vector<1x16xf32> to vector<16xf32>
        %mul3A_257 = vector.broadcast %squeeze3A : f32 to vector<16xf32>
        %mul3A_258 = arith.mulf %get3A_256, %mul3A_257 : vector<16xf32>
        %get3A_259 = arith.index_cast %add3A_87 : i32 to index
        %get3A_260 = arith.constant 80 : index
        %get3A_261 = tpu.vector_load %arg23[%get3A_259, %get3A_260] {strides = array<i32>} : memref<112x96xf32, #tpu.memory_space<vmem>>, vector<1x16xf32>,
        %get3A_262 = vector.shape_cast %get3A_261 : vector<1x16xf32> to vector<16xf32>
        %mul3A_263 = vector.broadcast %squeeze3A_89 : f32 to vector<16xf32>
        %mul3A_264 = arith.mulf %get3A_262, %mul3A_263 : vector<16xf32>
        %add3A_265 = arith.addf %mul3A_258, %mul3A_264 : vector<16xf32>
        %get3A_266 = arith.index_cast %add3A_87 : i32 to index
        %get3A_267 = arith.constant 80 : index
        %get3A_268 = tpu.vector_load %arg24[%get3A_266, %get3A_267] {strides = array<i32>} : memref<112x96xf32, #tpu.memory_space<vmem>>, vector<1x16xf32>,
        %get3A_269 = vector.shape_cast %get3A_268 : vector<1x16xf32> to vector<16xf32>
        %mul3A_270 = vector.broadcast %squeeze3A_91 : f32 to vector<16xf32>
        %mul3A_271 = arith.mulf %get3A_269, %mul3A_270 : vector<16xf32>
        %add3A_272 = arith.addf %add3A_265, %mul3A_271 : vector<16xf32>
        %get3A_273 = arith.index_cast %add3A_87 : i32 to index
        %get3A_274 = arith.constant 80 : index
        %get3A_275 = tpu.vector_load %arg25[%get3A_273, %get3A_274] {strides = array<i32>} : memref<112x96xf32, #tpu.memory_space<vmem>>, vector<1x16xf32>,
        %get3A_276 = vector.shape_cast %get3A_275 : vector<1x16xf32> to vector<16xf32>
        %mul3A_277 = vector.broadcast %squeeze3A_93 : f32 to vector<16xf32>
        %mul3A_278 = arith.mulf %get3A_276, %mul3A_277 : vector<16xf32>
        %add3A_279 = arith.addf %add3A_272, %mul3A_278 : vector<16xf32>
        %swap3A_280 = arith.index_cast %add3A_87 : i32 to index
        %swap3A_281 = arith.constant 80 : index
        %swap3A_282 = tpu.vector_load %arg26[%swap3A_280, %swap3A_281] {strides = array<i32>} : memref<112x96xf32, #tpu.memory_space<vmem>>, vector<1x16xf32>,
        %swap3A_283 = vector.shape_cast %swap3A_282 : vector<1x16xf32> to vector<16xf32>
        %swap3A_284 = vector.shape_cast %add3A_279 : vector<16xf32> to vector<1x16xf32>
        tpu.vector_store %arg26[%swap3A_280, %swap3A_281], %swap3A_284 {strides = array<i32>} : memref<112x96xf32, #tpu.memory_space<vmem>>, vector<1x16xf32>,
        %add3A_285 = arith.constant 1 : i32
        %add3A_286 = arith.addi %mul3A_74, %add3A_285 : i32
        %slice3A_287 = vector.extract_strided_slice %get3A_76 {offsets = [1], sizes = [1], strides = [1]} : vector<16xf32> to vector<1xf32>
        %squeeze3A_288 = vector.extract %slice3A_287[0] : f32 from vector<1xf32>
        %slice3A_289 = vector.extract_strided_slice %get3A_79 {offsets = [1], sizes = [1], strides = [1]} : vector<16xf32> to vector<1xf32>
        %squeeze3A_290 = vector.extract %slice3A_289[0] : f32 from vector<1xf32>
        %slice3A_291 = vector.extract_strided_slice %get3A_82 {offsets = [1], sizes = [1], strides = [1]} : vector<16xf32> to vector<1xf32>
        %squeeze3A_292 = vector.extract %slice3A_291[0] : f32 from vector<1xf32>
        %slice3A_293 = vector.extract_strided_slice %get3A_85 {offsets = [1], sizes = [1], strides = [1]} : vector<16xf32> to vector<1xf32>
        %squeeze3A_294 = vector.extract %slice3A_293[0] : f32 from vector<1xf32>
        %get3A_295 = arith.index_cast %add3A_286 : i32 to index
        %get3A_296 = arith.constant 0 : index
        %get3A_297 = tpu.vector_load %arg22[%get3A_295, %get3A_296] {strides = array<i32>} : memref<112x96xf32, #tpu.memory_space<vmem>>, vector<1x16xf32>,
        %get3A_298 = vector.shape_cast %get3A_297 : vector<1x16xf32> to vector<16xf32>
        %mul3A_299 = vector.broadcast %squeeze3A_288 : f32 to vector<16xf32>
        %mul3A_300 = arith.mulf %get3A_298, %mul3A_299 : vector<16xf32>
        %get3A_301 = arith.index_cast %add3A_286 : i32 to index
        %get3A_302 = arith.constant 0 : index
        %get3A_303 = tpu.vector_load %arg23[%get3A_301, %get3A_302] {strides = array<i32>} : memref<112x96xf32, #tpu.memory_space<vmem>>, vector<1x16xf32>,
        %get3A_304 = vector.shape_cast %get3A_303 : vector<1x16xf32> to vector<16xf32>
        %mul3A_305 = vector.broadcast %squeeze3A_290 : f32 to vector<16xf32>
        %mul3A_306 = arith.mulf %get3A_304, %mul3A_305 : vector<16xf32>
        %add3A_307 = arith.addf %mul3A_300, %mul3A_306 : vector<16xf32>
        %get3A_308 = arith.index_cast %add3A_286 : i32 to index
        %get3A_309 = arith.constant 0 : index
        %get3A_310 = tpu.vector_load %arg24[%get3A_308, %get3A_309] {strides = array<i32>} : memref<112x96xf32, #tpu.memory_space<vmem>>, vector<1x16xf32>,
        %get3A_311 = vector.shape_cast %get3A_310 : vector<1x16xf32> to vector<16xf32>
        %mul3A_312 = vector.broadcast %squeeze3A_292 : f32 to vector<16xf32>
        %mul3A_313 = arith.mulf %get3A_311, %mul3A_312 : vector<16xf32>
        %add3A_314 = arith.addf %add3A_307, %mul3A_313 : vector<16xf32>
        %get3A_315 = arith.index_cast %add3A_286 : i32 to index
        %get3A_316 = arith.constant 0 : index
        %get3A_317 = tpu.vector_load %arg25[%get3A_315, %get3A_316] {strides = array<i32>} : memref<112x96xf32, #tpu.memory_space<vmem>>, vector<1x16xf32>,
        %get3A_318 = vector.shape_cast %get3A_317 : vector<1x16xf32> to vector<16xf32>
        %mul3A_319 = vector.broadcast %squeeze3A_294 : f32 to vector<16xf32>
        %mul3A_320 = arith.mulf %get3A_318, %mul3A_319 : vector<16xf32>
        %add3A_321 = arith.addf %add3A_314, %mul3A_320 : vector<16xf32>
        %swap3A_322 = arith.index_cast %add3A_286 : i32 to index
        %swap3A_323 = arith.constant 0 : index
        %swap3A_324 = tpu.vector_load %arg26[%swap3A_322, %swap3A_323] {strides = array<i32>} : memref<112x96xf32, #tpu.memory_space<vmem>>, vector<1x16xf32>,
        %swap3A_325 = vector.shape_cast %swap3A_324 : vector<1x16xf32> to vector<16xf32>
        %swap3A_326 = vector.shape_cast %add3A_321 : vector<16xf32> to vector<1x16xf32>
        tpu.vector_store %arg26[%swap3A_322, %swap3A_323], %swap3A_326 {strides = array<i32>} : memref<112x96xf32, #tpu.memory_space<vmem>>, vector<1x16xf32>,
        %get3A_327 = arith.index_cast %add3A_286 : i32 to index
        %get3A_328 = arith.constant 16 : index
        %get3A_329 = tpu.vector_load %arg22[%get3A_327, %get3A_328] {strides = array<i32>} : memref<112x96xf32, #tpu.memory_space<vmem>>, vector<1x16xf32>,
        %get3A_330 = vector.shape_cast %get3A_329 : vector<1x16xf32> to vector<16xf32>
        %mul3A_331 = vector.broadcast %squeeze3A_288 : f32 to vector<16xf32>
        %mul3A_332 = arith.mulf %get3A_330, %mul3A_331 : vector<16xf32>
        %get3A_333 = arith.index_cast %add3A_286 : i32 to index
        %get3A_334 = arith.constant 16 : index
        %get3A_335 = tpu.vector_load %arg23[%get3A_333, %get3A_334] {strides = array<i32>} : memref<112x96xf32, #tpu.memory_space<vmem>>, vector<1x16xf32>,
        %get3A_336 = vector.shape_cast %get3A_335 : vector<1x16xf32> to vector<16xf32>
        %mul3A_337 = vector.broadcast %squeeze3A_290 : f32 to vector<16xf32>
        %mul3A_338 = arith.mulf %get3A_336, %mul3A_337 : vector<16xf32>
        %add3A_339 = arith.addf %mul3A_332, %mul3A_338 : vector<16xf32>
        %get3A_340 = arith.index_cast %add3A_286 : i32 to index
        %get3A_341 = arith.constant 16 : index
        %get3A_342 = tpu.vector_load %arg24[%get3A_340, %get3A_341] {strides = array<i32>} : memref<112x96xf32, #tpu.memory_space<vmem>>, vector<1x16xf32>,
        %get3A_343 = vector.shape_cast %get3A_342 : vector<1x16xf32> to vector<16xf32>
        %mul3A_344 = vector.broadcast %squeeze3A_292 : f32 to vector<16xf32>
        %mul3A_345 = arith.mulf %get3A_343, %mul3A_344 : vector<16xf32>
        %add3A_346 = arith.addf %add3A_339, %mul3A_345 : vector<16xf32>
        %get3A_347 = arith.index_cast %add3A_286 : i32 to index
        %get3A_348 = arith.constant 16 : index
        %get3A_349 = tpu.vector_load %arg25[%get3A_347, %get3A_348] {strides = array<i32>} : memref<112x96xf32, #tpu.memory_space<vmem>>, vector<1x16xf32>,
        %get3A_350 = vector.shape_cast %get3A_349 : vector<1x16xf32> to vector<16xf32>
        %mul3A_351 = vector.broadcast %squeeze3A_294 : f32 to vector<16xf32>
        %mul3A_352 = arith.mulf %get3A_350, %mul3A_351 : vector<16xf32>
        %add3A_353 = arith.addf %add3A_346, %mul3A_352 : vector<16xf32>
        %swap3A_354 = arith.index_cast %add3A_286 : i32 to index
        %swap3A_355 = arith.constant 16 : index
        %swap3A_356 = tpu.vector_load %arg26[%swap3A_354, %swap3A_355] {strides = array<i32>} : memref<112x96xf32, #tpu.memory_space<vmem>>, vector<1x16xf32>,
        %swap3A_357 = vector.shape_cast %swap3A_356 : vector<1x16xf32> to vector<16xf32>
        %swap3A_358 = vector.shape_cast %add3A_353 : vector<16xf32> to vector<1x16xf32>
        tpu.vector_store %arg26[%swap3A_354, %swap3A_355], %swap3A_358 {strides = array<i32>} : memref<112x96xf32, #tpu.memory_space<vmem>>, vector<1x16xf32>,
        %get3A_359 = arith.index_cast %add3A_286 : i32 to index
        %get3A_360 = arith.constant 32 : index
        %get3A_361 = tpu.vector_load %arg22[%get3A_359, %get3A_360] {strides = array<i32>} : memref<112x96xf32, #tpu.memory_space<vmem>>, vector<1x16xf32>,
        %get3A_362 = vector.shape_cast %get3A_361 : vector<1x16xf32> to vector<16xf32>
        %mul3A_363 = vector.broadcast %squeeze3A_288 : f32 to vector<16xf32>
        %mul3A_364 = arith.mulf %get3A_362, %mul3A_363 : vector<16xf32>
        %get3A_365 = arith.index_cast %add3A_286 : i32 to index
        %get3A_366 = arith.constant 32 : index
        %get3A_367 = tpu.vector_load %arg23[%get3A_365, %get3A_366] {strides = array<i32>} : memref<112x96xf32, #tpu.memory_space<vmem>>, vector<1x16xf32>,
        %get3A_368 = vector.shape_cast %get3A_367 : vector<1x16xf32> to vector<16xf32>
        %mul3A_369 = vector.broadcast %squeeze3A_290 : f32 to vector<16xf32>
        %mul3A_370 = arith.mulf %get3A_368, %mul3A_369 : vector<16xf32>
        %add3A_371 = arith.addf %mul3A_364, %mul3A_370 : vector<16xf32>
        %get3A_372 = arith.index_cast %add3A_286 : i32 to index
        %get3A_373 = arith.constant 32 : index
        %get3A_374 = tpu.vector_load %arg24[%get3A_372, %get3A_373] {strides = array<i32>} : memref<112x96xf32, #tpu.memory_space<vmem>>, vector<1x16xf32>,
        %get3A_375 = vector.shape_cast %get3A_374 : vector<1x16xf32> to vector<16xf32>
        %mul3A_376 = vector.broadcast %squeeze3A_292 : f32 to vector<16xf32>
        %mul3A_377 = arith.mulf %get3A_375, %mul3A_376 : vector<16xf32>
        %add3A_378 = arith.addf %add3A_371, %mul3A_377 : vector<16xf32>
        %get3A_379 = arith.index_cast %add3A_286 : i32 to index
        %get3A_380 = arith.constant 32 : index
        %get3A_381 = tpu.vector_load %arg25[%get3A_379, %get3A_380] {strides = array<i32>} : memref<112x96xf32, #tpu.memory_space<vmem>>, vector<1x16xf32>,
        %get3A_382 = vector.shape_cast %get3A_381 : vector<1x16xf32> to vector<16xf32>
        %mul3A_383 = vector.broadcast %squeeze3A_294 : f32 to vector<16xf32>
        %mul3A_384 = arith.mulf %get3A_382, %mul3A_383 : vector<16xf32>
        %add3A_385 = arith.addf %add3A_378, %mul3A_384 : vector<16xf32>
        %swap3A_386 = arith.index_cast %add3A_286 : i32 to index
        %swap3A_387 = arith.constant 32 : index
        %swap3A_388 = tpu.vector_load %arg26[%swap3A_386, %swap3A_387] {strides = array<i32>} : memref<112x96xf32, #tpu.memory_space<vmem>>, vector<1x16xf32>,
        %swap3A_389 = vector.shape_cast %swap3A_388 : vector<1x16xf32> to vector<16xf32>
        %swap3A_390 = vector.shape_cast %add3A_385 : vector<16xf32> to vector<1x16xf32>
        tpu.vector_store %arg26[%swap3A_386, %swap3A_387], %swap3A_390 {strides = array<i32>} : memref<112x96xf32, #tpu.memory_space<vmem>>, vector<1x16xf32>,
        %get3A_391 = arith.index_cast %add3A_286 : i32 to index
        %get3A_392 = arith.constant 48 : index
        %get3A_393 = tpu.vector_load %arg22[%get3A_391, %get3A_392] {strides = array<i32>} : memref<112x96xf32, #tpu.memory_space<vmem>>, vector<1x16xf32>,
        %get3A_394 = vector.shape_cast %get3A_393 : vector<1x16xf32> to vector<16xf32>
        %mul3A_395 = vector.broadcast %squeeze3A_288 : f32 to vector<16xf32>
        %mul3A_396 = arith.mulf %get3A_394, %mul3A_395 : vector<16xf32>
        %get3A_397 = arith.index_cast %add3A_286 : i32 to index
        %get3A_398 = arith.constant 48 : index
        %get3A_399 = tpu.vector_load %arg23[%get3A_397, %get3A_398] {strides = array<i32>} : memref<112x96xf32, #tpu.memory_space<vmem>>, vector<1x16xf32>,
        %get3A_400 = vector.shape_cast %get3A_399 : vector<1x16xf32> to vector<16xf32>
        %mul3A_401 = vector.broadcast %squeeze3A_290 : f32 to vector<16xf32>
        %mul3A_402 = arith.mulf %get3A_400, %mul3A_401 : vector<16xf32>
        %add3A_403 = arith.addf %mul3A_396, %mul3A_402 : vector<16xf32>
        %get3A_404 = arith.index_cast %add3A_286 : i32 to index
        %get3A_405 = arith.constant 48 : index
        %get3A_406 = tpu.vector_load %arg24[%get3A_404, %get3A_405] {strides = array<i32>} : memref<112x96xf32, #tpu.memory_space<vmem>>, vector<1x16xf32>,
        %get3A_407 = vector.shape_cast %get3A_406 : vector<1x16xf32> to vector<16xf32>
        %mul3A_408 = vector.broadcast %squeeze3A_292 : f32 to vector<16xf32>
        %mul3A_409 = arith.mulf %get3A_407, %mul3A_408 : vector<16xf32>
        %add3A_410 = arith.addf %add3A_403, %mul3A_409 : vector<16xf32>
        %get3A_411 = arith.index_cast %add3A_286 : i32 to index
        %get3A_412 = arith.constant 48 : index
        %get3A_413 = tpu.vector_load %arg25[%get3A_411, %get3A_412] {strides = array<i32>} : memref<112x96xf32, #tpu.memory_space<vmem>>, vector<1x16xf32>,
        %get3A_414 = vector.shape_cast %get3A_413 : vector<1x16xf32> to vector<16xf32>
        %mul3A_415 = vector.broadcast %squeeze3A_294 : f32 to vector<16xf32>
        %mul3A_416 = arith.mulf %get3A_414, %mul3A_415 : vector<16xf32>
        %add3A_417 = arith.addf %add3A_410, %mul3A_416 : vector<16xf32>
        %swap3A_418 = arith.index_cast %add3A_286 : i32 to index
        %swap3A_419 = arith.constant 48 : index
        %swap3A_420 = tpu.vector_load %arg26[%swap3A_418, %swap3A_419] {strides = array<i32>} : memref<112x96xf32, #tpu.memory_space<vmem>>, vector<1x16xf32>,
        %swap3A_421 = vector.shape_cast %swap3A_420 : vector<1x16xf32> to vector<16xf32>
        %swap3A_422 = vector.shape_cast %add3A_417 : vector<16xf32> to vector<1x16xf32>
        tpu.vector_store %arg26[%swap3A_418, %swap3A_419], %swap3A_422 {strides = array<i32>} : memref<112x96xf32, #tpu.memory_space<vmem>>, vector<1x16xf32>,
        %get3A_423 = arith.index_cast %add3A_286 : i32 to index
        %get3A_424 = arith.constant 64 : index
        %get3A_425 = tpu.vector_load %arg22[%get3A_423, %get3A_424] {strides = array<i32>} : memref<112x96xf32, #tpu.memory_space<vmem>>, vector<1x16xf32>,
        %get3A_426 = vector.shape_cast %get3A_425 : vector<1x16xf32> to vector<16xf32>
        %mul3A_427 = vector.broadcast %squeeze3A_288 : f32 to vector<16xf32>
        %mul3A_428 = arith.mulf %get3A_426, %mul3A_427 : vector<16xf32>
        %get3A_429 = arith.index_cast %add3A_286 : i32 to index
        %get3A_430 = arith.constant 64 : index
        %get3A_431 = tpu.vector_load %arg23[%get3A_429, %get3A_430] {strides = array<i32>} : memref<112x96xf32, #tpu.memory_space<vmem>>, vector<1x16xf32>,
        %get3A_432 = vector.shape_cast %get3A_431 : vector<1x16xf32> to vector<16xf32>
        %mul3A_433 = vector.broadcast %squeeze3A_290 : f32 to vector<16xf32>
        %mul3A_434 = arith.mulf %get3A_432, %mul3A_433 : vector<16xf32>
        %add3A_435 = arith.addf %mul3A_428, %mul3A_434 : vector<16xf32>
        %get3A_436 = arith.index_cast %add3A_286 : i32 to index
        %get3A_437 = arith.constant 64 : index
        %get3A_438 = tpu.vector_load %arg24[%get3A_436, %get3A_437] {strides = array<i32>} : memref<112x96xf32, #tpu.memory_space<vmem>>, vector<1x16xf32>,
        %get3A_439 = vector.shape_cast %get3A_438 : vector<1x16xf32> to vector<16xf32>
        %mul3A_440 = vector.broadcast %squeeze3A_292 : f32 to vector<16xf32>
        %mul3A_441 = arith.mulf %get3A_439, %mul3A_440 : vector<16xf32>
        %add3A_442 = arith.addf %add3A_435, %mul3A_441 : vector<16xf32>
        %get3A_443 = arith.index_cast %add3A_286 : i32 to index
        %get3A_444 = arith.constant 64 : index
        %get3A_445 = tpu.vector_load %arg25[%get3A_443, %get3A_444] {strides = array<i32>} : memref<112x96xf32, #tpu.memory_space<vmem>>, vector<1x16xf32>,
        %get3A_446 = vector.shape_cast %get3A_445 : vector<1x16xf32> to vector<16xf32>
        %mul3A_447 = vector.broadcast %squeeze3A_294 : f32 to vector<16xf32>
        %mul3A_448 = arith.mulf %get3A_446, %mul3A_447 : vector<16xf32>
        %add3A_449 = arith.addf %add3A_442, %mul3A_448 : vector<16xf32>
        %swap3A_450 = arith.index_cast %add3A_286 : i32 to index
        %swap3A_451 = arith.constant 64 : index
        %swap3A_452 = tpu.vector_load %arg26[%swap3A_450, %swap3A_451] {strides = array<i32>} : memref<112x96xf32, #tpu.memory_space<vmem>>, vector<1x16xf32>,
        %swap3A_453 = vector.shape_cast %swap3A_452 : vector<1x16xf32> to vector<16xf32>
        %swap3A_454 = vector.shape_cast %add3A_449 : vector<16xf32> to vector<1x16xf32>
        tpu.vector_store %arg26[%swap3A_450, %swap3A_451], %swap3A_454 {strides = array<i32>} : memref<112x96xf32, #tpu.memory_space<vmem>>, vector<1x16xf32>,
        %get3A_455 = arith.index_cast %add3A_286 : i32 to index
        %get3A_456 = arith.constant 80 : index
        %get3A_457 = tpu.vector_load %arg22[%get3A_455, %get3A_456] {strides = array<i32>} : memref<112x96xf32, #tpu.memory_space<vmem>>, vector<1x16xf32>,
        %get3A_458 = vector.shape_cast %get3A_457 : vector<1x16xf32> to vector<16xf32>
        %mul3A_459 = vector.broadcast %squeeze3A_288 : f32 to vector<16xf32>
        %mul3A_460 = arith.mulf %get3A_458, %mul3A_459 : vector<16xf32>
        %get3A_461 = arith.index_cast %add3A_286 : i32 to index
        %get3A_462 = arith.constant 80 : index
        %get3A_463 = tpu.vector_load %arg23[%get3A_461, %get3A_462] {strides = array<i32>} : memref<112x96xf32, #tpu.memory_space<vmem>>, vector<1x16xf32>,
        %get3A_464 = vector.shape_cast %get3A_463 : vector<1x16xf32> to vector<16xf32>
        %mul3A_465 = vector.broadcast %squeeze3A_290 : f32 to vector<16xf32>
        %mul3A_466 = arith.mulf %get3A_464, %mul3A_465 : vector<16xf32>
        %add3A_467 = arith.addf %mul3A_460, %mul3A_466 : vector<16xf32>
        %get3A_468 = arith.index_cast %add3A_286 : i32 to index
        %get3A_469 = arith.constant 80 : index
        %get3A_470 = tpu.vector_load %arg24[%get3A_468, %get3A_469] {strides = array<i32>} : memref<112x96xf32, #tpu.memory_space<vmem>>, vector<1x16xf32>,
        %get3A_471 = vector.shape_cast %get3A_470 : vector<1x16xf32> to vector<16xf32>
        %mul3A_472 = vector.broadcast %squeeze3A_292 : f32 to vector<16xf32>
        %mul3A_473 = arith.mulf %get3A_471, %mul3A_472 : vector<16xf32>
        %add3A_474 = arith.addf %add3A_467, %mul3A_473 : vector<16xf32>
        %get3A_475 = arith.index_cast %add3A_286 : i32 to index
        %get3A_476 = arith.constant 80 : index
        %get3A_477 = tpu.vector_load %arg25[%get3A_475, %get3A_476] {strides = array<i32>} : memref<112x96xf32, #tpu.memory_space<vmem>>, vector<1x16xf32>,
        %get3A_478 = vector.shape_cast %get3A_477 : vector<1x16xf32> to vector<16xf32>
        %mul3A_479 = vector.broadcast %squeeze3A_294 : f32 to vector<16xf32>
        %mul3A_480 = arith.mulf %get3A_478, %mul3A_479 : vector<16xf32>
        %add3A_481 = arith.addf %add3A_474, %mul3A_480 : vector<16xf32>
        %swap3A_482 = arith.index_cast %add3A_286 : i32 to index
        %swap3A_483 = arith.constant 80 : index
        %swap3A_484 = tpu.vector_load %arg26[%swap3A_482, %swap3A_483] {strides = array<i32>} : memref<112x96xf32, #tpu.memory_space<vmem>>, vector<1x16xf32>,
        %swap3A_485 = vector.shape_cast %swap3A_484 : vector<1x16xf32> to vector<16xf32>
        %swap3A_486 = vector.shape_cast %add3A_481 : vector<16xf32> to vector<1x16xf32>
        tpu.vector_store %arg26[%swap3A_482, %swap3A_483], %swap3A_486 {strides = array<i32>} : memref<112x96xf32, #tpu.memory_space<vmem>>, vector<1x16xf32>,
        %add3A_487 = arith.constant 2 : i32
        %add3A_488 = arith.addi %mul3A_74, %add3A_487 : i32
        %slice3A_489 = vector.extract_strided_slice %get3A_76 {offsets = [2], sizes = [1], strides = [1]} : vector<16xf32> to vector<1xf32>
        %squeeze3A_490 = vector.extract %slice3A_489[0] : f32 from vector<1xf32>
        %slice3A_491 = vector.extract_strided_slice %get3A_79 {offsets = [2], sizes = [1], strides = [1]} : vector<16xf32> to vector<1xf32>
        %squeeze3A_492 = vector.extract %slice3A_491[0] : f32 from vector<1xf32>
        %slice3A_493 = vector.extract_strided_slice %get3A_82 {offsets = [2], sizes = [1], strides = [1]} : vector<16xf32> to vector<1xf32>
        %squeeze3A_494 = vector.extract %slice3A_493[0] : f32 from vector<1xf32>
        %slice3A_495 = vector.extract_strided_slice %get3A_85 {offsets = [2], sizes = [1], strides = [1]} : vector<16xf32> to vector<1xf32>
        %squeeze3A_496 = vector.extract %slice3A_495[0] : f32 from vector<1xf32>
        %get3A_497 = arith.index_cast %add3A_488 : i32 to index
        %get3A_498 = arith.constant 0 : index
        %get3A_499 = tpu.vector_load %arg22[%get3A_497, %get3A_498] {strides = array<i32>} : memref<112x96xf32, #tpu.memory_space<vmem>>, vector<1x16xf32>,
        %get3A_500 = vector.shape_cast %get3A_499 : vector<1x16xf32> to vector<16xf32>
        %mul3A_501 = vector.broadcast %squeeze3A_490 : f32 to vector<16xf32>
        %mul3A_502 = arith.mulf %get3A_500, %mul3A_501 : vector<16xf32>
        %get3A_503 = arith.index_cast %add3A_488 : i32 to index
        %get3A_504 = arith.constant 0 : index
        %get3A_505 = tpu.vector_load %arg23[%get3A_503, %get3A_504] {strides = array<i32>} : memref<112x96xf32, #tpu.memory_space<vmem>>, vector<1x16xf32>,
        %get3A_506 = vector.shape_cast %get3A_505 : vector<1x16xf32> to vector<16xf32>
        %mul3A_507 = vector.broadcast %squeeze3A_492 : f32 to vector<16xf32>
        %mul3A_508 = arith.mulf %get3A_506, %mul3A_507 : vector<16xf32>
        %add3A_509 = arith.addf %mul3A_502, %mul3A_508 : vector<16xf32>
        %get3A_510 = arith.index_cast %add3A_488 : i32 to index
        %get3A_511 = arith.constant 0 : index
        %get3A_512 = tpu.vector_load %arg24[%get3A_510, %get3A_511] {strides = array<i32>} : memref<112x96xf32, #tpu.memory_space<vmem>>, vector<1x16xf32>,
        %get3A_513 = vector.shape_cast %get3A_512 : vector<1x16xf32> to vector<16xf32>
        %mul3A_514 = vector.broadcast %squeeze3A_494 : f32 to vector<16xf32>
        %mul3A_515 = arith.mulf %get3A_513, %mul3A_514 : vector<16xf32>
        %add3A_516 = arith.addf %add3A_509, %mul3A_515 : vector<16xf32>
        %get3A_517 = arith.index_cast %add3A_488 : i32 to index
        %get3A_518 = arith.constant 0 : index
        %get3A_519 = tpu.vector_load %arg25[%get3A_517, %get3A_518] {strides = array<i32>} : memref<112x96xf32, #tpu.memory_space<vmem>>, vector<1x16xf32>,
        %get3A_520 = vector.shape_cast %get3A_519 : vector<1x16xf32> to vector<16xf32>
        %mul3A_521 = vector.broadcast %squeeze3A_496 : f32 to vector<16xf32>
        %mul3A_522 = arith.mulf %get3A_520, %mul3A_521 : vector<16xf32>
        %add3A_523 = arith.addf %add3A_516, %mul3A_522 : vector<16xf32>
        %swap3A_524 = arith.index_cast %add3A_488 : i32 to index
        %swap3A_525 = arith.constant 0 : index
        %swap3A_526 = tpu.vector_load %arg26[%swap3A_524, %swap3A_525] {strides = array<i32>} : memref<112x96xf32, #tpu.memory_space<vmem>>, vector<1x16xf32>,
        %swap3A_527 = vector.shape_cast %swap3A_526 : vector<1x16xf32> to vector<16xf32>
        %swap3A_528 = vector.shape_cast %add3A_523 : vector<16xf32> to vector<1x16xf32>
        tpu.vector_store %arg26[%swap3A_524, %swap3A_525], %swap3A_528 {strides = array<i32>} : memref<112x96xf32, #tpu.memory_space<vmem>>, vector<1x16xf32>,
        %get3A_529 = arith.index_cast %add3A_488 : i32 to index
        %get3A_530 = arith.constant 16 : index
        %get3A_531 = tpu.vector_load %arg22[%get3A_529, %get3A_530] {strides = array<i32>} : memref<112x96xf32, #tpu.memory_space<vmem>>, vector<1x16xf32>,
        %get3A_532 = vector.shape_cast %get3A_531 : vector<1x16xf32> to vector<16xf32>
        %mul3A_533 = vector.broadcast %squeeze3A_490 : f32 to vector<16xf32>
        %mul3A_534 = arith.mulf %get3A_532, %mul3A_533 : vector<16xf32>
        %get3A_535 = arith.index_cast %add3A_488 : i32 to index
        %get3A_536 = arith.constant 16 : index
        %get3A_537 = tpu.vector_load %arg23[%get3A_535, %get3A_536] {strides = array<i32>} : memref<112x96xf32, #tpu.memory_space<vmem>>, vector<1x16xf32>,
        %get3A_538 = vector.shape_cast %get3A_537 : vector<1x16xf32> to vector<16xf32>
        %mul3A_539 = vector.broadcast %squeeze3A_492 : f32 to vector<16xf32>
        %mul3A_540 = arith.mulf %get3A_538, %mul3A_539 : vector<16xf32>
        %add3A_541 = arith.addf %mul3A_534, %mul3A_540 : vector<16xf32>
        %get3A_542 = arith.index_cast %add3A_488 : i32 to index
        %get3A_543 = arith.constant 16 : index
        %get3A_544 = tpu.vector_load %arg24[%get3A_542, %get3A_543] {strides = array<i32>} : memref<112x96xf32, #tpu.memory_space<vmem>>, vector<1x16xf32>,
        %get3A_545 = vector.shape_cast %get3A_544 : vector<1x16xf32> to vector<16xf32>
        %mul3A_546 = vector.broadcast %squeeze3A_494 : f32 to vector<16xf32>
        %mul3A_547 = arith.mulf %get3A_545, %mul3A_546 : vector<16xf32>
        %add3A_548 = arith.addf %add3A_541, %mul3A_547 : vector<16xf32>
        %get3A_549 = arith.index_cast %add3A_488 : i32 to index
        %get3A_550 = arith.constant 16 : index
        %get3A_551 = tpu.vector_load %arg25[%get3A_549, %get3A_550] {strides = array<i32>} : memref<112x96xf32, #tpu.memory_space<vmem>>, vector<1x16xf32>,
        %get3A_552 = vector.shape_cast %get3A_551 : vector<1x16xf32> to vector<16xf32>
        %mul3A_553 = vector.broadcast %squeeze3A_496 : f32 to vector<16xf32>
        %mul3A_554 = arith.mulf %get3A_552, %mul3A_553 : vector<16xf32>
        %add3A_555 = arith.addf %add3A_548, %mul3A_554 : vector<16xf32>
        %swap3A_556 = arith.index_cast %add3A_488 : i32 to index
        %swap3A_557 = arith.constant 16 : index
        %swap3A_558 = tpu.vector_load %arg26[%swap3A_556, %swap3A_557] {strides = array<i32>} : memref<112x96xf32, #tpu.memory_space<vmem>>, vector<1x16xf32>,
        %swap3A_559 = vector.shape_cast %swap3A_558 : vector<1x16xf32> to vector<16xf32>
        %swap3A_560 = vector.shape_cast %add3A_555 : vector<16xf32> to vector<1x16xf32>
        tpu.vector_store %arg26[%swap3A_556, %swap3A_557], %swap3A_560 {strides = array<i32>} : memref<112x96xf32, #tpu.memory_space<vmem>>, vector<1x16xf32>,
        %get3A_561 = arith.index_cast %add3A_488 : i32 to index
        %get3A_562 = arith.constant 32 : index
        %get3A_563 = tpu.vector_load %arg22[%get3A_561, %get3A_562] {strides = array<i32>} : memref<112x96xf32, #tpu.memory_space<vmem>>, vector<1x16xf32>,
        %get3A_564 = vector.shape_cast %get3A_563 : vector<1x16xf32> to vector<16xf32>
        %mul3A_565 = vector.broadcast %squeeze3A_490 : f32 to vector<16xf32>
        %mul3A_566 = arith.mulf %get3A_564, %mul3A_565 : vector<16xf32>
        %get3A_567 = arith.index_cast %add3A_488 : i32 to index
        %get3A_568 = arith.constant 32 : index
        %get3A_569 = tpu.vector_load %arg23[%get3A_567, %get3A_568] {strides = array<i32>} : memref<112x96xf32, #tpu.memory_space<vmem>>, vector<1x16xf32>,
        %get3A_570 = vector.shape_cast %get3A_569 : vector<1x16xf32> to vector<16xf32>
        %mul3A_571 = vector.broadcast %squeeze3A_492 : f32 to vector<16xf32>
        %mul3A_572 = arith.mulf %get3A_570, %mul3A_571 : vector<16xf32>
        %add3A_573 = arith.addf %mul3A_566, %mul3A_572 : vector<16xf32>
        %get3A_574 = arith.index_cast %add3A_488 : i32 to index
        %get3A_575 = arith.constant 32 : index
        %get3A_576 = tpu.vector_load %arg24[%get3A_574, %get3A_575] {strides = array<i32>} : memref<112x96xf32, #tpu.memory_space<vmem>>, vector<1x16xf32>,
        %get3A_577 = vector.shape_cast %get3A_576 : vector<1x16xf32> to vector<16xf32>
        %mul3A_578 = vector.broadcast %squeeze3A_494 : f32 to vector<16xf32>
        %mul3A_579 = arith.mulf %get3A_577, %mul3A_578 : vector<16xf32>
        %add3A_580 = arith.addf %add3A_573, %mul3A_579 : vector<16xf32>
        %get3A_581 = arith.index_cast %add3A_488 : i32 to index
        %get3A_582 = arith.constant 32 : index
        %get3A_583 = tpu.vector_load %arg25[%get3A_581, %get3A_582] {strides = array<i32>} : memref<112x96xf32, #tpu.memory_space<vmem>>, vector<1x16xf32>,
        %get3A_584 = vector.shape_cast %get3A_583 : vector<1x16xf32> to vector<16xf32>
        %mul3A_585 = vector.broadcast %squeeze3A_496 : f32 to vector<16xf32>
        %mul3A_586 = arith.mulf %get3A_584, %mul3A_585 : vector<16xf32>
        %add3A_587 = arith.addf %add3A_580, %mul3A_586 : vector<16xf32>
        %swap3A_588 = arith.index_cast %add3A_488 : i32 to index
        %swap3A_589 = arith.constant 32 : index
        %swap3A_590 = tpu.vector_load %arg26[%swap3A_588, %swap3A_589] {strides = array<i32>} : memref<112x96xf32, #tpu.memory_space<vmem>>, vector<1x16xf32>,
        %swap3A_591 = vector.shape_cast %swap3A_590 : vector<1x16xf32> to vector<16xf32>
        %swap3A_592 = vector.shape_cast %add3A_587 : vector<16xf32> to vector<1x16xf32>
        tpu.vector_store %arg26[%swap3A_588, %swap3A_589], %swap3A_592 {strides = array<i32>} : memref<112x96xf32, #tpu.memory_space<vmem>>, vector<1x16xf32>,
        %get3A_593 = arith.index_cast %add3A_488 : i32 to index
        %get3A_594 = arith.constant 48 : index
        %get3A_595 = tpu.vector_load %arg22[%get3A_593, %get3A_594] {strides = array<i32>} : memref<112x96xf32, #tpu.memory_space<vmem>>, vector<1x16xf32>,
        %get3A_596 = vector.shape_cast %get3A_595 : vector<1x16xf32> to vector<16xf32>
        %mul3A_597 = vector.broadcast %squeeze3A_490 : f32 to vector<16xf32>
        %mul3A_598 = arith.mulf %get3A_596, %mul3A_597 : vector<16xf32>
        %get3A_599 = arith.index_cast %add3A_488 : i32 to index
        %get3A_600 = arith.constant 48 : index
        %get3A_601 = tpu.vector_load %arg23[%get3A_599, %get3A_600] {strides = array<i32>} : memref<112x96xf32, #tpu.memory_space<vmem>>, vector<1x16xf32>,
        %get3A_602 = vector.shape_cast %get3A_601 : vector<1x16xf32> to vector<16xf32>
        %mul3A_603 = vector.broadcast %squeeze3A_492 : f32 to vector<16xf32>
        %mul3A_604 = arith.mulf %get3A_602, %mul3A_603 : vector<16xf32>
        %add3A_605 = arith.addf %mul3A_598, %mul3A_604 : vector<16xf32>
        %get3A_606 = arith.index_cast %add3A_488 : i32 to index
        %get3A_607 = arith.constant 48 : index
        %get3A_608 = tpu.vector_load %arg24[%get3A_606, %get3A_607] {strides = array<i32>} : memref<112x96xf32, #tpu.memory_space<vmem>>, vector<1x16xf32>,
        %get3A_609 = vector.shape_cast %get3A_608 : vector<1x16xf32> to vector<16xf32>
        %mul3A_610 = vector.broadcast %squeeze3A_494 : f32 to vector<16xf32>
        %mul3A_611 = arith.mulf %get3A_609, %mul3A_610 : vector<16xf32>
        %add3A_612 = arith.addf %add3A_605, %mul3A_611 : vector<16xf32>
        %get3A_613 = arith.index_cast %add3A_488 : i32 to index
        %get3A_614 = arith.constant 48 : index
        %get3A_615 = tpu.vector_load %arg25[%get3A_613, %get3A_614] {strides = array<i32>} : memref<112x96xf32, #tpu.memory_space<vmem>>, vector<1x16xf32>,
        %get3A_616 = vector.shape_cast %get3A_615 : vector<1x16xf32> to vector<16xf32>
        %mul3A_617 = vector.broadcast %squeeze3A_496 : f32 to vector<16xf32>
        %mul3A_618 = arith.mulf %get3A_616, %mul3A_617 : vector<16xf32>
        %add3A_619 = arith.addf %add3A_612, %mul3A_618 : vector<16xf32>
        %swap3A_620 = arith.index_cast %add3A_488 : i32 to index
        %swap3A_621 = arith.constant 48 : index
        %swap3A_622 = tpu.vector_load %arg26[%swap3A_620, %swap3A_621] {strides = array<i32>} : memref<112x96xf32, #tpu.memory_space<vmem>>, vector<1x16xf32>,
        %swap3A_623 = vector.shape_cast %swap3A_622 : vector<1x16xf32> to vector<16xf32>
        %swap3A_624 = vector.shape_cast %add3A_619 : vector<16xf32> to vector<1x16xf32>
        tpu.vector_store %arg26[%swap3A_620, %swap3A_621], %swap3A_624 {strides = array<i32>} : memref<112x96xf32, #tpu.memory_space<vmem>>, vector<1x16xf32>,
        %get3A_625 = arith.index_cast %add3A_488 : i32 to index
        %get3A_626 = arith.constant 64 : index
        %get3A_627 = tpu.vector_load %arg22[%get3A_625, %get3A_626] {strides = array<i32>} : memref<112x96xf32, #tpu.memory_space<vmem>>, vector<1x16xf32>,
        %get3A_628 = vector.shape_cast %get3A_627 : vector<1x16xf32> to vector<16xf32>
        %mul3A_629 = vector.broadcast %squeeze3A_490 : f32 to vector<16xf32>
        %mul3A_630 = arith.mulf %get3A_628, %mul3A_629 : vector<16xf32>
        %get3A_631 = arith.index_cast %add3A_488 : i32 to index
        %get3A_632 = arith.constant 64 : index
        %get3A_633 = tpu.vector_load %arg23[%get3A_631, %get3A_632] {strides = array<i32>} : memref<112x96xf32, #tpu.memory_space<vmem>>, vector<1x16xf32>,
        %get3A_634 = vector.shape_cast %get3A_633 : vector<1x16xf32> to vector<16xf32>
        %mul3A_635 = vector.broadcast %squeeze3A_492 : f32 to vector<16xf32>
        %mul3A_636 = arith.mulf %get3A_634, %mul3A_635 : vector<16xf32>
        %add3A_637 = arith.addf %mul3A_630, %mul3A_636 : vector<16xf32>
        %get3A_638 = arith.index_cast %add3A_488 : i32 to index
        %get3A_639 = arith.constant 64 : index
        %get3A_640 = tpu.vector_load %arg24[%get3A_638, %get3A_639] {strides = array<i32>} : memref<112x96xf32, #tpu.memory_space<vmem>>, vector<1x16xf32>,
        %get3A_641 = vector.shape_cast %get3A_640 : vector<1x16xf32> to vector<16xf32>
        %mul3A_642 = vector.broadcast %squeeze3A_494 : f32 to vector<16xf32>
        %mul3A_643 = arith.mulf %get3A_641, %mul3A_642 : vector<16xf32>
        %add3A_644 = arith.addf %add3A_637, %mul3A_643 : vector<16xf32>
        %get3A_645 = arith.index_cast %add3A_488 : i32 to index
        %get3A_646 = arith.constant 64 : index
        %get3A_647 = tpu.vector_load %arg25[%get3A_645, %get3A_646] {strides = array<i32>} : memref<112x96xf32, #tpu.memory_space<vmem>>, vector<1x16xf32>,
        %get3A_648 = vector.shape_cast %get3A_647 : vector<1x16xf32> to vector<16xf32>
        %mul3A_649 = vector.broadcast %squeeze3A_496 : f32 to vector<16xf32>
        %mul3A_650 = arith.mulf %get3A_648, %mul3A_649 : vector<16xf32>
        %add3A_651 = arith.addf %add3A_644, %mul3A_650 : vector<16xf32>
        %swap3A_652 = arith.index_cast %add3A_488 : i32 to index
        %swap3A_653 = arith.constant 64 : index
        %swap3A_654 = tpu.vector_load %arg26[%swap3A_652, %swap3A_653] {strides = array<i32>} : memref<112x96xf32, #tpu.memory_space<vmem>>, vector<1x16xf32>,
        %swap3A_655 = vector.shape_cast %swap3A_654 : vector<1x16xf32> to vector<16xf32>
        %swap3A_656 = vector.shape_cast %add3A_651 : vector<16xf32> to vector<1x16xf32>
        tpu.vector_store %arg26[%swap3A_652, %swap3A_653], %swap3A_656 {strides = array<i32>} : memref<112x96xf32, #tpu.memory_space<vmem>>, vector<1x16xf32>,
        %get3A_657 = arith.index_cast %add3A_488 : i32 to index
        %get3A_658 = arith.constant 80 : index
        %get3A_659 = tpu.vector_load %arg22[%get3A_657, %get3A_658] {strides = array<i32>} : memref<112x96xf32, #tpu.memory_space<vmem>>, vector<1x16xf32>,
        %get3A_660 = vector.shape_cast %get3A_659 : vector<1x16xf32> to vector<16xf32>
        %mul3A_661 = vector.broadcast %squeeze3A_490 : f32 to vector<16xf32>
        %mul3A_662 = arith.mulf %get3A_660, %mul3A_661 : vector<16xf32>
        %get3A_663 = arith.index_cast %add3A_488 : i32 to index
        %get3A_664 = arith.constant 80 : index
        %get3A_665 = tpu.vector_load %arg23[%get3A_663, %get3A_664] {strides = array<i32>} : memref<112x96xf32, #tpu.memory_space<vmem>>, vector<1x16xf32>,
        %get3A_666 = vector.shape_cast %get3A_665 : vector<1x16xf32> to vector<16xf32>
        %mul3A_667 = vector.broadcast %squeeze3A_492 : f32 to vector<16xf32>
        %mul3A_668 = arith.mulf %get3A_666, %mul3A_667 : vector<16xf32>
        %add3A_669 = arith.addf %mul3A_662, %mul3A_668 : vector<16xf32>
        %get3A_670 = arith.index_cast %add3A_488 : i32 to index
        %get3A_671 = arith.constant 80 : index
        %get3A_672 = tpu.vector_load %arg24[%get3A_670, %get3A_671] {strides = array<i32>} : memref<112x96xf32, #tpu.memory_space<vmem>>, vector<1x16xf32>,
        %get3A_673 = vector.shape_cast %get3A_672 : vector<1x16xf32> to vector<16xf32>
        %mul3A_674 = vector.broadcast %squeeze3A_494 : f32 to vector<16xf32>
        %mul3A_675 = arith.mulf %get3A_673, %mul3A_674 : vector<16xf32>
        %add3A_676 = arith.addf %add3A_669, %mul3A_675 : vector<16xf32>
        %get3A_677 = arith.index_cast %add3A_488 : i32 to index
        %get3A_678 = arith.constant 80 : index
        %get3A_679 = tpu.vector_load %arg25[%get3A_677, %get3A_678] {strides = array<i32>} : memref<112x96xf32, #tpu.memory_space<vmem>>, vector<1x16xf32>,
        %get3A_680 = vector.shape_cast %get3A_679 : vector<1x16xf32> to vector<16xf32>
        %mul3A_681 = vector.broadcast %squeeze3A_496 : f32 to vector<16xf32>
        %mul3A_682 = arith.mulf %get3A_680, %mul3A_681 : vector<16xf32>
        %add3A_683 = arith.addf %add3A_676, %mul3A_682 : vector<16xf32>
        %swap3A_684 = arith.index_cast %add3A_488 : i32 to index
        %swap3A_685 = arith.constant 80 : index
        %swap3A_686 = tpu.vector_load %arg26[%swap3A_684, %swap3A_685] {strides = array<i32>} : memref<112x96xf32, #tpu.memory_space<vmem>>, vector<1x16xf32>,
        %swap3A_687 = vector.shape_cast %swap3A_686 : vector<1x16xf32> to vector<16xf32>
        %swap3A_688 = vector.shape_cast %add3A_683 : vector<16xf32> to vector<1x16xf32>
        tpu.vector_store %arg26[%swap3A_684, %swap3A_685], %swap3A_688 {strides = array<i32>} : memref<112x96xf32, #tpu.memory_space<vmem>>, vector<1x16xf32>,
        %add3A_689 = arith.constant 3 : i32
        %add3A_690 = arith.addi %mul3A_74, %add3A_689 : i32
        %slice3A_691 = vector.extract_strided_slice %get3A_76 {offsets = [3], sizes = [1], strides = [1]} : vector<16xf32> to vector<1xf32>
        %squeeze3A_692 = vector.extract %slice3A_691[0] : f32 from vector<1xf32>
        %slice3A_693 = vector.extract_strided_slice %get3A_79 {offsets = [3], sizes = [1], strides = [1]} : vector<16xf32> to vector<1xf32>
        %squeeze3A_694 = vector.extract %slice3A_693[0] : f32 from vector<1xf32>
        %slice3A_695 = vector.extract_strided_slice %get3A_82 {offsets = [3], sizes = [1], strides = [1]} : vector<16xf32> to vector<1xf32>
        %squeeze3A_696 = vector.extract %slice3A_695[0] : f32 from vector<1xf32>
        %slice3A_697 = vector.extract_strided_slice %get3A_85 {offsets = [3], sizes = [1], strides = [1]} : vector<16xf32> to vector<1xf32>
        %squeeze3A_698 = vector.extract %slice3A_697[0] : f32 from vector<1xf32>
        %get3A_699 = arith.index_cast %add3A_690 : i32 to index
        %get3A_700 = arith.constant 0 : index
        %get3A_701 = tpu.vector_load %arg22[%get3A_699, %get3A_700] {strides = array<i32>} : memref<112x96xf32, #tpu.memory_space<vmem>>, vector<1x16xf32>,
        %get3A_702 = vector.shape_cast %get3A_701 : vector<1x16xf32> to vector<16xf32>
        %mul3A_703 = vector.broadcast %squeeze3A_692 : f32 to vector<16xf32>
        %mul3A_704 = arith.mulf %get3A_702, %mul3A_703 : vector<16xf32>
        %get3A_705 = arith.index_cast %add3A_690 : i32 to index
        %get3A_706 = arith.constant 0 : index
        %get3A_707 = tpu.vector_load %arg23[%get3A_705, %get3A_706] {strides = array<i32>} : memref<112x96xf32, #tpu.memory_space<vmem>>, vector<1x16xf32>,
        %get3A_708 = vector.shape_cast %get3A_707 : vector<1x16xf32> to vector<16xf32>
        %mul3A_709 = vector.broadcast %squeeze3A_694 : f32 to vector<16xf32>
        %mul3A_710 = arith.mulf %get3A_708, %mul3A_709 : vector<16xf32>
        %add3A_711 = arith.addf %mul3A_704, %mul3A_710 : vector<16xf32>
        %get3A_712 = arith.index_cast %add3A_690 : i32 to index
        %get3A_713 = arith.constant 0 : index
        %get3A_714 = tpu.vector_load %arg24[%get3A_712, %get3A_713] {strides = array<i32>} : memref<112x96xf32, #tpu.memory_space<vmem>>, vector<1x16xf32>,
        %get3A_715 = vector.shape_cast %get3A_714 : vector<1x16xf32> to vector<16xf32>
        %mul3A_716 = vector.broadcast %squeeze3A_696 : f32 to vector<16xf32>
        %mul3A_717 = arith.mulf %get3A_715, %mul3A_716 : vector<16xf32>
        %add3A_718 = arith.addf %add3A_711, %mul3A_717 : vector<16xf32>
        %get3A_719 = arith.index_cast %add3A_690 : i32 to index
        %get3A_720 = arith.constant 0 : index
        %get3A_721 = tpu.vector_load %arg25[%get3A_719, %get3A_720] {strides = array<i32>} : memref<112x96xf32, #tpu.memory_space<vmem>>, vector<1x16xf32>,
        %get3A_722 = vector.shape_cast %get3A_721 : vector<1x16xf32> to vector<16xf32>
        %mul3A_723 = vector.broadcast %squeeze3A_698 : f32 to vector<16xf32>
        %mul3A_724 = arith.mulf %get3A_722, %mul3A_723 : vector<16xf32>
        %add3A_725 = arith.addf %add3A_718, %mul3A_724 : vector<16xf32>
        %swap3A_726 = arith.index_cast %add3A_690 : i32 to index
        %swap3A_727 = arith.constant 0 : index
        %swap3A_728 = tpu.vector_load %arg26[%swap3A_726, %swap3A_727] {strides = array<i32>} : memref<112x96xf32, #tpu.memory_space<vmem>>, vector<1x16xf32>,
        %swap3A_729 = vector.shape_cast %swap3A_728 : vector<1x16xf32> to vector<16xf32>
        %swap3A_730 = vector.shape_cast %add3A_725 : vector<16xf32> to vector<1x16xf32>
        tpu.vector_store %arg26[%swap3A_726, %swap3A_727], %swap3A_730 {strides = array<i32>} : memref<112x96xf32, #tpu.memory_space<vmem>>, vector<1x16xf32>,
        %get3A_731 = arith.index_cast %add3A_690 : i32 to index
        %get3A_732 = arith.constant 16 : index
        %get3A_733 = tpu.vector_load %arg22[%get3A_731, %get3A_732] {strides = array<i32>} : memref<112x96xf32, #tpu.memory_space<vmem>>, vector<1x16xf32>,
        %get3A_734 = vector.shape_cast %get3A_733 : vector<1x16xf32> to vector<16xf32>
        %mul3A_735 = vector.broadcast %squeeze3A_692 : f32 to vector<16xf32>
        %mul3A_736 = arith.mulf %get3A_734, %mul3A_735 : vector<16xf32>
        %get3A_737 = arith.index_cast %add3A_690 : i32 to index
        %get3A_738 = arith.constant 16 : index
        %get3A_739 = tpu.vector_load %arg23[%get3A_737, %get3A_738] {strides = array<i32>} : memref<112x96xf32, #tpu.memory_space<vmem>>, vector<1x16xf32>,
        %get3A_740 = vector.shape_cast %get3A_739 : vector<1x16xf32> to vector<16xf32>
        %mul3A_741 = vector.broadcast %squeeze3A_694 : f32 to vector<16xf32>
        %mul3A_742 = arith.mulf %get3A_740, %mul3A_741 : vector<16xf32>
        %add3A_743 = arith.addf %mul3A_736, %mul3A_742 : vector<16xf32>
        %get3A_744 = arith.index_cast %add3A_690 : i32 to index
        %get3A_745 = arith.constant 16 : index
        %get3A_746 = tpu.vector_load %arg24[%get3A_744, %get3A_745] {strides = array<i32>} : memref<112x96xf32, #tpu.memory_space<vmem>>, vector<1x16xf32>,
        %get3A_747 = vector.shape_cast %get3A_746 : vector<1x16xf32> to vector<16xf32>
        %mul3A_748 = vector.broadcast %squeeze3A_696 : f32 to vector<16xf32>
        %mul3A_749 = arith.mulf %get3A_747, %mul3A_748 : vector<16xf32>
        %add3A_750 = arith.addf %add3A_743, %mul3A_749 : vector<16xf32>
        %get3A_751 = arith.index_cast %add3A_690 : i32 to index
        %get3A_752 = arith.constant 16 : index
        %get3A_753 = tpu.vector_load %arg25[%get3A_751, %get3A_752] {strides = array<i32>} : memref<112x96xf32, #tpu.memory_space<vmem>>, vector<1x16xf32>,
        %get3A_754 = vector.shape_cast %get3A_753 : vector<1x16xf32> to vector<16xf32>
        %mul3A_755 = vector.broadcast %squeeze3A_698 : f32 to vector<16xf32>
        %mul3A_756 = arith.mulf %get3A_754, %mul3A_755 : vector<16xf32>
        %add3A_757 = arith.addf %add3A_750, %mul3A_756 : vector<16xf32>
        %swap3A_758 = arith.index_cast %add3A_690 : i32 to index
        %swap3A_759 = arith.constant 16 : index
        %swap3A_760 = tpu.vector_load %arg26[%swap3A_758, %swap3A_759] {strides = array<i32>} : memref<112x96xf32, #tpu.memory_space<vmem>>, vector<1x16xf32>,
        %swap3A_761 = vector.shape_cast %swap3A_760 : vector<1x16xf32> to vector<16xf32>
        %swap3A_762 = vector.shape_cast %add3A_757 : vector<16xf32> to vector<1x16xf32>
        tpu.vector_store %arg26[%swap3A_758, %swap3A_759], %swap3A_762 {strides = array<i32>} : memref<112x96xf32, #tpu.memory_space<vmem>>, vector<1x16xf32>,
        %get3A_763 = arith.index_cast %add3A_690 : i32 to index
        %get3A_764 = arith.constant 32 : index
        %get3A_765 = tpu.vector_load %arg22[%get3A_763, %get3A_764] {strides = array<i32>} : memref<112x96xf32, #tpu.memory_space<vmem>>, vector<1x16xf32>,
        %get3A_766 = vector.shape_cast %get3A_765 : vector<1x16xf32> to vector<16xf32>
        %mul3A_767 = vector.broadcast %squeeze3A_692 : f32 to vector<16xf32>
        %mul3A_768 = arith.mulf %get3A_766, %mul3A_767 : vector<16xf32>
        %get3A_769 = arith.index_cast %add3A_690 : i32 to index
        %get3A_770 = arith.constant 32 : index
        %get3A_771 = tpu.vector_load %arg23[%get3A_769, %get3A_770] {strides = array<i32>} : memref<112x96xf32, #tpu.memory_space<vmem>>, vector<1x16xf32>,
        %get3A_772 = vector.shape_cast %get3A_771 : vector<1x16xf32> to vector<16xf32>
        %mul3A_773 = vector.broadcast %squeeze3A_694 : f32 to vector<16xf32>
        %mul3A_774 = arith.mulf %get3A_772, %mul3A_773 : vector<16xf32>
        %add3A_775 = arith.addf %mul3A_768, %mul3A_774 : vector<16xf32>
        %get3A_776 = arith.index_cast %add3A_690 : i32 to index
        %get3A_777 = arith.constant 32 : index
        %get3A_778 = tpu.vector_load %arg24[%get3A_776, %get3A_777] {strides = array<i32>} : memref<112x96xf32, #tpu.memory_space<vmem>>, vector<1x16xf32>,
        %get3A_779 = vector.shape_cast %get3A_778 : vector<1x16xf32> to vector<16xf32>
        %mul3A_780 = vector.broadcast %squeeze3A_696 : f32 to vector<16xf32>
        %mul3A_781 = arith.mulf %get3A_779, %mul3A_780 : vector<16xf32>
        %add3A_782 = arith.addf %add3A_775, %mul3A_781 : vector<16xf32>
        %get3A_783 = arith.index_cast %add3A_690 : i32 to index
        %get3A_784 = arith.constant 32 : index
        %get3A_785 = tpu.vector_load %arg25[%get3A_783, %get3A_784] {strides = array<i32>} : memref<112x96xf32, #tpu.memory_space<vmem>>, vector<1x16xf32>,
        %get3A_786 = vector.shape_cast %get3A_785 : vector<1x16xf32> to vector<16xf32>
        %mul3A_787 = vector.broadcast %squeeze3A_698 : f32 to vector<16xf32>
        %mul3A_788 = arith.mulf %get3A_786, %mul3A_787 : vector<16xf32>
        %add3A_789 = arith.addf %add3A_782, %mul3A_788 : vector<16xf32>
        %swap3A_790 = arith.index_cast %add3A_690 : i32 to index
        %swap3A_791 = arith.constant 32 : index
        %swap3A_792 = tpu.vector_load %arg26[%swap3A_790, %swap3A_791] {strides = array<i32>} : memref<112x96xf32, #tpu.memory_space<vmem>>, vector<1x16xf32>,
        %swap3A_793 = vector.shape_cast %swap3A_792 : vector<1x16xf32> to vector<16xf32>
        %swap3A_794 = vector.shape_cast %add3A_789 : vector<16xf32> to vector<1x16xf32>
        tpu.vector_store %arg26[%swap3A_790, %swap3A_791], %swap3A_794 {strides = array<i32>} : memref<112x96xf32, #tpu.memory_space<vmem>>, vector<1x16xf32>,
        %get3A_795 = arith.index_cast %add3A_690 : i32 to index
        %get3A_796 = arith.constant 48 : index
        %get3A_797 = tpu.vector_load %arg22[%get3A_795, %get3A_796] {strides = array<i32>} : memref<112x96xf32, #tpu.memory_space<vmem>>, vector<1x16xf32>,
        %get3A_798 = vector.shape_cast %get3A_797 : vector<1x16xf32> to vector<16xf32>
        %mul3A_799 = vector.broadcast %squeeze3A_692 : f32 to vector<16xf32>
        %mul3A_800 = arith.mulf %get3A_798, %mul3A_799 : vector<16xf32>
        %get3A_801 = arith.index_cast %add3A_690 : i32 to index
        %get3A_802 = arith.constant 48 : index
        %get3A_803 = tpu.vector_load %arg23[%get3A_801, %get3A_802] {strides = array<i32>} : memref<112x96xf32, #tpu.memory_space<vmem>>, vector<1x16xf32>,
        %get3A_804 = vector.shape_cast %get3A_803 : vector<1x16xf32> to vector<16xf32>
        %mul3A_805 = vector.broadcast %squeeze3A_694 : f32 to vector<16xf32>
        %mul3A_806 = arith.mulf %get3A_804, %mul3A_805 : vector<16xf32>
        %add3A_807 = arith.addf %mul3A_800, %mul3A_806 : vector<16xf32>
        %get3A_808 = arith.index_cast %add3A_690 : i32 to index
        %get3A_809 = arith.constant 48 : index
        %get3A_810 = tpu.vector_load %arg24[%get3A_808, %get3A_809] {strides = array<i32>} : memref<112x96xf32, #tpu.memory_space<vmem>>, vector<1x16xf32>,
        %get3A_811 = vector.shape_cast %get3A_810 : vector<1x16xf32> to vector<16xf32>
        %mul3A_812 = vector.broadcast %squeeze3A_696 : f32 to vector<16xf32>
        %mul3A_813 = arith.mulf %get3A_811, %mul3A_812 : vector<16xf32>
        %add3A_814 = arith.addf %add3A_807, %mul3A_813 : vector<16xf32>
        %get3A_815 = arith.index_cast %add3A_690 : i32 to index
        %get3A_816 = arith.constant 48 : index
        %get3A_817 = tpu.vector_load %arg25[%get3A_815, %get3A_816] {strides = array<i32>} : memref<112x96xf32, #tpu.memory_space<vmem>>, vector<1x16xf32>,
        %get3A_818 = vector.shape_cast %get3A_817 : vector<1x16xf32> to vector<16xf32>
        %mul3A_819 = vector.broadcast %squeeze3A_698 : f32 to vector<16xf32>
        %mul3A_820 = arith.mulf %get3A_818, %mul3A_819 : vector<16xf32>
        %add3A_821 = arith.addf %add3A_814, %mul3A_820 : vector<16xf32>
        %swap3A_822 = arith.index_cast %add3A_690 : i32 to index
        %swap3A_823 = arith.constant 48 : index
        %swap3A_824 = tpu.vector_load %arg26[%swap3A_822, %swap3A_823] {strides = array<i32>} : memref<112x96xf32, #tpu.memory_space<vmem>>, vector<1x16xf32>,
        %swap3A_825 = vector.shape_cast %swap3A_824 : vector<1x16xf32> to vector<16xf32>
        %swap3A_826 = vector.shape_cast %add3A_821 : vector<16xf32> to vector<1x16xf32>
        tpu.vector_store %arg26[%swap3A_822, %swap3A_823], %swap3A_826 {strides = array<i32>} : memref<112x96xf32, #tpu.memory_space<vmem>>, vector<1x16xf32>,
        %get3A_827 = arith.index_cast %add3A_690 : i32 to index
        %get3A_828 = arith.constant 64 : index
        %get3A_829 = tpu.vector_load %arg22[%get3A_827, %get3A_828] {strides = array<i32>} : memref<112x96xf32, #tpu.memory_space<vmem>>, vector<1x16xf32>,
        %get3A_830 = vector.shape_cast %get3A_829 : vector<1x16xf32> to vector<16xf32>
        %mul3A_831 = vector.broadcast %squeeze3A_692 : f32 to vector<16xf32>
        %mul3A_832 = arith.mulf %get3A_830, %mul3A_831 : vector<16xf32>
        %get3A_833 = arith.index_cast %add3A_690 : i32 to index
        %get3A_834 = arith.constant 64 : index
        %get3A_835 = tpu.vector_load %arg23[%get3A_833, %get3A_834] {strides = array<i32>} : memref<112x96xf32, #tpu.memory_space<vmem>>, vector<1x16xf32>,
        %get3A_836 = vector.shape_cast %get3A_835 : vector<1x16xf32> to vector<16xf32>
        %mul3A_837 = vector.broadcast %squeeze3A_694 : f32 to vector<16xf32>
        %mul3A_838 = arith.mulf %get3A_836, %mul3A_837 : vector<16xf32>
        %add3A_839 = arith.addf %mul3A_832, %mul3A_838 : vector<16xf32>
        %get3A_840 = arith.index_cast %add3A_690 : i32 to index
        %get3A_841 = arith.constant 64 : index
        %get3A_842 = tpu.vector_load %arg24[%get3A_840, %get3A_841] {strides = array<i32>} : memref<112x96xf32, #tpu.memory_space<vmem>>, vector<1x16xf32>,
        %get3A_843 = vector.shape_cast %get3A_842 : vector<1x16xf32> to vector<16xf32>
        %mul3A_844 = vector.broadcast %squeeze3A_696 : f32 to vector<16xf32>
        %mul3A_845 = arith.mulf %get3A_843, %mul3A_844 : vector<16xf32>
        %add3A_846 = arith.addf %add3A_839, %mul3A_845 : vector<16xf32>
        %get3A_847 = arith.index_cast %add3A_690 : i32 to index
        %get3A_848 = arith.constant 64 : index
        %get3A_849 = tpu.vector_load %arg25[%get3A_847, %get3A_848] {strides = array<i32>} : memref<112x96xf32, #tpu.memory_space<vmem>>, vector<1x16xf32>,
        %get3A_850 = vector.shape_cast %get3A_849 : vector<1x16xf32> to vector<16xf32>
        %mul3A_851 = vector.broadcast %squeeze3A_698 : f32 to vector<16xf32>
        %mul3A_852 = arith.mulf %get3A_850, %mul3A_851 : vector<16xf32>
        %add3A_853 = arith.addf %add3A_846, %mul3A_852 : vector<16xf32>
        %swap3A_854 = arith.index_cast %add3A_690 : i32 to index
        %swap3A_855 = arith.constant 64 : index
        %swap3A_856 = tpu.vector_load %arg26[%swap3A_854, %swap3A_855] {strides = array<i32>} : memref<112x96xf32, #tpu.memory_space<vmem>>, vector<1x16xf32>,
        %swap3A_857 = vector.shape_cast %swap3A_856 : vector<1x16xf32> to vector<16xf32>
        %swap3A_858 = vector.shape_cast %add3A_853 : vector<16xf32> to vector<1x16xf32>
        tpu.vector_store %arg26[%swap3A_854, %swap3A_855], %swap3A_858 {strides = array<i32>} : memref<112x96xf32, #tpu.memory_space<vmem>>, vector<1x16xf32>,
        %get3A_859 = arith.index_cast %add3A_690 : i32 to index
        %get3A_860 = arith.constant 80 : index
        %get3A_861 = tpu.vector_load %arg22[%get3A_859, %get3A_860] {strides = array<i32>} : memref<112x96xf32, #tpu.memory_space<vmem>>, vector<1x16xf32>,
        %get3A_862 = vector.shape_cast %get3A_861 : vector<1x16xf32> to vector<16xf32>
        %mul3A_863 = vector.broadcast %squeeze3A_692 : f32 to vector<16xf32>
        %mul3A_864 = arith.mulf %get3A_862, %mul3A_863 : vector<16xf32>
        %get3A_865 = arith.index_cast %add3A_690 : i32 to index
        %get3A_866 = arith.constant 80 : index
        %get3A_867 = tpu.vector_load %arg23[%get3A_865, %get3A_866] {strides = array<i32>} : memref<112x96xf32, #tpu.memory_space<vmem>>, vector<1x16xf32>,
        %get3A_868 = vector.shape_cast %get3A_867 : vector<1x16xf32> to vector<16xf32>
        %mul3A_869 = vector.broadcast %squeeze3A_694 : f32 to vector<16xf32>
        %mul3A_870 = arith.mulf %get3A_868, %mul3A_869 : vector<16xf32>
        %add3A_871 = arith.addf %mul3A_864, %mul3A_870 : vector<16xf32>
        %get3A_872 = arith.index_cast %add3A_690 : i32 to index
        %get3A_873 = arith.constant 80 : index
        %get3A_874 = tpu.vector_load %arg24[%get3A_872, %get3A_873] {strides = array<i32>} : memref<112x96xf32, #tpu.memory_space<vmem>>, vector<1x16xf32>,
        %get3A_875 = vector.shape_cast %get3A_874 : vector<1x16xf32> to vector<16xf32>
        %mul3A_876 = vector.broadcast %squeeze3A_696 : f32 to vector<16xf32>
        %mul3A_877 = arith.mulf %get3A_875, %mul3A_876 : vector<16xf32>
        %add3A_878 = arith.addf %add3A_871, %mul3A_877 : vector<16xf32>
        %get3A_879 = arith.index_cast %add3A_690 : i32 to index
        %get3A_880 = arith.constant 80 : index
        %get3A_881 = tpu.vector_load %arg25[%get3A_879, %get3A_880] {strides = array<i32>} : memref<112x96xf32, #tpu.memory_space<vmem>>, vector<1x16xf32>,
        %get3A_882 = vector.shape_cast %get3A_881 : vector<1x16xf32> to vector<16xf32>
        %mul3A_883 = vector.broadcast %squeeze3A_698 : f32 to vector<16xf32>
        %mul3A_884 = arith.mulf %get3A_882, %mul3A_883 : vector<16xf32>
        %add3A_885 = arith.addf %add3A_878, %mul3A_884 : vector<16xf32>
        %swap3A_886 = arith.index_cast %add3A_690 : i32 to index
        %swap3A_887 = arith.constant 80 : index
        %swap3A_888 = tpu.vector_load %arg26[%swap3A_886, %swap3A_887] {strides = array<i32>} : memref<112x96xf32, #tpu.memory_space<vmem>>, vector<1x16xf32>,
        %swap3A_889 = vector.shape_cast %swap3A_888 : vector<1x16xf32> to vector<16xf32>
        %swap3A_890 = vector.shape_cast %add3A_885 : vector<16xf32> to vector<1x16xf32>
        tpu.vector_store %arg26[%swap3A_886, %swap3A_887], %swap3A_890 {strides = array<i32>} : memref<112x96xf32, #tpu.memory_space<vmem>>, vector<1x16xf32>,
        %add3A_891 = arith.constant 4 : i32
        %add3A_892 = arith.addi %mul3A_74, %add3A_891 : i32
        %slice3A_893 = vector.extract_strided_slice %get3A_76 {offsets = [4], sizes = [1], strides = [1]} : vector<16xf32> to vector<1xf32>
        %squeeze3A_894 = vector.extract %slice3A_893[0] : f32 from vector<1xf32>
        %slice3A_895 = vector.extract_strided_slice %get3A_79 {offsets = [4], sizes = [1], strides = [1]} : vector<16xf32> to vector<1xf32>
        %squeeze3A_896 = vector.extract %slice3A_895[0] : f32 from vector<1xf32>
        %slice3A_897 = vector.extract_strided_slice %get3A_82 {offsets = [4], sizes = [1], strides = [1]} : vector<16xf32> to vector<1xf32>
        %squeeze3A_898 = vector.extract %slice3A_897[0] : f32 from vector<1xf32>
        %slice3A_899 = vector.extract_strided_slice %get3A_85 {offsets = [4], sizes = [1], strides = [1]} : vector<16xf32> to vector<1xf32>
        %squeeze3A_900 = vector.extract %slice3A_899[0] : f32 from vector<1xf32>
        %get3A_901 = arith.index_cast %add3A_892 : i32 to index
        %get3A_902 = arith.constant 0 : index
        %get3A_903 = tpu.vector_load %arg22[%get3A_901, %get3A_902] {strides = array<i32>} : memref<112x96xf32, #tpu.memory_space<vmem>>, vector<1x16xf32>,
        %get3A_904 = vector.shape_cast %get3A_903 : vector<1x16xf32> to vector<16xf32>
        %mul3A_905 = vector.broadcast %squeeze3A_894 : f32 to vector<16xf32>
        %mul3A_906 = arith.mulf %get3A_904, %mul3A_905 : vector<16xf32>
        %get3A_907 = arith.index_cast %add3A_892 : i32 to index
        %get3A_908 = arith.constant 0 : index
        %get3A_909 = tpu.vector_load %arg23[%get3A_907, %get3A_908] {strides = array<i32>} : memref<112x96xf32, #tpu.memory_space<vmem>>, vector<1x16xf32>,
        %get3A_910 = vector.shape_cast %get3A_909 : vector<1x16xf32> to vector<16xf32>
        %mul3A_911 = vector.broadcast %squeeze3A_896 : f32 to vector<16xf32>
        %mul3A_912 = arith.mulf %get3A_910, %mul3A_911 : vector<16xf32>
        %add3A_913 = arith.addf %mul3A_906, %mul3A_912 : vector<16xf32>
        %get3A_914 = arith.index_cast %add3A_892 : i32 to index
        %get3A_915 = arith.constant 0 : index
        %get3A_916 = tpu.vector_load %arg24[%get3A_914, %get3A_915] {strides = array<i32>} : memref<112x96xf32, #tpu.memory_space<vmem>>, vector<1x16xf32>,
        %get3A_917 = vector.shape_cast %get3A_916 : vector<1x16xf32> to vector<16xf32>
        %mul3A_918 = vector.broadcast %squeeze3A_898 : f32 to vector<16xf32>
        %mul3A_919 = arith.mulf %get3A_917, %mul3A_918 : vector<16xf32>
        %add3A_920 = arith.addf %add3A_913, %mul3A_919 : vector<16xf32>
        %get3A_921 = arith.index_cast %add3A_892 : i32 to index
        %get3A_922 = arith.constant 0 : index
        %get3A_923 = tpu.vector_load %arg25[%get3A_921, %get3A_922] {strides = array<i32>} : memref<112x96xf32, #tpu.memory_space<vmem>>, vector<1x16xf32>,
        %get3A_924 = vector.shape_cast %get3A_923 : vector<1x16xf32> to vector<16xf32>
        %mul3A_925 = vector.broadcast %squeeze3A_900 : f32 to vector<16xf32>
        %mul3A_926 = arith.mulf %get3A_924, %mul3A_925 : vector<16xf32>
        %add3A_927 = arith.addf %add3A_920, %mul3A_926 : vector<16xf32>
        %swap3A_928 = arith.index_cast %add3A_892 : i32 to index
        %swap3A_929 = arith.constant 0 : index
        %swap3A_930 = tpu.vector_load %arg26[%swap3A_928, %swap3A_929] {strides = array<i32>} : memref<112x96xf32, #tpu.memory_space<vmem>>, vector<1x16xf32>,
        %swap3A_931 = vector.shape_cast %swap3A_930 : vector<1x16xf32> to vector<16xf32>
        %swap3A_932 = vector.shape_cast %add3A_927 : vector<16xf32> to vector<1x16xf32>
        tpu.vector_store %arg26[%swap3A_928, %swap3A_929], %swap3A_932 {strides = array<i32>} : memref<112x96xf32, #tpu.memory_space<vmem>>, vector<1x16xf32>,
        %get3A_933 = arith.index_cast %add3A_892 : i32 to index
        %get3A_934 = arith.constant 16 : index
        %get3A_935 = tpu.vector_load %arg22[%get3A_933, %get3A_934] {strides = array<i32>} : memref<112x96xf32, #tpu.memory_space<vmem>>, vector<1x16xf32>,
        %get3A_936 = vector.shape_cast %get3A_935 : vector<1x16xf32> to vector<16xf32>
        %mul3A_937 = vector.broadcast %squeeze3A_894 : f32 to vector<16xf32>
        %mul3A_938 = arith.mulf %get3A_936, %mul3A_937 : vector<16xf32>
        %get3A_939 = arith.index_cast %add3A_892 : i32 to index
        %get3A_940 = arith.constant 16 : index
        %get3A_941 = tpu.vector_load %arg23[%get3A_939, %get3A_940] {strides = array<i32>} : memref<112x96xf32, #tpu.memory_space<vmem>>, vector<1x16xf32>,
        %get3A_942 = vector.shape_cast %get3A_941 : vector<1x16xf32> to vector<16xf32>
        %mul3A_943 = vector.broadcast %squeeze3A_896 : f32 to vector<16xf32>
        %mul3A_944 = arith.mulf %get3A_942, %mul3A_943 : vector<16xf32>
        %add3A_945 = arith.addf %mul3A_938, %mul3A_944 : vector<16xf32>
        %get3A_946 = arith.index_cast %add3A_892 : i32 to index
        %get3A_947 = arith.constant 16 : index
        %get3A_948 = tpu.vector_load %arg24[%get3A_946, %get3A_947] {strides = array<i32>} : memref<112x96xf32, #tpu.memory_space<vmem>>, vector<1x16xf32>,
        %get3A_949 = vector.shape_cast %get3A_948 : vector<1x16xf32> to vector<16xf32>
        %mul3A_950 = vector.broadcast %squeeze3A_898 : f32 to vector<16xf32>
        %mul3A_951 = arith.mulf %get3A_949, %mul3A_950 : vector<16xf32>
        %add3A_952 = arith.addf %add3A_945, %mul3A_951 : vector<16xf32>
        %get3A_953 = arith.index_cast %add3A_892 : i32 to index
        %get3A_954 = arith.constant 16 : index
        %get3A_955 = tpu.vector_load %arg25[%get3A_953, %get3A_954] {strides = array<i32>} : memref<112x96xf32, #tpu.memory_space<vmem>>, vector<1x16xf32>,
        %get3A_956 = vector.shape_cast %get3A_955 : vector<1x16xf32> to vector<16xf32>
        %mul3A_957 = vector.broadcast %squeeze3A_900 : f32 to vector<16xf32>
        %mul3A_958 = arith.mulf %get3A_956, %mul3A_957 : vector<16xf32>
        %add3A_959 = arith.addf %add3A_952, %mul3A_958 : vector<16xf32>
        %swap3A_960 = arith.index_cast %add3A_892 : i32 to index
        %swap3A_961 = arith.constant 16 : index
        %swap3A_962 = tpu.vector_load %arg26[%swap3A_960, %swap3A_961] {strides = array<i32>} : memref<112x96xf32, #tpu.memory_space<vmem>>, vector<1x16xf32>,
        %swap3A_963 = vector.shape_cast %swap3A_962 : vector<1x16xf32> to vector<16xf32>
        %swap3A_964 = vector.shape_cast %add3A_959 : vector<16xf32> to vector<1x16xf32>
        tpu.vector_store %arg26[%swap3A_960, %swap3A_961], %swap3A_964 {strides = array<i32>} : memref<112x96xf32, #tpu.memory_space<vmem>>, vector<1x16xf32>,
        %get3A_965 = arith.index_cast %add3A_892 : i32 to index
        %get3A_966 = arith.constant 32 : index
        %get3A_967 = tpu.vector_load %arg22[%get3A_965, %get3A_966] {strides = array<i32>} : memref<112x96xf32, #tpu.memory_space<vmem>>, vector<1x16xf32>,
        %get3A_968 = vector.shape_cast %get3A_967 : vector<1x16xf32> to vector<16xf32>
        %mul3A_969 = vector.broadcast %squeeze3A_894 : f32 to vector<16xf32>
        %mul3A_970 = arith.mulf %get3A_968, %mul3A_969 : vector<16xf32>
        %get3A_971 = arith.index_cast %add3A_892 : i32 to index
        %get3A_972 = arith.constant 32 : index
        %get3A_973 = tpu.vector_load %arg23[%get3A_971, %get3A_972] {strides = array<i32>} : memref<112x96xf32, #tpu.memory_space<vmem>>, vector<1x16xf32>,
        %get3A_974 = vector.shape_cast %get3A_973 : vector<1x16xf32> to vector<16xf32>
        %mul3A_975 = vector.broadcast %squeeze3A_896 : f32 to vector<16xf32>
        %mul3A_976 = arith.mulf %get3A_974, %mul3A_975 : vector<16xf32>
        %add3A_977 = arith.addf %mul3A_970, %mul3A_976 : vector<16xf32>
        %get3A_978 = arith.index_cast %add3A_892 : i32 to index
        %get3A_979 = arith.constant 32 : index
        %get3A_980 = tpu.vector_load %arg24[%get3A_978, %get3A_979] {strides = array<i32>} : memref<112x96xf32, #tpu.memory_space<vmem>>, vector<1x16xf32>,
        %get3A_981 = vector.shape_cast %get3A_980 : vector<1x16xf32> to vector<16xf32>
        %mul3A_982 = vector.broadcast %squeeze3A_898 : f32 to vector<16xf32>
        %mul3A_983 = arith.mulf %get3A_981, %mul3A_982 : vector<16xf32>
        %add3A_984 = arith.addf %add3A_977, %mul3A_983 : vector<16xf32>
        %get3A_985 = arith.index_cast %add3A_892 : i32 to index
        %get3A_986 = arith.constant 32 : index
        %get3A_987 = tpu.vector_load %arg25[%get3A_985, %get3A_986] {strides = array<i32>} : memref<112x96xf32, #tpu.memory_space<vmem>>, vector<1x16xf32>,
        %get3A_988 = vector.shape_cast %get3A_987 : vector<1x16xf32> to vector<16xf32>
        %mul3A_989 = vector.broadcast %squeeze3A_900 : f32 to vector<16xf32>
        %mul3A_990 = arith.mulf %get3A_988, %mul3A_989 : vector<16xf32>
        %add3A_991 = arith.addf %add3A_984, %mul3A_990 : vector<16xf32>
        %swap3A_992 = arith.index_cast %add3A_892 : i32 to index
        %swap3A_993 = arith.constant 32 : index
        %swap3A_994 = tpu.vector_load %arg26[%swap3A_992, %swap3A_993] {strides = array<i32>} : memref<112x96xf32, #tpu.memory_space<vmem>>, vector<1x16xf32>,
        %swap3A_995 = vector.shape_cast %swap3A_994 : vector<1x16xf32> to vector<16xf32>
        %swap3A_996 = vector.shape_cast %add3A_991 : vector<16xf32> to vector<1x16xf32>
        tpu.vector_store %arg26[%swap3A_992, %swap3A_993], %swap3A_996 {strides = array<i32>} : memref<112x96xf32, #tpu.memory_space<vmem>>, vector<1x16xf32>,
        %get3A_997 = arith.index_cast %add3A_892 : i32 to index
        %get3A_998 = arith.constant 48 : index
        %get3A_999 = tpu.vector_load %arg22[%get3A_997, %get3A_998] {strides = array<i32>} : memref<112x96xf32, #tpu.memory_space<vmem>>, vector<1x16xf32>,
        %get3A_1000 = vector.shape_cast %get3A_999 : vector<1x16xf32> to vector<16xf32>
        %mul3A_1001 = vector.broadcast %squeeze3A_894 : f32 to vector<16xf32>
        %mul3A_1002 = arith.mulf %get3A_1000, %mul3A_1001 : vector<16xf32>
        %get3A_1003 = arith.index_cast %add3A_892 : i32 to index
        %get3A_1004 = arith.constant 48 : index
        %get3A_1005 = tpu.vector_load %arg23[%get3A_1003, %get3A_1004] {strides = array<i32>} : memref<112x96xf32, #tpu.memory_space<vmem>>, vector<1x16xf32>,
        %get3A_1006 = vector.shape_cast %get3A_1005 : vector<1x16xf32> to vector<16xf32>
        %mul3A_1007 = vector.broadcast %squeeze3A_896 : f32 to vector<16xf32>
        %mul3A_1008 = arith.mulf %get3A_1006, %mul3A_1007 : vector<16xf32>
        %add3A_1009 = arith.addf %mul3A_1002, %mul3A_1008 : vector<16xf32>
        %get3A_1010 = arith.index_cast %add3A_892 : i32 to index
        %get3A_1011 = arith.constant 48 : index
        %get3A_1012 = tpu.vector_load %arg24[%get3A_1010, %get3A_1011] {strides = array<i32>} : memref<112x96xf32, #tpu.memory_space<vmem>>, vector<1x16xf32>,
        %get3A_1013 = vector.shape_cast %get3A_1012 : vector<1x16xf32> to vector<16xf32>
        %mul3A_1014 = vector.broadcast %squeeze3A_898 : f32 to vector<16xf32>
        %mul3A_1015 = arith.mulf %get3A_1013, %mul3A_1014 : vector<16xf32>
        %add3A_1016 = arith.addf %add3A_1009, %mul3A_1015 : vector<16xf32>
        %get3A_1017 = arith.index_cast %add3A_892 : i32 to index
        %get3A_1018 = arith.constant 48 : index
        %get3A_1019 = tpu.vector_load %arg25[%get3A_1017, %get3A_1018] {strides = array<i32>} : memref<112x96xf32, #tpu.memory_space<vmem>>, vector<1x16xf32>,
        %get3A_1020 = vector.shape_cast %get3A_1019 : vector<1x16xf32> to vector<16xf32>
        %mul3A_1021 = vector.broadcast %squeeze3A_900 : f32 to vector<16xf32>
        %mul3A_1022 = arith.mulf %get3A_1020, %mul3A_1021 : vector<16xf32>
        %add3A_1023 = arith.addf %add3A_1016, %mul3A_1022 : vector<16xf32>
        %swap3A_1024 = arith.index_cast %add3A_892 : i32 to index
        %swap3A_1025 = arith.constant 48 : index
        %swap3A_1026 = tpu.vector_load %arg26[%swap3A_1024, %swap3A_1025] {strides = array<i32>} : memref<112x96xf32, #tpu.memory_space<vmem>>, vector<1x16xf32>,
        %swap3A_1027 = vector.shape_cast %swap3A_1026 : vector<1x16xf32> to vector<16xf32>
        %swap3A_1028 = vector.shape_cast %add3A_1023 : vector<16xf32> to vector<1x16xf32>
        tpu.vector_store %arg26[%swap3A_1024, %swap3A_1025], %swap3A_1028 {strides = array<i32>} : memref<112x96xf32, #tpu.memory_space<vmem>>, vector<1x16xf32>,
        %get3A_1029 = arith.index_cast %add3A_892 : i32 to index
        %get3A_1030 = arith.constant 64 : index
        %get3A_1031 = tpu.vector_load %arg22[%get3A_1029, %get3A_1030] {strides = array<i32>} : memref<112x96xf32, #tpu.memory_space<vmem>>, vector<1x16xf32>,
        %get3A_1032 = vector.shape_cast %get3A_1031 : vector<1x16xf32> to vector<16xf32>
        %mul3A_1033 = vector.broadcast %squeeze3A_894 : f32 to vector<16xf32>
        %mul3A_1034 = arith.mulf %get3A_1032, %mul3A_1033 : vector<16xf32>
        %get3A_1035 = arith.index_cast %add3A_892 : i32 to index
        %get3A_1036 = arith.constant 64 : index
        %get3A_1037 = tpu.vector_load %arg23[%get3A_1035, %get3A_1036] {strides = array<i32>} : memref<112x96xf32, #tpu.memory_space<vmem>>, vector<1x16xf32>,
        %get3A_1038 = vector.shape_cast %get3A_1037 : vector<1x16xf32> to vector<16xf32>
        %mul3A_1039 = vector.broadcast %squeeze3A_896 : f32 to vector<16xf32>
        %mul3A_1040 = arith.mulf %get3A_1038, %mul3A_1039 : vector<16xf32>
        %add3A_1041 = arith.addf %mul3A_1034, %mul3A_1040 : vector<16xf32>
        %get3A_1042 = arith.index_cast %add3A_892 : i32 to index
        %get3A_1043 = arith.constant 64 : index
        %get3A_1044 = tpu.vector_load %arg24[%get3A_1042, %get3A_1043] {strides = array<i32>} : memref<112x96xf32, #tpu.memory_space<vmem>>, vector<1x16xf32>,
        %get3A_1045 = vector.shape_cast %get3A_1044 : vector<1x16xf32> to vector<16xf32>
        %mul3A_1046 = vector.broadcast %squeeze3A_898 : f32 to vector<16xf32>
        %mul3A_1047 = arith.mulf %get3A_1045, %mul3A_1046 : vector<16xf32>
        %add3A_1048 = arith.addf %add3A_1041, %mul3A_1047 : vector<16xf32>
        %get3A_1049 = arith.index_cast %add3A_892 : i32 to index
        %get3A_1050 = arith.constant 64 : index
        %get3A_1051 = tpu.vector_load %arg25[%get3A_1049, %get3A_1050] {strides = array<i32>} : memref<112x96xf32, #tpu.memory_space<vmem>>, vector<1x16xf32>,
        %get3A_1052 = vector.shape_cast %get3A_1051 : vector<1x16xf32> to vector<16xf32>
        %mul3A_1053 = vector.broadcast %squeeze3A_900 : f32 to vector<16xf32>
        %mul3A_1054 = arith.mulf %get3A_1052, %mul3A_1053 : vector<16xf32>
        %add3A_1055 = arith.addf %add3A_1048, %mul3A_1054 : vector<16xf32>
        %swap3A_1056 = arith.index_cast %add3A_892 : i32 to index
        %swap3A_1057 = arith.constant 64 : index
        %swap3A_1058 = tpu.vector_load %arg26[%swap3A_1056, %swap3A_1057] {strides = array<i32>} : memref<112x96xf32, #tpu.memory_space<vmem>>, vector<1x16xf32>,
        %swap3A_1059 = vector.shape_cast %swap3A_1058 : vector<1x16xf32> to vector<16xf32>
        %swap3A_1060 = vector.shape_cast %add3A_1055 : vector<16xf32> to vector<1x16xf32>
        tpu.vector_store %arg26[%swap3A_1056, %swap3A_1057], %swap3A_1060 {strides = array<i32>} : memref<112x96xf32, #tpu.memory_space<vmem>>, vector<1x16xf32>,
        %get3A_1061 = arith.index_cast %add3A_892 : i32 to index
        %get3A_1062 = arith.constant 80 : index
        %get3A_1063 = tpu.vector_load %arg22[%get3A_1061, %get3A_1062] {strides = array<i32>} : memref<112x96xf32, #tpu.memory_space<vmem>>, vector<1x16xf32>,
        %get3A_1064 = vector.shape_cast %get3A_1063 : vector<1x16xf32> to vector<16xf32>
        %mul3A_1065 = vector.broadcast %squeeze3A_894 : f32 to vector<16xf32>
        %mul3A_1066 = arith.mulf %get3A_1064, %mul3A_1065 : vector<16xf32>
        %get3A_1067 = arith.index_cast %add3A_892 : i32 to index
        %get3A_1068 = arith.constant 80 : index
        %get3A_1069 = tpu.vector_load %arg23[%get3A_1067, %get3A_1068] {strides = array<i32>} : memref<112x96xf32, #tpu.memory_space<vmem>>, vector<1x16xf32>,
        %get3A_1070 = vector.shape_cast %get3A_1069 : vector<1x16xf32> to vector<16xf32>
        %mul3A_1071 = vector.broadcast %squeeze3A_896 : f32 to vector<16xf32>
        %mul3A_1072 = arith.mulf %get3A_1070, %mul3A_1071 : vector<16xf32>
        %add3A_1073 = arith.addf %mul3A_1066, %mul3A_1072 : vector<16xf32>
        %get3A_1074 = arith.index_cast %add3A_892 : i32 to index
        %get3A_1075 = arith.constant 80 : index
        %get3A_1076 = tpu.vector_load %arg24[%get3A_1074, %get3A_1075] {strides = array<i32>} : memref<112x96xf32, #tpu.memory_space<vmem>>, vector<1x16xf32>,
        %get3A_1077 = vector.shape_cast %get3A_1076 : vector<1x16xf32> to vector<16xf32>
        %mul3A_1078 = vector.broadcast %squeeze3A_898 : f32 to vector<16xf32>
        %mul3A_1079 = arith.mulf %get3A_1077, %mul3A_1078 : vector<16xf32>
        %add3A_1080 = arith.addf %add3A_1073, %mul3A_1079 : vector<16xf32>
        %get3A_1081 = arith.index_cast %add3A_892 : i32 to index
        %get3A_1082 = arith.constant 80 : index
        %get3A_1083 = tpu.vector_load %arg25[%get3A_1081, %get3A_1082] {strides = array<i32>} : memref<112x96xf32, #tpu.memory_space<vmem>>, vector<1x16xf32>,
        %get3A_1084 = vector.shape_cast %get3A_1083 : vector<1x16xf32> to vector<16xf32>
        %mul3A_1085 = vector.broadcast %squeeze3A_900 : f32 to vector<16xf32>
        %mul3A_1086 = arith.mulf %get3A_1084, %mul3A_1085 : vector<16xf32>
        %add3A_1087 = arith.addf %add3A_1080, %mul3A_1086 : vector<16xf32>
        %swap3A_1088 = arith.index_cast %add3A_892 : i32 to index
        %swap3A_1089 = arith.constant 80 : index
        %swap3A_1090 = tpu.vector_load %arg26[%swap3A_1088, %swap3A_1089] {strides = array<i32>} : memref<112x96xf32, #tpu.memory_space<vmem>>, vector<1x16xf32>,
        %swap3A_1091 = vector.shape_cast %swap3A_1090 : vector<1x16xf32> to vector<16xf32>
        %swap3A_1092 = vector.shape_cast %add3A_1087 : vector<16xf32> to vector<1x16xf32>
        tpu.vector_store %arg26[%swap3A_1088, %swap3A_1089], %swap3A_1092 {strides = array<i32>} : memref<112x96xf32, #tpu.memory_space<vmem>>, vector<1x16xf32>,
        %add3A_1093 = arith.constant 5 : i32
        %add3A_1094 = arith.addi %mul3A_74, %add3A_1093 : i32
        %slice3A_1095 = vector.extract_strided_slice %get3A_76 {offsets = [5], sizes = [1], strides = [1]} : vector<16xf32> to vector<1xf32>
        %squeeze3A_1096 = vector.extract %slice3A_1095[0] : f32 from vector<1xf32>
        %slice3A_1097 = vector.extract_strided_slice %get3A_79 {offsets = [5], sizes = [1], strides = [1]} : vector<16xf32> to vector<1xf32>
        %squeeze3A_1098 = vector.extract %slice3A_1097[0] : f32 from vector<1xf32>
        %slice3A_1099 = vector.extract_strided_slice %get3A_82 {offsets = [5], sizes = [1], strides = [1]} : vector<16xf32> to vector<1xf32>
        %squeeze3A_1100 = vector.extract %slice3A_1099[0] : f32 from vector<1xf32>
        %slice3A_1101 = vector.extract_strided_slice %get3A_85 {offsets = [5], sizes = [1], strides = [1]} : vector<16xf32> to vector<1xf32>
        %squeeze3A_1102 = vector.extract %slice3A_1101[0] : f32 from vector<1xf32>
        %get3A_1103 = arith.index_cast %add3A_1094 : i32 to index
        %get3A_1104 = arith.constant 0 : index
        %get3A_1105 = tpu.vector_load %arg22[%get3A_1103, %get3A_1104] {strides = array<i32>} : memref<112x96xf32, #tpu.memory_space<vmem>>, vector<1x16xf32>,
        %get3A_1106 = vector.shape_cast %get3A_1105 : vector<1x16xf32> to vector<16xf32>
        %mul3A_1107 = vector.broadcast %squeeze3A_1096 : f32 to vector<16xf32>
        %mul3A_1108 = arith.mulf %get3A_1106, %mul3A_1107 : vector<16xf32>
        %get3A_1109 = arith.index_cast %add3A_1094 : i32 to index
        %get3A_1110 = arith.constant 0 : index
        %get3A_1111 = tpu.vector_load %arg23[%get3A_1109, %get3A_1110] {strides = array<i32>} : memref<112x96xf32, #tpu.memory_space<vmem>>, vector<1x16xf32>,
        %get3A_1112 = vector.shape_cast %get3A_1111 : vector<1x16xf32> to vector<16xf32>
        %mul3A_1113 = vector.broadcast %squeeze3A_1098 : f32 to vector<16xf32>
        %mul3A_1114 = arith.mulf %get3A_1112, %mul3A_1113 : vector<16xf32>
        %add3A_1115 = arith.addf %mul3A_1108, %mul3A_1114 : vector<16xf32>
        %get3A_1116 = arith.index_cast %add3A_1094 : i32 to index
        %get3A_1117 = arith.constant 0 : index
        %get3A_1118 = tpu.vector_load %arg24[%get3A_1116, %get3A_1117] {strides = array<i32>} : memref<112x96xf32, #tpu.memory_space<vmem>>, vector<1x16xf32>,
        %get3A_1119 = vector.shape_cast %get3A_1118 : vector<1x16xf32> to vector<16xf32>
        %mul3A_1120 = vector.broadcast %squeeze3A_1100 : f32 to vector<16xf32>
        %mul3A_1121 = arith.mulf %get3A_1119, %mul3A_1120 : vector<16xf32>
        %add3A_1122 = arith.addf %add3A_1115, %mul3A_1121 : vector<16xf32>
        %get3A_1123 = arith.index_cast %add3A_1094 : i32 to index
        %get3A_1124 = arith.constant 0 : index
        %get3A_1125 = tpu.vector_load %arg25[%get3A_1123, %get3A_1124] {strides = array<i32>} : memref<112x96xf32, #tpu.memory_space<vmem>>, vector<1x16xf32>,
        %get3A_1126 = vector.shape_cast %get3A_1125 : vector<1x16xf32> to vector<16xf32>
        %mul3A_1127 = vector.broadcast %squeeze3A_1102 : f32 to vector<16xf32>
        %mul3A_1128 = arith.mulf %get3A_1126, %mul3A_1127 : vector<16xf32>
        %add3A_1129 = arith.addf %add3A_1122, %mul3A_1128 : vector<16xf32>
        %swap3A_1130 = arith.index_cast %add3A_1094 : i32 to index
        %swap3A_1131 = arith.constant 0 : index
        %swap3A_1132 = tpu.vector_load %arg26[%swap3A_1130, %swap3A_1131] {strides = array<i32>} : memref<112x96xf32, #tpu.memory_space<vmem>>, vector<1x16xf32>,
        %swap3A_1133 = vector.shape_cast %swap3A_1132 : vector<1x16xf32> to vector<16xf32>
        %swap3A_1134 = vector.shape_cast %add3A_1129 : vector<16xf32> to vector<1x16xf32>
        tpu.vector_store %arg26[%swap3A_1130, %swap3A_1131], %swap3A_1134 {strides = array<i32>} : memref<112x96xf32, #tpu.memory_space<vmem>>, vector<1x16xf32>,
        %get3A_1135 = arith.index_cast %add3A_1094 : i32 to index
        %get3A_1136 = arith.constant 16 : index
        %get3A_1137 = tpu.vector_load %arg22[%get3A_1135, %get3A_1136] {strides = array<i32>} : memref<112x96xf32, #tpu.memory_space<vmem>>, vector<1x16xf32>,
        %get3A_1138 = vector.shape_cast %get3A_1137 : vector<1x16xf32> to vector<16xf32>
        %mul3A_1139 = vector.broadcast %squeeze3A_1096 : f32 to vector<16xf32>
        %mul3A_1140 = arith.mulf %get3A_1138, %mul3A_1139 : vector<16xf32>
        %get3A_1141 = arith.index_cast %add3A_1094 : i32 to index
        %get3A_1142 = arith.constant 16 : index
        %get3A_1143 = tpu.vector_load %arg23[%get3A_1141, %get3A_1142] {strides = array<i32>} : memref<112x96xf32, #tpu.memory_space<vmem>>, vector<1x16xf32>,
        %get3A_1144 = vector.shape_cast %get3A_1143 : vector<1x16xf32> to vector<16xf32>
        %mul3A_1145 = vector.broadcast %squeeze3A_1098 : f32 to vector<16xf32>
        %mul3A_1146 = arith.mulf %get3A_1144, %mul3A_1145 : vector<16xf32>
        %add3A_1147 = arith.addf %mul3A_1140, %mul3A_1146 : vector<16xf32>
        %get3A_1148 = arith.index_cast %add3A_1094 : i32 to index
        %get3A_1149 = arith.constant 16 : index
        %get3A_1150 = tpu.vector_load %arg24[%get3A_1148, %get3A_1149] {strides = array<i32>} : memref<112x96xf32, #tpu.memory_space<vmem>>, vector<1x16xf32>,
        %get3A_1151 = vector.shape_cast %get3A_1150 : vector<1x16xf32> to vector<16xf32>
        %mul3A_1152 = vector.broadcast %squeeze3A_1100 : f32 to vector<16xf32>
        %mul3A_1153 = arith.mulf %get3A_1151, %mul3A_1152 : vector<16xf32>
        %add3A_1154 = arith.addf %add3A_1147, %mul3A_1153 : vector<16xf32>
        %get3A_1155 = arith.index_cast %add3A_1094 : i32 to index
        %get3A_1156 = arith.constant 16 : index
        %get3A_1157 = tpu.vector_load %arg25[%get3A_1155, %get3A_1156] {strides = array<i32>} : memref<112x96xf32, #tpu.memory_space<vmem>>, vector<1x16xf32>,
        %get3A_1158 = vector.shape_cast %get3A_1157 : vector<1x16xf32> to vector<16xf32>
        %mul3A_1159 = vector.broadcast %squeeze3A_1102 : f32 to vector<16xf32>
        %mul3A_1160 = arith.mulf %get3A_1158, %mul3A_1159 : vector<16xf32>
        %add3A_1161 = arith.addf %add3A_1154, %mul3A_1160 : vector<16xf32>
        %swap3A_1162 = arith.index_cast %add3A_1094 : i32 to index
        %swap3A_1163 = arith.constant 16 : index
        %swap3A_1164 = tpu.vector_load %arg26[%swap3A_1162, %swap3A_1163] {strides = array<i32>} : memref<112x96xf32, #tpu.memory_space<vmem>>, vector<1x16xf32>,
        %swap3A_1165 = vector.shape_cast %swap3A_1164 : vector<1x16xf32> to vector<16xf32>
        %swap3A_1166 = vector.shape_cast %add3A_1161 : vector<16xf32> to vector<1x16xf32>
        tpu.vector_store %arg26[%swap3A_1162, %swap3A_1163], %swap3A_1166 {strides = array<i32>} : memref<112x96xf32, #tpu.memory_space<vmem>>, vector<1x16xf32>,
        %get3A_1167 = arith.index_cast %add3A_1094 : i32 to index
        %get3A_1168 = arith.constant 32 : index
        %get3A_1169 = tpu.vector_load %arg22[%get3A_1167, %get3A_1168] {strides = array<i32>} : memref<112x96xf32, #tpu.memory_space<vmem>>, vector<1x16xf32>,
        %get3A_1170 = vector.shape_cast %get3A_1169 : vector<1x16xf32> to vector<16xf32>
        %mul3A_1171 = vector.broadcast %squeeze3A_1096 : f32 to vector<16xf32>
        %mul3A_1172 = arith.mulf %get3A_1170, %mul3A_1171 : vector<16xf32>
        %get3A_1173 = arith.index_cast %add3A_1094 : i32 to index
        %get3A_1174 = arith.constant 32 : index
        %get3A_1175 = tpu.vector_load %arg23[%get3A_1173, %get3A_1174] {strides = array<i32>} : memref<112x96xf32, #tpu.memory_space<vmem>>, vector<1x16xf32>,
        %get3A_1176 = vector.shape_cast %get3A_1175 : vector<1x16xf32> to vector<16xf32>
        %mul3A_1177 = vector.broadcast %squeeze3A_1098 : f32 to vector<16xf32>
        %mul3A_1178 = arith.mulf %get3A_1176, %mul3A_1177 : vector<16xf32>
        %add3A_1179 = arith.addf %mul3A_1172, %mul3A_1178 : vector<16xf32>
        %get3A_1180 = arith.index_cast %add3A_1094 : i32 to index
        %get3A_1181 = arith.constant 32 : index
        %get3A_1182 = tpu.vector_load %arg24[%get3A_1180, %get3A_1181] {strides = array<i32>} : memref<112x96xf32, #tpu.memory_space<vmem>>, vector<1x16xf32>,
        %get3A_1183 = vector.shape_cast %get3A_1182 : vector<1x16xf32> to vector<16xf32>
        %mul3A_1184 = vector.broadcast %squeeze3A_1100 : f32 to vector<16xf32>
        %mul3A_1185 = arith.mulf %get3A_1183, %mul3A_1184 : vector<16xf32>
        %add3A_1186 = arith.addf %add3A_1179, %mul3A_1185 : vector<16xf32>
        %get3A_1187 = arith.index_cast %add3A_1094 : i32 to index
        %get3A_1188 = arith.constant 32 : index
        %get3A_1189 = tpu.vector_load %arg25[%get3A_1187, %get3A_1188] {strides = array<i32>} : memref<112x96xf32, #tpu.memory_space<vmem>>, vector<1x16xf32>,
        %get3A_1190 = vector.shape_cast %get3A_1189 : vector<1x16xf32> to vector<16xf32>
        %mul3A_1191 = vector.broadcast %squeeze3A_1102 : f32 to vector<16xf32>
        %mul3A_1192 = arith.mulf %get3A_1190, %mul3A_1191 : vector<16xf32>
        %add3A_1193 = arith.addf %add3A_1186, %mul3A_1192 : vector<16xf32>
        %swap3A_1194 = arith.index_cast %add3A_1094 : i32 to index
        %swap3A_1195 = arith.constant 32 : index
        %swap3A_1196 = tpu.vector_load %arg26[%swap3A_1194, %swap3A_1195] {strides = array<i32>} : memref<112x96xf32, #tpu.memory_space<vmem>>, vector<1x16xf32>,
        %swap3A_1197 = vector.shape_cast %swap3A_1196 : vector<1x16xf32> to vector<16xf32>
        %swap3A_1198 = vector.shape_cast %add3A_1193 : vector<16xf32> to vector<1x16xf32>
        tpu.vector_store %arg26[%swap3A_1194, %swap3A_1195], %swap3A_1198 {strides = array<i32>} : memref<112x96xf32, #tpu.memory_space<vmem>>, vector<1x16xf32>,
        %get3A_1199 = arith.index_cast %add3A_1094 : i32 to index
        %get3A_1200 = arith.constant 48 : index
        %get3A_1201 = tpu.vector_load %arg22[%get3A_1199, %get3A_1200] {strides = array<i32>} : memref<112x96xf32, #tpu.memory_space<vmem>>, vector<1x16xf32>,
        %get3A_1202 = vector.shape_cast %get3A_1201 : vector<1x16xf32> to vector<16xf32>
        %mul3A_1203 = vector.broadcast %squeeze3A_1096 : f32 to vector<16xf32>
        %mul3A_1204 = arith.mulf %get3A_1202, %mul3A_1203 : vector<16xf32>
        %get3A_1205 = arith.index_cast %add3A_1094 : i32 to index
        %get3A_1206 = arith.constant 48 : index
        %get3A_1207 = tpu.vector_load %arg23[%get3A_1205, %get3A_1206] {strides = array<i32>} : memref<112x96xf32, #tpu.memory_space<vmem>>, vector<1x16xf32>,
        %get3A_1208 = vector.shape_cast %get3A_1207 : vector<1x16xf32> to vector<16xf32>
        %mul3A_1209 = vector.broadcast %squeeze3A_1098 : f32 to vector<16xf32>
        %mul3A_1210 = arith.mulf %get3A_1208, %mul3A_1209 : vector<16xf32>
        %add3A_1211 = arith.addf %mul3A_1204, %mul3A_1210 : vector<16xf32>
        %get3A_1212 = arith.index_cast %add3A_1094 : i32 to index
        %get3A_1213 = arith.constant 48 : index
        %get3A_1214 = tpu.vector_load %arg24[%get3A_1212, %get3A_1213] {strides = array<i32>} : memref<112x96xf32, #tpu.memory_space<vmem>>, vector<1x16xf32>,
        %get3A_1215 = vector.shape_cast %get3A_1214 : vector<1x16xf32> to vector<16xf32>
        %mul3A_1216 = vector.broadcast %squeeze3A_1100 : f32 to vector<16xf32>
        %mul3A_1217 = arith.mulf %get3A_1215, %mul3A_1216 : vector<16xf32>
        %add3A_1218 = arith.addf %add3A_1211, %mul3A_1217 : vector<16xf32>
        %get3A_1219 = arith.index_cast %add3A_1094 : i32 to index
        %get3A_1220 = arith.constant 48 : index
        %get3A_1221 = tpu.vector_load %arg25[%get3A_1219, %get3A_1220] {strides = array<i32>} : memref<112x96xf32, #tpu.memory_space<vmem>>, vector<1x16xf32>,
        %get3A_1222 = vector.shape_cast %get3A_1221 : vector<1x16xf32> to vector<16xf32>
        %mul3A_1223 = vector.broadcast %squeeze3A_1102 : f32 to vector<16xf32>
        %mul3A_1224 = arith.mulf %get3A_1222, %mul3A_1223 : vector<16xf32>
        %add3A_1225 = arith.addf %add3A_1218, %mul3A_1224 : vector<16xf32>
        %swap3A_1226 = arith.index_cast %add3A_1094 : i32 to index
        %swap3A_1227 = arith.constant 48 : index
        %swap3A_1228 = tpu.vector_load %arg26[%swap3A_1226, %swap3A_1227] {strides = array<i32>} : memref<112x96xf32, #tpu.memory_space<vmem>>, vector<1x16xf32>,
        %swap3A_1229 = vector.shape_cast %swap3A_1228 : vector<1x16xf32> to vector<16xf32>
        %swap3A_1230 = vector.shape_cast %add3A_1225 : vector<16xf32> to vector<1x16xf32>
        tpu.vector_store %arg26[%swap3A_1226, %swap3A_1227], %swap3A_1230 {strides = array<i32>} : memref<112x96xf32, #tpu.memory_space<vmem>>, vector<1x16xf32>,
        %get3A_1231 = arith.index_cast %add3A_1094 : i32 to index
        %get3A_1232 = arith.constant 64 : index
        %get3A_1233 = tpu.vector_load %arg22[%get3A_1231, %get3A_1232] {strides = array<i32>} : memref<112x96xf32, #tpu.memory_space<vmem>>, vector<1x16xf32>,
        %get3A_1234 = vector.shape_cast %get3A_1233 : vector<1x16xf32> to vector<16xf32>
        %mul3A_1235 = vector.broadcast %squeeze3A_1096 : f32 to vector<16xf32>
        %mul3A_1236 = arith.mulf %get3A_1234, %mul3A_1235 : vector<16xf32>
        %get3A_1237 = arith.index_cast %add3A_1094 : i32 to index
        %get3A_1238 = arith.constant 64 : index
        %get3A_1239 = tpu.vector_load %arg23[%get3A_1237, %get3A_1238] {strides = array<i32>} : memref<112x96xf32, #tpu.memory_space<vmem>>, vector<1x16xf32>,
        %get3A_1240 = vector.shape_cast %get3A_1239 : vector<1x16xf32> to vector<16xf32>
        %mul3A_1241 = vector.broadcast %squeeze3A_1098 : f32 to vector<16xf32>
        %mul3A_1242 = arith.mulf %get3A_1240, %mul3A_1241 : vector<16xf32>
        %add3A_1243 = arith.addf %mul3A_1236, %mul3A_1242 : vector<16xf32>
        %get3A_1244 = arith.index_cast %add3A_1094 : i32 to index
        %get3A_1245 = arith.constant 64 : index
        %get3A_1246 = tpu.vector_load %arg24[%get3A_1244, %get3A_1245] {strides = array<i32>} : memref<112x96xf32, #tpu.memory_space<vmem>>, vector<1x16xf32>,
        %get3A_1247 = vector.shape_cast %get3A_1246 : vector<1x16xf32> to vector<16xf32>
        %mul3A_1248 = vector.broadcast %squeeze3A_1100 : f32 to vector<16xf32>
        %mul3A_1249 = arith.mulf %get3A_1247, %mul3A_1248 : vector<16xf32>
        %add3A_1250 = arith.addf %add3A_1243, %mul3A_1249 : vector<16xf32>
        %get3A_1251 = arith.index_cast %add3A_1094 : i32 to index
        %get3A_1252 = arith.constant 64 : index
        %get3A_1253 = tpu.vector_load %arg25[%get3A_1251, %get3A_1252] {strides = array<i32>} : memref<112x96xf32, #tpu.memory_space<vmem>>, vector<1x16xf32>,
        %get3A_1254 = vector.shape_cast %get3A_1253 : vector<1x16xf32> to vector<16xf32>
        %mul3A_1255 = vector.broadcast %squeeze3A_1102 : f32 to vector<16xf32>
        %mul3A_1256 = arith.mulf %get3A_1254, %mul3A_1255 : vector<16xf32>
        %add3A_1257 = arith.addf %add3A_1250, %mul3A_1256 : vector<16xf32>
        %swap3A_1258 = arith.index_cast %add3A_1094 : i32 to index
        %swap3A_1259 = arith.constant 64 : index
        %swap3A_1260 = tpu.vector_load %arg26[%swap3A_1258, %swap3A_1259] {strides = array<i32>} : memref<112x96xf32, #tpu.memory_space<vmem>>, vector<1x16xf32>,
        %swap3A_1261 = vector.shape_cast %swap3A_1260 : vector<1x16xf32> to vector<16xf32>
        %swap3A_1262 = vector.shape_cast %add3A_1257 : vector<16xf32> to vector<1x16xf32>
        tpu.vector_store %arg26[%swap3A_1258, %swap3A_1259], %swap3A_1262 {strides = array<i32>} : memref<112x96xf32, #tpu.memory_space<vmem>>, vector<1x16xf32>,
        %get3A_1263 = arith.index_cast %add3A_1094 : i32 to index
        %get3A_1264 = arith.constant 80 : index
        %get3A_1265 = tpu.vector_load %arg22[%get3A_1263, %get3A_1264] {strides = array<i32>} : memref<112x96xf32, #tpu.memory_space<vmem>>, vector<1x16xf32>,
        %get3A_1266 = vector.shape_cast %get3A_1265 : vector<1x16xf32> to vector<16xf32>
        %mul3A_1267 = vector.broadcast %squeeze3A_1096 : f32 to vector<16xf32>
        %mul3A_1268 = arith.mulf %get3A_1266, %mul3A_1267 : vector<16xf32>
        %get3A_1269 = arith.index_cast %add3A_1094 : i32 to index
        %get3A_1270 = arith.constant 80 : index
        %get3A_1271 = tpu.vector_load %arg23[%get3A_1269, %get3A_1270] {strides = array<i32>} : memref<112x96xf32, #tpu.memory_space<vmem>>, vector<1x16xf32>,
        %get3A_1272 = vector.shape_cast %get3A_1271 : vector<1x16xf32> to vector<16xf32>
        %mul3A_1273 = vector.broadcast %squeeze3A_1098 : f32 to vector<16xf32>
        %mul3A_1274 = arith.mulf %get3A_1272, %mul3A_1273 : vector<16xf32>
        %add3A_1275 = arith.addf %mul3A_1268, %mul3A_1274 : vector<16xf32>
        %get3A_1276 = arith.index_cast %add3A_1094 : i32 to index
        %get3A_1277 = arith.constant 80 : index
        %get3A_1278 = tpu.vector_load %arg24[%get3A_1276, %get3A_1277] {strides = array<i32>} : memref<112x96xf32, #tpu.memory_space<vmem>>, vector<1x16xf32>,
        %get3A_1279 = vector.shape_cast %get3A_1278 : vector<1x16xf32> to vector<16xf32>
        %mul3A_1280 = vector.broadcast %squeeze3A_1100 : f32 to vector<16xf32>
        %mul3A_1281 = arith.mulf %get3A_1279, %mul3A_1280 : vector<16xf32>
        %add3A_1282 = arith.addf %add3A_1275, %mul3A_1281 : vector<16xf32>
        %get3A_1283 = arith.index_cast %add3A_1094 : i32 to index
        %get3A_1284 = arith.constant 80 : index
        %get3A_1285 = tpu.vector_load %arg25[%get3A_1283, %get3A_1284] {strides = array<i32>} : memref<112x96xf32, #tpu.memory_space<vmem>>, vector<1x16xf32>,
        %get3A_1286 = vector.shape_cast %get3A_1285 : vector<1x16xf32> to vector<16xf32>
        %mul3A_1287 = vector.broadcast %squeeze3A_1102 : f32 to vector<16xf32>
        %mul3A_1288 = arith.mulf %get3A_1286, %mul3A_1287 : vector<16xf32>
        %add3A_1289 = arith.addf %add3A_1282, %mul3A_1288 : vector<16xf32>
        %swap3A_1290 = arith.index_cast %add3A_1094 : i32 to index
        %swap3A_1291 = arith.constant 80 : index
        %swap3A_1292 = tpu.vector_load %arg26[%swap3A_1290, %swap3A_1291] {strides = array<i32>} : memref<112x96xf32, #tpu.memory_space<vmem>>, vector<1x16xf32>,
        %swap3A_1293 = vector.shape_cast %swap3A_1292 : vector<1x16xf32> to vector<16xf32>
        %swap3A_1294 = vector.shape_cast %add3A_1289 : vector<16xf32> to vector<1x16xf32>
        tpu.vector_store %arg26[%swap3A_1290, %swap3A_1291], %swap3A_1294 {strides = array<i32>} : memref<112x96xf32, #tpu.memory_space<vmem>>, vector<1x16xf32>,
        %add3A_1295 = arith.constant 6 : i32
        %add3A_1296 = arith.addi %mul3A_74, %add3A_1295 : i32
        %slice3A_1297 = vector.extract_strided_slice %get3A_76 {offsets = [6], sizes = [1], strides = [1]} : vector<16xf32> to vector<1xf32>
        %squeeze3A_1298 = vector.extract %slice3A_1297[0] : f32 from vector<1xf32>
        %slice3A_1299 = vector.extract_strided_slice %get3A_79 {offsets = [6], sizes = [1], strides = [1]} : vector<16xf32> to vector<1xf32>
        %squeeze3A_1300 = vector.extract %slice3A_1299[0] : f32 from vector<1xf32>
        %slice3A_1301 = vector.extract_strided_slice %get3A_82 {offsets = [6], sizes = [1], strides = [1]} : vector<16xf32> to vector<1xf32>
        %squeeze3A_1302 = vector.extract %slice3A_1301[0] : f32 from vector<1xf32>
        %slice3A_1303 = vector.extract_strided_slice %get3A_85 {offsets = [6], sizes = [1], strides = [1]} : vector<16xf32> to vector<1xf32>
        %squeeze3A_1304 = vector.extract %slice3A_1303[0] : f32 from vector<1xf32>
        %get3A_1305 = arith.index_cast %add3A_1296 : i32 to index
        %get3A_1306 = arith.constant 0 : index
        %get3A_1307 = tpu.vector_load %arg22[%get3A_1305, %get3A_1306] {strides = array<i32>} : memref<112x96xf32, #tpu.memory_space<vmem>>, vector<1x16xf32>,
        %get3A_1308 = vector.shape_cast %get3A_1307 : vector<1x16xf32> to vector<16xf32>
        %mul3A_1309 = vector.broadcast %squeeze3A_1298 : f32 to vector<16xf32>
        %mul3A_1310 = arith.mulf %get3A_1308, %mul3A_1309 : vector<16xf32>
        %get3A_1311 = arith.index_cast %add3A_1296 : i32 to index
        %get3A_1312 = arith.constant 0 : index
        %get3A_1313 = tpu.vector_load %arg23[%get3A_1311, %get3A_1312] {strides = array<i32>} : memref<112x96xf32, #tpu.memory_space<vmem>>, vector<1x16xf32>,
        %get3A_1314 = vector.shape_cast %get3A_1313 : vector<1x16xf32> to vector<16xf32>
        %mul3A_1315 = vector.broadcast %squeeze3A_1300 : f32 to vector<16xf32>
        %mul3A_1316 = arith.mulf %get3A_1314, %mul3A_1315 : vector<16xf32>
        %add3A_1317 = arith.addf %mul3A_1310, %mul3A_1316 : vector<16xf32>
        %get3A_1318 = arith.index_cast %add3A_1296 : i32 to index
        %get3A_1319 = arith.constant 0 : index
        %get3A_1320 = tpu.vector_load %arg24[%get3A_1318, %get3A_1319] {strides = array<i32>} : memref<112x96xf32, #tpu.memory_space<vmem>>, vector<1x16xf32>,
        %get3A_1321 = vector.shape_cast %get3A_1320 : vector<1x16xf32> to vector<16xf32>
        %mul3A_1322 = vector.broadcast %squeeze3A_1302 : f32 to vector<16xf32>
        %mul3A_1323 = arith.mulf %get3A_1321, %mul3A_1322 : vector<16xf32>
        %add3A_1324 = arith.addf %add3A_1317, %mul3A_1323 : vector<16xf32>
        %get3A_1325 = arith.index_cast %add3A_1296 : i32 to index
        %get3A_1326 = arith.constant 0 : index
        %get3A_1327 = tpu.vector_load %arg25[%get3A_1325, %get3A_1326] {strides = array<i32>} : memref<112x96xf32, #tpu.memory_space<vmem>>, vector<1x16xf32>,
        %get3A_1328 = vector.shape_cast %get3A_1327 : vector<1x16xf32> to vector<16xf32>
        %mul3A_1329 = vector.broadcast %squeeze3A_1304 : f32 to vector<16xf32>
        %mul3A_1330 = arith.mulf %get3A_1328, %mul3A_1329 : vector<16xf32>
        %add3A_1331 = arith.addf %add3A_1324, %mul3A_1330 : vector<16xf32>
        %swap3A_1332 = arith.index_cast %add3A_1296 : i32 to index
        %swap3A_1333 = arith.constant 0 : index
        %swap3A_1334 = tpu.vector_load %arg26[%swap3A_1332, %swap3A_1333] {strides = array<i32>} : memref<112x96xf32, #tpu.memory_space<vmem>>, vector<1x16xf32>,
        %swap3A_1335 = vector.shape_cast %swap3A_1334 : vector<1x16xf32> to vector<16xf32>
        %swap3A_1336 = vector.shape_cast %add3A_1331 : vector<16xf32> to vector<1x16xf32>
        tpu.vector_store %arg26[%swap3A_1332, %swap3A_1333], %swap3A_1336 {strides = array<i32>} : memref<112x96xf32, #tpu.memory_space<vmem>>, vector<1x16xf32>,
        %get3A_1337 = arith.index_cast %add3A_1296 : i32 to index
        %get3A_1338 = arith.constant 16 : index
        %get3A_1339 = tpu.vector_load %arg22[%get3A_1337, %get3A_1338] {strides = array<i32>} : memref<112x96xf32, #tpu.memory_space<vmem>>, vector<1x16xf32>,
        %get3A_1340 = vector.shape_cast %get3A_1339 : vector<1x16xf32> to vector<16xf32>
        %mul3A_1341 = vector.broadcast %squeeze3A_1298 : f32 to vector<16xf32>
        %mul3A_1342 = arith.mulf %get3A_1340, %mul3A_1341 : vector<16xf32>
        %get3A_1343 = arith.index_cast %add3A_1296 : i32 to index
        %get3A_1344 = arith.constant 16 : index
        %get3A_1345 = tpu.vector_load %arg23[%get3A_1343, %get3A_1344] {strides = array<i32>} : memref<112x96xf32, #tpu.memory_space<vmem>>, vector<1x16xf32>,
        %get3A_1346 = vector.shape_cast %get3A_1345 : vector<1x16xf32> to vector<16xf32>
        %mul3A_1347 = vector.broadcast %squeeze3A_1300 : f32 to vector<16xf32>
        %mul3A_1348 = arith.mulf %get3A_1346, %mul3A_1347 : vector<16xf32>
        %add3A_1349 = arith.addf %mul3A_1342, %mul3A_1348 : vector<16xf32>
        %get3A_1350 = arith.index_cast %add3A_1296 : i32 to index
        %get3A_1351 = arith.constant 16 : index
        %get3A_1352 = tpu.vector_load %arg24[%get3A_1350, %get3A_1351] {strides = array<i32>} : memref<112x96xf32, #tpu.memory_space<vmem>>, vector<1x16xf32>,
        %get3A_1353 = vector.shape_cast %get3A_1352 : vector<1x16xf32> to vector<16xf32>
        %mul3A_1354 = vector.broadcast %squeeze3A_1302 : f32 to vector<16xf32>
        %mul3A_1355 = arith.mulf %get3A_1353, %mul3A_1354 : vector<16xf32>
        %add3A_1356 = arith.addf %add3A_1349, %mul3A_1355 : vector<16xf32>
        %get3A_1357 = arith.index_cast %add3A_1296 : i32 to index
        %get3A_1358 = arith.constant 16 : index
        %get3A_1359 = tpu.vector_load %arg25[%get3A_1357, %get3A_1358] {strides = array<i32>} : memref<112x96xf32, #tpu.memory_space<vmem>>, vector<1x16xf32>,
        %get3A_1360 = vector.shape_cast %get3A_1359 : vector<1x16xf32> to vector<16xf32>
        %mul3A_1361 = vector.broadcast %squeeze3A_1304 : f32 to vector<16xf32>
        %mul3A_1362 = arith.mulf %get3A_1360, %mul3A_1361 : vector<16xf32>
        %add3A_1363 = arith.addf %add3A_1356, %mul3A_1362 : vector<16xf32>
        %swap3A_1364 = arith.index_cast %add3A_1296 : i32 to index
        %swap3A_1365 = arith.constant 16 : index
        %swap3A_1366 = tpu.vector_load %arg26[%swap3A_1364, %swap3A_1365] {strides = array<i32>} : memref<112x96xf32, #tpu.memory_space<vmem>>, vector<1x16xf32>,
        %swap3A_1367 = vector.shape_cast %swap3A_1366 : vector<1x16xf32> to vector<16xf32>
        %swap3A_1368 = vector.shape_cast %add3A_1363 : vector<16xf32> to vector<1x16xf32>
        tpu.vector_store %arg26[%swap3A_1364, %swap3A_1365], %swap3A_1368 {strides = array<i32>} : memref<112x96xf32, #tpu.memory_space<vmem>>, vector<1x16xf32>,
        %get3A_1369 = arith.index_cast %add3A_1296 : i32 to index
        %get3A_1370 = arith.constant 32 : index
        %get3A_1371 = tpu.vector_load %arg22[%get3A_1369, %get3A_1370] {strides = array<i32>} : memref<112x96xf32, #tpu.memory_space<vmem>>, vector<1x16xf32>,
        %get3A_1372 = vector.shape_cast %get3A_1371 : vector<1x16xf32> to vector<16xf32>
        %mul3A_1373 = vector.broadcast %squeeze3A_1298 : f32 to vector<16xf32>
        %mul3A_1374 = arith.mulf %get3A_1372, %mul3A_1373 : vector<16xf32>
        %get3A_1375 = arith.index_cast %add3A_1296 : i32 to index
        %get3A_1376 = arith.constant 32 : index
        %get3A_1377 = tpu.vector_load %arg23[%get3A_1375, %get3A_1376] {strides = array<i32>} : memref<112x96xf32, #tpu.memory_space<vmem>>, vector<1x16xf32>,
        %get3A_1378 = vector.shape_cast %get3A_1377 : vector<1x16xf32> to vector<16xf32>
        %mul3A_1379 = vector.broadcast %squeeze3A_1300 : f32 to vector<16xf32>
        %mul3A_1380 = arith.mulf %get3A_1378, %mul3A_1379 : vector<16xf32>
        %add3A_1381 = arith.addf %mul3A_1374, %mul3A_1380 : vector<16xf32>
        %get3A_1382 = arith.index_cast %add3A_1296 : i32 to index
        %get3A_1383 = arith.constant 32 : index
        %get3A_1384 = tpu.vector_load %arg24[%get3A_1382, %get3A_1383] {strides = array<i32>} : memref<112x96xf32, #tpu.memory_space<vmem>>, vector<1x16xf32>,
        %get3A_1385 = vector.shape_cast %get3A_1384 : vector<1x16xf32> to vector<16xf32>
        %mul3A_1386 = vector.broadcast %squeeze3A_1302 : f32 to vector<16xf32>
        %mul3A_1387 = arith.mulf %get3A_1385, %mul3A_1386 : vector<16xf32>
        %add3A_1388 = arith.addf %add3A_1381, %mul3A_1387 : vector<16xf32>
        %get3A_1389 = arith.index_cast %add3A_1296 : i32 to index
        %get3A_1390 = arith.constant 32 : index
        %get3A_1391 = tpu.vector_load %arg25[%get3A_1389, %get3A_1390] {strides = array<i32>} : memref<112x96xf32, #tpu.memory_space<vmem>>, vector<1x16xf32>,
        %get3A_1392 = vector.shape_cast %get3A_1391 : vector<1x16xf32> to vector<16xf32>
        %mul3A_1393 = vector.broadcast %squeeze3A_1304 : f32 to vector<16xf32>
        %mul3A_1394 = arith.mulf %get3A_1392, %mul3A_1393 : vector<16xf32>
        %add3A_1395 = arith.addf %add3A_1388, %mul3A_1394 : vector<16xf32>
        %swap3A_1396 = arith.index_cast %add3A_1296 : i32 to index
        %swap3A_1397 = arith.constant 32 : index
        %swap3A_1398 = tpu.vector_load %arg26[%swap3A_1396, %swap3A_1397] {strides = array<i32>} : memref<112x96xf32, #tpu.memory_space<vmem>>, vector<1x16xf32>,
        %swap3A_1399 = vector.shape_cast %swap3A_1398 : vector<1x16xf32> to vector<16xf32>
        %swap3A_1400 = vector.shape_cast %add3A_1395 : vector<16xf32> to vector<1x16xf32>
        tpu.vector_store %arg26[%swap3A_1396, %swap3A_1397], %swap3A_1400 {strides = array<i32>} : memref<112x96xf32, #tpu.memory_space<vmem>>, vector<1x16xf32>,
        %get3A_1401 = arith.index_cast %add3A_1296 : i32 to index
        %get3A_1402 = arith.constant 48 : index
        %get3A_1403 = tpu.vector_load %arg22[%get3A_1401, %get3A_1402] {strides = array<i32>} : memref<112x96xf32, #tpu.memory_space<vmem>>, vector<1x16xf32>,
        %get3A_1404 = vector.shape_cast %get3A_1403 : vector<1x16xf32> to vector<16xf32>
        %mul3A_1405 = vector.broadcast %squeeze3A_1298 : f32 to vector<16xf32>
        %mul3A_1406 = arith.mulf %get3A_1404, %mul3A_1405 : vector<16xf32>
        %get3A_1407 = arith.index_cast %add3A_1296 : i32 to index
        %get3A_1408 = arith.constant 48 : index
        %get3A_1409 = tpu.vector_load %arg23[%get3A_1407, %get3A_1408] {strides = array<i32>} : memref<112x96xf32, #tpu.memory_space<vmem>>, vector<1x16xf32>,
        %get3A_1410 = vector.shape_cast %get3A_1409 : vector<1x16xf32> to vector<16xf32>
        %mul3A_1411 = vector.broadcast %squeeze3A_1300 : f32 to vector<16xf32>
        %mul3A_1412 = arith.mulf %get3A_1410, %mul3A_1411 : vector<16xf32>
        %add3A_1413 = arith.addf %mul3A_1406, %mul3A_1412 : vector<16xf32>
        %get3A_1414 = arith.index_cast %add3A_1296 : i32 to index
        %get3A_1415 = arith.constant 48 : index
        %get3A_1416 = tpu.vector_load %arg24[%get3A_1414, %get3A_1415] {strides = array<i32>} : memref<112x96xf32, #tpu.memory_space<vmem>>, vector<1x16xf32>,
        %get3A_1417 = vector.shape_cast %get3A_1416 : vector<1x16xf32> to vector<16xf32>
        %mul3A_1418 = vector.broadcast %squeeze3A_1302 : f32 to vector<16xf32>
        %mul3A_1419 = arith.mulf %get3A_1417, %mul3A_1418 : vector<16xf32>
        %add3A_1420 = arith.addf %add3A_1413, %mul3A_1419 : vector<16xf32>
        %get3A_1421 = arith.index_cast %add3A_1296 : i32 to index
        %get3A_1422 = arith.constant 48 : index
        %get3A_1423 = tpu.vector_load %arg25[%get3A_1421, %get3A_1422] {strides = array<i32>} : memref<112x96xf32, #tpu.memory_space<vmem>>, vector<1x16xf32>,
        %get3A_1424 = vector.shape_cast %get3A_1423 : vector<1x16xf32> to vector<16xf32>
        %mul3A_1425 = vector.broadcast %squeeze3A_1304 : f32 to vector<16xf32>
        %mul3A_1426 = arith.mulf %get3A_1424, %mul3A_1425 : vector<16xf32>
        %add3A_1427 = arith.addf %add3A_1420, %mul3A_1426 : vector<16xf32>
        %swap3A_1428 = arith.index_cast %add3A_1296 : i32 to index
        %swap3A_1429 = arith.constant 48 : index
        %swap3A_1430 = tpu.vector_load %arg26[%swap3A_1428, %swap3A_1429] {strides = array<i32>} : memref<112x96xf32, #tpu.memory_space<vmem>>, vector<1x16xf32>,
        %swap3A_1431 = vector.shape_cast %swap3A_1430 : vector<1x16xf32> to vector<16xf32>
        %swap3A_1432 = vector.shape_cast %add3A_1427 : vector<16xf32> to vector<1x16xf32>
        tpu.vector_store %arg26[%swap3A_1428, %swap3A_1429], %swap3A_1432 {strides = array<i32>} : memref<112x96xf32, #tpu.memory_space<vmem>>, vector<1x16xf32>,
        %get3A_1433 = arith.index_cast %add3A_1296 : i32 to index
        %get3A_1434 = arith.constant 64 : index
        %get3A_1435 = tpu.vector_load %arg22[%get3A_1433, %get3A_1434] {strides = array<i32>} : memref<112x96xf32, #tpu.memory_space<vmem>>, vector<1x16xf32>,
        %get3A_1436 = vector.shape_cast %get3A_1435 : vector<1x16xf32> to vector<16xf32>
        %mul3A_1437 = vector.broadcast %squeeze3A_1298 : f32 to vector<16xf32>
        %mul3A_1438 = arith.mulf %get3A_1436, %mul3A_1437 : vector<16xf32>
        %get3A_1439 = arith.index_cast %add3A_1296 : i32 to index
        %get3A_1440 = arith.constant 64 : index
        %get3A_1441 = tpu.vector_load %arg23[%get3A_1439, %get3A_1440] {strides = array<i32>} : memref<112x96xf32, #tpu.memory_space<vmem>>, vector<1x16xf32>,
        %get3A_1442 = vector.shape_cast %get3A_1441 : vector<1x16xf32> to vector<16xf32>
        %mul3A_1443 = vector.broadcast %squeeze3A_1300 : f32 to vector<16xf32>
        %mul3A_1444 = arith.mulf %get3A_1442, %mul3A_1443 : vector<16xf32>
        %add3A_1445 = arith.addf %mul3A_1438, %mul3A_1444 : vector<16xf32>
        %get3A_1446 = arith.index_cast %add3A_1296 : i32 to index
        %get3A_1447 = arith.constant 64 : index
        %get3A_1448 = tpu.vector_load %arg24[%get3A_1446, %get3A_1447] {strides = array<i32>} : memref<112x96xf32, #tpu.memory_space<vmem>>, vector<1x16xf32>,
        %get3A_1449 = vector.shape_cast %get3A_1448 : vector<1x16xf32> to vector<16xf32>
        %mul3A_1450 = vector.broadcast %squeeze3A_1302 : f32 to vector<16xf32>
        %mul3A_1451 = arith.mulf %get3A_1449, %mul3A_1450 : vector<16xf32>
        %add3A_1452 = arith.addf %add3A_1445, %mul3A_1451 : vector<16xf32>
        %get3A_1453 = arith.index_cast %add3A_1296 : i32 to index
        %get3A_1454 = arith.constant 64 : index
        %get3A_1455 = tpu.vector_load %arg25[%get3A_1453, %get3A_1454] {strides = array<i32>} : memref<112x96xf32, #tpu.memory_space<vmem>>, vector<1x16xf32>,
        %get3A_1456 = vector.shape_cast %get3A_1455 : vector<1x16xf32> to vector<16xf32>
        %mul3A_1457 = vector.broadcast %squeeze3A_1304 : f32 to vector<16xf32>
        %mul3A_1458 = arith.mulf %get3A_1456, %mul3A_1457 : vector<16xf32>
        %add3A_1459 = arith.addf %add3A_1452, %mul3A_1458 : vector<16xf32>
        %swap3A_1460 = arith.index_cast %add3A_1296 : i32 to index
        %swap3A_1461 = arith.constant 64 : index
        %swap3A_1462 = tpu.vector_load %arg26[%swap3A_1460, %swap3A_1461] {strides = array<i32>} : memref<112x96xf32, #tpu.memory_space<vmem>>, vector<1x16xf32>,
        %swap3A_1463 = vector.shape_cast %swap3A_1462 : vector<1x16xf32> to vector<16xf32>
        %swap3A_1464 = vector.shape_cast %add3A_1459 : vector<16xf32> to vector<1x16xf32>
        tpu.vector_store %arg26[%swap3A_1460, %swap3A_1461], %swap3A_1464 {strides = array<i32>} : memref<112x96xf32, #tpu.memory_space<vmem>>, vector<1x16xf32>,
        %get3A_1465 = arith.index_cast %add3A_1296 : i32 to index
        %get3A_1466 = arith.constant 80 : index
        %get3A_1467 = tpu.vector_load %arg22[%get3A_1465, %get3A_1466] {strides = array<i32>} : memref<112x96xf32, #tpu.memory_space<vmem>>, vector<1x16xf32>,
        %get3A_1468 = vector.shape_cast %get3A_1467 : vector<1x16xf32> to vector<16xf32>
        %mul3A_1469 = vector.broadcast %squeeze3A_1298 : f32 to vector<16xf32>
        %mul3A_1470 = arith.mulf %get3A_1468, %mul3A_1469 : vector<16xf32>
        %get3A_1471 = arith.index_cast %add3A_1296 : i32 to index
        %get3A_1472 = arith.constant 80 : index
        %get3A_1473 = tpu.vector_load %arg23[%get3A_1471, %get3A_1472] {strides = array<i32>} : memref<112x96xf32, #tpu.memory_space<vmem>>, vector<1x16xf32>,
        %get3A_1474 = vector.shape_cast %get3A_1473 : vector<1x16xf32> to vector<16xf32>
        %mul3A_1475 = vector.broadcast %squeeze3A_1300 : f32 to vector<16xf32>
        %mul3A_1476 = arith.mulf %get3A_1474, %mul3A_1475 : vector<16xf32>
        %add3A_1477 = arith.addf %mul3A_1470, %mul3A_1476 : vector<16xf32>
        %get3A_1478 = arith.index_cast %add3A_1296 : i32 to index
        %get3A_1479 = arith.constant 80 : index
        %get3A_1480 = tpu.vector_load %arg24[%get3A_1478, %get3A_1479] {strides = array<i32>} : memref<112x96xf32, #tpu.memory_space<vmem>>, vector<1x16xf32>,
        %get3A_1481 = vector.shape_cast %get3A_1480 : vector<1x16xf32> to vector<16xf32>
        %mul3A_1482 = vector.broadcast %squeeze3A_1302 : f32 to vector<16xf32>
        %mul3A_1483 = arith.mulf %get3A_1481, %mul3A_1482 : vector<16xf32>
        %add3A_1484 = arith.addf %add3A_1477, %mul3A_1483 : vector<16xf32>
        %get3A_1485 = arith.index_cast %add3A_1296 : i32 to index
        %get3A_1486 = arith.constant 80 : index
        %get3A_1487 = tpu.vector_load %arg25[%get3A_1485, %get3A_1486] {strides = array<i32>} : memref<112x96xf32, #tpu.memory_space<vmem>>, vector<1x16xf32>,
        %get3A_1488 = vector.shape_cast %get3A_1487 : vector<1x16xf32> to vector<16xf32>
        %mul3A_1489 = vector.broadcast %squeeze3A_1304 : f32 to vector<16xf32>
        %mul3A_1490 = arith.mulf %get3A_1488, %mul3A_1489 : vector<16xf32>
        %add3A_1491 = arith.addf %add3A_1484, %mul3A_1490 : vector<16xf32>
        %swap3A_1492 = arith.index_cast %add3A_1296 : i32 to index
        %swap3A_1493 = arith.constant 80 : index
        %swap3A_1494 = tpu.vector_load %arg26[%swap3A_1492, %swap3A_1493] {strides = array<i32>} : memref<112x96xf32, #tpu.memory_space<vmem>>, vector<1x16xf32>,
        %swap3A_1495 = vector.shape_cast %swap3A_1494 : vector<1x16xf32> to vector<16xf32>
        %swap3A_1496 = vector.shape_cast %add3A_1491 : vector<16xf32> to vector<1x16xf32>
        tpu.vector_store %arg26[%swap3A_1492, %swap3A_1493], %swap3A_1496 {strides = array<i32>} : memref<112x96xf32, #tpu.memory_space<vmem>>, vector<1x16xf32>,
        %add3A_1497 = arith.constant 7 : i32
        %add3A_1498 = arith.addi %mul3A_74, %add3A_1497 : i32
        %slice3A_1499 = vector.extract_strided_slice %get3A_76 {offsets = [7], sizes = [1], strides = [1]} : vector<16xf32> to vector<1xf32>
        %squeeze3A_1500 = vector.extract %slice3A_1499[0] : f32 from vector<1xf32>
        %slice3A_1501 = vector.extract_strided_slice %get3A_79 {offsets = [7], sizes = [1], strides = [1]} : vector<16xf32> to vector<1xf32>
        %squeeze3A_1502 = vector.extract %slice3A_1501[0] : f32 from vector<1xf32>
        %slice3A_1503 = vector.extract_strided_slice %get3A_82 {offsets = [7], sizes = [1], strides = [1]} : vector<16xf32> to vector<1xf32>
        %squeeze3A_1504 = vector.extract %slice3A_1503[0] : f32 from vector<1xf32>
        %slice3A_1505 = vector.extract_strided_slice %get3A_85 {offsets = [7], sizes = [1], strides = [1]} : vector<16xf32> to vector<1xf32>
        %squeeze3A_1506 = vector.extract %slice3A_1505[0] : f32 from vector<1xf32>
        %get3A_1507 = arith.index_cast %add3A_1498 : i32 to index
        %get3A_1508 = arith.constant 0 : index
        %get3A_1509 = tpu.vector_load %arg22[%get3A_1507, %get3A_1508] {strides = array<i32>} : memref<112x96xf32, #tpu.memory_space<vmem>>, vector<1x16xf32>,
        %get3A_1510 = vector.shape_cast %get3A_1509 : vector<1x16xf32> to vector<16xf32>
        %mul3A_1511 = vector.broadcast %squeeze3A_1500 : f32 to vector<16xf32>
        %mul3A_1512 = arith.mulf %get3A_1510, %mul3A_1511 : vector<16xf32>
        %get3A_1513 = arith.index_cast %add3A_1498 : i32 to index
        %get3A_1514 = arith.constant 0 : index
        %get3A_1515 = tpu.vector_load %arg23[%get3A_1513, %get3A_1514] {strides = array<i32>} : memref<112x96xf32, #tpu.memory_space<vmem>>, vector<1x16xf32>,
        %get3A_1516 = vector.shape_cast %get3A_1515 : vector<1x16xf32> to vector<16xf32>
        %mul3A_1517 = vector.broadcast %squeeze3A_1502 : f32 to vector<16xf32>
        %mul3A_1518 = arith.mulf %get3A_1516, %mul3A_1517 : vector<16xf32>
        %add3A_1519 = arith.addf %mul3A_1512, %mul3A_1518 : vector<16xf32>
        %get3A_1520 = arith.index_cast %add3A_1498 : i32 to index
        %get3A_1521 = arith.constant 0 : index
        %get3A_1522 = tpu.vector_load %arg24[%get3A_1520, %get3A_1521] {strides = array<i32>} : memref<112x96xf32, #tpu.memory_space<vmem>>, vector<1x16xf32>,
        %get3A_1523 = vector.shape_cast %get3A_1522 : vector<1x16xf32> to vector<16xf32>
        %mul3A_1524 = vector.broadcast %squeeze3A_1504 : f32 to vector<16xf32>
        %mul3A_1525 = arith.mulf %get3A_1523, %mul3A_1524 : vector<16xf32>
        %add3A_1526 = arith.addf %add3A_1519, %mul3A_1525 : vector<16xf32>
        %get3A_1527 = arith.index_cast %add3A_1498 : i32 to index
        %get3A_1528 = arith.constant 0 : index
        %get3A_1529 = tpu.vector_load %arg25[%get3A_1527, %get3A_1528] {strides = array<i32>} : memref<112x96xf32, #tpu.memory_space<vmem>>, vector<1x16xf32>,
        %get3A_1530 = vector.shape_cast %get3A_1529 : vector<1x16xf32> to vector<16xf32>
        %mul3A_1531 = vector.broadcast %squeeze3A_1506 : f32 to vector<16xf32>
        %mul3A_1532 = arith.mulf %get3A_1530, %mul3A_1531 : vector<16xf32>
        %add3A_1533 = arith.addf %add3A_1526, %mul3A_1532 : vector<16xf32>
        %swap3A_1534 = arith.index_cast %add3A_1498 : i32 to index
        %swap3A_1535 = arith.constant 0 : index
        %swap3A_1536 = tpu.vector_load %arg26[%swap3A_1534, %swap3A_1535] {strides = array<i32>} : memref<112x96xf32, #tpu.memory_space<vmem>>, vector<1x16xf32>,
        %swap3A_1537 = vector.shape_cast %swap3A_1536 : vector<1x16xf32> to vector<16xf32>
        %swap3A_1538 = vector.shape_cast %add3A_1533 : vector<16xf32> to vector<1x16xf32>
        tpu.vector_store %arg26[%swap3A_1534, %swap3A_1535], %swap3A_1538 {strides = array<i32>} : memref<112x96xf32, #tpu.memory_space<vmem>>, vector<1x16xf32>,
        %get3A_1539 = arith.index_cast %add3A_1498 : i32 to index
        %get3A_1540 = arith.constant 16 : index
        %get3A_1541 = tpu.vector_load %arg22[%get3A_1539, %get3A_1540] {strides = array<i32>} : memref<112x96xf32, #tpu.memory_space<vmem>>, vector<1x16xf32>,
        %get3A_1542 = vector.shape_cast %get3A_1541 : vector<1x16xf32> to vector<16xf32>
        %mul3A_1543 = vector.broadcast %squeeze3A_1500 : f32 to vector<16xf32>
        %mul3A_1544 = arith.mulf %get3A_1542, %mul3A_1543 : vector<16xf32>
        %get3A_1545 = arith.index_cast %add3A_1498 : i32 to index
        %get3A_1546 = arith.constant 16 : index
        %get3A_1547 = tpu.vector_load %arg23[%get3A_1545, %get3A_1546] {strides = array<i32>} : memref<112x96xf32, #tpu.memory_space<vmem>>, vector<1x16xf32>,
        %get3A_1548 = vector.shape_cast %get3A_1547 : vector<1x16xf32> to vector<16xf32>
        %mul3A_1549 = vector.broadcast %squeeze3A_1502 : f32 to vector<16xf32>
        %mul3A_1550 = arith.mulf %get3A_1548, %mul3A_1549 : vector<16xf32>
        %add3A_1551 = arith.addf %mul3A_1544, %mul3A_1550 : vector<16xf32>
        %get3A_1552 = arith.index_cast %add3A_1498 : i32 to index
        %get3A_1553 = arith.constant 16 : index
        %get3A_1554 = tpu.vector_load %arg24[%get3A_1552, %get3A_1553] {strides = array<i32>} : memref<112x96xf32, #tpu.memory_space<vmem>>, vector<1x16xf32>,
        %get3A_1555 = vector.shape_cast %get3A_1554 : vector<1x16xf32> to vector<16xf32>
        %mul3A_1556 = vector.broadcast %squeeze3A_1504 : f32 to vector<16xf32>
        %mul3A_1557 = arith.mulf %get3A_1555, %mul3A_1556 : vector<16xf32>
        %add3A_1558 = arith.addf %add3A_1551, %mul3A_1557 : vector<16xf32>
        %get3A_1559 = arith.index_cast %add3A_1498 : i32 to index
        %get3A_1560 = arith.constant 16 : index
        %get3A_1561 = tpu.vector_load %arg25[%get3A_1559, %get3A_1560] {strides = array<i32>} : memref<112x96xf32, #tpu.memory_space<vmem>>, vector<1x16xf32>,
        %get3A_1562 = vector.shape_cast %get3A_1561 : vector<1x16xf32> to vector<16xf32>
        %mul3A_1563 = vector.broadcast %squeeze3A_1506 : f32 to vector<16xf32>
        %mul3A_1564 = arith.mulf %get3A_1562, %mul3A_1563 : vector<16xf32>
        %add3A_1565 = arith.addf %add3A_1558, %mul3A_1564 : vector<16xf32>
        %swap3A_1566 = arith.index_cast %add3A_1498 : i32 to index
        %swap3A_1567 = arith.constant 16 : index
        %swap3A_1568 = tpu.vector_load %arg26[%swap3A_1566, %swap3A_1567] {strides = array<i32>} : memref<112x96xf32, #tpu.memory_space<vmem>>, vector<1x16xf32>,
        %swap3A_1569 = vector.shape_cast %swap3A_1568 : vector<1x16xf32> to vector<16xf32>
        %swap3A_1570 = vector.shape_cast %add3A_1565 : vector<16xf32> to vector<1x16xf32>
        tpu.vector_store %arg26[%swap3A_1566, %swap3A_1567], %swap3A_1570 {strides = array<i32>} : memref<112x96xf32, #tpu.memory_space<vmem>>, vector<1x16xf32>,
        %get3A_1571 = arith.index_cast %add3A_1498 : i32 to index
        %get3A_1572 = arith.constant 32 : index
        %get3A_1573 = tpu.vector_load %arg22[%get3A_1571, %get3A_1572] {strides = array<i32>} : memref<112x96xf32, #tpu.memory_space<vmem>>, vector<1x16xf32>,
        %get3A_1574 = vector.shape_cast %get3A_1573 : vector<1x16xf32> to vector<16xf32>
        %mul3A_1575 = vector.broadcast %squeeze3A_1500 : f32 to vector<16xf32>
        %mul3A_1576 = arith.mulf %get3A_1574, %mul3A_1575 : vector<16xf32>
        %get3A_1577 = arith.index_cast %add3A_1498 : i32 to index
        %get3A_1578 = arith.constant 32 : index
        %get3A_1579 = tpu.vector_load %arg23[%get3A_1577, %get3A_1578] {strides = array<i32>} : memref<112x96xf32, #tpu.memory_space<vmem>>, vector<1x16xf32>,
        %get3A_1580 = vector.shape_cast %get3A_1579 : vector<1x16xf32> to vector<16xf32>
        %mul3A_1581 = vector.broadcast %squeeze3A_1502 : f32 to vector<16xf32>
        %mul3A_1582 = arith.mulf %get3A_1580, %mul3A_1581 : vector<16xf32>
        %add3A_1583 = arith.addf %mul3A_1576, %mul3A_1582 : vector<16xf32>
        %get3A_1584 = arith.index_cast %add3A_1498 : i32 to index
        %get3A_1585 = arith.constant 32 : index
        %get3A_1586 = tpu.vector_load %arg24[%get3A_1584, %get3A_1585] {strides = array<i32>} : memref<112x96xf32, #tpu.memory_space<vmem>>, vector<1x16xf32>,
        %get3A_1587 = vector.shape_cast %get3A_1586 : vector<1x16xf32> to vector<16xf32>
        %mul3A_1588 = vector.broadcast %squeeze3A_1504 : f32 to vector<16xf32>
        %mul3A_1589 = arith.mulf %get3A_1587, %mul3A_1588 : vector<16xf32>
        %add3A_1590 = arith.addf %add3A_1583, %mul3A_1589 : vector<16xf32>
        %get3A_1591 = arith.index_cast %add3A_1498 : i32 to index
        %get3A_1592 = arith.constant 32 : index
        %get3A_1593 = tpu.vector_load %arg25[%get3A_1591, %get3A_1592] {strides = array<i32>} : memref<112x96xf32, #tpu.memory_space<vmem>>, vector<1x16xf32>,
        %get3A_1594 = vector.shape_cast %get3A_1593 : vector<1x16xf32> to vector<16xf32>
        %mul3A_1595 = vector.broadcast %squeeze3A_1506 : f32 to vector<16xf32>
        %mul3A_1596 = arith.mulf %get3A_1594, %mul3A_1595 : vector<16xf32>
        %add3A_1597 = arith.addf %add3A_1590, %mul3A_1596 : vector<16xf32>
        %swap3A_1598 = arith.index_cast %add3A_1498 : i32 to index
        %swap3A_1599 = arith.constant 32 : index
        %swap3A_1600 = tpu.vector_load %arg26[%swap3A_1598, %swap3A_1599] {strides = array<i32>} : memref<112x96xf32, #tpu.memory_space<vmem>>, vector<1x16xf32>,
        %swap3A_1601 = vector.shape_cast %swap3A_1600 : vector<1x16xf32> to vector<16xf32>
        %swap3A_1602 = vector.shape_cast %add3A_1597 : vector<16xf32> to vector<1x16xf32>
        tpu.vector_store %arg26[%swap3A_1598, %swap3A_1599], %swap3A_1602 {strides = array<i32>} : memref<112x96xf32, #tpu.memory_space<vmem>>, vector<1x16xf32>,
        %get3A_1603 = arith.index_cast %add3A_1498 : i32 to index
        %get3A_1604 = arith.constant 48 : index
        %get3A_1605 = tpu.vector_load %arg22[%get3A_1603, %get3A_1604] {strides = array<i32>} : memref<112x96xf32, #tpu.memory_space<vmem>>, vector<1x16xf32>,
        %get3A_1606 = vector.shape_cast %get3A_1605 : vector<1x16xf32> to vector<16xf32>
        %mul3A_1607 = vector.broadcast %squeeze3A_1500 : f32 to vector<16xf32>
        %mul3A_1608 = arith.mulf %get3A_1606, %mul3A_1607 : vector<16xf32>
        %get3A_1609 = arith.index_cast %add3A_1498 : i32 to index
        %get3A_1610 = arith.constant 48 : index
        %get3A_1611 = tpu.vector_load %arg23[%get3A_1609, %get3A_1610] {strides = array<i32>} : memref<112x96xf32, #tpu.memory_space<vmem>>, vector<1x16xf32>,
        %get3A_1612 = vector.shape_cast %get3A_1611 : vector<1x16xf32> to vector<16xf32>
        %mul3A_1613 = vector.broadcast %squeeze3A_1502 : f32 to vector<16xf32>
        %mul3A_1614 = arith.mulf %get3A_1612, %mul3A_1613 : vector<16xf32>
        %add3A_1615 = arith.addf %mul3A_1608, %mul3A_1614 : vector<16xf32>
        %get3A_1616 = arith.index_cast %add3A_1498 : i32 to index
        %get3A_1617 = arith.constant 48 : index
        %get3A_1618 = tpu.vector_load %arg24[%get3A_1616, %get3A_1617] {strides = array<i32>} : memref<112x96xf32, #tpu.memory_space<vmem>>, vector<1x16xf32>,
        %get3A_1619 = vector.shape_cast %get3A_1618 : vector<1x16xf32> to vector<16xf32>
        %mul3A_1620 = vector.broadcast %squeeze3A_1504 : f32 to vector<16xf32>
        %mul3A_1621 = arith.mulf %get3A_1619, %mul3A_1620 : vector<16xf32>
        %add3A_1622 = arith.addf %add3A_1615, %mul3A_1621 : vector<16xf32>
        %get3A_1623 = arith.index_cast %add3A_1498 : i32 to index
        %get3A_1624 = arith.constant 48 : index
        %get3A_1625 = tpu.vector_load %arg25[%get3A_1623, %get3A_1624] {strides = array<i32>} : memref<112x96xf32, #tpu.memory_space<vmem>>, vector<1x16xf32>,
        %get3A_1626 = vector.shape_cast %get3A_1625 : vector<1x16xf32> to vector<16xf32>
        %mul3A_1627 = vector.broadcast %squeeze3A_1506 : f32 to vector<16xf32>
        %mul3A_1628 = arith.mulf %get3A_1626, %mul3A_1627 : vector<16xf32>
        %add3A_1629 = arith.addf %add3A_1622, %mul3A_1628 : vector<16xf32>
        %swap3A_1630 = arith.index_cast %add3A_1498 : i32 to index
        %swap3A_1631 = arith.constant 48 : index
        %swap3A_1632 = tpu.vector_load %arg26[%swap3A_1630, %swap3A_1631] {strides = array<i32>} : memref<112x96xf32, #tpu.memory_space<vmem>>, vector<1x16xf32>,
        %swap3A_1633 = vector.shape_cast %swap3A_1632 : vector<1x16xf32> to vector<16xf32>
        %swap3A_1634 = vector.shape_cast %add3A_1629 : vector<16xf32> to vector<1x16xf32>
        tpu.vector_store %arg26[%swap3A_1630, %swap3A_1631], %swap3A_1634 {strides = array<i32>} : memref<112x96xf32, #tpu.memory_space<vmem>>, vector<1x16xf32>,
        %get3A_1635 = arith.index_cast %add3A_1498 : i32 to index
        %get3A_1636 = arith.constant 64 : index
        %get3A_1637 = tpu.vector_load %arg22[%get3A_1635, %get3A_1636] {strides = array<i32>} : memref<112x96xf32, #tpu.memory_space<vmem>>, vector<1x16xf32>,
        %get3A_1638 = vector.shape_cast %get3A_1637 : vector<1x16xf32> to vector<16xf32>
        %mul3A_1639 = vector.broadcast %squeeze3A_1500 : f32 to vector<16xf32>
        %mul3A_1640 = arith.mulf %get3A_1638, %mul3A_1639 : vector<16xf32>
        %get3A_1641 = arith.index_cast %add3A_1498 : i32 to index
        %get3A_1642 = arith.constant 64 : index
        %get3A_1643 = tpu.vector_load %arg23[%get3A_1641, %get3A_1642] {strides = array<i32>} : memref<112x96xf32, #tpu.memory_space<vmem>>, vector<1x16xf32>,
        %get3A_1644 = vector.shape_cast %get3A_1643 : vector<1x16xf32> to vector<16xf32>
        %mul3A_1645 = vector.broadcast %squeeze3A_1502 : f32 to vector<16xf32>
        %mul3A_1646 = arith.mulf %get3A_1644, %mul3A_1645 : vector<16xf32>
        %add3A_1647 = arith.addf %mul3A_1640, %mul3A_1646 : vector<16xf32>
        %get3A_1648 = arith.index_cast %add3A_1498 : i32 to index
        %get3A_1649 = arith.constant 64 : index
        %get3A_1650 = tpu.vector_load %arg24[%get3A_1648, %get3A_1649] {strides = array<i32>} : memref<112x96xf32, #tpu.memory_space<vmem>>, vector<1x16xf32>,
        %get3A_1651 = vector.shape_cast %get3A_1650 : vector<1x16xf32> to vector<16xf32>
        %mul3A_1652 = vector.broadcast %squeeze3A_1504 : f32 to vector<16xf32>
        %mul3A_1653 = arith.mulf %get3A_1651, %mul3A_1652 : vector<16xf32>
        %add3A_1654 = arith.addf %add3A_1647, %mul3A_1653 : vector<16xf32>
        %get3A_1655 = arith.index_cast %add3A_1498 : i32 to index
        %get3A_1656 = arith.constant 64 : index
        %get3A_1657 = tpu.vector_load %arg25[%get3A_1655, %get3A_1656] {strides = array<i32>} : memref<112x96xf32, #tpu.memory_space<vmem>>, vector<1x16xf32>,
        %get3A_1658 = vector.shape_cast %get3A_1657 : vector<1x16xf32> to vector<16xf32>
        %mul3A_1659 = vector.broadcast %squeeze3A_1506 : f32 to vector<16xf32>
        %mul3A_1660 = arith.mulf %get3A_1658, %mul3A_1659 : vector<16xf32>
        %add3A_1661 = arith.addf %add3A_1654, %mul3A_1660 : vector<16xf32>
        %swap3A_1662 = arith.index_cast %add3A_1498 : i32 to index
        %swap3A_1663 = arith.constant 64 : index
        %swap3A_1664 = tpu.vector_load %arg26[%swap3A_1662, %swap3A_1663] {strides = array<i32>} : memref<112x96xf32, #tpu.memory_space<vmem>>, vector<1x16xf32>,
        %swap3A_1665 = vector.shape_cast %swap3A_1664 : vector<1x16xf32> to vector<16xf32>
        %swap3A_1666 = vector.shape_cast %add3A_1661 : vector<16xf32> to vector<1x16xf32>
        tpu.vector_store %arg26[%swap3A_1662, %swap3A_1663], %swap3A_1666 {strides = array<i32>} : memref<112x96xf32, #tpu.memory_space<vmem>>, vector<1x16xf32>,
        %get3A_1667 = arith.index_cast %add3A_1498 : i32 to index
        %get3A_1668 = arith.constant 80 : index
        %get3A_1669 = tpu.vector_load %arg22[%get3A_1667, %get3A_1668] {strides = array<i32>} : memref<112x96xf32, #tpu.memory_space<vmem>>, vector<1x16xf32>,
        %get3A_1670 = vector.shape_cast %get3A_1669 : vector<1x16xf32> to vector<16xf32>
        %mul3A_1671 = vector.broadcast %squeeze3A_1500 : f32 to vector<16xf32>
        %mul3A_1672 = arith.mulf %get3A_1670, %mul3A_1671 : vector<16xf32>
        %get3A_1673 = arith.index_cast %add3A_1498 : i32 to index
        %get3A_1674 = arith.constant 80 : index
        %get3A_1675 = tpu.vector_load %arg23[%get3A_1673, %get3A_1674] {strides = array<i32>} : memref<112x96xf32, #tpu.memory_space<vmem>>, vector<1x16xf32>,
        %get3A_1676 = vector.shape_cast %get3A_1675 : vector<1x16xf32> to vector<16xf32>
        %mul3A_1677 = vector.broadcast %squeeze3A_1502 : f32 to vector<16xf32>
        %mul3A_1678 = arith.mulf %get3A_1676, %mul3A_1677 : vector<16xf32>
        %add3A_1679 = arith.addf %mul3A_1672, %mul3A_1678 : vector<16xf32>
        %get3A_1680 = arith.index_cast %add3A_1498 : i32 to index
        %get3A_1681 = arith.constant 80 : index
        %get3A_1682 = tpu.vector_load %arg24[%get3A_1680, %get3A_1681] {strides = array<i32>} : memref<112x96xf32, #tpu.memory_space<vmem>>, vector<1x16xf32>,
        %get3A_1683 = vector.shape_cast %get3A_1682 : vector<1x16xf32> to vector<16xf32>
        %mul3A_1684 = vector.broadcast %squeeze3A_1504 : f32 to vector<16xf32>
        %mul3A_1685 = arith.mulf %get3A_1683, %mul3A_1684 : vector<16xf32>
        %add3A_1686 = arith.addf %add3A_1679, %mul3A_1685 : vector<16xf32>
        %get3A_1687 = arith.index_cast %add3A_1498 : i32 to index
        %get3A_1688 = arith.constant 80 : index
        %get3A_1689 = tpu.vector_load %arg25[%get3A_1687, %get3A_1688] {strides = array<i32>} : memref<112x96xf32, #tpu.memory_space<vmem>>, vector<1x16xf32>,
        %get3A_1690 = vector.shape_cast %get3A_1689 : vector<1x16xf32> to vector<16xf32>
        %mul3A_1691 = vector.broadcast %squeeze3A_1506 : f32 to vector<16xf32>
        %mul3A_1692 = arith.mulf %get3A_1690, %mul3A_1691 : vector<16xf32>
        %add3A_1693 = arith.addf %add3A_1686, %mul3A_1692 : vector<16xf32>
        %swap3A_1694 = arith.index_cast %add3A_1498 : i32 to index
        %swap3A_1695 = arith.constant 80 : index
        %swap3A_1696 = tpu.vector_load %arg26[%swap3A_1694, %swap3A_1695] {strides = array<i32>} : memref<112x96xf32, #tpu.memory_space<vmem>>, vector<1x16xf32>,
        %swap3A_1697 = vector.shape_cast %swap3A_1696 : vector<1x16xf32> to vector<16xf32>
        %swap3A_1698 = vector.shape_cast %add3A_1693 : vector<16xf32> to vector<1x16xf32>
        tpu.vector_store %arg26[%swap3A_1694, %swap3A_1695], %swap3A_1698 {strides = array<i32>} : memref<112x96xf32, #tpu.memory_space<vmem>>, vector<1x16xf32>,
        %add3A_1699 = arith.constant 8 : i32
        %add3A_1700 = arith.addi %mul3A_74, %add3A_1699 : i32
        %slice3A_1701 = vector.extract_strided_slice %get3A_76 {offsets = [8], sizes = [1], strides = [1]} : vector<16xf32> to vector<1xf32>
        %squeeze3A_1702 = vector.extract %slice3A_1701[0] : f32 from vector<1xf32>
        %slice3A_1703 = vector.extract_strided_slice %get3A_79 {offsets = [8], sizes = [1], strides = [1]} : vector<16xf32> to vector<1xf32>
        %squeeze3A_1704 = vector.extract %slice3A_1703[0] : f32 from vector<1xf32>
        %slice3A_1705 = vector.extract_strided_slice %get3A_82 {offsets = [8], sizes = [1], strides = [1]} : vector<16xf32> to vector<1xf32>
        %squeeze3A_1706 = vector.extract %slice3A_1705[0] : f32 from vector<1xf32>
        %slice3A_1707 = vector.extract_strided_slice %get3A_85 {offsets = [8], sizes = [1], strides = [1]} : vector<16xf32> to vector<1xf32>
        %squeeze3A_1708 = vector.extract %slice3A_1707[0] : f32 from vector<1xf32>
        %get3A_1709 = arith.index_cast %add3A_1700 : i32 to index
        %get3A_1710 = arith.constant 0 : index
        %get3A_1711 = tpu.vector_load %arg22[%get3A_1709, %get3A_1710] {strides = array<i32>} : memref<112x96xf32, #tpu.memory_space<vmem>>, vector<1x16xf32>,
        %get3A_1712 = vector.shape_cast %get3A_1711 : vector<1x16xf32> to vector<16xf32>
        %mul3A_1713 = vector.broadcast %squeeze3A_1702 : f32 to vector<16xf32>
        %mul3A_1714 = arith.mulf %get3A_1712, %mul3A_1713 : vector<16xf32>
        %get3A_1715 = arith.index_cast %add3A_1700 : i32 to index
        %get3A_1716 = arith.constant 0 : index
        %get3A_1717 = tpu.vector_load %arg23[%get3A_1715, %get3A_1716] {strides = array<i32>} : memref<112x96xf32, #tpu.memory_space<vmem>>, vector<1x16xf32>,
        %get3A_1718 = vector.shape_cast %get3A_1717 : vector<1x16xf32> to vector<16xf32>
        %mul3A_1719 = vector.broadcast %squeeze3A_1704 : f32 to vector<16xf32>
        %mul3A_1720 = arith.mulf %get3A_1718, %mul3A_1719 : vector<16xf32>
        %add3A_1721 = arith.addf %mul3A_1714, %mul3A_1720 : vector<16xf32>
        %get3A_1722 = arith.index_cast %add3A_1700 : i32 to index
        %get3A_1723 = arith.constant 0 : index
        %get3A_1724 = tpu.vector_load %arg24[%get3A_1722, %get3A_1723] {strides = array<i32>} : memref<112x96xf32, #tpu.memory_space<vmem>>, vector<1x16xf32>,
        %get3A_1725 = vector.shape_cast %get3A_1724 : vector<1x16xf32> to vector<16xf32>
        %mul3A_1726 = vector.broadcast %squeeze3A_1706 : f32 to vector<16xf32>
        %mul3A_1727 = arith.mulf %get3A_1725, %mul3A_1726 : vector<16xf32>
        %add3A_1728 = arith.addf %add3A_1721, %mul3A_1727 : vector<16xf32>
        %get3A_1729 = arith.index_cast %add3A_1700 : i32 to index
        %get3A_1730 = arith.constant 0 : index
        %get3A_1731 = tpu.vector_load %arg25[%get3A_1729, %get3A_1730] {strides = array<i32>} : memref<112x96xf32, #tpu.memory_space<vmem>>, vector<1x16xf32>,
        %get3A_1732 = vector.shape_cast %get3A_1731 : vector<1x16xf32> to vector<16xf32>
        %mul3A_1733 = vector.broadcast %squeeze3A_1708 : f32 to vector<16xf32>
        %mul3A_1734 = arith.mulf %get3A_1732, %mul3A_1733 : vector<16xf32>
        %add3A_1735 = arith.addf %add3A_1728, %mul3A_1734 : vector<16xf32>
        %swap3A_1736 = arith.index_cast %add3A_1700 : i32 to index
        %swap3A_1737 = arith.constant 0 : index
        %swap3A_1738 = tpu.vector_load %arg26[%swap3A_1736, %swap3A_1737] {strides = array<i32>} : memref<112x96xf32, #tpu.memory_space<vmem>>, vector<1x16xf32>,
        %swap3A_1739 = vector.shape_cast %swap3A_1738 : vector<1x16xf32> to vector<16xf32>
        %swap3A_1740 = vector.shape_cast %add3A_1735 : vector<16xf32> to vector<1x16xf32>
        tpu.vector_store %arg26[%swap3A_1736, %swap3A_1737], %swap3A_1740 {strides = array<i32>} : memref<112x96xf32, #tpu.memory_space<vmem>>, vector<1x16xf32>,
        %get3A_1741 = arith.index_cast %add3A_1700 : i32 to index
        %get3A_1742 = arith.constant 16 : index
        %get3A_1743 = tpu.vector_load %arg22[%get3A_1741, %get3A_1742] {strides = array<i32>} : memref<112x96xf32, #tpu.memory_space<vmem>>, vector<1x16xf32>,
        %get3A_1744 = vector.shape_cast %get3A_1743 : vector<1x16xf32> to vector<16xf32>
        %mul3A_1745 = vector.broadcast %squeeze3A_1702 : f32 to vector<16xf32>
        %mul3A_1746 = arith.mulf %get3A_1744, %mul3A_1745 : vector<16xf32>
        %get3A_1747 = arith.index_cast %add3A_1700 : i32 to index
        %get3A_1748 = arith.constant 16 : index
        %get3A_1749 = tpu.vector_load %arg23[%get3A_1747, %get3A_1748] {strides = array<i32>} : memref<112x96xf32, #tpu.memory_space<vmem>>, vector<1x16xf32>,
        %get3A_1750 = vector.shape_cast %get3A_1749 : vector<1x16xf32> to vector<16xf32>
        %mul3A_1751 = vector.broadcast %squeeze3A_1704 : f32 to vector<16xf32>
        %mul3A_1752 = arith.mulf %get3A_1750, %mul3A_1751 : vector<16xf32>
        %add3A_1753 = arith.addf %mul3A_1746, %mul3A_1752 : vector<16xf32>
        %get3A_1754 = arith.index_cast %add3A_1700 : i32 to index
        %get3A_1755 = arith.constant 16 : index
        %get3A_1756 = tpu.vector_load %arg24[%get3A_1754, %get3A_1755] {strides = array<i32>} : memref<112x96xf32, #tpu.memory_space<vmem>>, vector<1x16xf32>,
        %get3A_1757 = vector.shape_cast %get3A_1756 : vector<1x16xf32> to vector<16xf32>
        %mul3A_1758 = vector.broadcast %squeeze3A_1706 : f32 to vector<16xf32>
        %mul3A_1759 = arith.mulf %get3A_1757, %mul3A_1758 : vector<16xf32>
        %add3A_1760 = arith.addf %add3A_1753, %mul3A_1759 : vector<16xf32>
        %get3A_1761 = arith.index_cast %add3A_1700 : i32 to index
        %get3A_1762 = arith.constant 16 : index
        %get3A_1763 = tpu.vector_load %arg25[%get3A_1761, %get3A_1762] {strides = array<i32>} : memref<112x96xf32, #tpu.memory_space<vmem>>, vector<1x16xf32>,
        %get3A_1764 = vector.shape_cast %get3A_1763 : vector<1x16xf32> to vector<16xf32>
        %mul3A_1765 = vector.broadcast %squeeze3A_1708 : f32 to vector<16xf32>
        %mul3A_1766 = arith.mulf %get3A_1764, %mul3A_1765 : vector<16xf32>
        %add3A_1767 = arith.addf %add3A_1760, %mul3A_1766 : vector<16xf32>
        %swap3A_1768 = arith.index_cast %add3A_1700 : i32 to index
        %swap3A_1769 = arith.constant 16 : index
        %swap3A_1770 = tpu.vector_load %arg26[%swap3A_1768, %swap3A_1769] {strides = array<i32>} : memref<112x96xf32, #tpu.memory_space<vmem>>, vector<1x16xf32>,
        %swap3A_1771 = vector.shape_cast %swap3A_1770 : vector<1x16xf32> to vector<16xf32>
        %swap3A_1772 = vector.shape_cast %add3A_1767 : vector<16xf32> to vector<1x16xf32>
        tpu.vector_store %arg26[%swap3A_1768, %swap3A_1769], %swap3A_1772 {strides = array<i32>} : memref<112x96xf32, #tpu.memory_space<vmem>>, vector<1x16xf32>,
        %get3A_1773 = arith.index_cast %add3A_1700 : i32 to index
        %get3A_1774 = arith.constant 32 : index
        %get3A_1775 = tpu.vector_load %arg22[%get3A_1773, %get3A_1774] {strides = array<i32>} : memref<112x96xf32, #tpu.memory_space<vmem>>, vector<1x16xf32>,
        %get3A_1776 = vector.shape_cast %get3A_1775 : vector<1x16xf32> to vector<16xf32>
        %mul3A_1777 = vector.broadcast %squeeze3A_1702 : f32 to vector<16xf32>
        %mul3A_1778 = arith.mulf %get3A_1776, %mul3A_1777 : vector<16xf32>
        %get3A_1779 = arith.index_cast %add3A_1700 : i32 to index
        %get3A_1780 = arith.constant 32 : index
        %get3A_1781 = tpu.vector_load %arg23[%get3A_1779, %get3A_1780] {strides = array<i32>} : memref<112x96xf32, #tpu.memory_space<vmem>>, vector<1x16xf32>,
        %get3A_1782 = vector.shape_cast %get3A_1781 : vector<1x16xf32> to vector<16xf32>
        %mul3A_1783 = vector.broadcast %squeeze3A_1704 : f32 to vector<16xf32>
        %mul3A_1784 = arith.mulf %get3A_1782, %mul3A_1783 : vector<16xf32>
        %add3A_1785 = arith.addf %mul3A_1778, %mul3A_1784 : vector<16xf32>
        %get3A_1786 = arith.index_cast %add3A_1700 : i32 to index
        %get3A_1787 = arith.constant 32 : index
        %get3A_1788 = tpu.vector_load %arg24[%get3A_1786, %get3A_1787] {strides = array<i32>} : memref<112x96xf32, #tpu.memory_space<vmem>>, vector<1x16xf32>,
        %get3A_1789 = vector.shape_cast %get3A_1788 : vector<1x16xf32> to vector<16xf32>
        %mul3A_1790 = vector.broadcast %squeeze3A_1706 : f32 to vector<16xf32>
        %mul3A_1791 = arith.mulf %get3A_1789, %mul3A_1790 : vector<16xf32>
        %add3A_1792 = arith.addf %add3A_1785, %mul3A_1791 : vector<16xf32>
        %get3A_1793 = arith.index_cast %add3A_1700 : i32 to index
        %get3A_1794 = arith.constant 32 : index
        %get3A_1795 = tpu.vector_load %arg25[%get3A_1793, %get3A_1794] {strides = array<i32>} : memref<112x96xf32, #tpu.memory_space<vmem>>, vector<1x16xf32>,
        %get3A_1796 = vector.shape_cast %get3A_1795 : vector<1x16xf32> to vector<16xf32>
        %mul3A_1797 = vector.broadcast %squeeze3A_1708 : f32 to vector<16xf32>
        %mul3A_1798 = arith.mulf %get3A_1796, %mul3A_1797 : vector<16xf32>
        %add3A_1799 = arith.addf %add3A_1792, %mul3A_1798 : vector<16xf32>
        %swap3A_1800 = arith.index_cast %add3A_1700 : i32 to index
        %swap3A_1801 = arith.constant 32 : index
        %swap3A_1802 = tpu.vector_load %arg26[%swap3A_1800, %swap3A_1801] {strides = array<i32>} : memref<112x96xf32, #tpu.memory_space<vmem>>, vector<1x16xf32>,
        %swap3A_1803 = vector.shape_cast %swap3A_1802 : vector<1x16xf32> to vector<16xf32>
        %swap3A_1804 = vector.shape_cast %add3A_1799 : vector<16xf32> to vector<1x16xf32>
        tpu.vector_store %arg26[%swap3A_1800, %swap3A_1801], %swap3A_1804 {strides = array<i32>} : memref<112x96xf32, #tpu.memory_space<vmem>>, vector<1x16xf32>,
        %get3A_1805 = arith.index_cast %add3A_1700 : i32 to index
        %get3A_1806 = arith.constant 48 : index
        %get3A_1807 = tpu.vector_load %arg22[%get3A_1805, %get3A_1806] {strides = array<i32>} : memref<112x96xf32, #tpu.memory_space<vmem>>, vector<1x16xf32>,
        %get3A_1808 = vector.shape_cast %get3A_1807 : vector<1x16xf32> to vector<16xf32>
        %mul3A_1809 = vector.broadcast %squeeze3A_1702 : f32 to vector<16xf32>
        %mul3A_1810 = arith.mulf %get3A_1808, %mul3A_1809 : vector<16xf32>
        %get3A_1811 = arith.index_cast %add3A_1700 : i32 to index
        %get3A_1812 = arith.constant 48 : index
        %get3A_1813 = tpu.vector_load %arg23[%get3A_1811, %get3A_1812] {strides = array<i32>} : memref<112x96xf32, #tpu.memory_space<vmem>>, vector<1x16xf32>,
        %get3A_1814 = vector.shape_cast %get3A_1813 : vector<1x16xf32> to vector<16xf32>
        %mul3A_1815 = vector.broadcast %squeeze3A_1704 : f32 to vector<16xf32>
        %mul3A_1816 = arith.mulf %get3A_1814, %mul3A_1815 : vector<16xf32>
        %add3A_1817 = arith.addf %mul3A_1810, %mul3A_1816 : vector<16xf32>
        %get3A_1818 = arith.index_cast %add3A_1700 : i32 to index
        %get3A_1819 = arith.constant 48 : index
        %get3A_1820 = tpu.vector_load %arg24[%get3A_1818, %get3A_1819] {strides = array<i32>} : memref<112x96xf32, #tpu.memory_space<vmem>>, vector<1x16xf32>,
        %get3A_1821 = vector.shape_cast %get3A_1820 : vector<1x16xf32> to vector<16xf32>
        %mul3A_1822 = vector.broadcast %squeeze3A_1706 : f32 to vector<16xf32>
        %mul3A_1823 = arith.mulf %get3A_1821, %mul3A_1822 : vector<16xf32>
        %add3A_1824 = arith.addf %add3A_1817, %mul3A_1823 : vector<16xf32>
        %get3A_1825 = arith.index_cast %add3A_1700 : i32 to index
        %get3A_1826 = arith.constant 48 : index
        %get3A_1827 = tpu.vector_load %arg25[%get3A_1825, %get3A_1826] {strides = array<i32>} : memref<112x96xf32, #tpu.memory_space<vmem>>, vector<1x16xf32>,
        %get3A_1828 = vector.shape_cast %get3A_1827 : vector<1x16xf32> to vector<16xf32>
        %mul3A_1829 = vector.broadcast %squeeze3A_1708 : f32 to vector<16xf32>
        %mul3A_1830 = arith.mulf %get3A_1828, %mul3A_1829 : vector<16xf32>
        %add3A_1831 = arith.addf %add3A_1824, %mul3A_1830 : vector<16xf32>
        %swap3A_1832 = arith.index_cast %add3A_1700 : i32 to index
        %swap3A_1833 = arith.constant 48 : index
        %swap3A_1834 = tpu.vector_load %arg26[%swap3A_1832, %swap3A_1833] {strides = array<i32>} : memref<112x96xf32, #tpu.memory_space<vmem>>, vector<1x16xf32>,
        %swap3A_1835 = vector.shape_cast %swap3A_1834 : vector<1x16xf32> to vector<16xf32>
        %swap3A_1836 = vector.shape_cast %add3A_1831 : vector<16xf32> to vector<1x16xf32>
        tpu.vector_store %arg26[%swap3A_1832, %swap3A_1833], %swap3A_1836 {strides = array<i32>} : memref<112x96xf32, #tpu.memory_space<vmem>>, vector<1x16xf32>,
        %get3A_1837 = arith.index_cast %add3A_1700 : i32 to index
        %get3A_1838 = arith.constant 64 : index
        %get3A_1839 = tpu.vector_load %arg22[%get3A_1837, %get3A_1838] {strides = array<i32>} : memref<112x96xf32, #tpu.memory_space<vmem>>, vector<1x16xf32>,
        %get3A_1840 = vector.shape_cast %get3A_1839 : vector<1x16xf32> to vector<16xf32>
        %mul3A_1841 = vector.broadcast %squeeze3A_1702 : f32 to vector<16xf32>
        %mul3A_1842 = arith.mulf %get3A_1840, %mul3A_1841 : vector<16xf32>
        %get3A_1843 = arith.index_cast %add3A_1700 : i32 to index
        %get3A_1844 = arith.constant 64 : index
        %get3A_1845 = tpu.vector_load %arg23[%get3A_1843, %get3A_1844] {strides = array<i32>} : memref<112x96xf32, #tpu.memory_space<vmem>>, vector<1x16xf32>,
        %get3A_1846 = vector.shape_cast %get3A_1845 : vector<1x16xf32> to vector<16xf32>
        %mul3A_1847 = vector.broadcast %squeeze3A_1704 : f32 to vector<16xf32>
        %mul3A_1848 = arith.mulf %get3A_1846, %mul3A_1847 : vector<16xf32>
        %add3A_1849 = arith.addf %mul3A_1842, %mul3A_1848 : vector<16xf32>
        %get3A_1850 = arith.index_cast %add3A_1700 : i32 to index
        %get3A_1851 = arith.constant 64 : index
        %get3A_1852 = tpu.vector_load %arg24[%get3A_1850, %get3A_1851] {strides = array<i32>} : memref<112x96xf32, #tpu.memory_space<vmem>>, vector<1x16xf32>,
        %get3A_1853 = vector.shape_cast %get3A_1852 : vector<1x16xf32> to vector<16xf32>
        %mul3A_1854 = vector.broadcast %squeeze3A_1706 : f32 to vector<16xf32>
        %mul3A_1855 = arith.mulf %get3A_1853, %mul3A_1854 : vector<16xf32>
        %add3A_1856 = arith.addf %add3A_1849, %mul3A_1855 : vector<16xf32>
        %get3A_1857 = arith.index_cast %add3A_1700 : i32 to index
        %get3A_1858 = arith.constant 64 : index
        %get3A_1859 = tpu.vector_load %arg25[%get3A_1857, %get3A_1858] {strides = array<i32>} : memref<112x96xf32, #tpu.memory_space<vmem>>, vector<1x16xf32>,
        %get3A_1860 = vector.shape_cast %get3A_1859 : vector<1x16xf32> to vector<16xf32>
        %mul3A_1861 = vector.broadcast %squeeze3A_1708 : f32 to vector<16xf32>
        %mul3A_1862 = arith.mulf %get3A_1860, %mul3A_1861 : vector<16xf32>
        %add3A_1863 = arith.addf %add3A_1856, %mul3A_1862 : vector<16xf32>
        %swap3A_1864 = arith.index_cast %add3A_1700 : i32 to index
        %swap3A_1865 = arith.constant 64 : index
        %swap3A_1866 = tpu.vector_load %arg26[%swap3A_1864, %swap3A_1865] {strides = array<i32>} : memref<112x96xf32, #tpu.memory_space<vmem>>, vector<1x16xf32>,
        %swap3A_1867 = vector.shape_cast %swap3A_1866 : vector<1x16xf32> to vector<16xf32>
        %swap3A_1868 = vector.shape_cast %add3A_1863 : vector<16xf32> to vector<1x16xf32>
        tpu.vector_store %arg26[%swap3A_1864, %swap3A_1865], %swap3A_1868 {strides = array<i32>} : memref<112x96xf32, #tpu.memory_space<vmem>>, vector<1x16xf32>,
        %get3A_1869 = arith.index_cast %add3A_1700 : i32 to index
        %get3A_1870 = arith.constant 80 : index
        %get3A_1871 = tpu.vector_load %arg22[%get3A_1869, %get3A_1870] {strides = array<i32>} : memref<112x96xf32, #tpu.memory_space<vmem>>, vector<1x16xf32>,
        %get3A_1872 = vector.shape_cast %get3A_1871 : vector<1x16xf32> to vector<16xf32>
        %mul3A_1873 = vector.broadcast %squeeze3A_1702 : f32 to vector<16xf32>
        %mul3A_1874 = arith.mulf %get3A_1872, %mul3A_1873 : vector<16xf32>
        %get3A_1875 = arith.index_cast %add3A_1700 : i32 to index
        %get3A_1876 = arith.constant 80 : index
        %get3A_1877 = tpu.vector_load %arg23[%get3A_1875, %get3A_1876] {strides = array<i32>} : memref<112x96xf32, #tpu.memory_space<vmem>>, vector<1x16xf32>,
        %get3A_1878 = vector.shape_cast %get3A_1877 : vector<1x16xf32> to vector<16xf32>
        %mul3A_1879 = vector.broadcast %squeeze3A_1704 : f32 to vector<16xf32>
        %mul3A_1880 = arith.mulf %get3A_1878, %mul3A_1879 : vector<16xf32>
        %add3A_1881 = arith.addf %mul3A_1874, %mul3A_1880 : vector<16xf32>
        %get3A_1882 = arith.index_cast %add3A_1700 : i32 to index
        %get3A_1883 = arith.constant 80 : index
        %get3A_1884 = tpu.vector_load %arg24[%get3A_1882, %get3A_1883] {strides = array<i32>} : memref<112x96xf32, #tpu.memory_space<vmem>>, vector<1x16xf32>,
        %get3A_1885 = vector.shape_cast %get3A_1884 : vector<1x16xf32> to vector<16xf32>
        %mul3A_1886 = vector.broadcast %squeeze3A_1706 : f32 to vector<16xf32>
        %mul3A_1887 = arith.mulf %get3A_1885, %mul3A_1886 : vector<16xf32>
        %add3A_1888 = arith.addf %add3A_1881, %mul3A_1887 : vector<16xf32>
        %get3A_1889 = arith.index_cast %add3A_1700 : i32 to index
        %get3A_1890 = arith.constant 80 : index
        %get3A_1891 = tpu.vector_load %arg25[%get3A_1889, %get3A_1890] {strides = array<i32>} : memref<112x96xf32, #tpu.memory_space<vmem>>, vector<1x16xf32>,
        %get3A_1892 = vector.shape_cast %get3A_1891 : vector<1x16xf32> to vector<16xf32>
        %mul3A_1893 = vector.broadcast %squeeze3A_1708 : f32 to vector<16xf32>
        %mul3A_1894 = arith.mulf %get3A_1892, %mul3A_1893 : vector<16xf32>
        %add3A_1895 = arith.addf %add3A_1888, %mul3A_1894 : vector<16xf32>
        %swap3A_1896 = arith.index_cast %add3A_1700 : i32 to index
        %swap3A_1897 = arith.constant 80 : index
        %swap3A_1898 = tpu.vector_load %arg26[%swap3A_1896, %swap3A_1897] {strides = array<i32>} : memref<112x96xf32, #tpu.memory_space<vmem>>, vector<1x16xf32>,
        %swap3A_1899 = vector.shape_cast %swap3A_1898 : vector<1x16xf32> to vector<16xf32>
        %swap3A_1900 = vector.shape_cast %add3A_1895 : vector<16xf32> to vector<1x16xf32>
        tpu.vector_store %arg26[%swap3A_1896, %swap3A_1897], %swap3A_1900 {strides = array<i32>} : memref<112x96xf32, #tpu.memory_space<vmem>>, vector<1x16xf32>,
        %add3A_1901 = arith.constant 9 : i32
        %add3A_1902 = arith.addi %mul3A_74, %add3A_1901 : i32
        %slice3A_1903 = vector.extract_strided_slice %get3A_76 {offsets = [9], sizes = [1], strides = [1]} : vector<16xf32> to vector<1xf32>
        %squeeze3A_1904 = vector.extract %slice3A_1903[0] : f32 from vector<1xf32>
        %slice3A_1905 = vector.extract_strided_slice %get3A_79 {offsets = [9], sizes = [1], strides = [1]} : vector<16xf32> to vector<1xf32>
        %squeeze3A_1906 = vector.extract %slice3A_1905[0] : f32 from vector<1xf32>
        %slice3A_1907 = vector.extract_strided_slice %get3A_82 {offsets = [9], sizes = [1], strides = [1]} : vector<16xf32> to vector<1xf32>
        %squeeze3A_1908 = vector.extract %slice3A_1907[0] : f32 from vector<1xf32>
        %slice3A_1909 = vector.extract_strided_slice %get3A_85 {offsets = [9], sizes = [1], strides = [1]} : vector<16xf32> to vector<1xf32>
        %squeeze3A_1910 = vector.extract %slice3A_1909[0] : f32 from vector<1xf32>
        %get3A_1911 = arith.index_cast %add3A_1902 : i32 to index
        %get3A_1912 = arith.constant 0 : index
        %get3A_1913 = tpu.vector_load %arg22[%get3A_1911, %get3A_1912] {strides = array<i32>} : memref<112x96xf32, #tpu.memory_space<vmem>>, vector<1x16xf32>,
        %get3A_1914 = vector.shape_cast %get3A_1913 : vector<1x16xf32> to vector<16xf32>
        %mul3A_1915 = vector.broadcast %squeeze3A_1904 : f32 to vector<16xf32>
        %mul3A_1916 = arith.mulf %get3A_1914, %mul3A_1915 : vector<16xf32>
        %get3A_1917 = arith.index_cast %add3A_1902 : i32 to index
        %get3A_1918 = arith.constant 0 : index
        %get3A_1919 = tpu.vector_load %arg23[%get3A_1917, %get3A_1918] {strides = array<i32>} : memref<112x96xf32, #tpu.memory_space<vmem>>, vector<1x16xf32>,
        %get3A_1920 = vector.shape_cast %get3A_1919 : vector<1x16xf32> to vector<16xf32>
        %mul3A_1921 = vector.broadcast %squeeze3A_1906 : f32 to vector<16xf32>
        %mul3A_1922 = arith.mulf %get3A_1920, %mul3A_1921 : vector<16xf32>
        %add3A_1923 = arith.addf %mul3A_1916, %mul3A_1922 : vector<16xf32>
        %get3A_1924 = arith.index_cast %add3A_1902 : i32 to index
        %get3A_1925 = arith.constant 0 : index
        %get3A_1926 = tpu.vector_load %arg24[%get3A_1924, %get3A_1925] {strides = array<i32>} : memref<112x96xf32, #tpu.memory_space<vmem>>, vector<1x16xf32>,
        %get3A_1927 = vector.shape_cast %get3A_1926 : vector<1x16xf32> to vector<16xf32>
        %mul3A_1928 = vector.broadcast %squeeze3A_1908 : f32 to vector<16xf32>
        %mul3A_1929 = arith.mulf %get3A_1927, %mul3A_1928 : vector<16xf32>
        %add3A_1930 = arith.addf %add3A_1923, %mul3A_1929 : vector<16xf32>
        %get3A_1931 = arith.index_cast %add3A_1902 : i32 to index
        %get3A_1932 = arith.constant 0 : index
        %get3A_1933 = tpu.vector_load %arg25[%get3A_1931, %get3A_1932] {strides = array<i32>} : memref<112x96xf32, #tpu.memory_space<vmem>>, vector<1x16xf32>,
        %get3A_1934 = vector.shape_cast %get3A_1933 : vector<1x16xf32> to vector<16xf32>
        %mul3A_1935 = vector.broadcast %squeeze3A_1910 : f32 to vector<16xf32>
        %mul3A_1936 = arith.mulf %get3A_1934, %mul3A_1935 : vector<16xf32>
        %add3A_1937 = arith.addf %add3A_1930, %mul3A_1936 : vector<16xf32>
        %swap3A_1938 = arith.index_cast %add3A_1902 : i32 to index
        %swap3A_1939 = arith.constant 0 : index
        %swap3A_1940 = tpu.vector_load %arg26[%swap3A_1938, %swap3A_1939] {strides = array<i32>} : memref<112x96xf32, #tpu.memory_space<vmem>>, vector<1x16xf32>,
        %swap3A_1941 = vector.shape_cast %swap3A_1940 : vector<1x16xf32> to vector<16xf32>
        %swap3A_1942 = vector.shape_cast %add3A_1937 : vector<16xf32> to vector<1x16xf32>
        tpu.vector_store %arg26[%swap3A_1938, %swap3A_1939], %swap3A_1942 {strides = array<i32>} : memref<112x96xf32, #tpu.memory_space<vmem>>, vector<1x16xf32>,
        %get3A_1943 = arith.index_cast %add3A_1902 : i32 to index
        %get3A_1944 = arith.constant 16 : index
        %get3A_1945 = tpu.vector_load %arg22[%get3A_1943, %get3A_1944] {strides = array<i32>} : memref<112x96xf32, #tpu.memory_space<vmem>>, vector<1x16xf32>,
        %get3A_1946 = vector.shape_cast %get3A_1945 : vector<1x16xf32> to vector<16xf32>
        %mul3A_1947 = vector.broadcast %squeeze3A_1904 : f32 to vector<16xf32>
        %mul3A_1948 = arith.mulf %get3A_1946, %mul3A_1947 : vector<16xf32>
        %get3A_1949 = arith.index_cast %add3A_1902 : i32 to index
        %get3A_1950 = arith.constant 16 : index
        %get3A_1951 = tpu.vector_load %arg23[%get3A_1949, %get3A_1950] {strides = array<i32>} : memref<112x96xf32, #tpu.memory_space<vmem>>, vector<1x16xf32>,
        %get3A_1952 = vector.shape_cast %get3A_1951 : vector<1x16xf32> to vector<16xf32>
        %mul3A_1953 = vector.broadcast %squeeze3A_1906 : f32 to vector<16xf32>
        %mul3A_1954 = arith.mulf %get3A_1952, %mul3A_1953 : vector<16xf32>
        %add3A_1955 = arith.addf %mul3A_1948, %mul3A_1954 : vector<16xf32>
        %get3A_1956 = arith.index_cast %add3A_1902 : i32 to index
        %get3A_1957 = arith.constant 16 : index
        %get3A_1958 = tpu.vector_load %arg24[%get3A_1956, %get3A_1957] {strides = array<i32>} : memref<112x96xf32, #tpu.memory_space<vmem>>, vector<1x16xf32>,
        %get3A_1959 = vector.shape_cast %get3A_1958 : vector<1x16xf32> to vector<16xf32>
        %mul3A_1960 = vector.broadcast %squeeze3A_1908 : f32 to vector<16xf32>
        %mul3A_1961 = arith.mulf %get3A_1959, %mul3A_1960 : vector<16xf32>
        %add3A_1962 = arith.addf %add3A_1955, %mul3A_1961 : vector<16xf32>
        %get3A_1963 = arith.index_cast %add3A_1902 : i32 to index
        %get3A_1964 = arith.constant 16 : index
        %get3A_1965 = tpu.vector_load %arg25[%get3A_1963, %get3A_1964] {strides = array<i32>} : memref<112x96xf32, #tpu.memory_space<vmem>>, vector<1x16xf32>,
        %get3A_1966 = vector.shape_cast %get3A_1965 : vector<1x16xf32> to vector<16xf32>
        %mul3A_1967 = vector.broadcast %squeeze3A_1910 : f32 to vector<16xf32>
        %mul3A_1968 = arith.mulf %get3A_1966, %mul3A_1967 : vector<16xf32>
        %add3A_1969 = arith.addf %add3A_1962, %mul3A_1968 : vector<16xf32>
        %swap3A_1970 = arith.index_cast %add3A_1902 : i32 to index
        %swap3A_1971 = arith.constant 16 : index
        %swap3A_1972 = tpu.vector_load %arg26[%swap3A_1970, %swap3A_1971] {strides = array<i32>} : memref<112x96xf32, #tpu.memory_space<vmem>>, vector<1x16xf32>,
        %swap3A_1973 = vector.shape_cast %swap3A_1972 : vector<1x16xf32> to vector<16xf32>
        %swap3A_1974 = vector.shape_cast %add3A_1969 : vector<16xf32> to vector<1x16xf32>
        tpu.vector_store %arg26[%swap3A_1970, %swap3A_1971], %swap3A_1974 {strides = array<i32>} : memref<112x96xf32, #tpu.memory_space<vmem>>, vector<1x16xf32>,
        %get3A_1975 = arith.index_cast %add3A_1902 : i32 to index
        %get3A_1976 = arith.constant 32 : index
        %get3A_1977 = tpu.vector_load %arg22[%get3A_1975, %get3A_1976] {strides = array<i32>} : memref<112x96xf32, #tpu.memory_space<vmem>>, vector<1x16xf32>,
        %get3A_1978 = vector.shape_cast %get3A_1977 : vector<1x16xf32> to vector<16xf32>
        %mul3A_1979 = vector.broadcast %squeeze3A_1904 : f32 to vector<16xf32>
        %mul3A_1980 = arith.mulf %get3A_1978, %mul3A_1979 : vector<16xf32>
        %get3A_1981 = arith.index_cast %add3A_1902 : i32 to index
        %get3A_1982 = arith.constant 32 : index
        %get3A_1983 = tpu.vector_load %arg23[%get3A_1981, %get3A_1982] {strides = array<i32>} : memref<112x96xf32, #tpu.memory_space<vmem>>, vector<1x16xf32>,
        %get3A_1984 = vector.shape_cast %get3A_1983 : vector<1x16xf32> to vector<16xf32>
        %mul3A_1985 = vector.broadcast %squeeze3A_1906 : f32 to vector<16xf32>
        %mul3A_1986 = arith.mulf %get3A_1984, %mul3A_1985 : vector<16xf32>
        %add3A_1987 = arith.addf %mul3A_1980, %mul3A_1986 : vector<16xf32>
        %get3A_1988 = arith.index_cast %add3A_1902 : i32 to index
        %get3A_1989 = arith.constant 32 : index
        %get3A_1990 = tpu.vector_load %arg24[%get3A_1988, %get3A_1989] {strides = array<i32>} : memref<112x96xf32, #tpu.memory_space<vmem>>, vector<1x16xf32>,
        %get3A_1991 = vector.shape_cast %get3A_1990 : vector<1x16xf32> to vector<16xf32>
        %mul3A_1992 = vector.broadcast %squeeze3A_1908 : f32 to vector<16xf32>
        %mul3A_1993 = arith.mulf %get3A_1991, %mul3A_1992 : vector<16xf32>
        %add3A_1994 = arith.addf %add3A_1987, %mul3A_1993 : vector<16xf32>
        %get3A_1995 = arith.index_cast %add3A_1902 : i32 to index
        %get3A_1996 = arith.constant 32 : index
        %get3A_1997 = tpu.vector_load %arg25[%get3A_1995, %get3A_1996] {strides = array<i32>} : memref<112x96xf32, #tpu.memory_space<vmem>>, vector<1x16xf32>,
        %get3A_1998 = vector.shape_cast %get3A_1997 : vector<1x16xf32> to vector<16xf32>
        %mul3A_1999 = vector.broadcast %squeeze3A_1910 : f32 to vector<16xf32>
        %mul3A_2000 = arith.mulf %get3A_1998, %mul3A_1999 : vector<16xf32>
        %add3A_2001 = arith.addf %add3A_1994, %mul3A_2000 : vector<16xf32>
        %swap3A_2002 = arith.index_cast %add3A_1902 : i32 to index
        %swap3A_2003 = arith.constant 32 : index
        %swap3A_2004 = tpu.vector_load %arg26[%swap3A_2002, %swap3A_2003] {strides = array<i32>} : memref<112x96xf32, #tpu.memory_space<vmem>>, vector<1x16xf32>,
        %swap3A_2005 = vector.shape_cast %swap3A_2004 : vector<1x16xf32> to vector<16xf32>
        %swap3A_2006 = vector.shape_cast %add3A_2001 : vector<16xf32> to vector<1x16xf32>
        tpu.vector_store %arg26[%swap3A_2002, %swap3A_2003], %swap3A_2006 {strides = array<i32>} : memref<112x96xf32, #tpu.memory_space<vmem>>, vector<1x16xf32>,
        %get3A_2007 = arith.index_cast %add3A_1902 : i32 to index
        %get3A_2008 = arith.constant 48 : index
        %get3A_2009 = tpu.vector_load %arg22[%get3A_2007, %get3A_2008] {strides = array<i32>} : memref<112x96xf32, #tpu.memory_space<vmem>>, vector<1x16xf32>,
        %get3A_2010 = vector.shape_cast %get3A_2009 : vector<1x16xf32> to vector<16xf32>
        %mul3A_2011 = vector.broadcast %squeeze3A_1904 : f32 to vector<16xf32>
        %mul3A_2012 = arith.mulf %get3A_2010, %mul3A_2011 : vector<16xf32>
        %get3A_2013 = arith.index_cast %add3A_1902 : i32 to index
        %get3A_2014 = arith.constant 48 : index
        %get3A_2015 = tpu.vector_load %arg23[%get3A_2013, %get3A_2014] {strides = array<i32>} : memref<112x96xf32, #tpu.memory_space<vmem>>, vector<1x16xf32>,
        %get3A_2016 = vector.shape_cast %get3A_2015 : vector<1x16xf32> to vector<16xf32>
        %mul3A_2017 = vector.broadcast %squeeze3A_1906 : f32 to vector<16xf32>
        %mul3A_2018 = arith.mulf %get3A_2016, %mul3A_2017 : vector<16xf32>
        %add3A_2019 = arith.addf %mul3A_2012, %mul3A_2018 : vector<16xf32>
        %get3A_2020 = arith.index_cast %add3A_1902 : i32 to index
        %get3A_2021 = arith.constant 48 : index
        %get3A_2022 = tpu.vector_load %arg24[%get3A_2020, %get3A_2021] {strides = array<i32>} : memref<112x96xf32, #tpu.memory_space<vmem>>, vector<1x16xf32>,
        %get3A_2023 = vector.shape_cast %get3A_2022 : vector<1x16xf32> to vector<16xf32>
        %mul3A_2024 = vector.broadcast %squeeze3A_1908 : f32 to vector<16xf32>
        %mul3A_2025 = arith.mulf %get3A_2023, %mul3A_2024 : vector<16xf32>
        %add3A_2026 = arith.addf %add3A_2019, %mul3A_2025 : vector<16xf32>
        %get3A_2027 = arith.index_cast %add3A_1902 : i32 to index
        %get3A_2028 = arith.constant 48 : index
        %get3A_2029 = tpu.vector_load %arg25[%get3A_2027, %get3A_2028] {strides = array<i32>} : memref<112x96xf32, #tpu.memory_space<vmem>>, vector<1x16xf32>,
        %get3A_2030 = vector.shape_cast %get3A_2029 : vector<1x16xf32> to vector<16xf32>
        %mul3A_2031 = vector.broadcast %squeeze3A_1910 : f32 to vector<16xf32>
        %mul3A_2032 = arith.mulf %get3A_2030, %mul3A_2031 : vector<16xf32>
        %add3A_2033 = arith.addf %add3A_2026, %mul3A_2032 : vector<16xf32>
        %swap3A_2034 = arith.index_cast %add3A_1902 : i32 to index
        %swap3A_2035 = arith.constant 48 : index
        %swap3A_2036 = tpu.vector_load %arg26[%swap3A_2034, %swap3A_2035] {strides = array<i32>} : memref<112x96xf32, #tpu.memory_space<vmem>>, vector<1x16xf32>,
        %swap3A_2037 = vector.shape_cast %swap3A_2036 : vector<1x16xf32> to vector<16xf32>
        %swap3A_2038 = vector.shape_cast %add3A_2033 : vector<16xf32> to vector<1x16xf32>
        tpu.vector_store %arg26[%swap3A_2034, %swap3A_2035], %swap3A_2038 {strides = array<i32>} : memref<112x96xf32, #tpu.memory_space<vmem>>, vector<1x16xf32>,
        %get3A_2039 = arith.index_cast %add3A_1902 : i32 to index
        %get3A_2040 = arith.constant 64 : index
        %get3A_2041 = tpu.vector_load %arg22[%get3A_2039, %get3A_2040] {strides = array<i32>} : memref<112x96xf32, #tpu.memory_space<vmem>>, vector<1x16xf32>,
        %get3A_2042 = vector.shape_cast %get3A_2041 : vector<1x16xf32> to vector<16xf32>
        %mul3A_2043 = vector.broadcast %squeeze3A_1904 : f32 to vector<16xf32>
        %mul3A_2044 = arith.mulf %get3A_2042, %mul3A_2043 : vector<16xf32>
        %get3A_2045 = arith.index_cast %add3A_1902 : i32 to index
        %get3A_2046 = arith.constant 64 : index
        %get3A_2047 = tpu.vector_load %arg23[%get3A_2045, %get3A_2046] {strides = array<i32>} : memref<112x96xf32, #tpu.memory_space<vmem>>, vector<1x16xf32>,
        %get3A_2048 = vector.shape_cast %get3A_2047 : vector<1x16xf32> to vector<16xf32>
        %mul3A_2049 = vector.broadcast %squeeze3A_1906 : f32 to vector<16xf32>
        %mul3A_2050 = arith.mulf %get3A_2048, %mul3A_2049 : vector<16xf32>
        %add3A_2051 = arith.addf %mul3A_2044, %mul3A_2050 : vector<16xf32>
        %get3A_2052 = arith.index_cast %add3A_1902 : i32 to index
        %get3A_2053 = arith.constant 64 : index
        %get3A_2054 = tpu.vector_load %arg24[%get3A_2052, %get3A_2053] {strides = array<i32>} : memref<112x96xf32, #tpu.memory_space<vmem>>, vector<1x16xf32>,
        %get3A_2055 = vector.shape_cast %get3A_2054 : vector<1x16xf32> to vector<16xf32>
        %mul3A_2056 = vector.broadcast %squeeze3A_1908 : f32 to vector<16xf32>
        %mul3A_2057 = arith.mulf %get3A_2055, %mul3A_2056 : vector<16xf32>
        %add3A_2058 = arith.addf %add3A_2051, %mul3A_2057 : vector<16xf32>
        %get3A_2059 = arith.index_cast %add3A_1902 : i32 to index
        %get3A_2060 = arith.constant 64 : index
        %get3A_2061 = tpu.vector_load %arg25[%get3A_2059, %get3A_2060] {strides = array<i32>} : memref<112x96xf32, #tpu.memory_space<vmem>>, vector<1x16xf32>,
        %get3A_2062 = vector.shape_cast %get3A_2061 : vector<1x16xf32> to vector<16xf32>
        %mul3A_2063 = vector.broadcast %squeeze3A_1910 : f32 to vector<16xf32>
        %mul3A_2064 = arith.mulf %get3A_2062, %mul3A_2063 : vector<16xf32>
        %add3A_2065 = arith.addf %add3A_2058, %mul3A_2064 : vector<16xf32>
        %swap3A_2066 = arith.index_cast %add3A_1902 : i32 to index
        %swap3A_2067 = arith.constant 64 : index
        %swap3A_2068 = tpu.vector_load %arg26[%swap3A_2066, %swap3A_2067] {strides = array<i32>} : memref<112x96xf32, #tpu.memory_space<vmem>>, vector<1x16xf32>,
        %swap3A_2069 = vector.shape_cast %swap3A_2068 : vector<1x16xf32> to vector<16xf32>
        %swap3A_2070 = vector.shape_cast %add3A_2065 : vector<16xf32> to vector<1x16xf32>
        tpu.vector_store %arg26[%swap3A_2066, %swap3A_2067], %swap3A_2070 {strides = array<i32>} : memref<112x96xf32, #tpu.memory_space<vmem>>, vector<1x16xf32>,
        %get3A_2071 = arith.index_cast %add3A_1902 : i32 to index
        %get3A_2072 = arith.constant 80 : index
        %get3A_2073 = tpu.vector_load %arg22[%get3A_2071, %get3A_2072] {strides = array<i32>} : memref<112x96xf32, #tpu.memory_space<vmem>>, vector<1x16xf32>,
        %get3A_2074 = vector.shape_cast %get3A_2073 : vector<1x16xf32> to vector<16xf32>
        %mul3A_2075 = vector.broadcast %squeeze3A_1904 : f32 to vector<16xf32>
        %mul3A_2076 = arith.mulf %get3A_2074, %mul3A_2075 : vector<16xf32>
        %get3A_2077 = arith.index_cast %add3A_1902 : i32 to index
        %get3A_2078 = arith.constant 80 : index
        %get3A_2079 = tpu.vector_load %arg23[%get3A_2077, %get3A_2078] {strides = array<i32>} : memref<112x96xf32, #tpu.memory_space<vmem>>, vector<1x16xf32>,
        %get3A_2080 = vector.shape_cast %get3A_2079 : vector<1x16xf32> to vector<16xf32>
        %mul3A_2081 = vector.broadcast %squeeze3A_1906 : f32 to vector<16xf32>
        %mul3A_2082 = arith.mulf %get3A_2080, %mul3A_2081 : vector<16xf32>
        %add3A_2083 = arith.addf %mul3A_2076, %mul3A_2082 : vector<16xf32>
        %get3A_2084 = arith.index_cast %add3A_1902 : i32 to index
        %get3A_2085 = arith.constant 80 : index
        %get3A_2086 = tpu.vector_load %arg24[%get3A_2084, %get3A_2085] {strides = array<i32>} : memref<112x96xf32, #tpu.memory_space<vmem>>, vector<1x16xf32>,
        %get3A_2087 = vector.shape_cast %get3A_2086 : vector<1x16xf32> to vector<16xf32>
        %mul3A_2088 = vector.broadcast %squeeze3A_1908 : f32 to vector<16xf32>
        %mul3A_2089 = arith.mulf %get3A_2087, %mul3A_2088 : vector<16xf32>
        %add3A_2090 = arith.addf %add3A_2083, %mul3A_2089 : vector<16xf32>
        %get3A_2091 = arith.index_cast %add3A_1902 : i32 to index
        %get3A_2092 = arith.constant 80 : index
        %get3A_2093 = tpu.vector_load %arg25[%get3A_2091, %get3A_2092] {strides = array<i32>} : memref<112x96xf32, #tpu.memory_space<vmem>>, vector<1x16xf32>,
        %get3A_2094 = vector.shape_cast %get3A_2093 : vector<1x16xf32> to vector<16xf32>
        %mul3A_2095 = vector.broadcast %squeeze3A_1910 : f32 to vector<16xf32>
        %mul3A_2096 = arith.mulf %get3A_2094, %mul3A_2095 : vector<16xf32>
        %add3A_2097 = arith.addf %add3A_2090, %mul3A_2096 : vector<16xf32>
        %swap3A_2098 = arith.index_cast %add3A_1902 : i32 to index
        %swap3A_2099 = arith.constant 80 : index
        %swap3A_2100 = tpu.vector_load %arg26[%swap3A_2098, %swap3A_2099] {strides = array<i32>} : memref<112x96xf32, #tpu.memory_space<vmem>>, vector<1x16xf32>,
        %swap3A_2101 = vector.shape_cast %swap3A_2100 : vector<1x16xf32> to vector<16xf32>
        %swap3A_2102 = vector.shape_cast %add3A_2097 : vector<16xf32> to vector<1x16xf32>
        tpu.vector_store %arg26[%swap3A_2098, %swap3A_2099], %swap3A_2102 {strides = array<i32>} : memref<112x96xf32, #tpu.memory_space<vmem>>, vector<1x16xf32>,
        %add3A_2103 = arith.constant 10 : i32
        %add3A_2104 = arith.addi %mul3A_74, %add3A_2103 : i32
        %slice3A_2105 = vector.extract_strided_slice %get3A_76 {offsets = [10], sizes = [1], strides = [1]} : vector<16xf32> to vector<1xf32>
        %squeeze3A_2106 = vector.extract %slice3A_2105[0] : f32 from vector<1xf32>
        %slice3A_2107 = vector.extract_strided_slice %get3A_79 {offsets = [10], sizes = [1], strides = [1]} : vector<16xf32> to vector<1xf32>
        %squeeze3A_2108 = vector.extract %slice3A_2107[0] : f32 from vector<1xf32>
        %slice3A_2109 = vector.extract_strided_slice %get3A_82 {offsets = [10], sizes = [1], strides = [1]} : vector<16xf32> to vector<1xf32>
        %squeeze3A_2110 = vector.extract %slice3A_2109[0] : f32 from vector<1xf32>
        %slice3A_2111 = vector.extract_strided_slice %get3A_85 {offsets = [10], sizes = [1], strides = [1]} : vector<16xf32> to vector<1xf32>
        %squeeze3A_2112 = vector.extract %slice3A_2111[0] : f32 from vector<1xf32>
        %get3A_2113 = arith.index_cast %add3A_2104 : i32 to index
        %get3A_2114 = arith.constant 0 : index
        %get3A_2115 = tpu.vector_load %arg22[%get3A_2113, %get3A_2114] {strides = array<i32>} : memref<112x96xf32, #tpu.memory_space<vmem>>, vector<1x16xf32>,
        %get3A_2116 = vector.shape_cast %get3A_2115 : vector<1x16xf32> to vector<16xf32>
        %mul3A_2117 = vector.broadcast %squeeze3A_2106 : f32 to vector<16xf32>
        %mul3A_2118 = arith.mulf %get3A_2116, %mul3A_2117 : vector<16xf32>
        %get3A_2119 = arith.index_cast %add3A_2104 : i32 to index
        %get3A_2120 = arith.constant 0 : index
        %get3A_2121 = tpu.vector_load %arg23[%get3A_2119, %get3A_2120] {strides = array<i32>} : memref<112x96xf32, #tpu.memory_space<vmem>>, vector<1x16xf32>,
        %get3A_2122 = vector.shape_cast %get3A_2121 : vector<1x16xf32> to vector<16xf32>
        %mul3A_2123 = vector.broadcast %squeeze3A_2108 : f32 to vector<16xf32>
        %mul3A_2124 = arith.mulf %get3A_2122, %mul3A_2123 : vector<16xf32>
        %add3A_2125 = arith.addf %mul3A_2118, %mul3A_2124 : vector<16xf32>
        %get3A_2126 = arith.index_cast %add3A_2104 : i32 to index
        %get3A_2127 = arith.constant 0 : index
        %get3A_2128 = tpu.vector_load %arg24[%get3A_2126, %get3A_2127] {strides = array<i32>} : memref<112x96xf32, #tpu.memory_space<vmem>>, vector<1x16xf32>,
        %get3A_2129 = vector.shape_cast %get3A_2128 : vector<1x16xf32> to vector<16xf32>
        %mul3A_2130 = vector.broadcast %squeeze3A_2110 : f32 to vector<16xf32>
        %mul3A_2131 = arith.mulf %get3A_2129, %mul3A_2130 : vector<16xf32>
        %add3A_2132 = arith.addf %add3A_2125, %mul3A_2131 : vector<16xf32>
        %get3A_2133 = arith.index_cast %add3A_2104 : i32 to index
        %get3A_2134 = arith.constant 0 : index
        %get3A_2135 = tpu.vector_load %arg25[%get3A_2133, %get3A_2134] {strides = array<i32>} : memref<112x96xf32, #tpu.memory_space<vmem>>, vector<1x16xf32>,
        %get3A_2136 = vector.shape_cast %get3A_2135 : vector<1x16xf32> to vector<16xf32>
        %mul3A_2137 = vector.broadcast %squeeze3A_2112 : f32 to vector<16xf32>
        %mul3A_2138 = arith.mulf %get3A_2136, %mul3A_2137 : vector<16xf32>
        %add3A_2139 = arith.addf %add3A_2132, %mul3A_2138 : vector<16xf32>
        %swap3A_2140 = arith.index_cast %add3A_2104 : i32 to index
        %swap3A_2141 = arith.constant 0 : index
        %swap3A_2142 = tpu.vector_load %arg26[%swap3A_2140, %swap3A_2141] {strides = array<i32>} : memref<112x96xf32, #tpu.memory_space<vmem>>, vector<1x16xf32>,
        %swap3A_2143 = vector.shape_cast %swap3A_2142 : vector<1x16xf32> to vector<16xf32>
        %swap3A_2144 = vector.shape_cast %add3A_2139 : vector<16xf32> to vector<1x16xf32>
        tpu.vector_store %arg26[%swap3A_2140, %swap3A_2141], %swap3A_2144 {strides = array<i32>} : memref<112x96xf32, #tpu.memory_space<vmem>>, vector<1x16xf32>,
        %get3A_2145 = arith.index_cast %add3A_2104 : i32 to index
        %get3A_2146 = arith.constant 16 : index
        %get3A_2147 = tpu.vector_load %arg22[%get3A_2145, %get3A_2146] {strides = array<i32>} : memref<112x96xf32, #tpu.memory_space<vmem>>, vector<1x16xf32>,
        %get3A_2148 = vector.shape_cast %get3A_2147 : vector<1x16xf32> to vector<16xf32>
        %mul3A_2149 = vector.broadcast %squeeze3A_2106 : f32 to vector<16xf32>
        %mul3A_2150 = arith.mulf %get3A_2148, %mul3A_2149 : vector<16xf32>
        %get3A_2151 = arith.index_cast %add3A_2104 : i32 to index
        %get3A_2152 = arith.constant 16 : index
        %get3A_2153 = tpu.vector_load %arg23[%get3A_2151, %get3A_2152] {strides = array<i32>} : memref<112x96xf32, #tpu.memory_space<vmem>>, vector<1x16xf32>,
        %get3A_2154 = vector.shape_cast %get3A_2153 : vector<1x16xf32> to vector<16xf32>
        %mul3A_2155 = vector.broadcast %squeeze3A_2108 : f32 to vector<16xf32>
        %mul3A_2156 = arith.mulf %get3A_2154, %mul3A_2155 : vector<16xf32>
        %add3A_2157 = arith.addf %mul3A_2150, %mul3A_2156 : vector<16xf32>
        %get3A_2158 = arith.index_cast %add3A_2104 : i32 to index
        %get3A_2159 = arith.constant 16 : index
        %get3A_2160 = tpu.vector_load %arg24[%get3A_2158, %get3A_2159] {strides = array<i32>} : memref<112x96xf32, #tpu.memory_space<vmem>>, vector<1x16xf32>,
        %get3A_2161 = vector.shape_cast %get3A_2160 : vector<1x16xf32> to vector<16xf32>
        %mul3A_2162 = vector.broadcast %squeeze3A_2110 : f32 to vector<16xf32>
        %mul3A_2163 = arith.mulf %get3A_2161, %mul3A_2162 : vector<16xf32>
        %add3A_2164 = arith.addf %add3A_2157, %mul3A_2163 : vector<16xf32>
        %get3A_2165 = arith.index_cast %add3A_2104 : i32 to index
        %get3A_2166 = arith.constant 16 : index
        %get3A_2167 = tpu.vector_load %arg25[%get3A_2165, %get3A_2166] {strides = array<i32>} : memref<112x96xf32, #tpu.memory_space<vmem>>, vector<1x16xf32>,
        %get3A_2168 = vector.shape_cast %get3A_2167 : vector<1x16xf32> to vector<16xf32>
        %mul3A_2169 = vector.broadcast %squeeze3A_2112 : f32 to vector<16xf32>
        %mul3A_2170 = arith.mulf %get3A_2168, %mul3A_2169 : vector<16xf32>
        %add3A_2171 = arith.addf %add3A_2164, %mul3A_2170 : vector<16xf32>
        %swap3A_2172 = arith.index_cast %add3A_2104 : i32 to index
        %swap3A_2173 = arith.constant 16 : index
        %swap3A_2174 = tpu.vector_load %arg26[%swap3A_2172, %swap3A_2173] {strides = array<i32>} : memref<112x96xf32, #tpu.memory_space<vmem>>, vector<1x16xf32>,
        %swap3A_2175 = vector.shape_cast %swap3A_2174 : vector<1x16xf32> to vector<16xf32>
        %swap3A_2176 = vector.shape_cast %add3A_2171 : vector<16xf32> to vector<1x16xf32>
        tpu.vector_store %arg26[%swap3A_2172, %swap3A_2173], %swap3A_2176 {strides = array<i32>} : memref<112x96xf32, #tpu.memory_space<vmem>>, vector<1x16xf32>,
        %get3A_2177 = arith.index_cast %add3A_2104 : i32 to index
        %get3A_2178 = arith.constant 32 : index
        %get3A_2179 = tpu.vector_load %arg22[%get3A_2177, %get3A_2178] {strides = array<i32>} : memref<112x96xf32, #tpu.memory_space<vmem>>, vector<1x16xf32>,
        %get3A_2180 = vector.shape_cast %get3A_2179 : vector<1x16xf32> to vector<16xf32>
        %mul3A_2181 = vector.broadcast %squeeze3A_2106 : f32 to vector<16xf32>
        %mul3A_2182 = arith.mulf %get3A_2180, %mul3A_2181 : vector<16xf32>
        %get3A_2183 = arith.index_cast %add3A_2104 : i32 to index
        %get3A_2184 = arith.constant 32 : index
        %get3A_2185 = tpu.vector_load %arg23[%get3A_2183, %get3A_2184] {strides = array<i32>} : memref<112x96xf32, #tpu.memory_space<vmem>>, vector<1x16xf32>,
        %get3A_2186 = vector.shape_cast %get3A_2185 : vector<1x16xf32> to vector<16xf32>
        %mul3A_2187 = vector.broadcast %squeeze3A_2108 : f32 to vector<16xf32>
        %mul3A_2188 = arith.mulf %get3A_2186, %mul3A_2187 : vector<16xf32>
        %add3A_2189 = arith.addf %mul3A_2182, %mul3A_2188 : vector<16xf32>
        %get3A_2190 = arith.index_cast %add3A_2104 : i32 to index
        %get3A_2191 = arith.constant 32 : index
        %get3A_2192 = tpu.vector_load %arg24[%get3A_2190, %get3A_2191] {strides = array<i32>} : memref<112x96xf32, #tpu.memory_space<vmem>>, vector<1x16xf32>,
        %get3A_2193 = vector.shape_cast %get3A_2192 : vector<1x16xf32> to vector<16xf32>
        %mul3A_2194 = vector.broadcast %squeeze3A_2110 : f32 to vector<16xf32>
        %mul3A_2195 = arith.mulf %get3A_2193, %mul3A_2194 : vector<16xf32>
        %add3A_2196 = arith.addf %add3A_2189, %mul3A_2195 : vector<16xf32>
        %get3A_2197 = arith.index_cast %add3A_2104 : i32 to index
        %get3A_2198 = arith.constant 32 : index
        %get3A_2199 = tpu.vector_load %arg25[%get3A_2197, %get3A_2198] {strides = array<i32>} : memref<112x96xf32, #tpu.memory_space<vmem>>, vector<1x16xf32>,
        %get3A_2200 = vector.shape_cast %get3A_2199 : vector<1x16xf32> to vector<16xf32>
        %mul3A_2201 = vector.broadcast %squeeze3A_2112 : f32 to vector<16xf32>
        %mul3A_2202 = arith.mulf %get3A_2200, %mul3A_2201 : vector<16xf32>
        %add3A_2203 = arith.addf %add3A_2196, %mul3A_2202 : vector<16xf32>
        %swap3A_2204 = arith.index_cast %add3A_2104 : i32 to index
        %swap3A_2205 = arith.constant 32 : index
        %swap3A_2206 = tpu.vector_load %arg26[%swap3A_2204, %swap3A_2205] {strides = array<i32>} : memref<112x96xf32, #tpu.memory_space<vmem>>, vector<1x16xf32>,
        %swap3A_2207 = vector.shape_cast %swap3A_2206 : vector<1x16xf32> to vector<16xf32>
        %swap3A_2208 = vector.shape_cast %add3A_2203 : vector<16xf32> to vector<1x16xf32>
        tpu.vector_store %arg26[%swap3A_2204, %swap3A_2205], %swap3A_2208 {strides = array<i32>} : memref<112x96xf32, #tpu.memory_space<vmem>>, vector<1x16xf32>,
        %get3A_2209 = arith.index_cast %add3A_2104 : i32 to index
        %get3A_2210 = arith.constant 48 : index
        %get3A_2211 = tpu.vector_load %arg22[%get3A_2209, %get3A_2210] {strides = array<i32>} : memref<112x96xf32, #tpu.memory_space<vmem>>, vector<1x16xf32>,
        %get3A_2212 = vector.shape_cast %get3A_2211 : vector<1x16xf32> to vector<16xf32>
        %mul3A_2213 = vector.broadcast %squeeze3A_2106 : f32 to vector<16xf32>
        %mul3A_2214 = arith.mulf %get3A_2212, %mul3A_2213 : vector<16xf32>
        %get3A_2215 = arith.index_cast %add3A_2104 : i32 to index
        %get3A_2216 = arith.constant 48 : index
        %get3A_2217 = tpu.vector_load %arg23[%get3A_2215, %get3A_2216] {strides = array<i32>} : memref<112x96xf32, #tpu.memory_space<vmem>>, vector<1x16xf32>,
        %get3A_2218 = vector.shape_cast %get3A_2217 : vector<1x16xf32> to vector<16xf32>
        %mul3A_2219 = vector.broadcast %squeeze3A_2108 : f32 to vector<16xf32>
        %mul3A_2220 = arith.mulf %get3A_2218, %mul3A_2219 : vector<16xf32>
        %add3A_2221 = arith.addf %mul3A_2214, %mul3A_2220 : vector<16xf32>
        %get3A_2222 = arith.index_cast %add3A_2104 : i32 to index
        %get3A_2223 = arith.constant 48 : index
        %get3A_2224 = tpu.vector_load %arg24[%get3A_2222, %get3A_2223] {strides = array<i32>} : memref<112x96xf32, #tpu.memory_space<vmem>>, vector<1x16xf32>,
        %get3A_2225 = vector.shape_cast %get3A_2224 : vector<1x16xf32> to vector<16xf32>
        %mul3A_2226 = vector.broadcast %squeeze3A_2110 : f32 to vector<16xf32>
        %mul3A_2227 = arith.mulf %get3A_2225, %mul3A_2226 : vector<16xf32>
        %add3A_2228 = arith.addf %add3A_2221, %mul3A_2227 : vector<16xf32>
        %get3A_2229 = arith.index_cast %add3A_2104 : i32 to index
        %get3A_2230 = arith.constant 48 : index
        %get3A_2231 = tpu.vector_load %arg25[%get3A_2229, %get3A_2230] {strides = array<i32>} : memref<112x96xf32, #tpu.memory_space<vmem>>, vector<1x16xf32>,
        %get3A_2232 = vector.shape_cast %get3A_2231 : vector<1x16xf32> to vector<16xf32>
        %mul3A_2233 = vector.broadcast %squeeze3A_2112 : f32 to vector<16xf32>
        %mul3A_2234 = arith.mulf %get3A_2232, %mul3A_2233 : vector<16xf32>
        %add3A_2235 = arith.addf %add3A_2228, %mul3A_2234 : vector<16xf32>
        %swap3A_2236 = arith.index_cast %add3A_2104 : i32 to index
        %swap3A_2237 = arith.constant 48 : index
        %swap3A_2238 = tpu.vector_load %arg26[%swap3A_2236, %swap3A_2237] {strides = array<i32>} : memref<112x96xf32, #tpu.memory_space<vmem>>, vector<1x16xf32>,
        %swap3A_2239 = vector.shape_cast %swap3A_2238 : vector<1x16xf32> to vector<16xf32>
        %swap3A_2240 = vector.shape_cast %add3A_2235 : vector<16xf32> to vector<1x16xf32>
        tpu.vector_store %arg26[%swap3A_2236, %swap3A_2237], %swap3A_2240 {strides = array<i32>} : memref<112x96xf32, #tpu.memory_space<vmem>>, vector<1x16xf32>,
        %get3A_2241 = arith.index_cast %add3A_2104 : i32 to index
        %get3A_2242 = arith.constant 64 : index
        %get3A_2243 = tpu.vector_load %arg22[%get3A_2241, %get3A_2242] {strides = array<i32>} : memref<112x96xf32, #tpu.memory_space<vmem>>, vector<1x16xf32>,
        %get3A_2244 = vector.shape_cast %get3A_2243 : vector<1x16xf32> to vector<16xf32>
        %mul3A_2245 = vector.broadcast %squeeze3A_2106 : f32 to vector<16xf32>
        %mul3A_2246 = arith.mulf %get3A_2244, %mul3A_2245 : vector<16xf32>
        %get3A_2247 = arith.index_cast %add3A_2104 : i32 to index
        %get3A_2248 = arith.constant 64 : index
        %get3A_2249 = tpu.vector_load %arg23[%get3A_2247, %get3A_2248] {strides = array<i32>} : memref<112x96xf32, #tpu.memory_space<vmem>>, vector<1x16xf32>,
        %get3A_2250 = vector.shape_cast %get3A_2249 : vector<1x16xf32> to vector<16xf32>
        %mul3A_2251 = vector.broadcast %squeeze3A_2108 : f32 to vector<16xf32>
        %mul3A_2252 = arith.mulf %get3A_2250, %mul3A_2251 : vector<16xf32>
        %add3A_2253 = arith.addf %mul3A_2246, %mul3A_2252 : vector<16xf32>
        %get3A_2254 = arith.index_cast %add3A_2104 : i32 to index
        %get3A_2255 = arith.constant 64 : index
        %get3A_2256 = tpu.vector_load %arg24[%get3A_2254, %get3A_2255] {strides = array<i32>} : memref<112x96xf32, #tpu.memory_space<vmem>>, vector<1x16xf32>,
        %get3A_2257 = vector.shape_cast %get3A_2256 : vector<1x16xf32> to vector<16xf32>
        %mul3A_2258 = vector.broadcast %squeeze3A_2110 : f32 to vector<16xf32>
        %mul3A_2259 = arith.mulf %get3A_2257, %mul3A_2258 : vector<16xf32>
        %add3A_2260 = arith.addf %add3A_2253, %mul3A_2259 : vector<16xf32>
        %get3A_2261 = arith.index_cast %add3A_2104 : i32 to index
        %get3A_2262 = arith.constant 64 : index
        %get3A_2263 = tpu.vector_load %arg25[%get3A_2261, %get3A_2262] {strides = array<i32>} : memref<112x96xf32, #tpu.memory_space<vmem>>, vector<1x16xf32>,
        %get3A_2264 = vector.shape_cast %get3A_2263 : vector<1x16xf32> to vector<16xf32>
        %mul3A_2265 = vector.broadcast %squeeze3A_2112 : f32 to vector<16xf32>
        %mul3A_2266 = arith.mulf %get3A_2264, %mul3A_2265 : vector<16xf32>
        %add3A_2267 = arith.addf %add3A_2260, %mul3A_2266 : vector<16xf32>
        %swap3A_2268 = arith.index_cast %add3A_2104 : i32 to index
        %swap3A_2269 = arith.constant 64 : index
        %swap3A_2270 = tpu.vector_load %arg26[%swap3A_2268, %swap3A_2269] {strides = array<i32>} : memref<112x96xf32, #tpu.memory_space<vmem>>, vector<1x16xf32>,
        %swap3A_2271 = vector.shape_cast %swap3A_2270 : vector<1x16xf32> to vector<16xf32>
        %swap3A_2272 = vector.shape_cast %add3A_2267 : vector<16xf32> to vector<1x16xf32>
        tpu.vector_store %arg26[%swap3A_2268, %swap3A_2269], %swap3A_2272 {strides = array<i32>} : memref<112x96xf32, #tpu.memory_space<vmem>>, vector<1x16xf32>,
        %get3A_2273 = arith.index_cast %add3A_2104 : i32 to index
        %get3A_2274 = arith.constant 80 : index
        %get3A_2275 = tpu.vector_load %arg22[%get3A_2273, %get3A_2274] {strides = array<i32>} : memref<112x96xf32, #tpu.memory_space<vmem>>, vector<1x16xf32>,
        %get3A_2276 = vector.shape_cast %get3A_2275 : vector<1x16xf32> to vector<16xf32>
        %mul3A_2277 = vector.broadcast %squeeze3A_2106 : f32 to vector<16xf32>
        %mul3A_2278 = arith.mulf %get3A_2276, %mul3A_2277 : vector<16xf32>
        %get3A_2279 = arith.index_cast %add3A_2104 : i32 to index
        %get3A_2280 = arith.constant 80 : index
        %get3A_2281 = tpu.vector_load %arg23[%get3A_2279, %get3A_2280] {strides = array<i32>} : memref<112x96xf32, #tpu.memory_space<vmem>>, vector<1x16xf32>,
        %get3A_2282 = vector.shape_cast %get3A_2281 : vector<1x16xf32> to vector<16xf32>
        %mul3A_2283 = vector.broadcast %squeeze3A_2108 : f32 to vector<16xf32>
        %mul3A_2284 = arith.mulf %get3A_2282, %mul3A_2283 : vector<16xf32>
        %add3A_2285 = arith.addf %mul3A_2278, %mul3A_2284 : vector<16xf32>
        %get3A_2286 = arith.index_cast %add3A_2104 : i32 to index
        %get3A_2287 = arith.constant 80 : index
        %get3A_2288 = tpu.vector_load %arg24[%get3A_2286, %get3A_2287] {strides = array<i32>} : memref<112x96xf32, #tpu.memory_space<vmem>>, vector<1x16xf32>,
        %get3A_2289 = vector.shape_cast %get3A_2288 : vector<1x16xf32> to vector<16xf32>
        %mul3A_2290 = vector.broadcast %squeeze3A_2110 : f32 to vector<16xf32>
        %mul3A_2291 = arith.mulf %get3A_2289, %mul3A_2290 : vector<16xf32>
        %add3A_2292 = arith.addf %add3A_2285, %mul3A_2291 : vector<16xf32>
        %get3A_2293 = arith.index_cast %add3A_2104 : i32 to index
        %get3A_2294 = arith.constant 80 : index
        %get3A_2295 = tpu.vector_load %arg25[%get3A_2293, %get3A_2294] {strides = array<i32>} : memref<112x96xf32, #tpu.memory_space<vmem>>, vector<1x16xf32>,
        %get3A_2296 = vector.shape_cast %get3A_2295 : vector<1x16xf32> to vector<16xf32>
        %mul3A_2297 = vector.broadcast %squeeze3A_2112 : f32 to vector<16xf32>
        %mul3A_2298 = arith.mulf %get3A_2296, %mul3A_2297 : vector<16xf32>
        %add3A_2299 = arith.addf %add3A_2292, %mul3A_2298 : vector<16xf32>
        %swap3A_2300 = arith.index_cast %add3A_2104 : i32 to index
        %swap3A_2301 = arith.constant 80 : index
        %swap3A_2302 = tpu.vector_load %arg26[%swap3A_2300, %swap3A_2301] {strides = array<i32>} : memref<112x96xf32, #tpu.memory_space<vmem>>, vector<1x16xf32>,
        %swap3A_2303 = vector.shape_cast %swap3A_2302 : vector<1x16xf32> to vector<16xf32>
        %swap3A_2304 = vector.shape_cast %add3A_2299 : vector<16xf32> to vector<1x16xf32>
        tpu.vector_store %arg26[%swap3A_2300, %swap3A_2301], %swap3A_2304 {strides = array<i32>} : memref<112x96xf32, #tpu.memory_space<vmem>>, vector<1x16xf32>,
        %add3A_2305 = arith.constant 11 : i32
        %add3A_2306 = arith.addi %mul3A_74, %add3A_2305 : i32
        %slice3A_2307 = vector.extract_strided_slice %get3A_76 {offsets = [11], sizes = [1], strides = [1]} : vector<16xf32> to vector<1xf32>
        %squeeze3A_2308 = vector.extract %slice3A_2307[0] : f32 from vector<1xf32>
        %slice3A_2309 = vector.extract_strided_slice %get3A_79 {offsets = [11], sizes = [1], strides = [1]} : vector<16xf32> to vector<1xf32>
        %squeeze3A_2310 = vector.extract %slice3A_2309[0] : f32 from vector<1xf32>
        %slice3A_2311 = vector.extract_strided_slice %get3A_82 {offsets = [11], sizes = [1], strides = [1]} : vector<16xf32> to vector<1xf32>
        %squeeze3A_2312 = vector.extract %slice3A_2311[0] : f32 from vector<1xf32>
        %slice3A_2313 = vector.extract_strided_slice %get3A_85 {offsets = [11], sizes = [1], strides = [1]} : vector<16xf32> to vector<1xf32>
        %squeeze3A_2314 = vector.extract %slice3A_2313[0] : f32 from vector<1xf32>
        %get3A_2315 = arith.index_cast %add3A_2306 : i32 to index
        %get3A_2316 = arith.constant 0 : index
        %get3A_2317 = tpu.vector_load %arg22[%get3A_2315, %get3A_2316] {strides = array<i32>} : memref<112x96xf32, #tpu.memory_space<vmem>>, vector<1x16xf32>,
        %get3A_2318 = vector.shape_cast %get3A_2317 : vector<1x16xf32> to vector<16xf32>
        %mul3A_2319 = vector.broadcast %squeeze3A_2308 : f32 to vector<16xf32>
        %mul3A_2320 = arith.mulf %get3A_2318, %mul3A_2319 : vector<16xf32>
        %get3A_2321 = arith.index_cast %add3A_2306 : i32 to index
        %get3A_2322 = arith.constant 0 : index
        %get3A_2323 = tpu.vector_load %arg23[%get3A_2321, %get3A_2322] {strides = array<i32>} : memref<112x96xf32, #tpu.memory_space<vmem>>, vector<1x16xf32>,
        %get3A_2324 = vector.shape_cast %get3A_2323 : vector<1x16xf32> to vector<16xf32>
        %mul3A_2325 = vector.broadcast %squeeze3A_2310 : f32 to vector<16xf32>
        %mul3A_2326 = arith.mulf %get3A_2324, %mul3A_2325 : vector<16xf32>
        %add3A_2327 = arith.addf %mul3A_2320, %mul3A_2326 : vector<16xf32>
        %get3A_2328 = arith.index_cast %add3A_2306 : i32 to index
        %get3A_2329 = arith.constant 0 : index
        %get3A_2330 = tpu.vector_load %arg24[%get3A_2328, %get3A_2329] {strides = array<i32>} : memref<112x96xf32, #tpu.memory_space<vmem>>, vector<1x16xf32>,
        %get3A_2331 = vector.shape_cast %get3A_2330 : vector<1x16xf32> to vector<16xf32>
        %mul3A_2332 = vector.broadcast %squeeze3A_2312 : f32 to vector<16xf32>
        %mul3A_2333 = arith.mulf %get3A_2331, %mul3A_2332 : vector<16xf32>
        %add3A_2334 = arith.addf %add3A_2327, %mul3A_2333 : vector<16xf32>
        %get3A_2335 = arith.index_cast %add3A_2306 : i32 to index
        %get3A_2336 = arith.constant 0 : index
        %get3A_2337 = tpu.vector_load %arg25[%get3A_2335, %get3A_2336] {strides = array<i32>} : memref<112x96xf32, #tpu.memory_space<vmem>>, vector<1x16xf32>,
        %get3A_2338 = vector.shape_cast %get3A_2337 : vector<1x16xf32> to vector<16xf32>
        %mul3A_2339 = vector.broadcast %squeeze3A_2314 : f32 to vector<16xf32>
        %mul3A_2340 = arith.mulf %get3A_2338, %mul3A_2339 : vector<16xf32>
        %add3A_2341 = arith.addf %add3A_2334, %mul3A_2340 : vector<16xf32>
        %swap3A_2342 = arith.index_cast %add3A_2306 : i32 to index
        %swap3A_2343 = arith.constant 0 : index
        %swap3A_2344 = tpu.vector_load %arg26[%swap3A_2342, %swap3A_2343] {strides = array<i32>} : memref<112x96xf32, #tpu.memory_space<vmem>>, vector<1x16xf32>,
        %swap3A_2345 = vector.shape_cast %swap3A_2344 : vector<1x16xf32> to vector<16xf32>
        %swap3A_2346 = vector.shape_cast %add3A_2341 : vector<16xf32> to vector<1x16xf32>
        tpu.vector_store %arg26[%swap3A_2342, %swap3A_2343], %swap3A_2346 {strides = array<i32>} : memref<112x96xf32, #tpu.memory_space<vmem>>, vector<1x16xf32>,
        %get3A_2347 = arith.index_cast %add3A_2306 : i32 to index
        %get3A_2348 = arith.constant 16 : index
        %get3A_2349 = tpu.vector_load %arg22[%get3A_2347, %get3A_2348] {strides = array<i32>} : memref<112x96xf32, #tpu.memory_space<vmem>>, vector<1x16xf32>,
        %get3A_2350 = vector.shape_cast %get3A_2349 : vector<1x16xf32> to vector<16xf32>
        %mul3A_2351 = vector.broadcast %squeeze3A_2308 : f32 to vector<16xf32>
        %mul3A_2352 = arith.mulf %get3A_2350, %mul3A_2351 : vector<16xf32>
        %get3A_2353 = arith.index_cast %add3A_2306 : i32 to index
        %get3A_2354 = arith.constant 16 : index
        %get3A_2355 = tpu.vector_load %arg23[%get3A_2353, %get3A_2354] {strides = array<i32>} : memref<112x96xf32, #tpu.memory_space<vmem>>, vector<1x16xf32>,
        %get3A_2356 = vector.shape_cast %get3A_2355 : vector<1x16xf32> to vector<16xf32>
        %mul3A_2357 = vector.broadcast %squeeze3A_2310 : f32 to vector<16xf32>
        %mul3A_2358 = arith.mulf %get3A_2356, %mul3A_2357 : vector<16xf32>
        %add3A_2359 = arith.addf %mul3A_2352, %mul3A_2358 : vector<16xf32>
        %get3A_2360 = arith.index_cast %add3A_2306 : i32 to index
        %get3A_2361 = arith.constant 16 : index
        %get3A_2362 = tpu.vector_load %arg24[%get3A_2360, %get3A_2361] {strides = array<i32>} : memref<112x96xf32, #tpu.memory_space<vmem>>, vector<1x16xf32>,
        %get3A_2363 = vector.shape_cast %get3A_2362 : vector<1x16xf32> to vector<16xf32>
        %mul3A_2364 = vector.broadcast %squeeze3A_2312 : f32 to vector<16xf32>
        %mul3A_2365 = arith.mulf %get3A_2363, %mul3A_2364 : vector<16xf32>
        %add3A_2366 = arith.addf %add3A_2359, %mul3A_2365 : vector<16xf32>
        %get3A_2367 = arith.index_cast %add3A_2306 : i32 to index
        %get3A_2368 = arith.constant 16 : index
        %get3A_2369 = tpu.vector_load %arg25[%get3A_2367, %get3A_2368] {strides = array<i32>} : memref<112x96xf32, #tpu.memory_space<vmem>>, vector<1x16xf32>,
        %get3A_2370 = vector.shape_cast %get3A_2369 : vector<1x16xf32> to vector<16xf32>
        %mul3A_2371 = vector.broadcast %squeeze3A_2314 : f32 to vector<16xf32>
        %mul3A_2372 = arith.mulf %get3A_2370, %mul3A_2371 : vector<16xf32>
        %add3A_2373 = arith.addf %add3A_2366, %mul3A_2372 : vector<16xf32>
        %swap3A_2374 = arith.index_cast %add3A_2306 : i32 to index
        %swap3A_2375 = arith.constant 16 : index
        %swap3A_2376 = tpu.vector_load %arg26[%swap3A_2374, %swap3A_2375] {strides = array<i32>} : memref<112x96xf32, #tpu.memory_space<vmem>>, vector<1x16xf32>,
        %swap3A_2377 = vector.shape_cast %swap3A_2376 : vector<1x16xf32> to vector<16xf32>
        %swap3A_2378 = vector.shape_cast %add3A_2373 : vector<16xf32> to vector<1x16xf32>
        tpu.vector_store %arg26[%swap3A_2374, %swap3A_2375], %swap3A_2378 {strides = array<i32>} : memref<112x96xf32, #tpu.memory_space<vmem>>, vector<1x16xf32>,
        %get3A_2379 = arith.index_cast %add3A_2306 : i32 to index
        %get3A_2380 = arith.constant 32 : index
        %get3A_2381 = tpu.vector_load %arg22[%get3A_2379, %get3A_2380] {strides = array<i32>} : memref<112x96xf32, #tpu.memory_space<vmem>>, vector<1x16xf32>,
        %get3A_2382 = vector.shape_cast %get3A_2381 : vector<1x16xf32> to vector<16xf32>
        %mul3A_2383 = vector.broadcast %squeeze3A_2308 : f32 to vector<16xf32>
        %mul3A_2384 = arith.mulf %get3A_2382, %mul3A_2383 : vector<16xf32>
        %get3A_2385 = arith.index_cast %add3A_2306 : i32 to index
        %get3A_2386 = arith.constant 32 : index
        %get3A_2387 = tpu.vector_load %arg23[%get3A_2385, %get3A_2386] {strides = array<i32>} : memref<112x96xf32, #tpu.memory_space<vmem>>, vector<1x16xf32>,
        %get3A_2388 = vector.shape_cast %get3A_2387 : vector<1x16xf32> to vector<16xf32>
        %mul3A_2389 = vector.broadcast %squeeze3A_2310 : f32 to vector<16xf32>
        %mul3A_2390 = arith.mulf %get3A_2388, %mul3A_2389 : vector<16xf32>
        %add3A_2391 = arith.addf %mul3A_2384, %mul3A_2390 : vector<16xf32>
        %get3A_2392 = arith.index_cast %add3A_2306 : i32 to index
        %get3A_2393 = arith.constant 32 : index
        %get3A_2394 = tpu.vector_load %arg24[%get3A_2392, %get3A_2393] {strides = array<i32>} : memref<112x96xf32, #tpu.memory_space<vmem>>, vector<1x16xf32>,
        %get3A_2395 = vector.shape_cast %get3A_2394 : vector<1x16xf32> to vector<16xf32>
        %mul3A_2396 = vector.broadcast %squeeze3A_2312 : f32 to vector<16xf32>
        %mul3A_2397 = arith.mulf %get3A_2395, %mul3A_2396 : vector<16xf32>
        %add3A_2398 = arith.addf %add3A_2391, %mul3A_2397 : vector<16xf32>
        %get3A_2399 = arith.index_cast %add3A_2306 : i32 to index
        %get3A_2400 = arith.constant 32 : index
        %get3A_2401 = tpu.vector_load %arg25[%get3A_2399, %get3A_2400] {strides = array<i32>} : memref<112x96xf32, #tpu.memory_space<vmem>>, vector<1x16xf32>,
        %get3A_2402 = vector.shape_cast %get3A_2401 : vector<1x16xf32> to vector<16xf32>
        %mul3A_2403 = vector.broadcast %squeeze3A_2314 : f32 to vector<16xf32>
        %mul3A_2404 = arith.mulf %get3A_2402, %mul3A_2403 : vector<16xf32>
        %add3A_2405 = arith.addf %add3A_2398, %mul3A_2404 : vector<16xf32>
        %swap3A_2406 = arith.index_cast %add3A_2306 : i32 to index
        %swap3A_2407 = arith.constant 32 : index
        %swap3A_2408 = tpu.vector_load %arg26[%swap3A_2406, %swap3A_2407] {strides = array<i32>} : memref<112x96xf32, #tpu.memory_space<vmem>>, vector<1x16xf32>,
        %swap3A_2409 = vector.shape_cast %swap3A_2408 : vector<1x16xf32> to vector<16xf32>
        %swap3A_2410 = vector.shape_cast %add3A_2405 : vector<16xf32> to vector<1x16xf32>
        tpu.vector_store %arg26[%swap3A_2406, %swap3A_2407], %swap3A_2410 {strides = array<i32>} : memref<112x96xf32, #tpu.memory_space<vmem>>, vector<1x16xf32>,
        %get3A_2411 = arith.index_cast %add3A_2306 : i32 to index
        %get3A_2412 = arith.constant 48 : index
        %get3A_2413 = tpu.vector_load %arg22[%get3A_2411, %get3A_2412] {strides = array<i32>} : memref<112x96xf32, #tpu.memory_space<vmem>>, vector<1x16xf32>,
        %get3A_2414 = vector.shape_cast %get3A_2413 : vector<1x16xf32> to vector<16xf32>
        %mul3A_2415 = vector.broadcast %squeeze3A_2308 : f32 to vector<16xf32>
        %mul3A_2416 = arith.mulf %get3A_2414, %mul3A_2415 : vector<16xf32>
        %get3A_2417 = arith.index_cast %add3A_2306 : i32 to index
        %get3A_2418 = arith.constant 48 : index
        %get3A_2419 = tpu.vector_load %arg23[%get3A_2417, %get3A_2418] {strides = array<i32>} : memref<112x96xf32, #tpu.memory_space<vmem>>, vector<1x16xf32>,
        %get3A_2420 = vector.shape_cast %get3A_2419 : vector<1x16xf32> to vector<16xf32>
        %mul3A_2421 = vector.broadcast %squeeze3A_2310 : f32 to vector<16xf32>
        %mul3A_2422 = arith.mulf %get3A_2420, %mul3A_2421 : vector<16xf32>
        %add3A_2423 = arith.addf %mul3A_2416, %mul3A_2422 : vector<16xf32>
        %get3A_2424 = arith.index_cast %add3A_2306 : i32 to index
        %get3A_2425 = arith.constant 48 : index
        %get3A_2426 = tpu.vector_load %arg24[%get3A_2424, %get3A_2425] {strides = array<i32>} : memref<112x96xf32, #tpu.memory_space<vmem>>, vector<1x16xf32>,
        %get3A_2427 = vector.shape_cast %get3A_2426 : vector<1x16xf32> to vector<16xf32>
        %mul3A_2428 = vector.broadcast %squeeze3A_2312 : f32 to vector<16xf32>
        %mul3A_2429 = arith.mulf %get3A_2427, %mul3A_2428 : vector<16xf32>
        %add3A_2430 = arith.addf %add3A_2423, %mul3A_2429 : vector<16xf32>
        %get3A_2431 = arith.index_cast %add3A_2306 : i32 to index
        %get3A_2432 = arith.constant 48 : index
        %get3A_2433 = tpu.vector_load %arg25[%get3A_2431, %get3A_2432] {strides = array<i32>} : memref<112x96xf32, #tpu.memory_space<vmem>>, vector<1x16xf32>,
        %get3A_2434 = vector.shape_cast %get3A_2433 : vector<1x16xf32> to vector<16xf32>
        %mul3A_2435 = vector.broadcast %squeeze3A_2314 : f32 to vector<16xf32>
        %mul3A_2436 = arith.mulf %get3A_2434, %mul3A_2435 : vector<16xf32>
        %add3A_2437 = arith.addf %add3A_2430, %mul3A_2436 : vector<16xf32>
        %swap3A_2438 = arith.index_cast %add3A_2306 : i32 to index
        %swap3A_2439 = arith.constant 48 : index
        %swap3A_2440 = tpu.vector_load %arg26[%swap3A_2438, %swap3A_2439] {strides = array<i32>} : memref<112x96xf32, #tpu.memory_space<vmem>>, vector<1x16xf32>,
        %swap3A_2441 = vector.shape_cast %swap3A_2440 : vector<1x16xf32> to vector<16xf32>
        %swap3A_2442 = vector.shape_cast %add3A_2437 : vector<16xf32> to vector<1x16xf32>
        tpu.vector_store %arg26[%swap3A_2438, %swap3A_2439], %swap3A_2442 {strides = array<i32>} : memref<112x96xf32, #tpu.memory_space<vmem>>, vector<1x16xf32>,
        %get3A_2443 = arith.index_cast %add3A_2306 : i32 to index
        %get3A_2444 = arith.constant 64 : index
        %get3A_2445 = tpu.vector_load %arg22[%get3A_2443, %get3A_2444] {strides = array<i32>} : memref<112x96xf32, #tpu.memory_space<vmem>>, vector<1x16xf32>,
        %get3A_2446 = vector.shape_cast %get3A_2445 : vector<1x16xf32> to vector<16xf32>
        %mul3A_2447 = vector.broadcast %squeeze3A_2308 : f32 to vector<16xf32>
        %mul3A_2448 = arith.mulf %get3A_2446, %mul3A_2447 : vector<16xf32>
        %get3A_2449 = arith.index_cast %add3A_2306 : i32 to index
        %get3A_2450 = arith.constant 64 : index
        %get3A_2451 = tpu.vector_load %arg23[%get3A_2449, %get3A_2450] {strides = array<i32>} : memref<112x96xf32, #tpu.memory_space<vmem>>, vector<1x16xf32>,
        %get3A_2452 = vector.shape_cast %get3A_2451 : vector<1x16xf32> to vector<16xf32>
        %mul3A_2453 = vector.broadcast %squeeze3A_2310 : f32 to vector<16xf32>
        %mul3A_2454 = arith.mulf %get3A_2452, %mul3A_2453 : vector<16xf32>
        %add3A_2455 = arith.addf %mul3A_2448, %mul3A_2454 : vector<16xf32>
        %get3A_2456 = arith.index_cast %add3A_2306 : i32 to index
        %get3A_2457 = arith.constant 64 : index
        %get3A_2458 = tpu.vector_load %arg24[%get3A_2456, %get3A_2457] {strides = array<i32>} : memref<112x96xf32, #tpu.memory_space<vmem>>, vector<1x16xf32>,
        %get3A_2459 = vector.shape_cast %get3A_2458 : vector<1x16xf32> to vector<16xf32>
        %mul3A_2460 = vector.broadcast %squeeze3A_2312 : f32 to vector<16xf32>
        %mul3A_2461 = arith.mulf %get3A_2459, %mul3A_2460 : vector<16xf32>
        %add3A_2462 = arith.addf %add3A_2455, %mul3A_2461 : vector<16xf32>
        %get3A_2463 = arith.index_cast %add3A_2306 : i32 to index
        %get3A_2464 = arith.constant 64 : index
        %get3A_2465 = tpu.vector_load %arg25[%get3A_2463, %get3A_2464] {strides = array<i32>} : memref<112x96xf32, #tpu.memory_space<vmem>>, vector<1x16xf32>,
        %get3A_2466 = vector.shape_cast %get3A_2465 : vector<1x16xf32> to vector<16xf32>
        %mul3A_2467 = vector.broadcast %squeeze3A_2314 : f32 to vector<16xf32>
        %mul3A_2468 = arith.mulf %get3A_2466, %mul3A_2467 : vector<16xf32>
        %add3A_2469 = arith.addf %add3A_2462, %mul3A_2468 : vector<16xf32>
        %swap3A_2470 = arith.index_cast %add3A_2306 : i32 to index
        %swap3A_2471 = arith.constant 64 : index
        %swap3A_2472 = tpu.vector_load %arg26[%swap3A_2470, %swap3A_2471] {strides = array<i32>} : memref<112x96xf32, #tpu.memory_space<vmem>>, vector<1x16xf32>,
        %swap3A_2473 = vector.shape_cast %swap3A_2472 : vector<1x16xf32> to vector<16xf32>
        %swap3A_2474 = vector.shape_cast %add3A_2469 : vector<16xf32> to vector<1x16xf32>
        tpu.vector_store %arg26[%swap3A_2470, %swap3A_2471], %swap3A_2474 {strides = array<i32>} : memref<112x96xf32, #tpu.memory_space<vmem>>, vector<1x16xf32>,
        %get3A_2475 = arith.index_cast %add3A_2306 : i32 to index
        %get3A_2476 = arith.constant 80 : index
        %get3A_2477 = tpu.vector_load %arg22[%get3A_2475, %get3A_2476] {strides = array<i32>} : memref<112x96xf32, #tpu.memory_space<vmem>>, vector<1x16xf32>,
        %get3A_2478 = vector.shape_cast %get3A_2477 : vector<1x16xf32> to vector<16xf32>
        %mul3A_2479 = vector.broadcast %squeeze3A_2308 : f32 to vector<16xf32>
        %mul3A_2480 = arith.mulf %get3A_2478, %mul3A_2479 : vector<16xf32>
        %get3A_2481 = arith.index_cast %add3A_2306 : i32 to index
        %get3A_2482 = arith.constant 80 : index
        %get3A_2483 = tpu.vector_load %arg23[%get3A_2481, %get3A_2482] {strides = array<i32>} : memref<112x96xf32, #tpu.memory_space<vmem>>, vector<1x16xf32>,
        %get3A_2484 = vector.shape_cast %get3A_2483 : vector<1x16xf32> to vector<16xf32>
        %mul3A_2485 = vector.broadcast %squeeze3A_2310 : f32 to vector<16xf32>
        %mul3A_2486 = arith.mulf %get3A_2484, %mul3A_2485 : vector<16xf32>
        %add3A_2487 = arith.addf %mul3A_2480, %mul3A_2486 : vector<16xf32>
        %get3A_2488 = arith.index_cast %add3A_2306 : i32 to index
        %get3A_2489 = arith.constant 80 : index
        %get3A_2490 = tpu.vector_load %arg24[%get3A_2488, %get3A_2489] {strides = array<i32>} : memref<112x96xf32, #tpu.memory_space<vmem>>, vector<1x16xf32>,
        %get3A_2491 = vector.shape_cast %get3A_2490 : vector<1x16xf32> to vector<16xf32>
        %mul3A_2492 = vector.broadcast %squeeze3A_2312 : f32 to vector<16xf32>
        %mul3A_2493 = arith.mulf %get3A_2491, %mul3A_2492 : vector<16xf32>
        %add3A_2494 = arith.addf %add3A_2487, %mul3A_2493 : vector<16xf32>
        %get3A_2495 = arith.index_cast %add3A_2306 : i32 to index
        %get3A_2496 = arith.constant 80 : index
        %get3A_2497 = tpu.vector_load %arg25[%get3A_2495, %get3A_2496] {strides = array<i32>} : memref<112x96xf32, #tpu.memory_space<vmem>>, vector<1x16xf32>,
        %get3A_2498 = vector.shape_cast %get3A_2497 : vector<1x16xf32> to vector<16xf32>
        %mul3A_2499 = vector.broadcast %squeeze3A_2314 : f32 to vector<16xf32>
        %mul3A_2500 = arith.mulf %get3A_2498, %mul3A_2499 : vector<16xf32>
        %add3A_2501 = arith.addf %add3A_2494, %mul3A_2500 : vector<16xf32>
        %swap3A_2502 = arith.index_cast %add3A_2306 : i32 to index
        %swap3A_2503 = arith.constant 80 : index
        %swap3A_2504 = tpu.vector_load %arg26[%swap3A_2502, %swap3A_2503] {strides = array<i32>} : memref<112x96xf32, #tpu.memory_space<vmem>>, vector<1x16xf32>,
        %swap3A_2505 = vector.shape_cast %swap3A_2504 : vector<1x16xf32> to vector<16xf32>
        %swap3A_2506 = vector.shape_cast %add3A_2501 : vector<16xf32> to vector<1x16xf32>
        tpu.vector_store %arg26[%swap3A_2502, %swap3A_2503], %swap3A_2506 {strides = array<i32>} : memref<112x96xf32, #tpu.memory_space<vmem>>, vector<1x16xf32>,
        %add3A_2507 = arith.constant 12 : i32
        %add3A_2508 = arith.addi %mul3A_74, %add3A_2507 : i32
        %slice3A_2509 = vector.extract_strided_slice %get3A_76 {offsets = [12], sizes = [1], strides = [1]} : vector<16xf32> to vector<1xf32>
        %squeeze3A_2510 = vector.extract %slice3A_2509[0] : f32 from vector<1xf32>
        %slice3A_2511 = vector.extract_strided_slice %get3A_79 {offsets = [12], sizes = [1], strides = [1]} : vector<16xf32> to vector<1xf32>
        %squeeze3A_2512 = vector.extract %slice3A_2511[0] : f32 from vector<1xf32>
        %slice3A_2513 = vector.extract_strided_slice %get3A_82 {offsets = [12], sizes = [1], strides = [1]} : vector<16xf32> to vector<1xf32>
        %squeeze3A_2514 = vector.extract %slice3A_2513[0] : f32 from vector<1xf32>
        %slice3A_2515 = vector.extract_strided_slice %get3A_85 {offsets = [12], sizes = [1], strides = [1]} : vector<16xf32> to vector<1xf32>
        %squeeze3A_2516 = vector.extract %slice3A_2515[0] : f32 from vector<1xf32>
        %get3A_2517 = arith.index_cast %add3A_2508 : i32 to index
        %get3A_2518 = arith.constant 0 : index
        %get3A_2519 = tpu.vector_load %arg22[%get3A_2517, %get3A_2518] {strides = array<i32>} : memref<112x96xf32, #tpu.memory_space<vmem>>, vector<1x16xf32>,
        %get3A_2520 = vector.shape_cast %get3A_2519 : vector<1x16xf32> to vector<16xf32>
        %mul3A_2521 = vector.broadcast %squeeze3A_2510 : f32 to vector<16xf32>
        %mul3A_2522 = arith.mulf %get3A_2520, %mul3A_2521 : vector<16xf32>
        %get3A_2523 = arith.index_cast %add3A_2508 : i32 to index
        %get3A_2524 = arith.constant 0 : index
        %get3A_2525 = tpu.vector_load %arg23[%get3A_2523, %get3A_2524] {strides = array<i32>} : memref<112x96xf32, #tpu.memory_space<vmem>>, vector<1x16xf32>,
        %get3A_2526 = vector.shape_cast %get3A_2525 : vector<1x16xf32> to vector<16xf32>
        %mul3A_2527 = vector.broadcast %squeeze3A_2512 : f32 to vector<16xf32>
        %mul3A_2528 = arith.mulf %get3A_2526, %mul3A_2527 : vector<16xf32>
        %add3A_2529 = arith.addf %mul3A_2522, %mul3A_2528 : vector<16xf32>
        %get3A_2530 = arith.index_cast %add3A_2508 : i32 to index
        %get3A_2531 = arith.constant 0 : index
        %get3A_2532 = tpu.vector_load %arg24[%get3A_2530, %get3A_2531] {strides = array<i32>} : memref<112x96xf32, #tpu.memory_space<vmem>>, vector<1x16xf32>,
        %get3A_2533 = vector.shape_cast %get3A_2532 : vector<1x16xf32> to vector<16xf32>
        %mul3A_2534 = vector.broadcast %squeeze3A_2514 : f32 to vector<16xf32>
        %mul3A_2535 = arith.mulf %get3A_2533, %mul3A_2534 : vector<16xf32>
        %add3A_2536 = arith.addf %add3A_2529, %mul3A_2535 : vector<16xf32>
        %get3A_2537 = arith.index_cast %add3A_2508 : i32 to index
        %get3A_2538 = arith.constant 0 : index
        %get3A_2539 = tpu.vector_load %arg25[%get3A_2537, %get3A_2538] {strides = array<i32>} : memref<112x96xf32, #tpu.memory_space<vmem>>, vector<1x16xf32>,
        %get3A_2540 = vector.shape_cast %get3A_2539 : vector<1x16xf32> to vector<16xf32>
        %mul3A_2541 = vector.broadcast %squeeze3A_2516 : f32 to vector<16xf32>
        %mul3A_2542 = arith.mulf %get3A_2540, %mul3A_2541 : vector<16xf32>
        %add3A_2543 = arith.addf %add3A_2536, %mul3A_2542 : vector<16xf32>
        %swap3A_2544 = arith.index_cast %add3A_2508 : i32 to index
        %swap3A_2545 = arith.constant 0 : index
        %swap3A_2546 = tpu.vector_load %arg26[%swap3A_2544, %swap3A_2545] {strides = array<i32>} : memref<112x96xf32, #tpu.memory_space<vmem>>, vector<1x16xf32>,
        %swap3A_2547 = vector.shape_cast %swap3A_2546 : vector<1x16xf32> to vector<16xf32>
        %swap3A_2548 = vector.shape_cast %add3A_2543 : vector<16xf32> to vector<1x16xf32>
        tpu.vector_store %arg26[%swap3A_2544, %swap3A_2545], %swap3A_2548 {strides = array<i32>} : memref<112x96xf32, #tpu.memory_space<vmem>>, vector<1x16xf32>,
        %get3A_2549 = arith.index_cast %add3A_2508 : i32 to index
        %get3A_2550 = arith.constant 16 : index
        %get3A_2551 = tpu.vector_load %arg22[%get3A_2549, %get3A_2550] {strides = array<i32>} : memref<112x96xf32, #tpu.memory_space<vmem>>, vector<1x16xf32>,
        %get3A_2552 = vector.shape_cast %get3A_2551 : vector<1x16xf32> to vector<16xf32>
        %mul3A_2553 = vector.broadcast %squeeze3A_2510 : f32 to vector<16xf32>
        %mul3A_2554 = arith.mulf %get3A_2552, %mul3A_2553 : vector<16xf32>
        %get3A_2555 = arith.index_cast %add3A_2508 : i32 to index
        %get3A_2556 = arith.constant 16 : index
        %get3A_2557 = tpu.vector_load %arg23[%get3A_2555, %get3A_2556] {strides = array<i32>} : memref<112x96xf32, #tpu.memory_space<vmem>>, vector<1x16xf32>,
        %get3A_2558 = vector.shape_cast %get3A_2557 : vector<1x16xf32> to vector<16xf32>
        %mul3A_2559 = vector.broadcast %squeeze3A_2512 : f32 to vector<16xf32>
        %mul3A_2560 = arith.mulf %get3A_2558, %mul3A_2559 : vector<16xf32>
        %add3A_2561 = arith.addf %mul3A_2554, %mul3A_2560 : vector<16xf32>
        %get3A_2562 = arith.index_cast %add3A_2508 : i32 to index
        %get3A_2563 = arith.constant 16 : index
        %get3A_2564 = tpu.vector_load %arg24[%get3A_2562, %get3A_2563] {strides = array<i32>} : memref<112x96xf32, #tpu.memory_space<vmem>>, vector<1x16xf32>,
        %get3A_2565 = vector.shape_cast %get3A_2564 : vector<1x16xf32> to vector<16xf32>
        %mul3A_2566 = vector.broadcast %squeeze3A_2514 : f32 to vector<16xf32>
        %mul3A_2567 = arith.mulf %get3A_2565, %mul3A_2566 : vector<16xf32>
        %add3A_2568 = arith.addf %add3A_2561, %mul3A_2567 : vector<16xf32>
        %get3A_2569 = arith.index_cast %add3A_2508 : i32 to index
        %get3A_2570 = arith.constant 16 : index
        %get3A_2571 = tpu.vector_load %arg25[%get3A_2569, %get3A_2570] {strides = array<i32>} : memref<112x96xf32, #tpu.memory_space<vmem>>, vector<1x16xf32>,
        %get3A_2572 = vector.shape_cast %get3A_2571 : vector<1x16xf32> to vector<16xf32>
        %mul3A_2573 = vector.broadcast %squeeze3A_2516 : f32 to vector<16xf32>
        %mul3A_2574 = arith.mulf %get3A_2572, %mul3A_2573 : vector<16xf32>
        %add3A_2575 = arith.addf %add3A_2568, %mul3A_2574 : vector<16xf32>
        %swap3A_2576 = arith.index_cast %add3A_2508 : i32 to index
        %swap3A_2577 = arith.constant 16 : index
        %swap3A_2578 = tpu.vector_load %arg26[%swap3A_2576, %swap3A_2577] {strides = array<i32>} : memref<112x96xf32, #tpu.memory_space<vmem>>, vector<1x16xf32>,
        %swap3A_2579 = vector.shape_cast %swap3A_2578 : vector<1x16xf32> to vector<16xf32>
        %swap3A_2580 = vector.shape_cast %add3A_2575 : vector<16xf32> to vector<1x16xf32>
        tpu.vector_store %arg26[%swap3A_2576, %swap3A_2577], %swap3A_2580 {strides = array<i32>} : memref<112x96xf32, #tpu.memory_space<vmem>>, vector<1x16xf32>,
        %get3A_2581 = arith.index_cast %add3A_2508 : i32 to index
        %get3A_2582 = arith.constant 32 : index
        %get3A_2583 = tpu.vector_load %arg22[%get3A_2581, %get3A_2582] {strides = array<i32>} : memref<112x96xf32, #tpu.memory_space<vmem>>, vector<1x16xf32>,
        %get3A_2584 = vector.shape_cast %get3A_2583 : vector<1x16xf32> to vector<16xf32>
        %mul3A_2585 = vector.broadcast %squeeze3A_2510 : f32 to vector<16xf32>
        %mul3A_2586 = arith.mulf %get3A_2584, %mul3A_2585 : vector<16xf32>
        %get3A_2587 = arith.index_cast %add3A_2508 : i32 to index
        %get3A_2588 = arith.constant 32 : index
        %get3A_2589 = tpu.vector_load %arg23[%get3A_2587, %get3A_2588] {strides = array<i32>} : memref<112x96xf32, #tpu.memory_space<vmem>>, vector<1x16xf32>,
        %get3A_2590 = vector.shape_cast %get3A_2589 : vector<1x16xf32> to vector<16xf32>
        %mul3A_2591 = vector.broadcast %squeeze3A_2512 : f32 to vector<16xf32>
        %mul3A_2592 = arith.mulf %get3A_2590, %mul3A_2591 : vector<16xf32>
        %add3A_2593 = arith.addf %mul3A_2586, %mul3A_2592 : vector<16xf32>
        %get3A_2594 = arith.index_cast %add3A_2508 : i32 to index
        %get3A_2595 = arith.constant 32 : index
        %get3A_2596 = tpu.vector_load %arg24[%get3A_2594, %get3A_2595] {strides = array<i32>} : memref<112x96xf32, #tpu.memory_space<vmem>>, vector<1x16xf32>,
        %get3A_2597 = vector.shape_cast %get3A_2596 : vector<1x16xf32> to vector<16xf32>
        %mul3A_2598 = vector.broadcast %squeeze3A_2514 : f32 to vector<16xf32>
        %mul3A_2599 = arith.mulf %get3A_2597, %mul3A_2598 : vector<16xf32>
        %add3A_2600 = arith.addf %add3A_2593, %mul3A_2599 : vector<16xf32>
        %get3A_2601 = arith.index_cast %add3A_2508 : i32 to index
        %get3A_2602 = arith.constant 32 : index
        %get3A_2603 = tpu.vector_load %arg25[%get3A_2601, %get3A_2602] {strides = array<i32>} : memref<112x96xf32, #tpu.memory_space<vmem>>, vector<1x16xf32>,
        %get3A_2604 = vector.shape_cast %get3A_2603 : vector<1x16xf32> to vector<16xf32>
        %mul3A_2605 = vector.broadcast %squeeze3A_2516 : f32 to vector<16xf32>
        %mul3A_2606 = arith.mulf %get3A_2604, %mul3A_2605 : vector<16xf32>
        %add3A_2607 = arith.addf %add3A_2600, %mul3A_2606 : vector<16xf32>
        %swap3A_2608 = arith.index_cast %add3A_2508 : i32 to index
        %swap3A_2609 = arith.constant 32 : index
        %swap3A_2610 = tpu.vector_load %arg26[%swap3A_2608, %swap3A_2609] {strides = array<i32>} : memref<112x96xf32, #tpu.memory_space<vmem>>, vector<1x16xf32>,
        %swap3A_2611 = vector.shape_cast %swap3A_2610 : vector<1x16xf32> to vector<16xf32>
        %swap3A_2612 = vector.shape_cast %add3A_2607 : vector<16xf32> to vector<1x16xf32>
        tpu.vector_store %arg26[%swap3A_2608, %swap3A_2609], %swap3A_2612 {strides = array<i32>} : memref<112x96xf32, #tpu.memory_space<vmem>>, vector<1x16xf32>,
        %get3A_2613 = arith.index_cast %add3A_2508 : i32 to index
        %get3A_2614 = arith.constant 48 : index
        %get3A_2615 = tpu.vector_load %arg22[%get3A_2613, %get3A_2614] {strides = array<i32>} : memref<112x96xf32, #tpu.memory_space<vmem>>, vector<1x16xf32>,
        %get3A_2616 = vector.shape_cast %get3A_2615 : vector<1x16xf32> to vector<16xf32>
        %mul3A_2617 = vector.broadcast %squeeze3A_2510 : f32 to vector<16xf32>
        %mul3A_2618 = arith.mulf %get3A_2616, %mul3A_2617 : vector<16xf32>
        %get3A_2619 = arith.index_cast %add3A_2508 : i32 to index
        %get3A_2620 = arith.constant 48 : index
        %get3A_2621 = tpu.vector_load %arg23[%get3A_2619, %get3A_2620] {strides = array<i32>} : memref<112x96xf32, #tpu.memory_space<vmem>>, vector<1x16xf32>,
        %get3A_2622 = vector.shape_cast %get3A_2621 : vector<1x16xf32> to vector<16xf32>
        %mul3A_2623 = vector.broadcast %squeeze3A_2512 : f32 to vector<16xf32>
        %mul3A_2624 = arith.mulf %get3A_2622, %mul3A_2623 : vector<16xf32>
        %add3A_2625 = arith.addf %mul3A_2618, %mul3A_2624 : vector<16xf32>
        %get3A_2626 = arith.index_cast %add3A_2508 : i32 to index
        %get3A_2627 = arith.constant 48 : index
        %get3A_2628 = tpu.vector_load %arg24[%get3A_2626, %get3A_2627] {strides = array<i32>} : memref<112x96xf32, #tpu.memory_space<vmem>>, vector<1x16xf32>,
        %get3A_2629 = vector.shape_cast %get3A_2628 : vector<1x16xf32> to vector<16xf32>
        %mul3A_2630 = vector.broadcast %squeeze3A_2514 : f32 to vector<16xf32>
        %mul3A_2631 = arith.mulf %get3A_2629, %mul3A_2630 : vector<16xf32>
        %add3A_2632 = arith.addf %add3A_2625, %mul3A_2631 : vector<16xf32>
        %get3A_2633 = arith.index_cast %add3A_2508 : i32 to index
        %get3A_2634 = arith.constant 48 : index
        %get3A_2635 = tpu.vector_load %arg25[%get3A_2633, %get3A_2634] {strides = array<i32>} : memref<112x96xf32, #tpu.memory_space<vmem>>, vector<1x16xf32>,
        %get3A_2636 = vector.shape_cast %get3A_2635 : vector<1x16xf32> to vector<16xf32>
        %mul3A_2637 = vector.broadcast %squeeze3A_2516 : f32 to vector<16xf32>
        %mul3A_2638 = arith.mulf %get3A_2636, %mul3A_2637 : vector<16xf32>
        %add3A_2639 = arith.addf %add3A_2632, %mul3A_2638 : vector<16xf32>
        %swap3A_2640 = arith.index_cast %add3A_2508 : i32 to index
        %swap3A_2641 = arith.constant 48 : index
        %swap3A_2642 = tpu.vector_load %arg26[%swap3A_2640, %swap3A_2641] {strides = array<i32>} : memref<112x96xf32, #tpu.memory_space<vmem>>, vector<1x16xf32>,
        %swap3A_2643 = vector.shape_cast %swap3A_2642 : vector<1x16xf32> to vector<16xf32>
        %swap3A_2644 = vector.shape_cast %add3A_2639 : vector<16xf32> to vector<1x16xf32>
        tpu.vector_store %arg26[%swap3A_2640, %swap3A_2641], %swap3A_2644 {strides = array<i32>} : memref<112x96xf32, #tpu.memory_space<vmem>>, vector<1x16xf32>,
        %get3A_2645 = arith.index_cast %add3A_2508 : i32 to index
        %get3A_2646 = arith.constant 64 : index
        %get3A_2647 = tpu.vector_load %arg22[%get3A_2645, %get3A_2646] {strides = array<i32>} : memref<112x96xf32, #tpu.memory_space<vmem>>, vector<1x16xf32>,
        %get3A_2648 = vector.shape_cast %get3A_2647 : vector<1x16xf32> to vector<16xf32>
        %mul3A_2649 = vector.broadcast %squeeze3A_2510 : f32 to vector<16xf32>
        %mul3A_2650 = arith.mulf %get3A_2648, %mul3A_2649 : vector<16xf32>
        %get3A_2651 = arith.index_cast %add3A_2508 : i32 to index
        %get3A_2652 = arith.constant 64 : index
        %get3A_2653 = tpu.vector_load %arg23[%get3A_2651, %get3A_2652] {strides = array<i32>} : memref<112x96xf32, #tpu.memory_space<vmem>>, vector<1x16xf32>,
        %get3A_2654 = vector.shape_cast %get3A_2653 : vector<1x16xf32> to vector<16xf32>
        %mul3A_2655 = vector.broadcast %squeeze3A_2512 : f32 to vector<16xf32>
        %mul3A_2656 = arith.mulf %get3A_2654, %mul3A_2655 : vector<16xf32>
        %add3A_2657 = arith.addf %mul3A_2650, %mul3A_2656 : vector<16xf32>
        %get3A_2658 = arith.index_cast %add3A_2508 : i32 to index
        %get3A_2659 = arith.constant 64 : index
        %get3A_2660 = tpu.vector_load %arg24[%get3A_2658, %get3A_2659] {strides = array<i32>} : memref<112x96xf32, #tpu.memory_space<vmem>>, vector<1x16xf32>,
        %get3A_2661 = vector.shape_cast %get3A_2660 : vector<1x16xf32> to vector<16xf32>
        %mul3A_2662 = vector.broadcast %squeeze3A_2514 : f32 to vector<16xf32>
        %mul3A_2663 = arith.mulf %get3A_2661, %mul3A_2662 : vector<16xf32>
        %add3A_2664 = arith.addf %add3A_2657, %mul3A_2663 : vector<16xf32>
        %get3A_2665 = arith.index_cast %add3A_2508 : i32 to index
        %get3A_2666 = arith.constant 64 : index
        %get3A_2667 = tpu.vector_load %arg25[%get3A_2665, %get3A_2666] {strides = array<i32>} : memref<112x96xf32, #tpu.memory_space<vmem>>, vector<1x16xf32>,
        %get3A_2668 = vector.shape_cast %get3A_2667 : vector<1x16xf32> to vector<16xf32>
        %mul3A_2669 = vector.broadcast %squeeze3A_2516 : f32 to vector<16xf32>
        %mul3A_2670 = arith.mulf %get3A_2668, %mul3A_2669 : vector<16xf32>
        %add3A_2671 = arith.addf %add3A_2664, %mul3A_2670 : vector<16xf32>
        %swap3A_2672 = arith.index_cast %add3A_2508 : i32 to index
        %swap3A_2673 = arith.constant 64 : index
        %swap3A_2674 = tpu.vector_load %arg26[%swap3A_2672, %swap3A_2673] {strides = array<i32>} : memref<112x96xf32, #tpu.memory_space<vmem>>, vector<1x16xf32>,
        %swap3A_2675 = vector.shape_cast %swap3A_2674 : vector<1x16xf32> to vector<16xf32>
        %swap3A_2676 = vector.shape_cast %add3A_2671 : vector<16xf32> to vector<1x16xf32>
        tpu.vector_store %arg26[%swap3A_2672, %swap3A_2673], %swap3A_2676 {strides = array<i32>} : memref<112x96xf32, #tpu.memory_space<vmem>>, vector<1x16xf32>,
        %get3A_2677 = arith.index_cast %add3A_2508 : i32 to index
        %get3A_2678 = arith.constant 80 : index
        %get3A_2679 = tpu.vector_load %arg22[%get3A_2677, %get3A_2678] {strides = array<i32>} : memref<112x96xf32, #tpu.memory_space<vmem>>, vector<1x16xf32>,
        %get3A_2680 = vector.shape_cast %get3A_2679 : vector<1x16xf32> to vector<16xf32>
        %mul3A_2681 = vector.broadcast %squeeze3A_2510 : f32 to vector<16xf32>
        %mul3A_2682 = arith.mulf %get3A_2680, %mul3A_2681 : vector<16xf32>
        %get3A_2683 = arith.index_cast %add3A_2508 : i32 to index
        %get3A_2684 = arith.constant 80 : index
        %get3A_2685 = tpu.vector_load %arg23[%get3A_2683, %get3A_2684] {strides = array<i32>} : memref<112x96xf32, #tpu.memory_space<vmem>>, vector<1x16xf32>,
        %get3A_2686 = vector.shape_cast %get3A_2685 : vector<1x16xf32> to vector<16xf32>
        %mul3A_2687 = vector.broadcast %squeeze3A_2512 : f32 to vector<16xf32>
        %mul3A_2688 = arith.mulf %get3A_2686, %mul3A_2687 : vector<16xf32>
        %add3A_2689 = arith.addf %mul3A_2682, %mul3A_2688 : vector<16xf32>
        %get3A_2690 = arith.index_cast %add3A_2508 : i32 to index
        %get3A_2691 = arith.constant 80 : index
        %get3A_2692 = tpu.vector_load %arg24[%get3A_2690, %get3A_2691] {strides = array<i32>} : memref<112x96xf32, #tpu.memory_space<vmem>>, vector<1x16xf32>,
        %get3A_2693 = vector.shape_cast %get3A_2692 : vector<1x16xf32> to vector<16xf32>
        %mul3A_2694 = vector.broadcast %squeeze3A_2514 : f32 to vector<16xf32>
        %mul3A_2695 = arith.mulf %get3A_2693, %mul3A_2694 : vector<16xf32>
        %add3A_2696 = arith.addf %add3A_2689, %mul3A_2695 : vector<16xf32>
        %get3A_2697 = arith.index_cast %add3A_2508 : i32 to index
        %get3A_2698 = arith.constant 80 : index
        %get3A_2699 = tpu.vector_load %arg25[%get3A_2697, %get3A_2698] {strides = array<i32>} : memref<112x96xf32, #tpu.memory_space<vmem>>, vector<1x16xf32>,
        %get3A_2700 = vector.shape_cast %get3A_2699 : vector<1x16xf32> to vector<16xf32>
        %mul3A_2701 = vector.broadcast %squeeze3A_2516 : f32 to vector<16xf32>
        %mul3A_2702 = arith.mulf %get3A_2700, %mul3A_2701 : vector<16xf32>
        %add3A_2703 = arith.addf %add3A_2696, %mul3A_2702 : vector<16xf32>
        %swap3A_2704 = arith.index_cast %add3A_2508 : i32 to index
        %swap3A_2705 = arith.constant 80 : index
        %swap3A_2706 = tpu.vector_load %arg26[%swap3A_2704, %swap3A_2705] {strides = array<i32>} : memref<112x96xf32, #tpu.memory_space<vmem>>, vector<1x16xf32>,
        %swap3A_2707 = vector.shape_cast %swap3A_2706 : vector<1x16xf32> to vector<16xf32>
        %swap3A_2708 = vector.shape_cast %add3A_2703 : vector<16xf32> to vector<1x16xf32>
        tpu.vector_store %arg26[%swap3A_2704, %swap3A_2705], %swap3A_2708 {strides = array<i32>} : memref<112x96xf32, #tpu.memory_space<vmem>>, vector<1x16xf32>,
        %add3A_2709 = arith.constant 13 : i32
        %add3A_2710 = arith.addi %mul3A_74, %add3A_2709 : i32
        %slice3A_2711 = vector.extract_strided_slice %get3A_76 {offsets = [13], sizes = [1], strides = [1]} : vector<16xf32> to vector<1xf32>
        %squeeze3A_2712 = vector.extract %slice3A_2711[0] : f32 from vector<1xf32>
        %slice3A_2713 = vector.extract_strided_slice %get3A_79 {offsets = [13], sizes = [1], strides = [1]} : vector<16xf32> to vector<1xf32>
        %squeeze3A_2714 = vector.extract %slice3A_2713[0] : f32 from vector<1xf32>
        %slice3A_2715 = vector.extract_strided_slice %get3A_82 {offsets = [13], sizes = [1], strides = [1]} : vector<16xf32> to vector<1xf32>
        %squeeze3A_2716 = vector.extract %slice3A_2715[0] : f32 from vector<1xf32>
        %slice3A_2717 = vector.extract_strided_slice %get3A_85 {offsets = [13], sizes = [1], strides = [1]} : vector<16xf32> to vector<1xf32>
        %squeeze3A_2718 = vector.extract %slice3A_2717[0] : f32 from vector<1xf32>
        %get3A_2719 = arith.index_cast %add3A_2710 : i32 to index
        %get3A_2720 = arith.constant 0 : index
        %get3A_2721 = tpu.vector_load %arg22[%get3A_2719, %get3A_2720] {strides = array<i32>} : memref<112x96xf32, #tpu.memory_space<vmem>>, vector<1x16xf32>,
        %get3A_2722 = vector.shape_cast %get3A_2721 : vector<1x16xf32> to vector<16xf32>
        %mul3A_2723 = vector.broadcast %squeeze3A_2712 : f32 to vector<16xf32>
        %mul3A_2724 = arith.mulf %get3A_2722, %mul3A_2723 : vector<16xf32>
        %get3A_2725 = arith.index_cast %add3A_2710 : i32 to index
        %get3A_2726 = arith.constant 0 : index
        %get3A_2727 = tpu.vector_load %arg23[%get3A_2725, %get3A_2726] {strides = array<i32>} : memref<112x96xf32, #tpu.memory_space<vmem>>, vector<1x16xf32>,
        %get3A_2728 = vector.shape_cast %get3A_2727 : vector<1x16xf32> to vector<16xf32>
        %mul3A_2729 = vector.broadcast %squeeze3A_2714 : f32 to vector<16xf32>
        %mul3A_2730 = arith.mulf %get3A_2728, %mul3A_2729 : vector<16xf32>
        %add3A_2731 = arith.addf %mul3A_2724, %mul3A_2730 : vector<16xf32>
        %get3A_2732 = arith.index_cast %add3A_2710 : i32 to index
        %get3A_2733 = arith.constant 0 : index
        %get3A_2734 = tpu.vector_load %arg24[%get3A_2732, %get3A_2733] {strides = array<i32>} : memref<112x96xf32, #tpu.memory_space<vmem>>, vector<1x16xf32>,
        %get3A_2735 = vector.shape_cast %get3A_2734 : vector<1x16xf32> to vector<16xf32>
        %mul3A_2736 = vector.broadcast %squeeze3A_2716 : f32 to vector<16xf32>
        %mul3A_2737 = arith.mulf %get3A_2735, %mul3A_2736 : vector<16xf32>
        %add3A_2738 = arith.addf %add3A_2731, %mul3A_2737 : vector<16xf32>
        %get3A_2739 = arith.index_cast %add3A_2710 : i32 to index
        %get3A_2740 = arith.constant 0 : index
        %get3A_2741 = tpu.vector_load %arg25[%get3A_2739, %get3A_2740] {strides = array<i32>} : memref<112x96xf32, #tpu.memory_space<vmem>>, vector<1x16xf32>,
        %get3A_2742 = vector.shape_cast %get3A_2741 : vector<1x16xf32> to vector<16xf32>
        %mul3A_2743 = vector.broadcast %squeeze3A_2718 : f32 to vector<16xf32>
        %mul3A_2744 = arith.mulf %get3A_2742, %mul3A_2743 : vector<16xf32>
        %add3A_2745 = arith.addf %add3A_2738, %mul3A_2744 : vector<16xf32>
        %swap3A_2746 = arith.index_cast %add3A_2710 : i32 to index
        %swap3A_2747 = arith.constant 0 : index
        %swap3A_2748 = tpu.vector_load %arg26[%swap3A_2746, %swap3A_2747] {strides = array<i32>} : memref<112x96xf32, #tpu.memory_space<vmem>>, vector<1x16xf32>,
        %swap3A_2749 = vector.shape_cast %swap3A_2748 : vector<1x16xf32> to vector<16xf32>
        %swap3A_2750 = vector.shape_cast %add3A_2745 : vector<16xf32> to vector<1x16xf32>
        tpu.vector_store %arg26[%swap3A_2746, %swap3A_2747], %swap3A_2750 {strides = array<i32>} : memref<112x96xf32, #tpu.memory_space<vmem>>, vector<1x16xf32>,
        %get3A_2751 = arith.index_cast %add3A_2710 : i32 to index
        %get3A_2752 = arith.constant 16 : index
        %get3A_2753 = tpu.vector_load %arg22[%get3A_2751, %get3A_2752] {strides = array<i32>} : memref<112x96xf32, #tpu.memory_space<vmem>>, vector<1x16xf32>,
        %get3A_2754 = vector.shape_cast %get3A_2753 : vector<1x16xf32> to vector<16xf32>
        %mul3A_2755 = vector.broadcast %squeeze3A_2712 : f32 to vector<16xf32>
        %mul3A_2756 = arith.mulf %get3A_2754, %mul3A_2755 : vector<16xf32>
        %get3A_2757 = arith.index_cast %add3A_2710 : i32 to index
        %get3A_2758 = arith.constant 16 : index
        %get3A_2759 = tpu.vector_load %arg23[%get3A_2757, %get3A_2758] {strides = array<i32>} : memref<112x96xf32, #tpu.memory_space<vmem>>, vector<1x16xf32>,
        %get3A_2760 = vector.shape_cast %get3A_2759 : vector<1x16xf32> to vector<16xf32>
        %mul3A_2761 = vector.broadcast %squeeze3A_2714 : f32 to vector<16xf32>
        %mul3A_2762 = arith.mulf %get3A_2760, %mul3A_2761 : vector<16xf32>
        %add3A_2763 = arith.addf %mul3A_2756, %mul3A_2762 : vector<16xf32>
        %get3A_2764 = arith.index_cast %add3A_2710 : i32 to index
        %get3A_2765 = arith.constant 16 : index
        %get3A_2766 = tpu.vector_load %arg24[%get3A_2764, %get3A_2765] {strides = array<i32>} : memref<112x96xf32, #tpu.memory_space<vmem>>, vector<1x16xf32>,
        %get3A_2767 = vector.shape_cast %get3A_2766 : vector<1x16xf32> to vector<16xf32>
        %mul3A_2768 = vector.broadcast %squeeze3A_2716 : f32 to vector<16xf32>
        %mul3A_2769 = arith.mulf %get3A_2767, %mul3A_2768 : vector<16xf32>
        %add3A_2770 = arith.addf %add3A_2763, %mul3A_2769 : vector<16xf32>
        %get3A_2771 = arith.index_cast %add3A_2710 : i32 to index
        %get3A_2772 = arith.constant 16 : index
        %get3A_2773 = tpu.vector_load %arg25[%get3A_2771, %get3A_2772] {strides = array<i32>} : memref<112x96xf32, #tpu.memory_space<vmem>>, vector<1x16xf32>,
        %get3A_2774 = vector.shape_cast %get3A_2773 : vector<1x16xf32> to vector<16xf32>
        %mul3A_2775 = vector.broadcast %squeeze3A_2718 : f32 to vector<16xf32>
        %mul3A_2776 = arith.mulf %get3A_2774, %mul3A_2775 : vector<16xf32>
        %add3A_2777 = arith.addf %add3A_2770, %mul3A_2776 : vector<16xf32>
        %swap3A_2778 = arith.index_cast %add3A_2710 : i32 to index
        %swap3A_2779 = arith.constant 16 : index
        %swap3A_2780 = tpu.vector_load %arg26[%swap3A_2778, %swap3A_2779] {strides = array<i32>} : memref<112x96xf32, #tpu.memory_space<vmem>>, vector<1x16xf32>,
        %swap3A_2781 = vector.shape_cast %swap3A_2780 : vector<1x16xf32> to vector<16xf32>
        %swap3A_2782 = vector.shape_cast %add3A_2777 : vector<16xf32> to vector<1x16xf32>
        tpu.vector_store %arg26[%swap3A_2778, %swap3A_2779], %swap3A_2782 {strides = array<i32>} : memref<112x96xf32, #tpu.memory_space<vmem>>, vector<1x16xf32>,
        %get3A_2783 = arith.index_cast %add3A_2710 : i32 to index
        %get3A_2784 = arith.constant 32 : index
        %get3A_2785 = tpu.vector_load %arg22[%get3A_2783, %get3A_2784] {strides = array<i32>} : memref<112x96xf32, #tpu.memory_space<vmem>>, vector<1x16xf32>,
        %get3A_2786 = vector.shape_cast %get3A_2785 : vector<1x16xf32> to vector<16xf32>
        %mul3A_2787 = vector.broadcast %squeeze3A_2712 : f32 to vector<16xf32>
        %mul3A_2788 = arith.mulf %get3A_2786, %mul3A_2787 : vector<16xf32>
        %get3A_2789 = arith.index_cast %add3A_2710 : i32 to index
        %get3A_2790 = arith.constant 32 : index
        %get3A_2791 = tpu.vector_load %arg23[%get3A_2789, %get3A_2790] {strides = array<i32>} : memref<112x96xf32, #tpu.memory_space<vmem>>, vector<1x16xf32>,
        %get3A_2792 = vector.shape_cast %get3A_2791 : vector<1x16xf32> to vector<16xf32>
        %mul3A_2793 = vector.broadcast %squeeze3A_2714 : f32 to vector<16xf32>
        %mul3A_2794 = arith.mulf %get3A_2792, %mul3A_2793 : vector<16xf32>
        %add3A_2795 = arith.addf %mul3A_2788, %mul3A_2794 : vector<16xf32>
        %get3A_2796 = arith.index_cast %add3A_2710 : i32 to index
        %get3A_2797 = arith.constant 32 : index
        %get3A_2798 = tpu.vector_load %arg24[%get3A_2796, %get3A_2797] {strides = array<i32>} : memref<112x96xf32, #tpu.memory_space<vmem>>, vector<1x16xf32>,
        %get3A_2799 = vector.shape_cast %get3A_2798 : vector<1x16xf32> to vector<16xf32>
        %mul3A_2800 = vector.broadcast %squeeze3A_2716 : f32 to vector<16xf32>
        %mul3A_2801 = arith.mulf %get3A_2799, %mul3A_2800 : vector<16xf32>
        %add3A_2802 = arith.addf %add3A_2795, %mul3A_2801 : vector<16xf32>
        %get3A_2803 = arith.index_cast %add3A_2710 : i32 to index
        %get3A_2804 = arith.constant 32 : index
        %get3A_2805 = tpu.vector_load %arg25[%get3A_2803, %get3A_2804] {strides = array<i32>} : memref<112x96xf32, #tpu.memory_space<vmem>>, vector<1x16xf32>,
        %get3A_2806 = vector.shape_cast %get3A_2805 : vector<1x16xf32> to vector<16xf32>
        %mul3A_2807 = vector.broadcast %squeeze3A_2718 : f32 to vector<16xf32>
        %mul3A_2808 = arith.mulf %get3A_2806, %mul3A_2807 : vector<16xf32>
        %add3A_2809 = arith.addf %add3A_2802, %mul3A_2808 : vector<16xf32>
        %swap3A_2810 = arith.index_cast %add3A_2710 : i32 to index
        %swap3A_2811 = arith.constant 32 : index
        %swap3A_2812 = tpu.vector_load %arg26[%swap3A_2810, %swap3A_2811] {strides = array<i32>} : memref<112x96xf32, #tpu.memory_space<vmem>>, vector<1x16xf32>,
        %swap3A_2813 = vector.shape_cast %swap3A_2812 : vector<1x16xf32> to vector<16xf32>
        %swap3A_2814 = vector.shape_cast %add3A_2809 : vector<16xf32> to vector<1x16xf32>
        tpu.vector_store %arg26[%swap3A_2810, %swap3A_2811], %swap3A_2814 {strides = array<i32>} : memref<112x96xf32, #tpu.memory_space<vmem>>, vector<1x16xf32>,
        %get3A_2815 = arith.index_cast %add3A_2710 : i32 to index
        %get3A_2816 = arith.constant 48 : index
        %get3A_2817 = tpu.vector_load %arg22[%get3A_2815, %get3A_2816] {strides = array<i32>} : memref<112x96xf32, #tpu.memory_space<vmem>>, vector<1x16xf32>,
        %get3A_2818 = vector.shape_cast %get3A_2817 : vector<1x16xf32> to vector<16xf32>
        %mul3A_2819 = vector.broadcast %squeeze3A_2712 : f32 to vector<16xf32>
        %mul3A_2820 = arith.mulf %get3A_2818, %mul3A_2819 : vector<16xf32>
        %get3A_2821 = arith.index_cast %add3A_2710 : i32 to index
        %get3A_2822 = arith.constant 48 : index
        %get3A_2823 = tpu.vector_load %arg23[%get3A_2821, %get3A_2822] {strides = array<i32>} : memref<112x96xf32, #tpu.memory_space<vmem>>, vector<1x16xf32>,
        %get3A_2824 = vector.shape_cast %get3A_2823 : vector<1x16xf32> to vector<16xf32>
        %mul3A_2825 = vector.broadcast %squeeze3A_2714 : f32 to vector<16xf32>
        %mul3A_2826 = arith.mulf %get3A_2824, %mul3A_2825 : vector<16xf32>
        %add3A_2827 = arith.addf %mul3A_2820, %mul3A_2826 : vector<16xf32>
        %get3A_2828 = arith.index_cast %add3A_2710 : i32 to index
        %get3A_2829 = arith.constant 48 : index
        %get3A_2830 = tpu.vector_load %arg24[%get3A_2828, %get3A_2829] {strides = array<i32>} : memref<112x96xf32, #tpu.memory_space<vmem>>, vector<1x16xf32>,
        %get3A_2831 = vector.shape_cast %get3A_2830 : vector<1x16xf32> to vector<16xf32>
        %mul3A_2832 = vector.broadcast %squeeze3A_2716 : f32 to vector<16xf32>
        %mul3A_2833 = arith.mulf %get3A_2831, %mul3A_2832 : vector<16xf32>
        %add3A_2834 = arith.addf %add3A_2827, %mul3A_2833 : vector<16xf32>
        %get3A_2835 = arith.index_cast %add3A_2710 : i32 to index
        %get3A_2836 = arith.constant 48 : index
        %get3A_2837 = tpu.vector_load %arg25[%get3A_2835, %get3A_2836] {strides = array<i32>} : memref<112x96xf32, #tpu.memory_space<vmem>>, vector<1x16xf32>,
        %get3A_2838 = vector.shape_cast %get3A_2837 : vector<1x16xf32> to vector<16xf32>
        %mul3A_2839 = vector.broadcast %squeeze3A_2718 : f32 to vector<16xf32>
        %mul3A_2840 = arith.mulf %get3A_2838, %mul3A_2839 : vector<16xf32>
        %add3A_2841 = arith.addf %add3A_2834, %mul3A_2840 : vector<16xf32>
        %swap3A_2842 = arith.index_cast %add3A_2710 : i32 to index
        %swap3A_2843 = arith.constant 48 : index
        %swap3A_2844 = tpu.vector_load %arg26[%swap3A_2842, %swap3A_2843] {strides = array<i32>} : memref<112x96xf32, #tpu.memory_space<vmem>>, vector<1x16xf32>,
        %swap3A_2845 = vector.shape_cast %swap3A_2844 : vector<1x16xf32> to vector<16xf32>
        %swap3A_2846 = vector.shape_cast %add3A_2841 : vector<16xf32> to vector<1x16xf32>
        tpu.vector_store %arg26[%swap3A_2842, %swap3A_2843], %swap3A_2846 {strides = array<i32>} : memref<112x96xf32, #tpu.memory_space<vmem>>, vector<1x16xf32>,
        %get3A_2847 = arith.index_cast %add3A_2710 : i32 to index
        %get3A_2848 = arith.constant 64 : index
        %get3A_2849 = tpu.vector_load %arg22[%get3A_2847, %get3A_2848] {strides = array<i32>} : memref<112x96xf32, #tpu.memory_space<vmem>>, vector<1x16xf32>,
        %get3A_2850 = vector.shape_cast %get3A_2849 : vector<1x16xf32> to vector<16xf32>
        %mul3A_2851 = vector.broadcast %squeeze3A_2712 : f32 to vector<16xf32>
        %mul3A_2852 = arith.mulf %get3A_2850, %mul3A_2851 : vector<16xf32>
        %get3A_2853 = arith.index_cast %add3A_2710 : i32 to index
        %get3A_2854 = arith.constant 64 : index
        %get3A_2855 = tpu.vector_load %arg23[%get3A_2853, %get3A_2854] {strides = array<i32>} : memref<112x96xf32, #tpu.memory_space<vmem>>, vector<1x16xf32>,
        %get3A_2856 = vector.shape_cast %get3A_2855 : vector<1x16xf32> to vector<16xf32>
        %mul3A_2857 = vector.broadcast %squeeze3A_2714 : f32 to vector<16xf32>
        %mul3A_2858 = arith.mulf %get3A_2856, %mul3A_2857 : vector<16xf32>
        %add3A_2859 = arith.addf %mul3A_2852, %mul3A_2858 : vector<16xf32>
        %get3A_2860 = arith.index_cast %add3A_2710 : i32 to index
        %get3A_2861 = arith.constant 64 : index
        %get3A_2862 = tpu.vector_load %arg24[%get3A_2860, %get3A_2861] {strides = array<i32>} : memref<112x96xf32, #tpu.memory_space<vmem>>, vector<1x16xf32>,
        %get3A_2863 = vector.shape_cast %get3A_2862 : vector<1x16xf32> to vector<16xf32>
        %mul3A_2864 = vector.broadcast %squeeze3A_2716 : f32 to vector<16xf32>
        %mul3A_2865 = arith.mulf %get3A_2863, %mul3A_2864 : vector<16xf32>
        %add3A_2866 = arith.addf %add3A_2859, %mul3A_2865 : vector<16xf32>
        %get3A_2867 = arith.index_cast %add3A_2710 : i32 to index
        %get3A_2868 = arith.constant 64 : index
        %get3A_2869 = tpu.vector_load %arg25[%get3A_2867, %get3A_2868] {strides = array<i32>} : memref<112x96xf32, #tpu.memory_space<vmem>>, vector<1x16xf32>,
        %get3A_2870 = vector.shape_cast %get3A_2869 : vector<1x16xf32> to vector<16xf32>
        %mul3A_2871 = vector.broadcast %squeeze3A_2718 : f32 to vector<16xf32>
        %mul3A_2872 = arith.mulf %get3A_2870, %mul3A_2871 : vector<16xf32>
        %add3A_2873 = arith.addf %add3A_2866, %mul3A_2872 : vector<16xf32>
        %swap3A_2874 = arith.index_cast %add3A_2710 : i32 to index
        %swap3A_2875 = arith.constant 64 : index
        %swap3A_2876 = tpu.vector_load %arg26[%swap3A_2874, %swap3A_2875] {strides = array<i32>} : memref<112x96xf32, #tpu.memory_space<vmem>>, vector<1x16xf32>,
        %swap3A_2877 = vector.shape_cast %swap3A_2876 : vector<1x16xf32> to vector<16xf32>
        %swap3A_2878 = vector.shape_cast %add3A_2873 : vector<16xf32> to vector<1x16xf32>
        tpu.vector_store %arg26[%swap3A_2874, %swap3A_2875], %swap3A_2878 {strides = array<i32>} : memref<112x96xf32, #tpu.memory_space<vmem>>, vector<1x16xf32>,
        %get3A_2879 = arith.index_cast %add3A_2710 : i32 to index
        %get3A_2880 = arith.constant 80 : index
        %get3A_2881 = tpu.vector_load %arg22[%get3A_2879, %get3A_2880] {strides = array<i32>} : memref<112x96xf32, #tpu.memory_space<vmem>>, vector<1x16xf32>,
        %get3A_2882 = vector.shape_cast %get3A_2881 : vector<1x16xf32> to vector<16xf32>
        %mul3A_2883 = vector.broadcast %squeeze3A_2712 : f32 to vector<16xf32>
        %mul3A_2884 = arith.mulf %get3A_2882, %mul3A_2883 : vector<16xf32>
        %get3A_2885 = arith.index_cast %add3A_2710 : i32 to index
        %get3A_2886 = arith.constant 80 : index
        %get3A_2887 = tpu.vector_load %arg23[%get3A_2885, %get3A_2886] {strides = array<i32>} : memref<112x96xf32, #tpu.memory_space<vmem>>, vector<1x16xf32>,
        %get3A_2888 = vector.shape_cast %get3A_2887 : vector<1x16xf32> to vector<16xf32>
        %mul3A_2889 = vector.broadcast %squeeze3A_2714 : f32 to vector<16xf32>
        %mul3A_2890 = arith.mulf %get3A_2888, %mul3A_2889 : vector<16xf32>
        %add3A_2891 = arith.addf %mul3A_2884, %mul3A_2890 : vector<16xf32>
        %get3A_2892 = arith.index_cast %add3A_2710 : i32 to index
        %get3A_2893 = arith.constant 80 : index
        %get3A_2894 = tpu.vector_load %arg24[%get3A_2892, %get3A_2893] {strides = array<i32>} : memref<112x96xf32, #tpu.memory_space<vmem>>, vector<1x16xf32>,
        %get3A_2895 = vector.shape_cast %get3A_2894 : vector<1x16xf32> to vector<16xf32>
        %mul3A_2896 = vector.broadcast %squeeze3A_2716 : f32 to vector<16xf32>
        %mul3A_2897 = arith.mulf %get3A_2895, %mul3A_2896 : vector<16xf32>
        %add3A_2898 = arith.addf %add3A_2891, %mul3A_2897 : vector<16xf32>
        %get3A_2899 = arith.index_cast %add3A_2710 : i32 to index
        %get3A_2900 = arith.constant 80 : index
        %get3A_2901 = tpu.vector_load %arg25[%get3A_2899, %get3A_2900] {strides = array<i32>} : memref<112x96xf32, #tpu.memory_space<vmem>>, vector<1x16xf32>,
        %get3A_2902 = vector.shape_cast %get3A_2901 : vector<1x16xf32> to vector<16xf32>
        %mul3A_2903 = vector.broadcast %squeeze3A_2718 : f32 to vector<16xf32>
        %mul3A_2904 = arith.mulf %get3A_2902, %mul3A_2903 : vector<16xf32>
        %add3A_2905 = arith.addf %add3A_2898, %mul3A_2904 : vector<16xf32>
        %swap3A_2906 = arith.index_cast %add3A_2710 : i32 to index
        %swap3A_2907 = arith.constant 80 : index
        %swap3A_2908 = tpu.vector_load %arg26[%swap3A_2906, %swap3A_2907] {strides = array<i32>} : memref<112x96xf32, #tpu.memory_space<vmem>>, vector<1x16xf32>,
        %swap3A_2909 = vector.shape_cast %swap3A_2908 : vector<1x16xf32> to vector<16xf32>
        %swap3A_2910 = vector.shape_cast %add3A_2905 : vector<16xf32> to vector<1x16xf32>
        tpu.vector_store %arg26[%swap3A_2906, %swap3A_2907], %swap3A_2910 {strides = array<i32>} : memref<112x96xf32, #tpu.memory_space<vmem>>, vector<1x16xf32>,
        %add3A_2911 = arith.constant 14 : i32
        %add3A_2912 = arith.addi %mul3A_74, %add3A_2911 : i32
        %slice3A_2913 = vector.extract_strided_slice %get3A_76 {offsets = [14], sizes = [1], strides = [1]} : vector<16xf32> to vector<1xf32>
        %squeeze3A_2914 = vector.extract %slice3A_2913[0] : f32 from vector<1xf32>
        %slice3A_2915 = vector.extract_strided_slice %get3A_79 {offsets = [14], sizes = [1], strides = [1]} : vector<16xf32> to vector<1xf32>
        %squeeze3A_2916 = vector.extract %slice3A_2915[0] : f32 from vector<1xf32>
        %slice3A_2917 = vector.extract_strided_slice %get3A_82 {offsets = [14], sizes = [1], strides = [1]} : vector<16xf32> to vector<1xf32>
        %squeeze3A_2918 = vector.extract %slice3A_2917[0] : f32 from vector<1xf32>
        %slice3A_2919 = vector.extract_strided_slice %get3A_85 {offsets = [14], sizes = [1], strides = [1]} : vector<16xf32> to vector<1xf32>
        %squeeze3A_2920 = vector.extract %slice3A_2919[0] : f32 from vector<1xf32>
        %get3A_2921 = arith.index_cast %add3A_2912 : i32 to index
        %get3A_2922 = arith.constant 0 : index
        %get3A_2923 = tpu.vector_load %arg22[%get3A_2921, %get3A_2922] {strides = array<i32>} : memref<112x96xf32, #tpu.memory_space<vmem>>, vector<1x16xf32>,
        %get3A_2924 = vector.shape_cast %get3A_2923 : vector<1x16xf32> to vector<16xf32>
        %mul3A_2925 = vector.broadcast %squeeze3A_2914 : f32 to vector<16xf32>
        %mul3A_2926 = arith.mulf %get3A_2924, %mul3A_2925 : vector<16xf32>
        %get3A_2927 = arith.index_cast %add3A_2912 : i32 to index
        %get3A_2928 = arith.constant 0 : index
        %get3A_2929 = tpu.vector_load %arg23[%get3A_2927, %get3A_2928] {strides = array<i32>} : memref<112x96xf32, #tpu.memory_space<vmem>>, vector<1x16xf32>,
        %get3A_2930 = vector.shape_cast %get3A_2929 : vector<1x16xf32> to vector<16xf32>
        %mul3A_2931 = vector.broadcast %squeeze3A_2916 : f32 to vector<16xf32>
        %mul3A_2932 = arith.mulf %get3A_2930, %mul3A_2931 : vector<16xf32>
        %add3A_2933 = arith.addf %mul3A_2926, %mul3A_2932 : vector<16xf32>
        %get3A_2934 = arith.index_cast %add3A_2912 : i32 to index
        %get3A_2935 = arith.constant 0 : index
        %get3A_2936 = tpu.vector_load %arg24[%get3A_2934, %get3A_2935] {strides = array<i32>} : memref<112x96xf32, #tpu.memory_space<vmem>>, vector<1x16xf32>,
        %get3A_2937 = vector.shape_cast %get3A_2936 : vector<1x16xf32> to vector<16xf32>
        %mul3A_2938 = vector.broadcast %squeeze3A_2918 : f32 to vector<16xf32>
        %mul3A_2939 = arith.mulf %get3A_2937, %mul3A_2938 : vector<16xf32>
        %add3A_2940 = arith.addf %add3A_2933, %mul3A_2939 : vector<16xf32>
        %get3A_2941 = arith.index_cast %add3A_2912 : i32 to index
        %get3A_2942 = arith.constant 0 : index
        %get3A_2943 = tpu.vector_load %arg25[%get3A_2941, %get3A_2942] {strides = array<i32>} : memref<112x96xf32, #tpu.memory_space<vmem>>, vector<1x16xf32>,
        %get3A_2944 = vector.shape_cast %get3A_2943 : vector<1x16xf32> to vector<16xf32>
        %mul3A_2945 = vector.broadcast %squeeze3A_2920 : f32 to vector<16xf32>
        %mul3A_2946 = arith.mulf %get3A_2944, %mul3A_2945 : vector<16xf32>
        %add3A_2947 = arith.addf %add3A_2940, %mul3A_2946 : vector<16xf32>
        %swap3A_2948 = arith.index_cast %add3A_2912 : i32 to index
        %swap3A_2949 = arith.constant 0 : index
        %swap3A_2950 = tpu.vector_load %arg26[%swap3A_2948, %swap3A_2949] {strides = array<i32>} : memref<112x96xf32, #tpu.memory_space<vmem>>, vector<1x16xf32>,
        %swap3A_2951 = vector.shape_cast %swap3A_2950 : vector<1x16xf32> to vector<16xf32>
        %swap3A_2952 = vector.shape_cast %add3A_2947 : vector<16xf32> to vector<1x16xf32>
        tpu.vector_store %arg26[%swap3A_2948, %swap3A_2949], %swap3A_2952 {strides = array<i32>} : memref<112x96xf32, #tpu.memory_space<vmem>>, vector<1x16xf32>,
        %get3A_2953 = arith.index_cast %add3A_2912 : i32 to index
        %get3A_2954 = arith.constant 16 : index
        %get3A_2955 = tpu.vector_load %arg22[%get3A_2953, %get3A_2954] {strides = array<i32>} : memref<112x96xf32, #tpu.memory_space<vmem>>, vector<1x16xf32>,
        %get3A_2956 = vector.shape_cast %get3A_2955 : vector<1x16xf32> to vector<16xf32>
        %mul3A_2957 = vector.broadcast %squeeze3A_2914 : f32 to vector<16xf32>
        %mul3A_2958 = arith.mulf %get3A_2956, %mul3A_2957 : vector<16xf32>
        %get3A_2959 = arith.index_cast %add3A_2912 : i32 to index
        %get3A_2960 = arith.constant 16 : index
        %get3A_2961 = tpu.vector_load %arg23[%get3A_2959, %get3A_2960] {strides = array<i32>} : memref<112x96xf32, #tpu.memory_space<vmem>>, vector<1x16xf32>,
        %get3A_2962 = vector.shape_cast %get3A_2961 : vector<1x16xf32> to vector<16xf32>
        %mul3A_2963 = vector.broadcast %squeeze3A_2916 : f32 to vector<16xf32>
        %mul3A_2964 = arith.mulf %get3A_2962, %mul3A_2963 : vector<16xf32>
        %add3A_2965 = arith.addf %mul3A_2958, %mul3A_2964 : vector<16xf32>
        %get3A_2966 = arith.index_cast %add3A_2912 : i32 to index
        %get3A_2967 = arith.constant 16 : index
        %get3A_2968 = tpu.vector_load %arg24[%get3A_2966, %get3A_2967] {strides = array<i32>} : memref<112x96xf32, #tpu.memory_space<vmem>>, vector<1x16xf32>,
        %get3A_2969 = vector.shape_cast %get3A_2968 : vector<1x16xf32> to vector<16xf32>
        %mul3A_2970 = vector.broadcast %squeeze3A_2918 : f32 to vector<16xf32>
        %mul3A_2971 = arith.mulf %get3A_2969, %mul3A_2970 : vector<16xf32>
        %add3A_2972 = arith.addf %add3A_2965, %mul3A_2971 : vector<16xf32>
        %get3A_2973 = arith.index_cast %add3A_2912 : i32 to index
        %get3A_2974 = arith.constant 16 : index
        %get3A_2975 = tpu.vector_load %arg25[%get3A_2973, %get3A_2974] {strides = array<i32>} : memref<112x96xf32, #tpu.memory_space<vmem>>, vector<1x16xf32>,
        %get3A_2976 = vector.shape_cast %get3A_2975 : vector<1x16xf32> to vector<16xf32>
        %mul3A_2977 = vector.broadcast %squeeze3A_2920 : f32 to vector<16xf32>
        %mul3A_2978 = arith.mulf %get3A_2976, %mul3A_2977 : vector<16xf32>
        %add3A_2979 = arith.addf %add3A_2972, %mul3A_2978 : vector<16xf32>
        %swap3A_2980 = arith.index_cast %add3A_2912 : i32 to index
        %swap3A_2981 = arith.constant 16 : index
        %swap3A_2982 = tpu.vector_load %arg26[%swap3A_2980, %swap3A_2981] {strides = array<i32>} : memref<112x96xf32, #tpu.memory_space<vmem>>, vector<1x16xf32>,
        %swap3A_2983 = vector.shape_cast %swap3A_2982 : vector<1x16xf32> to vector<16xf32>
        %swap3A_2984 = vector.shape_cast %add3A_2979 : vector<16xf32> to vector<1x16xf32>
        tpu.vector_store %arg26[%swap3A_2980, %swap3A_2981], %swap3A_2984 {strides = array<i32>} : memref<112x96xf32, #tpu.memory_space<vmem>>, vector<1x16xf32>,
        %get3A_2985 = arith.index_cast %add3A_2912 : i32 to index
        %get3A_2986 = arith.constant 32 : index
        %get3A_2987 = tpu.vector_load %arg22[%get3A_2985, %get3A_2986] {strides = array<i32>} : memref<112x96xf32, #tpu.memory_space<vmem>>, vector<1x16xf32>,
        %get3A_2988 = vector.shape_cast %get3A_2987 : vector<1x16xf32> to vector<16xf32>
        %mul3A_2989 = vector.broadcast %squeeze3A_2914 : f32 to vector<16xf32>
        %mul3A_2990 = arith.mulf %get3A_2988, %mul3A_2989 : vector<16xf32>
        %get3A_2991 = arith.index_cast %add3A_2912 : i32 to index
        %get3A_2992 = arith.constant 32 : index
        %get3A_2993 = tpu.vector_load %arg23[%get3A_2991, %get3A_2992] {strides = array<i32>} : memref<112x96xf32, #tpu.memory_space<vmem>>, vector<1x16xf32>,
        %get3A_2994 = vector.shape_cast %get3A_2993 : vector<1x16xf32> to vector<16xf32>
        %mul3A_2995 = vector.broadcast %squeeze3A_2916 : f32 to vector<16xf32>
        %mul3A_2996 = arith.mulf %get3A_2994, %mul3A_2995 : vector<16xf32>
        %add3A_2997 = arith.addf %mul3A_2990, %mul3A_2996 : vector<16xf32>
        %get3A_2998 = arith.index_cast %add3A_2912 : i32 to index
        %get3A_2999 = arith.constant 32 : index
        %get3A_3000 = tpu.vector_load %arg24[%get3A_2998, %get3A_2999] {strides = array<i32>} : memref<112x96xf32, #tpu.memory_space<vmem>>, vector<1x16xf32>,
        %get3A_3001 = vector.shape_cast %get3A_3000 : vector<1x16xf32> to vector<16xf32>
        %mul3A_3002 = vector.broadcast %squeeze3A_2918 : f32 to vector<16xf32>
        %mul3A_3003 = arith.mulf %get3A_3001, %mul3A_3002 : vector<16xf32>
        %add3A_3004 = arith.addf %add3A_2997, %mul3A_3003 : vector<16xf32>
        %get3A_3005 = arith.index_cast %add3A_2912 : i32 to index
        %get3A_3006 = arith.constant 32 : index
        %get3A_3007 = tpu.vector_load %arg25[%get3A_3005, %get3A_3006] {strides = array<i32>} : memref<112x96xf32, #tpu.memory_space<vmem>>, vector<1x16xf32>,
        %get3A_3008 = vector.shape_cast %get3A_3007 : vector<1x16xf32> to vector<16xf32>
        %mul3A_3009 = vector.broadcast %squeeze3A_2920 : f32 to vector<16xf32>
        %mul3A_3010 = arith.mulf %get3A_3008, %mul3A_3009 : vector<16xf32>
        %add3A_3011 = arith.addf %add3A_3004, %mul3A_3010 : vector<16xf32>
        %swap3A_3012 = arith.index_cast %add3A_2912 : i32 to index
        %swap3A_3013 = arith.constant 32 : index
        %swap3A_3014 = tpu.vector_load %arg26[%swap3A_3012, %swap3A_3013] {strides = array<i32>} : memref<112x96xf32, #tpu.memory_space<vmem>>, vector<1x16xf32>,
        %swap3A_3015 = vector.shape_cast %swap3A_3014 : vector<1x16xf32> to vector<16xf32>
        %swap3A_3016 = vector.shape_cast %add3A_3011 : vector<16xf32> to vector<1x16xf32>
        tpu.vector_store %arg26[%swap3A_3012, %swap3A_3013], %swap3A_3016 {strides = array<i32>} : memref<112x96xf32, #tpu.memory_space<vmem>>, vector<1x16xf32>,
        %get3A_3017 = arith.index_cast %add3A_2912 : i32 to index
        %get3A_3018 = arith.constant 48 : index
        %get3A_3019 = tpu.vector_load %arg22[%get3A_3017, %get3A_3018] {strides = array<i32>} : memref<112x96xf32, #tpu.memory_space<vmem>>, vector<1x16xf32>,
        %get3A_3020 = vector.shape_cast %get3A_3019 : vector<1x16xf32> to vector<16xf32>
        %mul3A_3021 = vector.broadcast %squeeze3A_2914 : f32 to vector<16xf32>
        %mul3A_3022 = arith.mulf %get3A_3020, %mul3A_3021 : vector<16xf32>
        %get3A_3023 = arith.index_cast %add3A_2912 : i32 to index
        %get3A_3024 = arith.constant 48 : index
        %get3A_3025 = tpu.vector_load %arg23[%get3A_3023, %get3A_3024] {strides = array<i32>} : memref<112x96xf32, #tpu.memory_space<vmem>>, vector<1x16xf32>,
        %get3A_3026 = vector.shape_cast %get3A_3025 : vector<1x16xf32> to vector<16xf32>
        %mul3A_3027 = vector.broadcast %squeeze3A_2916 : f32 to vector<16xf32>
        %mul3A_3028 = arith.mulf %get3A_3026, %mul3A_3027 : vector<16xf32>
        %add3A_3029 = arith.addf %mul3A_3022, %mul3A_3028 : vector<16xf32>
        %get3A_3030 = arith.index_cast %add3A_2912 : i32 to index
        %get3A_3031 = arith.constant 48 : index
        %get3A_3032 = tpu.vector_load %arg24[%get3A_3030, %get3A_3031] {strides = array<i32>} : memref<112x96xf32, #tpu.memory_space<vmem>>, vector<1x16xf32>,
        %get3A_3033 = vector.shape_cast %get3A_3032 : vector<1x16xf32> to vector<16xf32>
        %mul3A_3034 = vector.broadcast %squeeze3A_2918 : f32 to vector<16xf32>
        %mul3A_3035 = arith.mulf %get3A_3033, %mul3A_3034 : vector<16xf32>
        %add3A_3036 = arith.addf %add3A_3029, %mul3A_3035 : vector<16xf32>
        %get3A_3037 = arith.index_cast %add3A_2912 : i32 to index
        %get3A_3038 = arith.constant 48 : index
        %get3A_3039 = tpu.vector_load %arg25[%get3A_3037, %get3A_3038] {strides = array<i32>} : memref<112x96xf32, #tpu.memory_space<vmem>>, vector<1x16xf32>,
        %get3A_3040 = vector.shape_cast %get3A_3039 : vector<1x16xf32> to vector<16xf32>
        %mul3A_3041 = vector.broadcast %squeeze3A_2920 : f32 to vector<16xf32>
        %mul3A_3042 = arith.mulf %get3A_3040, %mul3A_3041 : vector<16xf32>
        %add3A_3043 = arith.addf %add3A_3036, %mul3A_3042 : vector<16xf32>
        %swap3A_3044 = arith.index_cast %add3A_2912 : i32 to index
        %swap3A_3045 = arith.constant 48 : index
        %swap3A_3046 = tpu.vector_load %arg26[%swap3A_3044, %swap3A_3045] {strides = array<i32>} : memref<112x96xf32, #tpu.memory_space<vmem>>, vector<1x16xf32>,
        %swap3A_3047 = vector.shape_cast %swap3A_3046 : vector<1x16xf32> to vector<16xf32>
        %swap3A_3048 = vector.shape_cast %add3A_3043 : vector<16xf32> to vector<1x16xf32>
        tpu.vector_store %arg26[%swap3A_3044, %swap3A_3045], %swap3A_3048 {strides = array<i32>} : memref<112x96xf32, #tpu.memory_space<vmem>>, vector<1x16xf32>,
        %get3A_3049 = arith.index_cast %add3A_2912 : i32 to index
        %get3A_3050 = arith.constant 64 : index
        %get3A_3051 = tpu.vector_load %arg22[%get3A_3049, %get3A_3050] {strides = array<i32>} : memref<112x96xf32, #tpu.memory_space<vmem>>, vector<1x16xf32>,
        %get3A_3052 = vector.shape_cast %get3A_3051 : vector<1x16xf32> to vector<16xf32>
        %mul3A_3053 = vector.broadcast %squeeze3A_2914 : f32 to vector<16xf32>
        %mul3A_3054 = arith.mulf %get3A_3052, %mul3A_3053 : vector<16xf32>
        %get3A_3055 = arith.index_cast %add3A_2912 : i32 to index
        %get3A_3056 = arith.constant 64 : index
        %get3A_3057 = tpu.vector_load %arg23[%get3A_3055, %get3A_3056] {strides = array<i32>} : memref<112x96xf32, #tpu.memory_space<vmem>>, vector<1x16xf32>,
        %get3A_3058 = vector.shape_cast %get3A_3057 : vector<1x16xf32> to vector<16xf32>
        %mul3A_3059 = vector.broadcast %squeeze3A_2916 : f32 to vector<16xf32>
        %mul3A_3060 = arith.mulf %get3A_3058, %mul3A_3059 : vector<16xf32>
        %add3A_3061 = arith.addf %mul3A_3054, %mul3A_3060 : vector<16xf32>
        %get3A_3062 = arith.index_cast %add3A_2912 : i32 to index
        %get3A_3063 = arith.constant 64 : index
        %get3A_3064 = tpu.vector_load %arg24[%get3A_3062, %get3A_3063] {strides = array<i32>} : memref<112x96xf32, #tpu.memory_space<vmem>>, vector<1x16xf32>,
        %get3A_3065 = vector.shape_cast %get3A_3064 : vector<1x16xf32> to vector<16xf32>
        %mul3A_3066 = vector.broadcast %squeeze3A_2918 : f32 to vector<16xf32>
        %mul3A_3067 = arith.mulf %get3A_3065, %mul3A_3066 : vector<16xf32>
        %add3A_3068 = arith.addf %add3A_3061, %mul3A_3067 : vector<16xf32>
        %get3A_3069 = arith.index_cast %add3A_2912 : i32 to index
        %get3A_3070 = arith.constant 64 : index
        %get3A_3071 = tpu.vector_load %arg25[%get3A_3069, %get3A_3070] {strides = array<i32>} : memref<112x96xf32, #tpu.memory_space<vmem>>, vector<1x16xf32>,
        %get3A_3072 = vector.shape_cast %get3A_3071 : vector<1x16xf32> to vector<16xf32>
        %mul3A_3073 = vector.broadcast %squeeze3A_2920 : f32 to vector<16xf32>
        %mul3A_3074 = arith.mulf %get3A_3072, %mul3A_3073 : vector<16xf32>
        %add3A_3075 = arith.addf %add3A_3068, %mul3A_3074 : vector<16xf32>
        %swap3A_3076 = arith.index_cast %add3A_2912 : i32 to index
        %swap3A_3077 = arith.constant 64 : index
        %swap3A_3078 = tpu.vector_load %arg26[%swap3A_3076, %swap3A_3077] {strides = array<i32>} : memref<112x96xf32, #tpu.memory_space<vmem>>, vector<1x16xf32>,
        %swap3A_3079 = vector.shape_cast %swap3A_3078 : vector<1x16xf32> to vector<16xf32>
        %swap3A_3080 = vector.shape_cast %add3A_3075 : vector<16xf32> to vector<1x16xf32>
        tpu.vector_store %arg26[%swap3A_3076, %swap3A_3077], %swap3A_3080 {strides = array<i32>} : memref<112x96xf32, #tpu.memory_space<vmem>>, vector<1x16xf32>,
        %get3A_3081 = arith.index_cast %add3A_2912 : i32 to index
        %get3A_3082 = arith.constant 80 : index
        %get3A_3083 = tpu.vector_load %arg22[%get3A_3081, %get3A_3082] {strides = array<i32>} : memref<112x96xf32, #tpu.memory_space<vmem>>, vector<1x16xf32>,
        %get3A_3084 = vector.shape_cast %get3A_3083 : vector<1x16xf32> to vector<16xf32>
        %mul3A_3085 = vector.broadcast %squeeze3A_2914 : f32 to vector<16xf32>
        %mul3A_3086 = arith.mulf %get3A_3084, %mul3A_3085 : vector<16xf32>
        %get3A_3087 = arith.index_cast %add3A_2912 : i32 to index
        %get3A_3088 = arith.constant 80 : index
        %get3A_3089 = tpu.vector_load %arg23[%get3A_3087, %get3A_3088] {strides = array<i32>} : memref<112x96xf32, #tpu.memory_space<vmem>>, vector<1x16xf32>,
        %get3A_3090 = vector.shape_cast %get3A_3089 : vector<1x16xf32> to vector<16xf32>
        %mul3A_3091 = vector.broadcast %squeeze3A_2916 : f32 to vector<16xf32>
        %mul3A_3092 = arith.mulf %get3A_3090, %mul3A_3091 : vector<16xf32>
        %add3A_3093 = arith.addf %mul3A_3086, %mul3A_3092 : vector<16xf32>
        %get3A_3094 = arith.index_cast %add3A_2912 : i32 to index
        %get3A_3095 = arith.constant 80 : index
        %get3A_3096 = tpu.vector_load %arg24[%get3A_3094, %get3A_3095] {strides = array<i32>} : memref<112x96xf32, #tpu.memory_space<vmem>>, vector<1x16xf32>,
        %get3A_3097 = vector.shape_cast %get3A_3096 : vector<1x16xf32> to vector<16xf32>
        %mul3A_3098 = vector.broadcast %squeeze3A_2918 : f32 to vector<16xf32>
        %mul3A_3099 = arith.mulf %get3A_3097, %mul3A_3098 : vector<16xf32>
        %add3A_3100 = arith.addf %add3A_3093, %mul3A_3099 : vector<16xf32>
        %get3A_3101 = arith.index_cast %add3A_2912 : i32 to index
        %get3A_3102 = arith.constant 80 : index
        %get3A_3103 = tpu.vector_load %arg25[%get3A_3101, %get3A_3102] {strides = array<i32>} : memref<112x96xf32, #tpu.memory_space<vmem>>, vector<1x16xf32>,
        %get3A_3104 = vector.shape_cast %get3A_3103 : vector<1x16xf32> to vector<16xf32>
        %mul3A_3105 = vector.broadcast %squeeze3A_2920 : f32 to vector<16xf32>
        %mul3A_3106 = arith.mulf %get3A_3104, %mul3A_3105 : vector<16xf32>
        %add3A_3107 = arith.addf %add3A_3100, %mul3A_3106 : vector<16xf32>
        %swap3A_3108 = arith.index_cast %add3A_2912 : i32 to index
        %swap3A_3109 = arith.constant 80 : index
        %swap3A_3110 = tpu.vector_load %arg26[%swap3A_3108, %swap3A_3109] {strides = array<i32>} : memref<112x96xf32, #tpu.memory_space<vmem>>, vector<1x16xf32>,
        %swap3A_3111 = vector.shape_cast %swap3A_3110 : vector<1x16xf32> to vector<16xf32>
        %swap3A_3112 = vector.shape_cast %add3A_3107 : vector<16xf32> to vector<1x16xf32>
        tpu.vector_store %arg26[%swap3A_3108, %swap3A_3109], %swap3A_3112 {strides = array<i32>} : memref<112x96xf32, #tpu.memory_space<vmem>>, vector<1x16xf32>,
        %add3A_3113 = arith.constant 15 : i32
        %add3A_3114 = arith.addi %mul3A_74, %add3A_3113 : i32
        %slice3A_3115 = vector.extract_strided_slice %get3A_76 {offsets = [15], sizes = [1], strides = [1]} : vector<16xf32> to vector<1xf32>
        %squeeze3A_3116 = vector.extract %slice3A_3115[0] : f32 from vector<1xf32>
        %slice3A_3117 = vector.extract_strided_slice %get3A_79 {offsets = [15], sizes = [1], strides = [1]} : vector<16xf32> to vector<1xf32>
        %squeeze3A_3118 = vector.extract %slice3A_3117[0] : f32 from vector<1xf32>
        %slice3A_3119 = vector.extract_strided_slice %get3A_82 {offsets = [15], sizes = [1], strides = [1]} : vector<16xf32> to vector<1xf32>
        %squeeze3A_3120 = vector.extract %slice3A_3119[0] : f32 from vector<1xf32>
        %slice3A_3121 = vector.extract_strided_slice %get3A_85 {offsets = [15], sizes = [1], strides = [1]} : vector<16xf32> to vector<1xf32>
        %squeeze3A_3122 = vector.extract %slice3A_3121[0] : f32 from vector<1xf32>
        %get3A_3123 = arith.index_cast %add3A_3114 : i32 to index
        %get3A_3124 = arith.constant 0 : index
        %get3A_3125 = tpu.vector_load %arg22[%get3A_3123, %get3A_3124] {strides = array<i32>} : memref<112x96xf32, #tpu.memory_space<vmem>>, vector<1x16xf32>,
        %get3A_3126 = vector.shape_cast %get3A_3125 : vector<1x16xf32> to vector<16xf32>
        %mul3A_3127 = vector.broadcast %squeeze3A_3116 : f32 to vector<16xf32>
        %mul3A_3128 = arith.mulf %get3A_3126, %mul3A_3127 : vector<16xf32>
        %get3A_3129 = arith.index_cast %add3A_3114 : i32 to index
        %get3A_3130 = arith.constant 0 : index
        %get3A_3131 = tpu.vector_load %arg23[%get3A_3129, %get3A_3130] {strides = array<i32>} : memref<112x96xf32, #tpu.memory_space<vmem>>, vector<1x16xf32>,
        %get3A_3132 = vector.shape_cast %get3A_3131 : vector<1x16xf32> to vector<16xf32>
        %mul3A_3133 = vector.broadcast %squeeze3A_3118 : f32 to vector<16xf32>
        %mul3A_3134 = arith.mulf %get3A_3132, %mul3A_3133 : vector<16xf32>
        %add3A_3135 = arith.addf %mul3A_3128, %mul3A_3134 : vector<16xf32>
        %get3A_3136 = arith.index_cast %add3A_3114 : i32 to index
        %get3A_3137 = arith.constant 0 : index
        %get3A_3138 = tpu.vector_load %arg24[%get3A_3136, %get3A_3137] {strides = array<i32>} : memref<112x96xf32, #tpu.memory_space<vmem>>, vector<1x16xf32>,
        %get3A_3139 = vector.shape_cast %get3A_3138 : vector<1x16xf32> to vector<16xf32>
        %mul3A_3140 = vector.broadcast %squeeze3A_3120 : f32 to vector<16xf32>
        %mul3A_3141 = arith.mulf %get3A_3139, %mul3A_3140 : vector<16xf32>
        %add3A_3142 = arith.addf %add3A_3135, %mul3A_3141 : vector<16xf32>
        %get3A_3143 = arith.index_cast %add3A_3114 : i32 to index
        %get3A_3144 = arith.constant 0 : index
        %get3A_3145 = tpu.vector_load %arg25[%get3A_3143, %get3A_3144] {strides = array<i32>} : memref<112x96xf32, #tpu.memory_space<vmem>>, vector<1x16xf32>,
        %get3A_3146 = vector.shape_cast %get3A_3145 : vector<1x16xf32> to vector<16xf32>
        %mul3A_3147 = vector.broadcast %squeeze3A_3122 : f32 to vector<16xf32>
        %mul3A_3148 = arith.mulf %get3A_3146, %mul3A_3147 : vector<16xf32>
        %add3A_3149 = arith.addf %add3A_3142, %mul3A_3148 : vector<16xf32>
        %swap3A_3150 = arith.index_cast %add3A_3114 : i32 to index
        %swap3A_3151 = arith.constant 0 : index
        %swap3A_3152 = tpu.vector_load %arg26[%swap3A_3150, %swap3A_3151] {strides = array<i32>} : memref<112x96xf32, #tpu.memory_space<vmem>>, vector<1x16xf32>,
        %swap3A_3153 = vector.shape_cast %swap3A_3152 : vector<1x16xf32> to vector<16xf32>
        %swap3A_3154 = vector.shape_cast %add3A_3149 : vector<16xf32> to vector<1x16xf32>
        tpu.vector_store %arg26[%swap3A_3150, %swap3A_3151], %swap3A_3154 {strides = array<i32>} : memref<112x96xf32, #tpu.memory_space<vmem>>, vector<1x16xf32>,
        %get3A_3155 = arith.index_cast %add3A_3114 : i32 to index
        %get3A_3156 = arith.constant 16 : index
        %get3A_3157 = tpu.vector_load %arg22[%get3A_3155, %get3A_3156] {strides = array<i32>} : memref<112x96xf32, #tpu.memory_space<vmem>>, vector<1x16xf32>,
        %get3A_3158 = vector.shape_cast %get3A_3157 : vector<1x16xf32> to vector<16xf32>
        %mul3A_3159 = vector.broadcast %squeeze3A_3116 : f32 to vector<16xf32>
        %mul3A_3160 = arith.mulf %get3A_3158, %mul3A_3159 : vector<16xf32>
        %get3A_3161 = arith.index_cast %add3A_3114 : i32 to index
        %get3A_3162 = arith.constant 16 : index
        %get3A_3163 = tpu.vector_load %arg23[%get3A_3161, %get3A_3162] {strides = array<i32>} : memref<112x96xf32, #tpu.memory_space<vmem>>, vector<1x16xf32>,
        %get3A_3164 = vector.shape_cast %get3A_3163 : vector<1x16xf32> to vector<16xf32>
        %mul3A_3165 = vector.broadcast %squeeze3A_3118 : f32 to vector<16xf32>
        %mul3A_3166 = arith.mulf %get3A_3164, %mul3A_3165 : vector<16xf32>
        %add3A_3167 = arith.addf %mul3A_3160, %mul3A_3166 : vector<16xf32>
        %get3A_3168 = arith.index_cast %add3A_3114 : i32 to index
        %get3A_3169 = arith.constant 16 : index
        %get3A_3170 = tpu.vector_load %arg24[%get3A_3168, %get3A_3169] {strides = array<i32>} : memref<112x96xf32, #tpu.memory_space<vmem>>, vector<1x16xf32>,
        %get3A_3171 = vector.shape_cast %get3A_3170 : vector<1x16xf32> to vector<16xf32>
        %mul3A_3172 = vector.broadcast %squeeze3A_3120 : f32 to vector<16xf32>
        %mul3A_3173 = arith.mulf %get3A_3171, %mul3A_3172 : vector<16xf32>
        %add3A_3174 = arith.addf %add3A_3167, %mul3A_3173 : vector<16xf32>
        %get3A_3175 = arith.index_cast %add3A_3114 : i32 to index
        %get3A_3176 = arith.constant 16 : index
        %get3A_3177 = tpu.vector_load %arg25[%get3A_3175, %get3A_3176] {strides = array<i32>} : memref<112x96xf32, #tpu.memory_space<vmem>>, vector<1x16xf32>,
        %get3A_3178 = vector.shape_cast %get3A_3177 : vector<1x16xf32> to vector<16xf32>
        %mul3A_3179 = vector.broadcast %squeeze3A_3122 : f32 to vector<16xf32>
        %mul3A_3180 = arith.mulf %get3A_3178, %mul3A_3179 : vector<16xf32>
        %add3A_3181 = arith.addf %add3A_3174, %mul3A_3180 : vector<16xf32>
        %swap3A_3182 = arith.index_cast %add3A_3114 : i32 to index
        %swap3A_3183 = arith.constant 16 : index
        %swap3A_3184 = tpu.vector_load %arg26[%swap3A_3182, %swap3A_3183] {strides = array<i32>} : memref<112x96xf32, #tpu.memory_space<vmem>>, vector<1x16xf32>,
        %swap3A_3185 = vector.shape_cast %swap3A_3184 : vector<1x16xf32> to vector<16xf32>
        %swap3A_3186 = vector.shape_cast %add3A_3181 : vector<16xf32> to vector<1x16xf32>
        tpu.vector_store %arg26[%swap3A_3182, %swap3A_3183], %swap3A_3186 {strides = array<i32>} : memref<112x96xf32, #tpu.memory_space<vmem>>, vector<1x16xf32>,
        %get3A_3187 = arith.index_cast %add3A_3114 : i32 to index
        %get3A_3188 = arith.constant 32 : index
        %get3A_3189 = tpu.vector_load %arg22[%get3A_3187, %get3A_3188] {strides = array<i32>} : memref<112x96xf32, #tpu.memory_space<vmem>>, vector<1x16xf32>,
        %get3A_3190 = vector.shape_cast %get3A_3189 : vector<1x16xf32> to vector<16xf32>
        %mul3A_3191 = vector.broadcast %squeeze3A_3116 : f32 to vector<16xf32>
        %mul3A_3192 = arith.mulf %get3A_3190, %mul3A_3191 : vector<16xf32>
        %get3A_3193 = arith.index_cast %add3A_3114 : i32 to index
        %get3A_3194 = arith.constant 32 : index
        %get3A_3195 = tpu.vector_load %arg23[%get3A_3193, %get3A_3194] {strides = array<i32>} : memref<112x96xf32, #tpu.memory_space<vmem>>, vector<1x16xf32>,
        %get3A_3196 = vector.shape_cast %get3A_3195 : vector<1x16xf32> to vector<16xf32>
        %mul3A_3197 = vector.broadcast %squeeze3A_3118 : f32 to vector<16xf32>
        %mul3A_3198 = arith.mulf %get3A_3196, %mul3A_3197 : vector<16xf32>
        %add3A_3199 = arith.addf %mul3A_3192, %mul3A_3198 : vector<16xf32>
        %get3A_3200 = arith.index_cast %add3A_3114 : i32 to index
        %get3A_3201 = arith.constant 32 : index
        %get3A_3202 = tpu.vector_load %arg24[%get3A_3200, %get3A_3201] {strides = array<i32>} : memref<112x96xf32, #tpu.memory_space<vmem>>, vector<1x16xf32>,
        %get3A_3203 = vector.shape_cast %get3A_3202 : vector<1x16xf32> to vector<16xf32>
        %mul3A_3204 = vector.broadcast %squeeze3A_3120 : f32 to vector<16xf32>
        %mul3A_3205 = arith.mulf %get3A_3203, %mul3A_3204 : vector<16xf32>
        %add3A_3206 = arith.addf %add3A_3199, %mul3A_3205 : vector<16xf32>
        %get3A_3207 = arith.index_cast %add3A_3114 : i32 to index
        %get3A_3208 = arith.constant 32 : index
        %get3A_3209 = tpu.vector_load %arg25[%get3A_3207, %get3A_3208] {strides = array<i32>} : memref<112x96xf32, #tpu.memory_space<vmem>>, vector<1x16xf32>,
        %get3A_3210 = vector.shape_cast %get3A_3209 : vector<1x16xf32> to vector<16xf32>
        %mul3A_3211 = vector.broadcast %squeeze3A_3122 : f32 to vector<16xf32>
        %mul3A_3212 = arith.mulf %get3A_3210, %mul3A_3211 : vector<16xf32>
        %add3A_3213 = arith.addf %add3A_3206, %mul3A_3212 : vector<16xf32>
        %swap3A_3214 = arith.index_cast %add3A_3114 : i32 to index
        %swap3A_3215 = arith.constant 32 : index
        %swap3A_3216 = tpu.vector_load %arg26[%swap3A_3214, %swap3A_3215] {strides = array<i32>} : memref<112x96xf32, #tpu.memory_space<vmem>>, vector<1x16xf32>,
        %swap3A_3217 = vector.shape_cast %swap3A_3216 : vector<1x16xf32> to vector<16xf32>
        %swap3A_3218 = vector.shape_cast %add3A_3213 : vector<16xf32> to vector<1x16xf32>
        tpu.vector_store %arg26[%swap3A_3214, %swap3A_3215], %swap3A_3218 {strides = array<i32>} : memref<112x96xf32, #tpu.memory_space<vmem>>, vector<1x16xf32>,
        %get3A_3219 = arith.index_cast %add3A_3114 : i32 to index
        %get3A_3220 = arith.constant 48 : index
        %get3A_3221 = tpu.vector_load %arg22[%get3A_3219, %get3A_3220] {strides = array<i32>} : memref<112x96xf32, #tpu.memory_space<vmem>>, vector<1x16xf32>,
        %get3A_3222 = vector.shape_cast %get3A_3221 : vector<1x16xf32> to vector<16xf32>
        %mul3A_3223 = vector.broadcast %squeeze3A_3116 : f32 to vector<16xf32>
        %mul3A_3224 = arith.mulf %get3A_3222, %mul3A_3223 : vector<16xf32>
        %get3A_3225 = arith.index_cast %add3A_3114 : i32 to index
        %get3A_3226 = arith.constant 48 : index
        %get3A_3227 = tpu.vector_load %arg23[%get3A_3225, %get3A_3226] {strides = array<i32>} : memref<112x96xf32, #tpu.memory_space<vmem>>, vector<1x16xf32>,
        %get3A_3228 = vector.shape_cast %get3A_3227 : vector<1x16xf32> to vector<16xf32>
        %mul3A_3229 = vector.broadcast %squeeze3A_3118 : f32 to vector<16xf32>
        %mul3A_3230 = arith.mulf %get3A_3228, %mul3A_3229 : vector<16xf32>
        %add3A_3231 = arith.addf %mul3A_3224, %mul3A_3230 : vector<16xf32>
        %get3A_3232 = arith.index_cast %add3A_3114 : i32 to index
        %get3A_3233 = arith.constant 48 : index
        %get3A_3234 = tpu.vector_load %arg24[%get3A_3232, %get3A_3233] {strides = array<i32>} : memref<112x96xf32, #tpu.memory_space<vmem>>, vector<1x16xf32>,
        %get3A_3235 = vector.shape_cast %get3A_3234 : vector<1x16xf32> to vector<16xf32>
        %mul3A_3236 = vector.broadcast %squeeze3A_3120 : f32 to vector<16xf32>
        %mul3A_3237 = arith.mulf %get3A_3235, %mul3A_3236 : vector<16xf32>
        %add3A_3238 = arith.addf %add3A_3231, %mul3A_3237 : vector<16xf32>
        %get3A_3239 = arith.index_cast %add3A_3114 : i32 to index
        %get3A_3240 = arith.constant 48 : index
        %get3A_3241 = tpu.vector_load %arg25[%get3A_3239, %get3A_3240] {strides = array<i32>} : memref<112x96xf32, #tpu.memory_space<vmem>>, vector<1x16xf32>,
        %get3A_3242 = vector.shape_cast %get3A_3241 : vector<1x16xf32> to vector<16xf32>
        %mul3A_3243 = vector.broadcast %squeeze3A_3122 : f32 to vector<16xf32>
        %mul3A_3244 = arith.mulf %get3A_3242, %mul3A_3243 : vector<16xf32>
        %add3A_3245 = arith.addf %add3A_3238, %mul3A_3244 : vector<16xf32>
        %swap3A_3246 = arith.index_cast %add3A_3114 : i32 to index
        %swap3A_3247 = arith.constant 48 : index
        %swap3A_3248 = tpu.vector_load %arg26[%swap3A_3246, %swap3A_3247] {strides = array<i32>} : memref<112x96xf32, #tpu.memory_space<vmem>>, vector<1x16xf32>,
        %swap3A_3249 = vector.shape_cast %swap3A_3248 : vector<1x16xf32> to vector<16xf32>
        %swap3A_3250 = vector.shape_cast %add3A_3245 : vector<16xf32> to vector<1x16xf32>
        tpu.vector_store %arg26[%swap3A_3246, %swap3A_3247], %swap3A_3250 {strides = array<i32>} : memref<112x96xf32, #tpu.memory_space<vmem>>, vector<1x16xf32>,
        %get3A_3251 = arith.index_cast %add3A_3114 : i32 to index
        %get3A_3252 = arith.constant 64 : index
        %get3A_3253 = tpu.vector_load %arg22[%get3A_3251, %get3A_3252] {strides = array<i32>} : memref<112x96xf32, #tpu.memory_space<vmem>>, vector<1x16xf32>,
        %get3A_3254 = vector.shape_cast %get3A_3253 : vector<1x16xf32> to vector<16xf32>
        %mul3A_3255 = vector.broadcast %squeeze3A_3116 : f32 to vector<16xf32>
        %mul3A_3256 = arith.mulf %get3A_3254, %mul3A_3255 : vector<16xf32>
        %get3A_3257 = arith.index_cast %add3A_3114 : i32 to index
        %get3A_3258 = arith.constant 64 : index
        %get3A_3259 = tpu.vector_load %arg23[%get3A_3257, %get3A_3258] {strides = array<i32>} : memref<112x96xf32, #tpu.memory_space<vmem>>, vector<1x16xf32>,
        %get3A_3260 = vector.shape_cast %get3A_3259 : vector<1x16xf32> to vector<16xf32>
        %mul3A_3261 = vector.broadcast %squeeze3A_3118 : f32 to vector<16xf32>
        %mul3A_3262 = arith.mulf %get3A_3260, %mul3A_3261 : vector<16xf32>
        %add3A_3263 = arith.addf %mul3A_3256, %mul3A_3262 : vector<16xf32>
        %get3A_3264 = arith.index_cast %add3A_3114 : i32 to index
        %get3A_3265 = arith.constant 64 : index
        %get3A_3266 = tpu.vector_load %arg24[%get3A_3264, %get3A_3265] {strides = array<i32>} : memref<112x96xf32, #tpu.memory_space<vmem>>, vector<1x16xf32>,
        %get3A_3267 = vector.shape_cast %get3A_3266 : vector<1x16xf32> to vector<16xf32>
        %mul3A_3268 = vector.broadcast %squeeze3A_3120 : f32 to vector<16xf32>
        %mul3A_3269 = arith.mulf %get3A_3267, %mul3A_3268 : vector<16xf32>
        %add3A_3270 = arith.addf %add3A_3263, %mul3A_3269 : vector<16xf32>
        %get3A_3271 = arith.index_cast %add3A_3114 : i32 to index
        %get3A_3272 = arith.constant 64 : index
        %get3A_3273 = tpu.vector_load %arg25[%get3A_3271, %get3A_3272] {strides = array<i32>} : memref<112x96xf32, #tpu.memory_space<vmem>>, vector<1x16xf32>,
        %get3A_3274 = vector.shape_cast %get3A_3273 : vector<1x16xf32> to vector<16xf32>
        %mul3A_3275 = vector.broadcast %squeeze3A_3122 : f32 to vector<16xf32>
        %mul3A_3276 = arith.mulf %get3A_3274, %mul3A_3275 : vector<16xf32>
        %add3A_3277 = arith.addf %add3A_3270, %mul3A_3276 : vector<16xf32>
        %swap3A_3278 = arith.index_cast %add3A_3114 : i32 to index
        %swap3A_3279 = arith.constant 64 : index
        %swap3A_3280 = tpu.vector_load %arg26[%swap3A_3278, %swap3A_3279] {strides = array<i32>} : memref<112x96xf32, #tpu.memory_space<vmem>>, vector<1x16xf32>,
        %swap3A_3281 = vector.shape_cast %swap3A_3280 : vector<1x16xf32> to vector<16xf32>
        %swap3A_3282 = vector.shape_cast %add3A_3277 : vector<16xf32> to vector<1x16xf32>
        tpu.vector_store %arg26[%swap3A_3278, %swap3A_3279], %swap3A_3282 {strides = array<i32>} : memref<112x96xf32, #tpu.memory_space<vmem>>, vector<1x16xf32>,
        %get3A_3283 = arith.index_cast %add3A_3114 : i32 to index
        %get3A_3284 = arith.constant 80 : index
        %get3A_3285 = tpu.vector_load %arg22[%get3A_3283, %get3A_3284] {strides = array<i32>} : memref<112x96xf32, #tpu.memory_space<vmem>>, vector<1x16xf32>,
        %get3A_3286 = vector.shape_cast %get3A_3285 : vector<1x16xf32> to vector<16xf32>
        %mul3A_3287 = vector.broadcast %squeeze3A_3116 : f32 to vector<16xf32>
        %mul3A_3288 = arith.mulf %get3A_3286, %mul3A_3287 : vector<16xf32>
        %get3A_3289 = arith.index_cast %add3A_3114 : i32 to index
        %get3A_3290 = arith.constant 80 : index
        %get3A_3291 = tpu.vector_load %arg23[%get3A_3289, %get3A_3290] {strides = array<i32>} : memref<112x96xf32, #tpu.memory_space<vmem>>, vector<1x16xf32>,
        %get3A_3292 = vector.shape_cast %get3A_3291 : vector<1x16xf32> to vector<16xf32>
        %mul3A_3293 = vector.broadcast %squeeze3A_3118 : f32 to vector<16xf32>
        %mul3A_3294 = arith.mulf %get3A_3292, %mul3A_3293 : vector<16xf32>
        %add3A_3295 = arith.addf %mul3A_3288, %mul3A_3294 : vector<16xf32>
        %get3A_3296 = arith.index_cast %add3A_3114 : i32 to index
        %get3A_3297 = arith.constant 80 : index
        %get3A_3298 = tpu.vector_load %arg24[%get3A_3296, %get3A_3297] {strides = array<i32>} : memref<112x96xf32, #tpu.memory_space<vmem>>, vector<1x16xf32>,
        %get3A_3299 = vector.shape_cast %get3A_3298 : vector<1x16xf32> to vector<16xf32>
        %mul3A_3300 = vector.broadcast %squeeze3A_3120 : f32 to vector<16xf32>
        %mul3A_3301 = arith.mulf %get3A_3299, %mul3A_3300 : vector<16xf32>
        %add3A_3302 = arith.addf %add3A_3295, %mul3A_3301 : vector<16xf32>
        %get3A_3303 = arith.index_cast %add3A_3114 : i32 to index
        %get3A_3304 = arith.constant 80 : index
        %get3A_3305 = tpu.vector_load %arg25[%get3A_3303, %get3A_3304] {strides = array<i32>} : memref<112x96xf32, #tpu.memory_space<vmem>>, vector<1x16xf32>,
        %get3A_3306 = vector.shape_cast %get3A_3305 : vector<1x16xf32> to vector<16xf32>
        %mul3A_3307 = vector.broadcast %squeeze3A_3122 : f32 to vector<16xf32>
        %mul3A_3308 = arith.mulf %get3A_3306, %mul3A_3307 : vector<16xf32>
        %add3A_3309 = arith.addf %add3A_3302, %mul3A_3308 : vector<16xf32>
        %swap3A_3310 = arith.index_cast %add3A_3114 : i32 to index
        %swap3A_3311 = arith.constant 80 : index
        %swap3A_3312 = tpu.vector_load %arg26[%swap3A_3310, %swap3A_3311] {strides = array<i32>} : memref<112x96xf32, #tpu.memory_space<vmem>>, vector<1x16xf32>,
        %swap3A_3313 = vector.shape_cast %swap3A_3312 : vector<1x16xf32> to vector<16xf32>
        %swap3A_3314 = vector.shape_cast %add3A_3309 : vector<16xf32> to vector<1x16xf32>
        tpu.vector_store %arg26[%swap3A_3310, %swap3A_3311], %swap3A_3314 {strides = array<i32>} : memref<112x96xf32, #tpu.memory_space<vmem>>, vector<1x16xf32>,
      }
      %scan3A_71 = arith.constant 7 : i32
      "tpu.region"() ({
        %run_scoped3A = tpu.sem_alloc : memref<!tpu.dma_semaphore, #tpu.memory_space<semaphore_mem>>
        %dma_start3A_72 = arith.constant 0 : i32
        %dma_start3A_73 = tpu.memref_slice %arg12[%add3A_11, %dma_start3A_72] : memref<200704x96xf32, #tpu.memory_space<hbm>> -> memref<112x96xf32, #tpu.memory_space<hbm>>
        %dma_start3A_74 = arith.constant 0 : i32
        %dma_start3A_75 = tpu.memref_slice %arg12[%add3A_11, %dma_start3A_74] : memref<200704x96xf32, #tpu.memory_space<hbm>> -> memref<112x96xf32, #tpu.memory_space<hbm>>
        tpu.enqueue_dma source(%arg26 : memref<112x96xf32, #tpu.memory_space<vmem>>) target(%dma_start3A_75 : memref<112x96xf32, #tpu.memory_space<hbm>>) target_semaphore(%run_scoped3A : memref<!tpu.dma_semaphore, #tpu.memory_space<semaphore_mem>>)
        %dma_wait3A_76 = arith.constant 0 : i32
        %dma_wait3A_77 = tpu.memref_slice %arg12[%add3A_11, %dma_wait3A_76] : memref<200704x96xf32, #tpu.memory_space<hbm>> -> memref<112x96xf32, #tpu.memory_space<hbm>>
        %dma_wait3A_78 = arith.constant 0 : i32
        %dma_wait3A_79 = tpu.memref_slice %arg12[%add3A_11, %dma_wait3A_78] : memref<200704x96xf32, #tpu.memory_space<hbm>> -> memref<112x96xf32, #tpu.memory_space<hbm>>
        tpu.wait_dma2 semaphore(%run_scoped3A : memref<!tpu.dma_semaphore, #tpu.memory_space<semaphore_mem>>) src(%arg26 : memref<112x96xf32, #tpu.memory_space<vmem>>) dst(%dma_wait3A_79 : memref<112x96xf32, #tpu.memory_space<hbm>>)
        tpu.yield
      }) : () -> ()
    }
    %scan3A_7 = arith.constant 56 : i32
    return
  }
}

</mosaic_0001>

<sc_bundles>
// kernel: kernel.3.cloned.1.call-start
scs
__scs_entry_jumppad:
0x0: {  	(pc) =	sbr.rel $0x88, $3  }
0x1: {  	(tag) =	ssettag $0x0;
	lr =	simm.s32 $0x1  }
0x2: {  	[smem:$0x3F9E] =	sst lr;
	_ =	strace $0xD0000000  }
0x3: {  	_ = 	snop  }
0x4: {  	_ = 	snop  }
0x5: {  	_ = 	snop  }
0x6: {  	_ = 	snop  }
0x7: {  	_ = 	snop  }
__scs_overlays_trampoline_lowered:
0x8: {  	[smem:$0x3FAD] =	sst s0  }
0x9: {  	[smem:$0x3FAE] =	sst s1  }
0xa: {  	[smem:$0x3FAF] =	sst s2  }
0xb: {  	[smem:$0x3FB0] =	sst s3  }
0xc: {  	[smem:$0x3FB1] =	sst s4  }
0xd: {  	[smem:$0x3FB2] =	sst s5  }
0xe: {  	[smem:$0x3FB3] =	sst s6  }
0xf: {  	[smem:$0x3FB4] =	sst s7  }
0x10: {  	[smem:$0x3FB5] =	sst s8  }
0x11: {  	[smem:$0x3FB6] =	sst s9;
	s0 =	simm.s32 @!p0 $0x0  }
0x12: {  	s1 =	sld [smem:$0x3F9C];
	s0 =	simm.s32 @p0 $0x1  }
0x13: {  	[smem:$0x3FB7] =	sst s0;
	s0 =	simm.s32 @!p1 $0x0  }
0x14: {  	s2 =	sld [smem:$0x3F9B];
	s0 =	simm.s32 @p1 $0x1  }
0x15: {  	[smem:$0x3FB8] =	sst s0;
	s0 =	simm.s32 @!p2 $0x0  }
0x16: {  	s3 =	sld [smem:$0x3FDB];
	s0 =	simm.s32 @p2 $0x1  }
0x17: {  	s4 =	simm.s32 $0x1BF5;
	[smem:$0x3FBA] =	sst s0  }
0x18: {  	s0 =	sld [smem:$0x3F9D];
	_ =	swait.ge [sflag:s4], $0x0  }
0x19: {  	s7 =	sld [smem:$0x3F9E]  }
0x1a: {  	s8 =	sadd.s32 $0xFFFFE003, lr  }
0x1b: {  	s9 =	sadd.s32 $0xFFFFFEF7, lr;
	s5 =	simm.s32 $0xFFFFFFFF;
	p2 =	slt.u32 s8, $0xFFFFF086  }
0x1c: {  	p1 =	slt.u32 s9, $0xF7A;
	s5 =	simm.s32 @!p2 $0x0  }
0x1d: {  	s5 =	simm.s32 @p1 $0x1;
	p0 =	seq.s32 s7, s2  }
0x1e: {  	s7 =	smul.u32 @!p0 $0xF7A, s2;
	p2 =	seq.s32 @!p0 s5, $0x0  }
0x1f: {  	s9 =	smul.u32 $0xF7A, s1;
	s8 =	simm.s32 @!p0 $0x1BF5;
	p2 =	por !p2, p0  }
0x20: {  	[sflag:s8] =	ssyncset.s32 @!p0 $0xFFFFF086;
	s6 =	sadd.s32 @!p0 s3, s7;
	s7 =	simm.s32 @!p0 $0x108  }
0x21: {  	s3 =	sadd.s32 s3, s9;
	s6 =	sadd.s32 @!p0 $0x88, s6;
	s7 =	simm.s32 @p2 $0x1082  }
0x22: {  	[simem:s7], [sflag:s8] =	dma.local @!p0 [hbm:s6], $0xF7A  }
0x23: {  	s9 =	sor.u32 $0xD0000000, s2;
	s6 =	simm.s32 $0x108;
	_ =	swait.ge @!p0 [sflag:s8], $0x0  }
0x24: {  	s3 =	sadd.s32 $0x88, s3;
	s6 =	simm.s32 @!p1 $0x1082;
	[sflag:s4] =	ssyncset.s32 $0xFFFFF086  }
0x25: {  	[simem:s6], [sflag:s4] =	dma.local [hbm:s3], $0xF7A  }
0x26: {  	[smem:$0x3F9E] =	sst s1;
	(tag) =	ssettag s2;
	_ =	strace s9  }
0x27: {  	s1 =	sld [smem:$0x3FAE]  }
0x28: {  	s2 =	sld [smem:$0x3FAF]  }
0x29: {  	s4 =	sld [smem:$0x3FB1]  }
0x2a: {  	p0 =	seq.s32 s5, $0x0;
	s5 =	sld [smem:$0x3FB2]  }
0x2b: {  	s6 =	sld [smem:$0x3FB3]  }
0x2c: {  	s7 =	sld [smem:$0x3FB4]  }
0x2d: {  	s3 =	simm.s32 $0x108;
	s8 =	sld [smem:$0x3FB5]  }
0x2e: {  	s3 =	simm.s32 @!p0 $0x1082;
	s9 =	sld [smem:$0x3FB6]  }
0x2f: {  	lr =	sadd.s32 s0, s3;
	s0 =	sld [smem:$0x3FAD]  }
0x30: {  	s3 =	sld [smem:$0x3FB0]  }
0x31: {  	[smem:$0x3FB9] =	sst s10  }
0x32: {  	s10 =	sld [smem:$0x3FB7];
	_ =	sdelay $0x3  }
0x33: {  	p0 =	seq.s32 s10, $0x1;
	s10 =	sld [smem:$0x3FB9];
	_ =	sdelay $0x3  }
0x34: {  	[smem:$0x3FB9] =	sst s10  }
0x35: {  	s10 =	sld [smem:$0x3FB8];
	_ =	sdelay $0x3  }
0x36: {  	p1 =	seq.s32 s10, $0x1;
	s10 =	sld [smem:$0x3FB9];
	_ =	sdelay $0x3  }
0x37: {  	[smem:$0x3FB9] =	sst s10  }
0x38: {  	s10 =	sld [smem:$0x3FBA]  }
0x39: {  	_ = 	snop;
	(pc) =	sbr.ind lr, $3  }
0x3a: {  	_ = 	snop  }
0x3b: {  	_ = 	snop  }
0x3c: {  	p2 =	seq.s32 s10, $0x1;
	s10 =	sld [smem:$0x3FB9]  }
0x3d: {  	_ =	shalt  }
0x3e: {  	_ =	shalt  }
0x3f: {  	_ =	shalt  }
0x40: {  	_ =	shalt  }
0x41: {  	_ =	shalt  }
0x42: {  	_ =	shalt  }
0x43: {  	_ =	shalt  }
0x44: {  	_ =	shalt  }
0x45: {  	_ =	shalt  }
0x46: {  	_ =	shalt  }
0x47: {  	_ =	shalt  }
0x48: {  	_ =	shalt  }
0x49: {  	_ =	shalt  }
0x4a: {  	_ =	shalt  }
0x4b: {  	_ =	shalt  }
0x4c: {  	_ =	shalt  }
0x4d: {  	_ =	shalt  }
0x4e: {  	_ =	shalt  }
0x4f: {  	_ =	shalt  }
0x50: {  	_ =	shalt  }
0x51: {  	_ =	shalt  }
0x52: {  	_ =	shalt  }
0x53: {  	_ =	shalt  }
0x54: {  	_ =	shalt  }
0x55: {  	_ =	shalt  }
0x56: {  	_ =	shalt  }
0x57: {  	_ =	shalt  }
0x58: {  	_ =	shalt  }
0x59: {  	_ =	shalt  }
0x5a: {  	_ =	shalt  }
0x5b: {  	_ =	shalt  }
0x5c: {  	_ =	shalt  }
0x5d: {  	_ =	shalt  }
0x5e: {  	_ =	shalt  }
0x5f: {  	_ =	shalt  }
0x60: {  	_ =	shalt  }
0x61: {  	_ =	shalt  }
0x62: {  	_ =	shalt  }
0x63: {  	_ =	shalt  }
0x64: {  	_ =	shalt  }
0x65: {  	_ =	shalt  }
0x66: {  	_ =	shalt  }
0x67: {  	_ =	shalt  }
0x68: {  	_ =	shalt  }
0x69: {  	_ =	shalt  }
0x6a: {  	_ =	shalt  }
0x6b: {  	_ =	shalt  }
0x6c: {  	_ =	shalt  }
0x6d: {  	_ =	shalt  }
0x6e: {  	_ =	shalt  }
0x6f: {  	_ =	shalt  }
0x70: {  	_ =	shalt  }
0x71: {  	_ =	shalt  }
0x72: {  	_ =	shalt  }
0x73: {  	_ =	shalt  }
0x74: {  	_ =	shalt  }
0x75: {  	_ =	shalt  }
0x76: {  	_ =	shalt  }
0x77: {  	_ =	shalt  }
0x78: {  	_ =	shalt  }
0x79: {  	_ =	shalt  }
0x7a: {  	_ =	shalt  }
0x7b: {  	_ =	shalt  }
0x7c: {  	_ =	shalt  }
0x7d: {  	_ =	shalt  }
0x7e: {  	_ =	shalt  }
0x7f: {  	_ =	shalt  }
0x80: {  	_ =	shalt  }
0x81: {  	_ =	shalt  }
0x82: {  	_ =	shalt  }
0x83: {  	_ =	shalt  }
0x84: {  	_ =	shalt  }
0x85: {  	_ =	shalt  }
0x86: {  	_ =	shalt  }
0x87: {  	_ =	shalt  }
.Lfunc_end0:
.L_simem_size_0:
called_computation.2_lowered:
.L_overlay_start_0:
0x88: {  	s2 =	sld [smem:$0x3FD9]  }
0x89: {  	s3 =	sld [smem:$0x3FFE];
	_ =	sdelay $0x1  }
0x8a: {  	s1 =	srdreg.scid  }
0x8b: {  	s0 =	sand.u32 $0x1, s1  }
0x8c: {  	s17 =	sshll.u32 s0, $0xA;
	s2 =	sadd.s32 s3, s2  }
0x8d: {  	s2 =	sadd.s32 s2, s17  }
0x8e: {  	[smem:$0x3FC5] =	sst s2  }
0x8f: {  	_ = 	snop  }
0x90: {  	s2 =	sld [smem:$0x3FD0];
	(tm) =	ssettm $0x1  }
0x91: {  	s18 =	sld [smem:$0x3FFB];
	_ =	sdelay $0x3  }
0x92: {  	_ =	strace s18  }
0x93: {  	s3 =	sld [smem:$0x3FFC];
	_ =	sdelay $0x3  }
0x94: {  	_ =	strace s3  }
0x95: {  	s3 =	sld [smem:$0x3FFD];
	_ =	sdelay $0x3  }
0x96: {  	_ =	strace s3  }
0x97: {  	_ =	strace $0x8FFFFFFF  }
0x98: {  	s19 =	sld [smem:$0x3FDB];
	_ =	sdelay $0x1  }
0x99: {  	s4 =	simm.s32 $_scs_section_size  }
0x9a: {  	s5 =	simm.s32 $_size__tile_overlayer_lowered;
	s6 =	simm.s32 $_tile_overlayer_lowered  }
0x9b: {  	s22 =	simm.s32 $0x1BFF;
	s21 =	sshll.u32 s6, $0x1;
	s3 =	sadd.s32 s4, s19  }
0x9c: {  	s7 =	simm.s32 $0x0;
	s20 =	sshll.u32 s5, $0x1;
	s5 =	sadd.s32 s21, s3  }
0x9d: {  	[timem:s7], [sflag:s22] =	dma.local [hbm:s5], s20  }
0x9e: {  	_ =	swait.ge [sflag:s22], s20  }
0x9f: {  	s4 =	ssub.s32 $0x0, s20;
	[sflag:s22] =	ssyncset.done $0x0  }
0xa0: {  	[sflag:s22] =	ssyncadd.s32 s4;
	_ =	sdelay $0x1  }
0xa1: {  	s23 =	simm.s32 $0x1B8B  }
0xa2: {  	_ =	swait.ge [sflag:s23], $0x1  }
0xa3: {  	[sflag:s23] =	ssyncset.done $0x0  }
0xa4: {  	s25 =	simm.s32 $0x1B8E;
	s24 =	sld [smem:$0x3FFE];
	[sflag:s23] =	ssyncadd.s32 $0xFFFFFFFF  }
0xa5: {  	s26 =	simm.s32 $execute0_lowered;
	[smem:$0x3FD2] =	sst s25  }
0xa6: {  	s5 =	sshll.u32 s26, $0x1;
	_ =	strace $0x80000049;
	[dreg:$0x1] =	wrdreg $0xFFFFFFFF  }
0xa7: {  	s28 =	simm.s32 $_size_execute0_lowered;
	s3 =	sadd.s32 s3, s5;
	[dreg:$0x0] =	wrdreg $0x0  }
0xa8: {  	s5 =	sshll.u32 s28, $0x1;
	[dreg:$0x2] =	wrdreg s3  }
0xa9: {  	[dreg:$0x3] =	wrdreg s5  }
0xaa: {  	[dreg:$0x4] =	wrdreg $0xC0  }
0xab: {  	_ =	task [dreg:s7], $0x5FFFF  }
0xac: {  	[dreg:$0x1] =	wrdreg $0xFFFFFFFF  }
0xad: {  	[dreg:$0x0] =	wrdreg $0x60  }
0xae: {  	[dreg:$0x2] =	wrdreg s2  }
0xaf: {  	[dreg:$0x3] =	wrdreg s24  }
0xb0: {  	[dreg:$0x4] =	wrdreg $0x9  }
0xb1: {  	_ =	task.clear_ibuf [dreg:s7], $0x5FFFF;
	_ =	strace $0x90000049  }
0xb2: {  	s29 =	simm.s32 $0x9;
	_ =	strace $0x8000004B  }
0xb3: {  	_ =	swait.ge [sflag:s29], $0x1  }
0xb4: {  	[sflag:s29] =	ssyncadd.s32 $0xFFFFFFFF  }
0xb5: {  	_ =	strace $0x9000004B  }
0xb6: {  	_ =	sfence  }
0xb7: {  	s30 =	sld [smem:$0x0];
	_ =	sdelay $0x2  }
0xb8: {  	s31 =	sshll.u32 s1, $0xD;
	s1 =	sshrl.u32 s1, $0x2  }
0xb9: {  	s3 =	sand.u32 $0x4000, s31;
	s1 =	sadd.s32 s1, s30  }
0xba: {  	s0 =	sor.u32 s3, s0;
	s1 =	sshll.u32 s1, $0x11  }
0xbb: {  	s0 =	sor.u32 s1, s0  }
0xbc: {  	s0 =	sadd.s32 $0x8F2B, s0  }
0xbd: {  	[sflag:s0] =	ssyncadd.remote.s32 $0x1  }
0xbe: {  	_ =	sfence.sel $0xFFFF  }
0xbf: {  	[dreg:$0x0] =	wrdreg $0xFFFFFFFF;
	(pc) =	sbr.abs _section_cstart, $3  }
0xc0: {  	[dreg:$0x1] =	wrdreg $0xFFFFFFFF  }
0xc1: {  	_ =	task.clear_ibuf [dreg:s7], $0x2FFFF;
	_ =	strace $0x9FFFFFFF  }
0xc2: {  	(tm) =	ssettm $0x7FFFFFFF  }
0xc3: {  	_ =	shalt  }
tec
execute0_lowered:
.L_overlay_start_1:
0x0: {  	(tag) =	ssettag $0x1  }
0x1: {  	s1 =	rddreg [dreg:$0x0]  }
0x2: {  	s2 =	rddreg [dreg:$0x1]  }
0x3: {  	s0 =	simm.s32 $0x0;
	s25 =	srdreg.scid;
	s13 =	stileid.u32  }
0x4: {  	s17 =	simm.s32 $0x70;
	s18 =	simm.s32 $0xE0;
	s19 =	simm.s32 $0x150  }
0x5: {  	s20 =	simm.s32 $0x1C0;
	s22 =	simm.s32 $0x2A0;
	s23 =	simm.s32 $0x310  }
0x6: {  	s24 =	simm.s32 $0x380;
	s28 =	simm.s32 $0x2DF0;
	s29 =	simm.s32 $0x57F0  }
0x7: {  	s30 =	simm.s32 $0x81F0;
	s31 =	simm.s32 $0xABF0;
	s4 =	sadd.s32 $0x32EA00, s2  }
0x8: {  	s16 =	simm.s32 $0x2;
	s5 =	sadd.s32 $0x328800, s2;
	s6 =	sadd.s32 $0x322600, s2  }
0x9: {  	[smem:$0x7FF] =	sst s0;
	s7 =	sadd.s32 $0x31C400, s2;
	s9 =	sadd.s32 $0x341000, s2  }
0xa: {  	s10 =	sadd.s32 $0x33AE00, s2;
	s0 =	sand.u32 $0x1, s25;
	s11 =	sadd.s32 $0x334C00, s2  }
0xb: {  	s12 =	sadd.s32 $0x316200, s2;
	s14 =	sshll.u32 s13, $0x1;
	s3 =	ssub.s32 $0x2, s0  }
0xc: {  	s21 =	smov.u32 s2;
	s13 =	sadd.s32 $0x310000, s2;
	s8 =	sshrl.u32 s3, $0x1  }
0xd: {  	s25 =	simm.s32 $0x1;
	s2 =	simm.s32 $0x0;
	s3 =	ssub.s32 s3, s8  }
0xe: {  	_ =	strace $0x8000004A;
	s0 =	sor.u32 s0, s14;
	s26 =	smax.u32 s3, $0x1  }
0xf: {  	s14 =	smul.u32 $0x1880, s0;
	[dreg:$0x3] =	wrdreg s26;
	s26 =	simm.s32 $0x3F0  }
.LBB2_1:
0x10: {  	[dreg:$0x4] =	wrdreg s2;
	s8 =	simm.s32 $0x0  }
.LBB2_2:
0x11: {  	s0 =	smul.u32 $0x70, s8;
	_ =	sdelay $0x1  }
0x12: {  	s15 =	sadd.s32 s14, s0  }
0x13: {  	s0 =	sshrl.u32 s15, $0x3  }
0x14: {  	s3 =	sadd.s32 s13, s0;
	s0 =	simm.s32 $0x0  }
0x15: {  	[tilespmem:s0], [sflag:$0x2] =	stream.linear.gather [hbm4b:s3+s0], $0x70, $0x38;
	[tilespmem:$0xD5F0] =	vst v63  }
0x16: {  	_ =	swait.ge [sflag:s16], $0x70  }
0x17: {  	[sflag:s16] =	ssyncset.done $0x0  }
0x18: {  	[sflag:s16] =	ssyncadd.s32 $0xFFFFFF90  }
0x19: {  	[tilespmem:s17], [sflag:$0x1] =	stream.indirect.gather [hbm4b:s4+s17], $0x1, s0, s17, $0xb8;
	[tilespmem:$0xD5F0] =	vst v63  }
0x1a: {  	_ = 	snop  }
0x1b: {  	[tilespmem:s18], [sflag:$0x1] =	stream.indirect.gather [hbm4b:s5+s17], $0x1, s0, s17, $0xb8;
	[tilespmem:$0xD5F0] =	vst v63  }
0x1c: {  	_ = 	snop  }
0x1d: {  	[tilespmem:s19], [sflag:$0x1] =	stream.indirect.gather [hbm4b:s6+s17], $0x1, s0, s17, $0xb8;
	[tilespmem:$0xD5F0] =	vst v63  }
0x1e: {  	_ = 	snop  }
0x1f: {  	[tilespmem:s20], [sflag:$0x1] =	stream.indirect.gather [hbm4b:s7+s17], $0x1, s0, s17, $0xb8;
	[tilespmem:$0xD5F0] =	vst v63  }
0x20: {  	s2 =	simm.s32 $0x230  }
0x21: {  	[tilespmem:s2], [sflag:$0x1] =	stream.indirect.gather [hbm4b:s9+s17], $0x1, s0, s17, $0xb8;
	[tilespmem:$0xD5F0] =	vst v63  }
0x22: {  	_ = 	snop  }
0x23: {  	[tilespmem:s22], [sflag:$0x1] =	stream.indirect.gather [hbm4b:s10+s17], $0x1, s0, s17, $0xb8;
	[tilespmem:$0xD5F0] =	vst v63  }
0x24: {  	_ = 	snop  }
0x25: {  	[tilespmem:s23], [sflag:$0x1] =	stream.indirect.gather [hbm4b:s11+s17], $0x1, s0, s17, $0xb8;
	[tilespmem:$0xD5F0] =	vst v63  }
0x26: {  	_ = 	snop  }
0x27: {  	[tilespmem:s24], [sflag:$0x1] =	stream.indirect.gather [hbm4b:s12+s17], $0x1, s0, s17, $0xb8;
	[tilespmem:$0xD5F0] =	vst v63  }
0x28: {  	_ =	swait.ge [sflag:s25], $0x70  }
0x29: {  	[sflag:s25] =	ssyncset.done $0x0  }
0x2a: {  	[sflag:s25] =	ssyncadd.s32 $0xFFFFFF90  }
0x2b: {  	_ =	swait.ge [sflag:s25], $0x70  }
0x2c: {  	[sflag:s25] =	ssyncset.done $0x0  }
0x2d: {  	[sflag:s25] =	ssyncadd.s32 $0xFFFFFF90  }
0x2e: {  	_ =	swait.ge [sflag:s25], $0x70  }
0x2f: {  	[sflag:s25] =	ssyncset.done $0x0  }
0x30: {  	[sflag:s25] =	ssyncadd.s32 $0xFFFFFF90  }
0x31: {  	_ =	swait.ge [sflag:s25], $0x70  }
0x32: {  	[sflag:s25] =	ssyncset.done $0x0  }
0x33: {  	[sflag:s25] =	ssyncadd.s32 $0xFFFFFF90  }
0x34: {  	_ =	swait.ge [sflag:s25], $0x70  }
0x35: {  	[sflag:s25] =	ssyncset.done $0x0  }
0x36: {  	[sflag:s25] =	ssyncadd.s32 $0xFFFFFF90  }
0x37: {  	_ =	swait.ge [sflag:s25], $0x70  }
0x38: {  	[sflag:s25] =	ssyncset.done $0x0  }
0x39: {  	[sflag:s25] =	ssyncadd.s32 $0xFFFFFF90  }
0x3a: {  	_ =	swait.ge [sflag:s25], $0x70  }
0x3b: {  	[sflag:s25] =	ssyncset.done $0x0  }
0x3c: {  	[sflag:s25] =	ssyncadd.s32 $0xFFFFFF90  }
0x3d: {  	_ =	swait.ge [sflag:s25], $0x70  }
0x3e: {  	[sflag:s25] =	ssyncset.done $0x0  }
0x3f: {  	[sflag:s25] =	ssyncadd.s32 $0xFFFFFF90  }
0x40: {  	[tilespmem:s26], [sflag:$0x1] =	stream.indirect.gather [hbm4b:s1+s17], $0x60, s17, s17, $0xb8;
	[tilespmem:$0xD5F0] =	vst v63  }
0x41: {  	_ = 	snop  }
0x42: {  	[tilespmem:s28], [sflag:$0x1] =	stream.indirect.gather [hbm4b:s1+s17], $0x60, s18, s17, $0xb8;
	[tilespmem:$0xD5F0] =	vst v63  }
0x43: {  	_ = 	snop  }
0x44: {  	[tilespmem:s29], [sflag:$0x1] =	stream.indirect.gather [hbm4b:s1+s17], $0x60, s19, s17, $0xb8;
	[tilespmem:$0xD5F0] =	vst v63  }
0x45: {  	_ = 	snop  }
0x46: {  	[tilespmem:s30], [sflag:$0x1] =	stream.indirect.gather [hbm4b:s1+s17], $0x60, s20, s17, $0xb8;
	[tilespmem:$0xD5F0] =	vst v63  }
0x47: {  	_ =	swait.ge [sflag:s25], $0x2A00  }
0x48: {  	[sflag:s25] =	ssyncset.done $0x0  }
0x49: {  	[sflag:s25] =	ssyncadd.s32 $0xFFFFD600  }
0x4a: {  	_ =	swait.ge [sflag:s25], $0x2A00  }
0x4b: {  	[sflag:s25] =	ssyncset.done $0x0  }
0x4c: {  	[sflag:s25] =	ssyncadd.s32 $0xFFFFD600  }
0x4d: {  	_ =	swait.ge [sflag:s25], $0x2A00  }
0x4e: {  	[sflag:s25] =	ssyncset.done $0x0  }
0x4f: {  	[sflag:s25] =	ssyncadd.s32 $0xFFFFD600  }
0x50: {  	_ =	swait.ge [sflag:s25], $0x2A00  }
0x51: {  	[sflag:s25] =	ssyncset.done $0x0  }
0x52: {  	[sflag:s25] =	ssyncadd.s32 $0xFFFFD600  }
.LBB2_3:
0x53: {  	s3 =	smul.u32 $0x600, s0;
	_ =	sdelay $0x1  }
0x54: {  	v59 =	vld [tilespmem:s3+$0x58D0];
	_ =	sdelay $0x4  }
0x55: {  	[tilespmem:$0x1F2B0] =	vst v59;
	v59 =	vld [tilespmem:s3+$0x82D0];
	_ =	sdelay $0x4  }
0x56: {  	[tilespmem:$0x1F2E0] =	vst v59;
	v59 =	vld [tilespmem:s3+$0x4E0];
	_ =	sdelay $0x4  }
0x57: {  	[tilespmem:$0x1F280] =	vst v59;
	v59 =	vld [tilespmem:s3+$0x2EE0];
	_ =	sdelay $0x4  }
0x58: {  	[tilespmem:$0x1F290] =	vst v59;
	v59 =	vld [tilespmem:s3+$0x58E0];
	_ =	sdelay $0x4  }
0x59: {  	[tilespmem:$0x1F2D0] =	vst v59;
	v59 =	vld [tilespmem:s3+$0x82E0];
	_ =	sdelay $0x4  }
0x5a: {  	[tilespmem:$0x1F2F0] =	vst v59;
	v59 =	vld [tilespmem:s3+$0x4F0];
	_ =	sdelay $0x4  }
0x5b: {  	[tilespmem:$0x1F300] =	vst v59;
	v59 =	vld [tilespmem:s3+$0x2EF0];
	_ =	sdelay $0x4  }
0x5c: {  	[tilespmem:$0x1F310] =	vst v59;
	v59 =	vld [tilespmem:s3+$0x58F0];
	_ =	sdelay $0x4  }
0x5d: {  	[tilespmem:$0x1F340] =	vst v59;
	v59 =	vld [tilespmem:s3+$0x82F0];
	_ =	sdelay $0x4  }
0x5e: {  	[tilespmem:$0x1F360] =	vst v59;
	v59 =	vld [tilespmem:s3+$0x500];
	_ =	sdelay $0x4  }
0x5f: {  	[tilespmem:$0x1F320] =	vst v59;
	v59 =	vld [tilespmem:s3+$0x2F00];
	_ =	sdelay $0x4  }
0x60: {  	[tilespmem:$0x1F330] =	vst v59;
	v59 =	vld [tilespmem:s3+$0x5900];
	_ =	sdelay $0x4  }
0x61: {  	[tilespmem:$0x1F350] =	vst v59;
	v59 =	vld [tilespmem:s3+$0x8300];
	_ =	sdelay $0x4  }
0x62: {  	[tilespmem:$0x1F370] =	vst v59;
	v59 =	vld [tilespmem:s3+$0x510];
	_ =	sdelay $0x4  }
0x63: {  	[tilespmem:$0x1F380] =	vst v59;
	v59 =	vld [tilespmem:s3+$0x2F10];
	_ =	sdelay $0x4  }
0x64: {  	[tilespmem:$0x1F390] =	vst v59;
	v59 =	vld [tilespmem:s3+$0x5910];
	_ =	sdelay $0x4  }
0x65: {  	[tilespmem:$0x1F3C0] =	vst v59;
	v59 =	vld [tilespmem:s3+$0x8310];
	_ =	sdelay $0x4  }
0x66: {  	[tilespmem:$0x1F3D0] =	vst v59;
	v59 =	vld [tilespmem:s3+$0x520];
	_ =	sdelay $0x4  }
0x67: {  	[tilespmem:$0x1F3A0] =	vst v59;
	v59 =	vld [tilespmem:s3+$0x2F20];
	_ =	sdelay $0x4  }
0x68: {  	[tilespmem:$0x1F3B0] =	vst v59;
	v59 =	vld [tilespmem:s3+$0x5920];
	_ =	sdelay $0x4  }
0x69: {  	[tilespmem:$0x1F3E0] =	vst v59;
	v59 =	vld [tilespmem:s3+$0x8320];
	_ =	sdelay $0x4  }
0x6a: {  	[tilespmem:$0x1F3F0] =	vst v59;
	v59 =	vld [tilespmem:s3+$0x530];
	_ =	sdelay $0x4  }
0x6b: {  	[tilespmem:$0x1F400] =	vst v59;
	v59 =	vld [tilespmem:s3+$0x2F30];
	_ =	sdelay $0x4  }
0x6c: {  	[tilespmem:$0x1F410] =	vst v59;
	v59 =	vld [tilespmem:s3+$0x5930];
	_ =	sdelay $0x4  }
0x6d: {  	[tilespmem:$0x1F440] =	vst v59;
	v59 =	vld [tilespmem:s3+$0x8330];
	_ =	sdelay $0x4  }
0x6e: {  	[tilespmem:$0x1F460] =	vst v59;
	v59 =	vld [tilespmem:s3+$0x540];
	_ =	sdelay $0x4  }
0x6f: {  	[tilespmem:$0x1F420] =	vst v59;
	v59 =	vld [tilespmem:s3+$0x2F40];
	_ =	sdelay $0x4  }
0x70: {  	[tilespmem:$0x1F430] =	vst v59;
	v59 =	vld [tilespmem:s3+$0x5940];
	_ =	sdelay $0x4  }
0x71: {  	[tilespmem:$0x1F450] =	vst v59;
	v59 =	vld [tilespmem:s3+$0x8340];
	_ =	sdelay $0x4  }
0x72: {  	[tilespmem:$0x1F490] =	vst v59;
	v59 =	vld [tilespmem:s3+$0x550];
	_ =	sdelay $0x4  }
0x73: {  	[tilespmem:$0x1F470] =	vst v59;
	v59 =	vld [tilespmem:s3+$0x2F50];
	_ =	sdelay $0x4  }
0x74: {  	[tilespmem:$0x1F4A0] =	vst v59;
	v59 =	vld [tilespmem:s3+$0x5950];
	_ =	sdelay $0x4  }
0x75: {  	[tilespmem:$0x1F4C0] =	vst v59;
	v59 =	vld [tilespmem:s3+$0x8350];
	_ =	sdelay $0x4  }
0x76: {  	[tilespmem:$0x1F4E0] =	vst v59;
	v59 =	vld [tilespmem:s3+$0x560];
	_ =	sdelay $0x4  }
0x77: {  	[tilespmem:$0x1F480] =	vst v59;
	v59 =	vld [tilespmem:s3+$0x2F60];
	_ =	sdelay $0x4  }
0x78: {  	[tilespmem:$0x1F4B0] =	vst v59;
	v59 =	vld [tilespmem:s3+$0x5960];
	_ =	sdelay $0x4  }
0x79: {  	[tilespmem:$0x1F4D0] =	vst v59;
	v59 =	vld [tilespmem:s3+$0x8360];
	_ =	sdelay $0x4  }
0x7a: {  	[tilespmem:$0x1F4F0] =	vst v59;
	v59 =	vld [tilespmem:s3+$0x570];
	_ =	sdelay $0x4  }
0x7b: {  	[tilespmem:$0x1F500] =	vst v59;
	v59 =	vld [tilespmem:s3+$0x2F70];
	_ =	sdelay $0x4  }
0x7c: {  	[tilespmem:$0x1F510] =	vst v59;
	v59 =	vld [tilespmem:s3+$0x5970];
	_ =	sdelay $0x4  }
0x7d: {  	[tilespmem:$0x1F540] =	vst v59;
	v59 =	vld [tilespmem:s3+$0x8370];
	_ =	sdelay $0x4  }
0x7e: {  	[tilespmem:$0x1F550] =	vst v59;
	v59 =	vld [tilespmem:s3+$0x580];
	_ =	sdelay $0x4  }
0x7f: {  	[tilespmem:$0x1F520] =	vst v59;
	v59 =	vld [tilespmem:s3+$0x2F80];
	_ =	sdelay $0x4  }
0x80: {  	[tilespmem:$0x1F530] =	vst v59;
	v59 =	vld [tilespmem:s3+$0x5980];
	_ =	sdelay $0x1  }
0x81: {  	s2 =	sshll.u32 s0, $0x4  }
0x82: {  	v19 =	vld [tilespmem:s2+$0x230]  }
0x83: {  	v20 =	vld [tilespmem:s2+$0x2A0]  }
0x84: {  	[tilespmem:$0x1F560] =	vst v59;
	v59 =	vld [tilespmem:s3+$0x8380]  }
0x85: {  	v22 =	vld [tilespmem:s2+$0x310]  }
0x86: {  	v21 =	vld [tilespmem:s2+$0x380]  }
0x87: {  	v6 =	vld [tilespmem:s3+$0x3F0]  }
0x88: {  	v7 =	vld [tilespmem:s3+$0x2DF0]  }
0x89: {  	[tilespmem:$0x1F5B0] =	vst v59;
	v59 =	vld [tilespmem:s3+$0x590]  }
0x8a: {  	v12 =	vld [tilespmem:s3+$0x57F0]  }
0x8b: {  	v13 =	vld [tilespmem:s3+$0x81F0]  }
0x8c: {  	v10 =	vld [tilespmem:s3+$0x400]  }
0x8d: {  	v11 =	vld [tilespmem:s3+$0x2E00]  }
0x8e: {  	[tilespmem:$0x1F570] =	vst v59;
	v59 =	vld [tilespmem:s3+$0x2F90]  }
0x8f: {  	v14 =	vld [tilespmem:s3+$0x5800]  }
0x90: {  	v15 =	vld [tilespmem:s3+$0x8200]  }
0x91: {  	v16 =	vld [tilespmem:s3+$0x410]  }
0x92: {  	v17 =	vld [tilespmem:s3+$0x2E10]  }
0x93: {  	[tilespmem:$0x1F580] =	vst v59;
	v59 =	vld [tilespmem:s3+$0x5990]  }
0x94: {  	v5 =	vld [tilespmem:s3+$0x5810]  }
0x95: {  	v25 =	vld [tilespmem:s3+$0x8210]  }
0x96: {  	v18 =	vld [tilespmem:s3+$0x420]  }
0x97: {  	v4 =	vld [tilespmem:s3+$0x2E20]  }
0x98: {  	[tilespmem:$0x1F5C0] =	vst v59;
	v59 =	vld [tilespmem:s3+$0x8390]  }
0x99: {  	v8 =	vld [tilespmem:s3+$0x5820]  }
0x9a: {  	v26 =	vld [tilespmem:s3+$0x8220]  }
0x9b: {  	v23 =	vld [tilespmem:s3+$0x430]  }
0x9c: {  	v28 =	vld [tilespmem:s3+$0x2E30]  }
0x9d: {  	[tilespmem:$0x1F5E0] =	vst v59;
	v59 =	vld [tilespmem:s3+$0x5A0]  }
0x9e: {  	v29 =	vld [tilespmem:s3+$0x5830]  }
0x9f: {  	v34 =	vld [tilespmem:s3+$0x8230]  }
0xa0: {  	v9 =	vld [tilespmem:s3+$0x440]  }
0xa1: {  	v24 =	vld [tilespmem:s3+$0x2E40]  }
0xa2: {  	[tilespmem:$0x1F590] =	vst v59;
	v59 =	vld [tilespmem:s3+$0x2FA0]  }
0xa3: {  	v27 =	vld [tilespmem:s3+$0x5840]  }
0xa4: {  	v30 =	vld [tilespmem:s3+$0x8240]  }
0xa5: {  	v31 =	vld [tilespmem:s3+$0x450]  }
0xa6: {  	v32 =	vld [tilespmem:s3+$0x2E50]  }
0xa7: {  	[tilespmem:$0x1F5A0] =	vst v59;
	v59 =	vld [tilespmem:s3+$0x59A0]  }
0xa8: {  	v36 =	vld [tilespmem:s3+$0x5850]  }
0xa9: {  	v42 =	vld [tilespmem:s3+$0x8250]  }
0xaa: {  	v33 =	vld [tilespmem:s3+$0x460]  }
0xab: {  	v35 =	vld [tilespmem:s3+$0x2E60]  }
0xac: {  	[tilespmem:$0x1F5D0] =	vst v59;
	v59 =	vld [tilespmem:s3+$0x83A0]  }
0xad: {  	v37 =	vld [tilespmem:s3+$0x5860]  }
0xae: {  	v45 =	vld [tilespmem:s3+$0x8260]  }
0xaf: {  	v40 =	vld [tilespmem:s3+$0x470]  }
0xb0: {  	v41 =	vld [tilespmem:s3+$0x2E70]  }
0xb1: {  	[tilespmem:$0x1F5F0] =	vst v59;
	v59 =	vld [tilespmem:s3+$0x5B0]  }
0xb2: {  	v44 =	vld [tilespmem:s3+$0x5870]  }
0xb3: {  	v49 =	vld [tilespmem:s3+$0x8270]  }
0xb4: {  	v38 =	vld [tilespmem:s3+$0x480]  }
0xb5: {  	v39 =	vld [tilespmem:s3+$0x2E80]  }
0xb6: {  	[tilespmem:$0x1F600] =	vst v59;
	v59 =	vld [tilespmem:s3+$0x2FB0]  }
0xb7: {  	v43 =	vld [tilespmem:s3+$0x5880]  }
0xb8: {  	v48 =	vld [tilespmem:s3+$0x8280]  }
0xb9: {  	v47 =	vld [tilespmem:s3+$0x490]  }
0xba: {  	v51 =	vld [tilespmem:s3+$0x2E90]  }
0xbb: {  	[tilespmem:$0x1F620] =	vst v59;
	v59 =	vld [tilespmem:s3+$0x59B0]  }
0xbc: {  	v53 =	vld [tilespmem:s3+$0x5890]  }
0xbd: {  	v55 =	vld [tilespmem:s3+$0x8290]  }
0xbe: {  	v46 =	vld [tilespmem:s3+$0x4A0]  }
0xbf: {  	v50 =	vld [tilespmem:s3+$0x2EA0]  }
0xc0: {  	[tilespmem:$0x1F640] =	vst v59;
	v59 =	vld [tilespmem:s3+$0x83B0]  }
0xc1: {  	v52 =	vld [tilespmem:s3+$0x58A0]  }
0xc2: {  	v56 =	vld [tilespmem:s3+$0x82A0]  }
0xc3: {  	v54 =	vld [tilespmem:s3+$0x4B0]  }
0xc4: {  	v57 =	vld [tilespmem:s3+$0x2EB0]  }
0xc5: {  	[tilespmem:$0x1F660] =	vst v59;
	v59 =	vld [tilespmem:s3+$0x5C0]  }
0xc6: {  	v0 =	vld [tilespmem:s3+$0x58B0]  }
0xc7: {  	v1 =	vld [tilespmem:s3+$0x5A20]  }
0xc8: {  	v60 =	vld [tilespmem:s3+$0x82B0]  }
0xc9: {  	v62 =	vld [tilespmem:s3+$0x4C0]  }
0xca: {  	[tilespmem:$0x1F610] =	vst v59;
	v59 =	vld [tilespmem:s3+$0x2FC0]  }
0xcb: {  	v63 =	vld [tilespmem:s3+$0x2EC0];
	v2 =	vbroadcast v20, $0x0;
	[tilespmem:$0x1F270] =	vst v0;
	v0 =	vbroadcast v19, $0x0  }
0xcc: {  	v58 =	vld [tilespmem:s3+$0x58C0];
	[tilespmem:$0x1F7D0] =	vst v1;
	v1 =	vbroadcast v22, $0x0  }
0xcd: {  	v61 =	vld [tilespmem:s3+$0x82C0];
	v7 =	vmul.f32 v7, v2;
	v6 =	vmul.f32 v6, v0  }
0xce: {  	[tilespmem:$0x1F2A0] =	vst v60;
	v60 =	vld [tilespmem:s3+$0x4D0];
	v11 =	vmul.f32 v11, v2;
	v10 =	vmul.f32 v10, v0  }
0xcf: {  	v3 =	vbroadcast v21, $0x0;
	v6 =	vadd.f32 v7, v6;
	v7 =	vmul.f32 v12, v1;
	[tilespmem:$0x1F630] =	vst v59;
	v59 =	vld [tilespmem:s3+$0x59C0]  }
0xd0: {  	v10 =	vadd.f32 v11, v10;
	v11 =	vmul.f32 v14, v1;
	v14 =	vld [tilespmem:s3+$0x640]  }
0xd1: {  	v12 =	vmul.f32 v13, v3;
	v13 =	vmul.f32 v15, v3;
	v15 =	vld [tilespmem:s3+$0x3040];
	v6 =	vadd.f32 v7, v6  }
0xd2: {  	[tilespmem:$0x1F2C0] =	vst v61;
	v61 =	vld [tilespmem:s3+$0x2ED0]  }
0xd3: {  	v10 =	vadd.f32 v11, v10;
	v11 =	vmul.f32 v18, v0;
	v18 =	vadd.f32 v12, v6;
	v12 =	vld [tilespmem:s3+$0x8440]  }
0xd4: {  	[tilespmem:$0x1F650] =	vst v59;
	v59 =	vld [tilespmem:s3+$0x83C0]  }
0xd5: {  	[tilespmem:$0x1F820] =	vst v14;
	v14 =	vmul.f32 v17, v2;
	v17 =	vld [tilespmem:s3+$0x5A40]  }
0xd6: {  	[tilespmem:$0x1F830] =	vst v15;
	v15 =	vmul.f32 v4, v2;
	v4 =	vld [tilespmem:s3+$0x30F0]  }
0xd7: {  	[tilespmem:$0x1FB90] =	vst v18;
	v18 =	vld [tilespmem:s3+$0x650]  }
0xd8: {  	v7 =	vmul.f32 v16, v0;
	v16 =	vadd.f32 v15, v11;
	v15 =	vld [tilespmem:s3+$0x3060]  }
0xd9: {  	[tilespmem:$0x1F670] =	vst v59;
	v59 =	vld [tilespmem:s3+$0x5D0]  }
0xda: {  	v6 =	vadd.f32 v14, v7;
	v7 =	vmul.f32 v5, v1;
	v5 =	vld [tilespmem:s3+$0x3110]  }
0xdb: {  	v14 =	vadd.f32 v13, v10;
	[tilespmem:$0x1F860] =	vst v12;
	v12 =	vmul.f32 v23, v0;
	v23 =	vld [tilespmem:s3+$0x3050]  }
0xdc: {  	v0 =	vmul.f32 v9, v0;
	v9 =	vld [tilespmem:s3+$0x5A50]  }
0xdd: {  	[tilespmem:$0x1FBA0] =	vst v14;
	v14 =	vmul.f32 v29, v1;
	v29 =	vld [tilespmem:s3+$0x5A70]  }
0xde: {  	[tilespmem:$0x1F680] =	vst v59;
	v59 =	vld [tilespmem:s3+$0x2FD0]  }
0xdf: {  	[tilespmem:$0x1F850] =	vst v17;
	v17 =	vmul.f32 v8, v1;
	v8 =	vld [tilespmem:s3+$0x8450]  }
0xe0: {  	v1 =	vmul.f32 v27, v1;
	v27 =	vld [tilespmem:s3+$0x660]  }
0xe1: {  	[tilespmem:$0x1F870] =	vst v18;
	v18 =	vmul.f32 v28, v2;
	v2 =	vmul.f32 v24, v2;
	v24 =	vld [tilespmem:s3+$0x8460]  }
0xe2: {  	v28 =	vld [tilespmem:s3+$0x3070]  }
0xe3: {  	v25 =	vmul.f32 v25, v3;
	v6 =	vadd.f32 v7, v6;
	[tilespmem:$0x1F690] =	vst v59;
	v59 =	vld [tilespmem:s3+$0x59D0]  }
0xe4: {  	v11 =	vbroadcast v20, $0x1;
	v10 =	vadd.f32 v17, v16;
	v16 =	vmul.f32 v26, v3;
	v26 =	vld [tilespmem:s3+$0x5A60]  }
0xe5: {  	v17 =	vadd.f32 v25, v6;
	v25 =	vld [tilespmem:s3+$0x8470];
	v6 =	vadd.f32 v18, v12  }
0xe6: {  	v18 =	vmul.f32 v32, v11;
	v32 =	vld [tilespmem:s3+$0x5A90];
	v13 =	vadd.f32 v16, v10;
	v10 =	vbroadcast v19, $0x1  }
0xe7: {  	[tilespmem:$0x1FBB0] =	vst v17;
	v16 =	vmul.f32 v34, v3;
	v3 =	vmul.f32 v30, v3;
	v30 =	vld [tilespmem:s3+$0x670]  }
0xe8: {  	v34 =	vmul.f32 v35, v11;
	v17 =	vmul.f32 v31, v10;
	[tilespmem:$0x1F6C0] =	vst v59;
	v59 =	vld [tilespmem:s3+$0x83D0]  }
0xe9: {  	v0 =	vadd.f32 v2, v0;
	v33 =	vmul.f32 v33, v10;
	v31 =	vmul.f32 v39, v11;
	v39 =	vld [tilespmem:s3+$0x5A80]  }
0xea: {  	v6 =	vadd.f32 v14, v6;
	[tilespmem:$0x1FBC0] =	vst v13;
	v13 =	vbroadcast v22, $0x1;
	v35 =	vadd.f32 v18, v17;
	v17 =	vld [tilespmem:s3+$0x680]  }
0xeb: {  	v0 =	vadd.f32 v1, v0;
	v1 =	vadd.f32 v34, v33;
	v34 =	vld [tilespmem:s3+$0x690]  }
0xec: {  	v7 =	vmul.f32 v43, v13;
	v43 =	vld [tilespmem:s3+$0x6A0]  }
0xed: {  	v2 =	vadd.f32 v16, v6;
	v6 =	vbroadcast v21, $0x1;
	[tilespmem:$0x1F720] =	vst v59;
	v59 =	vld [tilespmem:s3+$0x5E0]  }
0xee: {  	v18 =	vmul.f32 v38, v10;
	v38 =	vld [tilespmem:s3+$0x84A0]  }
0xef: {  	[tilespmem:$0x1FBE0] =	vst v2;
	v2 =	vmul.f32 v42, v6;
	v42 =	vmul.f32 v40, v10;
	v40 =	vld [tilespmem:s3+$0x3090]  }
0xf0: {  	v14 =	vmul.f32 v49, v6;
	v49 =	vld [tilespmem:s3+$0x5AA0]  }
0xf1: {  	[tilespmem:$0x1F880] =	vst v15;
	v0 =	vadd.f32 v3, v0;
	v36 =	vmul.f32 v36, v13;
	v15 =	vmul.f32 v48, v6;
	v48 =	vld [tilespmem:$0x1F2C0]  }
0xf2: {  	v37 =	vmul.f32 v37, v13;
	[tilespmem:$0x1F6A0] =	vst v59;
	v59 =	vld [tilespmem:s3+$0x2FE0]  }
0xf3: {  	v16 =	vmul.f32 v41, v11;
	[tilespmem:$0x1FC00] =	vst v0;
	v0 =	vadd.f32 v36, v35;
	v35 =	vld [tilespmem:s3+$0x3080]  }
0xf4: {  	v1 =	vadd.f32 v37, v1;
	v37 =	vld [tilespmem:s3+$0x8490]  }
0xf5: {  	v44 =	vmul.f32 v44, v13;
	v33 =	vmul.f32 v50, v11;
	v36 =	vld [tilespmem:$0x1F290];
	v3 =	vadd.f32 v16, v42  }
0xf6: {  	v42 =	vmul.f32 v45, v6;
	v45 =	vadd.f32 v31, v18;
	v31 =	vld [tilespmem:s3+$0x8480];
	v16 =	vmul.f32 v47, v10  }
0xf7: {  	v18 =	vmul.f32 v51, v11;
	v11 =	vbroadcast v20, $0x2;
	[tilespmem:$0x1F6B0] =	vst v59;
	v59 =	vld [tilespmem:s3+$0x59E0]  }
0xf8: {  	[tilespmem:$0x1F890] =	vst v17;
	v17 =	vmul.f32 v46, v10;
	v46 =	vmul.f32 v56, v6;
	v56 =	vld [tilespmem:$0x1F270]  }
0xf9: {  	v51 =	vmul.f32 v57, v11;
	v57 =	vld [tilespmem:s3+$0x30B0]  }
0xfa: {  	v12 =	vadd.f32 v44, v3;
	v3 =	vadd.f32 v18, v16;
	v16 =	vld [tilespmem:s3+$0x5AB0]  }
0xfb: {  	v18 =	vld [tilespmem:s3+$0x84B0]  }
0xfc: {  	v0 =	vadd.f32 v2, v0;
	[tilespmem:$0x1F6D0] =	vst v59;
	v59 =	vld [tilespmem:s3+$0x83E0]  }
0xfd: {  	v10 =	vbroadcast v19, $0x2;
	[tilespmem:$0x1F8A0] =	vst v43;
	v43 =	vld [tilespmem:$0x1F2A0]  }
0xfe: {  	[tilespmem:$0x1FC10] =	vst v0;
	v0 =	vadd.f32 v7, v45;
	v45 =	vld [tilespmem:s3+$0x30A0]  }
0xff: {  	v41 =	vmul.f32 v53, v13;
	v47 =	vmul.f32 v54, v10;
	v54 =	vld [tilespmem:s3+$0x6B0]  }
0x100: {  	v1 =	vadd.f32 v42, v1;
	v53 =	vmul.f32 v63, v11;
	v63 =	vmul.f32 v60, v10;
	v60 =	vld [tilespmem:s3+$0x6D0]  }
0x101: {  	v7 =	vbroadcast v21, $0x2;
	[tilespmem:$0x1F740] =	vst v59;
	v59 =	vld [tilespmem:s3+$0x5F0]  }
0x102: {  	[tilespmem:$0x1FC20] =	vst v1;
	v1 =	vadd.f32 v14, v12;
	v14 =	vld [tilespmem:s3+$0x5AD0]  }
0x103: {  	v50 =	vmul.f32 v48, v7;
	v48 =	vld [tilespmem:s3+$0x84E0]  }
0x104: {  	v44 =	vmul.f32 v55, v6;
	v55 =	vadd.f32 v51, v47;
	v47 =	vld [tilespmem:s3+$0x30C0]  }
0x105: {  	v12 =	vbroadcast v22, $0x2;
	v51 =	vld [tilespmem:$0x1F2D0]  }
0x106: {  	v42 =	vmul.f32 v52, v13;
	v0 =	vadd.f32 v15, v0;
	[tilespmem:$0x1F6E0] =	vst v59;
	v59 =	vld [tilespmem:s3+$0x2FF0]  }
0x107: {  	v52 =	vmul.f32 v62, v10;
	v62 =	vmul.f32 v58, v12;
	v58 =	vld [tilespmem:$0x1F2F0]  }
0x108: {  	[tilespmem:$0x1FC50] =	vst v0;
	v0 =	vadd.f32 v33, v17;
	v33 =	vld [tilespmem:$0x1F280]  }
0x109: {  	v2 =	vadd.f32 v41, v3;
	v3 =	vmul.f32 v56, v12;
	v56 =	vld [tilespmem:s3+$0x84C0]  }
0x10a: {  	[tilespmem:$0x1FC40] =	vst v1;
	v17 =	vmul.f32 v61, v11;
	v61 =	vld [tilespmem:$0x1F300]  }
0x10b: {  	[tilespmem:$0x1F6F0] =	vst v59;
	v59 =	vld [tilespmem:s3+$0x59F0]  }
0x10c: {  	v1 =	vadd.f32 v44, v2;
	[tilespmem:$0x1F920] =	vst v18;
	v18 =	vld [tilespmem:s3+$0x84D0]  }
0x10d: {  	[tilespmem:$0x1F8B0] =	vst v45;
	v45 =	vld [tilespmem:$0x1F2B0]  }
0x10e: {  	[tilespmem:$0x1FC70] =	vst v1;
	v1 =	vadd.f32 v53, v52;
	v53 =	vld [tilespmem:s3+$0x5AC0]  }
0x10f: {  	v0 =	vadd.f32 v42, v0;
	v42 =	vld [tilespmem:s3+$0x6C0]  }
0x110: {  	[tilespmem:$0x1F730] =	vst v59;
	v59 =	vld [tilespmem:s3+$0x83F0]  }
0x111: {  	v1 =	vadd.f32 v62, v1;
	v62 =	vld [tilespmem:$0x1F310]  }
0x112: {  	v0 =	vadd.f32 v46, v0;
	[tilespmem:$0x1F8F0] =	vst v47;
	v47 =	vld [tilespmem:s3+$0x5AE0]  }
0x113: {  	v2 =	vmul.f32 v33, v10;
	v33 =	vld [tilespmem:s3+$0x6E0]  }
0x114: {  	[tilespmem:$0x1FC90] =	vst v0;
	v0 =	vadd.f32 v3, v55;
	v55 =	vld [tilespmem:$0x1F2E0]  }
0x115: {  	[tilespmem:$0x1F760] =	vst v59;
	v59 =	vld [tilespmem:s3+$0x600]  }
0x116: {  	v3 =	vadd.f32 v17, v63;
	v63 =	vld [tilespmem:s3+$0x30D0]  }
0x117: {  	[tilespmem:$0x1F8E0] =	vst v42;
	v42 =	vld [tilespmem:s3+$0x30E0]  }
0x118: {  	v44 =	vmul.f32 v43, v7;
	v46 =	vmul.f32 v45, v12;
	v15 =	vld [tilespmem:$0x1F340]  }
0x119: {  	v41 =	vmul.f32 v36, v11;
	[tilespmem:$0x1F8C0] =	vst v54;
	v36 =	vld [tilespmem:$0x1F360]  }
0x11a: {  	v0 =	vadd.f32 v44, v0;
	v54 =	vadd.f32 v46, v3;
	v3 =	vmul.f32 v55, v7;
	[tilespmem:$0x1F700] =	vst v59;
	v59 =	vld [tilespmem:s3+$0x3000]  }
0x11b: {  	[tilespmem:$0x1F8D0] =	vst v57;
	v6 =	vld [tilespmem:$0x1F320]  }
0x11c: {  	[tilespmem:$0x1FCA0] =	vst v0;
	v0 =	vadd.f32 v3, v54;
	v13 =	vld [tilespmem:$0x1F330]  }
0x11d: {  	[tilespmem:$0x1F900] =	vst v16;
	v52 =	vmul.f32 v51, v12;
	v2 =	vadd.f32 v41, v2;
	v16 =	vld [tilespmem:$0x1F350]  }
0x11e: {  	v3 =	vmul.f32 v62, v11;
	[tilespmem:$0x1FCD0] =	vst v0;
	v0 =	vmul.f32 v61, v10;
	v41 =	vld [tilespmem:$0x1F370]  }
0x11f: {  	v1 =	vadd.f32 v50, v1;
	v57 =	vadd.f32 v52, v2;
	v2 =	vmul.f32 v58, v7;
	[tilespmem:$0x1F710] =	vst v59;
	v59 =	vld [tilespmem:s3+$0x5A00]  }
0x120: {  	v0 =	vadd.f32 v3, v0;
	v3 =	vmul.f32 v15, v12;
	v43 =	vld [tilespmem:$0x1F380]  }
0x121: {  	[tilespmem:$0x1FCC0] =	vst v1;
	v1 =	vadd.f32 v2, v57;
	v45 =	vld [tilespmem:$0x1F390]  }
0x122: {  	v0 =	vadd.f32 v3, v0;
	v3 =	vmul.f32 v36, v7;
	v55 =	vld [tilespmem:$0x1F3C0]  }
0x123: {  	[tilespmem:$0x1FCF0] =	vst v1;
	v1 =	vmul.f32 v6, v10;
	v2 =	vmul.f32 v13, v11;
	v57 =	vld [tilespmem:$0x1F3D0]  }
0x124: {  	v0 =	vadd.f32 v3, v0;
	[tilespmem:$0x1F750] =	vst v59;
	v59 =	vld [tilespmem:s3+$0x8400]  }
0x125: {  	v10 =	vbroadcast v20, $0x3;
	v1 =	vadd.f32 v2, v1;
	v2 =	vbroadcast v19, $0x3;
	v50 =	vld [tilespmem:$0x1F3A0]  }
0x126: {  	[tilespmem:$0x1FD00] =	vst v0;
	v0 =	vbroadcast v22, $0x3;
	v52 =	vld [tilespmem:$0x1F3B0]  }
0x127: {  	[tilespmem:$0x1F950] =	vst v33;
	v33 =	vld [tilespmem:s3+$0x5AF0];
	v44 =	vmul.f32 v43, v2;
	v46 =	vmul.f32 v45, v10  }
0x128: {  	[tilespmem:$0x1F930] =	vst v56;
	v54 =	vld [tilespmem:s3+$0x6F0];
	v3 =	vbroadcast v21, $0x3;
	v17 =	vmul.f32 v16, v12  }
0x129: {  	v6 =	vadd.f32 v46, v44;
	v56 =	vmul.f32 v55, v0;
	[tilespmem:$0x1F770] =	vst v59;
	v59 =	vld [tilespmem:s3+$0x610]  }
0x12a: {  	[tilespmem:$0x1F940] =	vst v60;
	v1 =	vadd.f32 v17, v1;
	v17 =	vld [tilespmem:s3+$0x8500];
	v7 =	vmul.f32 v41, v7;
	v58 =	vmul.f32 v57, v3  }
0x12b: {  	[tilespmem:$0x1F910] =	vst v53;
	v6 =	vadd.f32 v56, v6;
	v51 =	vmul.f32 v50, v2;
	v53 =	vmul.f32 v52, v10;
	v60 =	vld [tilespmem:$0x1F3E0]  }
0x12c: {  	v1 =	vadd.f32 v7, v1;
	v44 =	vld [tilespmem:s3+$0x84F0]  }
0x12d: {  	v55 =	vld [tilespmem:s3+$0x3100];
	v7 =	vadd.f32 v53, v51;
	v51 =	vadd.f32 v58, v6  }
0x12e: {  	[tilespmem:$0x1F780] =	vst v59;
	v59 =	vld [tilespmem:s3+$0x3010]  }
0x12f: {  	[tilespmem:$0x1FD20] =	vst v51;
	v51 =	vld [tilespmem:s3+$0x5B10]  }
0x130: {  	v50 =	vld [tilespmem:s3+$0x700];
	v61 =	vmul.f32 v60, v0  }
0x131: {  	v62 =	vld [tilespmem:$0x1F3F0]  }
0x132: {  	v7 =	vadd.f32 v61, v7;
	v61 =	vld [tilespmem:s3+$0x5B00]  }
0x133: {  	[tilespmem:$0x1F790] =	vst v59;
	v59 =	vld [tilespmem:s3+$0x5A10]  }
0x134: {  	[tilespmem:$0x1FA30] =	vst v51;
	v51 =	vld [tilespmem:s3+$0x3130]  }
0x135: {  	v36 =	vld [tilespmem:$0x1F400]  }
0x136: {  	[tilespmem:$0x1F970] =	vst v42;
	v42 =	vld [tilespmem:$0x1F410]  }
0x137: {  	v53 =	vld [tilespmem:$0x1F440]  }
0x138: {  	[tilespmem:$0x1F7C0] =	vst v59;
	v59 =	vld [tilespmem:s3+$0x8410]  }
0x139: {  	v45 =	vld [tilespmem:$0x1F420]  }
0x13a: {  	[tilespmem:$0x1F990] =	vst v47;
	v47 =	vld [tilespmem:$0x1F430]  }
0x13b: {  	[tilespmem:$0x1F960] =	vst v63;
	v63 =	vmul.f32 v62, v3;
	v62 =	vld [tilespmem:$0x1F460]  }
0x13c: {  	v58 =	vld [tilespmem:$0x1F450]  }
0x13d: {  	v41 =	vmul.f32 v36, v2;
	v43 =	vmul.f32 v42, v10;
	[tilespmem:$0x1F7E0] =	vst v59;
	v59 =	vld [tilespmem:s3+$0x620]  }
0x13e: {  	[tilespmem:$0x1F9F0] =	vst v33;
	v33 =	vld [tilespmem:$0x1F490]  }
0x13f: {  	[tilespmem:$0x1F9B0] =	vst v48;
	v52 =	vadd.f32 v43, v41;
	v41 =	vld [tilespmem:s3+$0x710];
	v46 =	vmul.f32 v45, v2;
	v48 =	vmul.f32 v47, v10  }
0x140: {  	[tilespmem:$0x1F9C0] =	vst v54;
	v54 =	vmul.f32 v53, v0;
	v15 =	vld [tilespmem:$0x1F470]  }
0x141: {  	v57 =	vadd.f32 v48, v46;
	v60 =	vmul.f32 v58, v0;
	v43 =	vld [tilespmem:$0x1F4A0]  }
0x142: {  	v56 =	vadd.f32 v63, v7;
	v6 =	vadd.f32 v54, v52;
	v63 =	vmul.f32 v62, v3;
	[tilespmem:$0x1F7A0] =	vst v59;
	v59 =	vld [tilespmem:s3+$0x3020]  }
0x143: {  	v53 =	vld [tilespmem:s3+$0x8510];
	v7 =	vadd.f32 v60, v57;
	v36 =	vmul.f32 v33, v3  }
0x144: {  	[tilespmem:$0x1F980] =	vst v14;
	v42 =	vadd.f32 v63, v6;
	v6 =	vld [tilespmem:s3+$0x720]  }
0x145: {  	[tilespmem:$0x1F9A0] =	vst v18;
	v46 =	vadd.f32 v36, v7;
	v36 =	vld [tilespmem:s3+$0x8520]  }
0x146: {  	[tilespmem:$0x1FA20] =	vst v44;
	v16 =	vmul.f32 v15, v2;
	v44 =	vmul.f32 v43, v10;
	v47 =	vld [tilespmem:$0x1F4C0]  }
0x147: {  	[tilespmem:$0x1F7B0] =	vst v59;
	v59 =	vld [tilespmem:s3+$0x8420]  }
0x148: {  	[tilespmem:$0x1FA40] =	vst v17;
	v52 =	vadd.f32 v44, v16;
	v16 =	vld [tilespmem:s3+$0x5B20]  }
0x149: {  	[tilespmem:$0x1FD10] =	vst v1;
	v44 =	vld [tilespmem:s3+$0x730]  }
0x14a: {  	[tilespmem:$0x1F9E0] =	vst v55;
	v54 =	vld [tilespmem:$0x1F4E0]  }
0x14b: {  	[tilespmem:$0x1F9D0] =	vst v50;
	v18 =	vld [tilespmem:$0x1F480]  }
0x14c: {  	v48 =	vmul.f32 v47, v0;
	[tilespmem:$0x1F7F0] =	vst v59;
	v59 =	vld [tilespmem:s3+$0x630]  }
0x14d: {  	[tilespmem:$0x1FA00] =	vst v61;
	v45 =	vld [tilespmem:$0x1F4B0]  }
0x14e: {  	[tilespmem:$0x1FD30] =	vst v56;
	v7 =	vadd.f32 v48, v52;
	v48 =	vld [tilespmem:s3+$0x3120]  }
0x14f: {  	[tilespmem:$0x1FA90] =	vst v51;
	v50 =	vld [tilespmem:$0x1F4D0]  }
0x150: {  	[tilespmem:$0x1FA10] =	vst v41;
	v56 =	vld [tilespmem:$0x1F4F0]  }
0x151: {  	[tilespmem:$0x1F800] =	vst v59;
	v59 =	vld [tilespmem:s3+$0x3030]  }
0x152: {  	[tilespmem:$0x1FA60] =	vst v53;
	v2 =	vmul.f32 v18, v2;
	v10 =	vmul.f32 v45, v10;
	v57 =	vld [tilespmem:$0x1F500]  }
0x153: {  	[tilespmem:$0x1FD40] =	vst v42;
	v60 =	vld [tilespmem:$0x1F510]  }
0x154: {  	[tilespmem:$0x1FD50] =	vst v46;
	v2 =	vadd.f32 v10, v2;
	v0 =	vmul.f32 v50, v0;
	v42 =	vld [tilespmem:$0x1F540]  }
0x155: {  	[tilespmem:$0x1FA70] =	vst v36;
	v55 =	vmul.f32 v54, v3;
	v45 =	vld [tilespmem:$0x1F550]  }
0x156: {  	v0 =	vadd.f32 v0, v2;
	v3 =	vmul.f32 v56, v3;
	[tilespmem:$0x1F810] =	vst v59;
	v59 =	vld [tilespmem:s3+$0x5A30]  }
0x157: {  	[tilespmem:$0x1FA50] =	vst v16;
	v17 =	vadd.f32 v55, v7;
	v62 =	vld [tilespmem:$0x1F520]  }
0x158: {  	[tilespmem:$0x1FA80] =	vst v44;
	v0 =	vadd.f32 v3, v0;
	v18 =	vld [tilespmem:$0x1F530]  }
0x159: {  	[tilespmem:$0x1FD60] =	vst v17;
	v47 =	vld [tilespmem:$0x1F560]  }
0x15a: {  	[tilespmem:$0x1FD80] =	vst v0;
	v52 =	vld [tilespmem:$0x1F570]  }
0x15b: {  	v13 =	vbroadcast v20, $0x4;
	v12 =	vbroadcast v19, $0x4;
	[tilespmem:$0x1F840] =	vst v59;
	v59 =	vld [tilespmem:s3+$0x8430]  }
0x15c: {  	v15 =	vbroadcast v22, $0x4;
	v54 =	vld [tilespmem:$0x1F580]  }
0x15d: {  	v58 =	vmul.f32 v57, v12;
	v61 =	vmul.f32 v60, v13;
	v56 =	vld [tilespmem:s3+$0x5B30]  }
0x15e: {  	v57 =	vld [tilespmem:$0x1F590]  }
0x15f: {  	v41 =	vadd.f32 v61, v58;
	v43 =	vmul.f32 v42, v15;
	v33 =	vmul.f32 v18, v13;
	v18 =	vld [tilespmem:$0x1F5A0]  }
0x160: {  	v10 =	vbroadcast v21, $0x4;
	v36 =	vld [tilespmem:s3+$0x8530]  }
0x161: {  	v0 =	vadd.f32 v43, v41;
	v63 =	vmul.f32 v62, v12;
	v41 =	vld [tilespmem:$0x1F5B0]  }
0x162: {  	v46 =	vmul.f32 v45, v10;
	v43 =	vld [tilespmem:$0x1F5C0]  }
0x163: {  	v2 =	vadd.f32 v33, v63;
	v50 =	vmul.f32 v47, v15;
	v61 =	vld [tilespmem:s3+$0x740]  }
0x164: {  	v0 =	vadd.f32 v46, v0;
	v46 =	vld [tilespmem:$0x1F5D0]  }
0x165: {  	v2 =	vadd.f32 v50, v2;
	v50 =	vld [tilespmem:s3+$0x3140]  }
0x166: {  	v60 =	vld [tilespmem:s3+$0x5B40]  }
0x167: {  	v62 =	vld [tilespmem:s3+$0x8540]  }
0x168: {  	v14 =	vld [tilespmem:$0x1F610]  }
0x169: {  	v17 =	vld [tilespmem:$0x1F620]  }
0x16a: {  	v58 =	vmul.f32 v57, v12;
	v57 =	vld [tilespmem:$0x1F600]  }
0x16b: {  	[tilespmem:$0x1FAB0] =	vst v36;
	v36 =	vld [tilespmem:$0x1F630]  }
0x16c: {  	v42 =	vmul.f32 v41, v10;
	v41 =	vld [tilespmem:$0x1F640]  }
0x16d: {  	v53 =	vmul.f32 v52, v12;
	v44 =	vmul.f32 v43, v15;
	v43 =	vld [tilespmem:s3+$0x3150]  }
0x16e: {  	v55 =	vmul.f32 v54, v13;
	v47 =	vmul.f32 v46, v15;
	v46 =	vld [tilespmem:s3+$0x5B50]  }
0x16f: {  	v33 =	vmul.f32 v18, v13;
	v18 =	vmul.f32 v17, v13;
	v17 =	vld [tilespmem:$0x1F6A0]  }
0x170: {  	v3 =	vadd.f32 v55, v53;
	v53 =	vld [tilespmem:$0x1F5E0]  }
0x171: {  	v55 =	vld [tilespmem:$0x1F5F0]  }
0x172: {  	v45 =	vadd.f32 v33, v58;
	v33 =	vld [tilespmem:s3+$0x750]  }
0x173: {  	v52 =	vadd.f32 v44, v3;
	v44 =	vld [tilespmem:$0x1F650]  }
0x174: {  	[tilespmem:$0x1FDA0] =	vst v0;
	v0 =	vadd.f32 v47, v45;
	v47 =	vld [tilespmem:$0x1F660]  }
0x175: {  	v58 =	vmul.f32 v57, v12;
	v57 =	vld [tilespmem:s3+$0x760]  }
0x176: {  	v51 =	vadd.f32 v42, v2;
	v42 =	vmul.f32 v41, v15;
	v41 =	vld [tilespmem:s3+$0x5B60]  }
0x177: {  	[tilespmem:$0x1FB10] =	vst v46;
	v46 =	vld [tilespmem:s3+$0x8560]  }
0x178: {  	v54 =	vmul.f32 v53, v10;
	v53 =	vld [tilespmem:$0x1F670]  }
0x179: {  	[tilespmem:$0x1FAA0] =	vst v56;
	v56 =	vmul.f32 v55, v10;
	v55 =	vld [tilespmem:$0x1F680]  }
0x17a: {  	v3 =	vadd.f32 v18, v58;
	v58 =	vld [tilespmem:$0x1F690]  }
0x17b: {  	[tilespmem:$0x1FAD0] =	vst v33;
	v33 =	vld [tilespmem:$0x1F6B0]  }
0x17c: {  	v16 =	vmul.f32 v14, v12;
	v63 =	vadd.f32 v54, v52;
	v0 =	vadd.f32 v56, v0;
	v52 =	vld [tilespmem:s3+$0x8550]  }
0x17d: {  	[tilespmem:$0x1FDB0] =	vst v51;
	v12 =	vbroadcast v19, $0x5;
	v45 =	vmul.f32 v44, v15;
	v44 =	vld [tilespmem:$0x1F6C0]  }
0x17e: {  	v51 =	vmul.f32 v47, v10;
	v47 =	vld [tilespmem:$0x1F6D0];
	[tilespmem:$0x1FDD0] =	vst v0;
	v0 =	vmul.f32 v36, v13  }
0x17f: {  	[tilespmem:$0x1FB40] =	vst v46;
	v46 =	vld [tilespmem:s3+$0x8570];
	v13 =	vbroadcast v20, $0x5  }
0x180: {  	v18 =	vmul.f32 v17, v12;
	[tilespmem:$0x1FDC0] =	vst v63;
	v63 =	vld [tilespmem:s3+$0x3160];
	v0 =	vadd.f32 v0, v16  }
0x181: {  	[tilespmem:$0x1FAC0] =	vst v62;
	v62 =	vmul.f32 v58, v13;
	v36 =	vmul.f32 v33, v13;
	v58 =	vld [tilespmem:s3+$0x3170]  }
0x182: {  	v54 =	vmul.f32 v53, v10;
	[tilespmem:$0x1FB20] =	vst v52;
	v52 =	vld [tilespmem:$0x1F6E0];
	v11 =	vadd.f32 v45, v0  }
0x183: {  	v2 =	vadd.f32 v36, v18;
	v18 =	vld [tilespmem:$0x1F700]  }
0x184: {  	v3 =	vadd.f32 v42, v3;
	v15 =	vbroadcast v22, $0x5;
	v42 =	vadd.f32 v54, v11;
	v54 =	vld [tilespmem:$0x1F6F0]  }
0x185: {  	v36 =	vld [tilespmem:$0x1F710]  }
0x186: {  	v56 =	vmul.f32 v55, v12;
	v45 =	vmul.f32 v44, v15;
	v44 =	vld [tilespmem:$0x1F730]  }
0x187: {  	v16 =	vadd.f32 v51, v3;
	v51 =	vmul.f32 v47, v15;
	v47 =	vld [tilespmem:$0x1F740]  }
0x188: {  	[tilespmem:$0x1FAE0] =	vst v43;
	v43 =	vadd.f32 v62, v56;
	v62 =	vld [tilespmem:s3+$0x770]  }
0x189: {  	v56 =	vld [tilespmem:s3+$0x780];
	v53 =	vmul.f32 v52, v12;
	v55 =	vmul.f32 v54, v13  }
0x18a: {  	[tilespmem:$0x1FB30] =	vst v41;
	v52 =	vld [tilespmem:$0x1F750];
	v33 =	vmul.f32 v18, v12;
	v41 =	vmul.f32 v36, v13  }
0x18b: {  	v7 =	vadd.f32 v45, v43;
	[tilespmem:$0x1FDF0] =	vst v42;
	v42 =	vld [tilespmem:$0x1F720];
	v45 =	vmul.f32 v44, v15;
	v10 =	vadd.f32 v55, v53  }
0x18c: {  	v3 =	vadd.f32 v41, v33;
	v41 =	vld [tilespmem:$0x1F760]  }
0x18d: {  	v36 =	vadd.f32 v45, v10;
	v45 =	vld [tilespmem:$0x1F770]  }
0x18e: {  	[tilespmem:$0x1FB60] =	vst v46;
	v46 =	vld [tilespmem:s3+$0x3180]  }
0x18f: {  	v14 =	vbroadcast v21, $0x5;
	[tilespmem:$0x1FDE0] =	vst v16;
	v16 =	vld [tilespmem:s3+$0x8580];
	v53 =	vmul.f32 v52, v15  }
0x190: {  	v55 =	vld [tilespmem:$0x1F790]  }
0x191: {  	v43 =	vmul.f32 v42, v14;
	v44 =	vadd.f32 v53, v3;
	v53 =	vld [tilespmem:$0x1F780];
	v42 =	vmul.f32 v41, v14  }
0x192: {  	v2 =	vadd.f32 v51, v2;
	v51 =	vmul.f32 v47, v14;
	v18 =	vld [tilespmem:$0x1F7A0];
	v47 =	vmul.f32 v45, v14  }
0x193: {  	v52 =	vadd.f32 v42, v36;
	v42 =	vld [tilespmem:$0x1F7C0]  }
0x194: {  	v17 =	vadd.f32 v47, v44;
	v44 =	vld [tilespmem:$0x1F7D0]  }
0x195: {  	v33 =	vadd.f32 v43, v7;
	v43 =	vadd.f32 v51, v2;
	v51 =	vld [tilespmem:s3+$0x5B80]  }
0x196: {  	[tilespmem:$0x1FAF0] =	vst v57;
	v57 =	vmul.f32 v55, v13;
	v36 =	vld [tilespmem:$0x1F7B0];
	v54 =	vmul.f32 v53, v12  }
0x197: {  	[tilespmem:$0x1FE00] =	vst v33;
	v33 =	vmul.f32 v18, v12;
	v18 =	vld [tilespmem:$0x1F810]  }
0x198: {  	v7 =	vadd.f32 v57, v54;
	v54 =	vld [tilespmem:$0x1F7F0]  }
0x199: {  	[tilespmem:$0x1FE10] =	vst v43;
	v43 =	vmul.f32 v42, v15;
	v45 =	vmul.f32 v44, v15;
	v15 =	vld [tilespmem:$0x1F800]  }
0x19a: {  	v47 =	vld [tilespmem:$0x1F7E0]  }
0x19b: {  	[tilespmem:$0x1FB00] =	vst v63;
	v63 =	vld [tilespmem:s3+$0x5B70];
	v41 =	vmul.f32 v36, v13  }
0x19c: {  	v3 =	vbroadcast v19, $0x6;
	v12 =	vbroadcast v20, $0x6;
	[tilespmem:$0x1FE30] =	vst v17;
	v17 =	vld [tilespmem:$0x1F830]  }
0x19d: {  	[tilespmem:$0x1FB70] =	vst v16;
	v2 =	vadd.f32 v41, v33;
	v55 =	vmul.f32 v54, v14;
	v54 =	vld [tilespmem:$0x1F820]  }
0x19e: {  	[tilespmem:$0x1FB50] =	vst v51;
	v51 =	vld [tilespmem:s3+$0x790];
	v33 =	vmul.f32 v18, v12;
	v16 =	vmul.f32 v15, v3  }
0x19f: {  	v7 =	vadd.f32 v43, v7;
	v43 =	vld [tilespmem:$0x1F850];
	v53 =	vmul.f32 v47, v14;
	v2 =	vadd.f32 v45, v2  }
0x1a0: {  	v11 =	vadd.f32 v33, v16;
	v33 =	vld [tilespmem:$0x1F840]  }
0x1a1: {  	[tilespmem:$0x1FE20] =	vst v52;
	v52 =	vld [tilespmem:s3+$0x5B90];
	v47 =	vadd.f32 v53, v7;
	v7 =	vbroadcast v22, $0x6;
	v53 =	vadd.f32 v55, v2  }
0x1a2: {  	v18 =	vmul.f32 v17, v12;
	v55 =	vmul.f32 v54, v3;
	v54 =	vld [tilespmem:$0x1F870]  }
0x1a3: {  	[tilespmem:$0x1FE50] =	vst v53;
	v53 =	vld [tilespmem:$0x1F860]  }
0x1a4: {  	v14 =	vld [tilespmem:s3+$0x8590];
	[tilespmem:$0x1FE40] =	vst v47;
	v47 =	vmul.f32 v43, v7;
	v2 =	vadd.f32 v18, v55  }
0x1a5: {  	v10 =	vbroadcast v21, $0x6;
	v57 =	vld [tilespmem:s3+$0x3190];
	v41 =	vmul.f32 v33, v7  }
0x1a6: {  	v23 =	vmul.f32 v23, v12;
	v2 =	vadd.f32 v47, v2;
	v47 =	vld [tilespmem:s3+$0x5BB0]  }
0x1a7: {  	v15 =	vmul.f32 v59, v10;
	v59 =	vmul.f32 v54, v3;
	v11 =	vadd.f32 v41, v11;
	v41 =	vld [tilespmem:$0x1F880]  }
0x1a8: {  	v13 =	vld [tilespmem:$0x1F890];
	v9 =	vmul.f32 v9, v7;
	v16 =	vmul.f32 v53, v10  }
0x1a9: {  	v36 =	vld [tilespmem:s3+$0x7A0];
	[tilespmem:$0x1FB80] =	vst v14;
	v14 =	vbroadcast v20, $0x7;
	v18 =	vmul.f32 v28, v12;
	v59 =	vadd.f32 v23, v59  }
0x1aa: {  	v42 =	vld [tilespmem:s3+$0x5BA0];
	v33 =	vmul.f32 v27, v3;
	v27 =	vmul.f32 v26, v7;
	v17 =	vadd.f32 v16, v2  }
0x1ab: {  	v44 =	vld [tilespmem:s3+$0x31A0];
	[tilespmem:$0x1FBD0] =	vst v47;
	v47 =	vmul.f32 v8, v10;
	v53 =	vadd.f32 v15, v11;
	v11 =	vadd.f32 v9, v59  }
0x1ac: {  	v28 =	vld [tilespmem:$0x1F8D0];
	v59 =	vmul.f32 v30, v3;
	v43 =	vmul.f32 v41, v12  }
0x1ad: {  	[tilespmem:$0x1FE70] =	vst v17;
	v3 =	vmul.f32 v13, v3;
	v9 =	vmul.f32 v40, v14;
	v40 =	vld [tilespmem:$0x1F8B0];
	v17 =	vadd.f32 v47, v11  }
0x1ae: {  	v11 =	vadd.f32 v18, v59;
	v18 =	vld [tilespmem:$0x1F8A0];
	v12 =	vmul.f32 v35, v12;
	v23 =	vadd.f32 v43, v33  }
0x1af: {  	v26 =	vmul.f32 v29, v7;
	v7 =	vmul.f32 v39, v7;
	[tilespmem:$0x1FE80] =	vst v17;
	v17 =	vld [tilespmem:s3+$0x85D0]  }
0x1b0: {  	v3 =	vadd.f32 v12, v3;
	v12 =	vbroadcast v21, $0x7;
	v2 =	vadd.f32 v27, v23;
	v23 =	vld [tilespmem:s3+$0x85C0]  }
0x1b1: {  	v16 =	vmul.f32 v24, v10;
	v27 =	vmul.f32 v25, v10;
	v25 =	vld [tilespmem:$0x1F8C0]  }
0x1b2: {  	v13 =	vbroadcast v19, $0x7;
	v3 =	vadd.f32 v7, v3;
	v7 =	vmul.f32 v37, v12;
	v37 =	vld [tilespmem:$0x1F8F0]  }
0x1b3: {  	v29 =	vmul.f32 v28, v14;
	v8 =	vld [tilespmem:$0x1F900];
	v24 =	vadd.f32 v16, v2;
	v2 =	vadd.f32 v26, v11  }
0x1b4: {  	v30 =	vld [tilespmem:$0x1F8E0];
	v34 =	vmul.f32 v34, v13;
	[tilespmem:$0x1FC60] =	vst v17;
	v17 =	vbroadcast v22, $0x7  }
0x1b5: {  	v59 =	vmul.f32 v40, v14;
	v10 =	vmul.f32 v31, v10;
	[tilespmem:$0x1FE90] =	vst v24;
	v39 =	vadd.f32 v27, v2;
	v24 =	vld [tilespmem:s3+$0x85E0]  }
0x1b6: {  	v45 =	vld [tilespmem:s3+$0x85A0];
	v16 =	vadd.f32 v9, v34;
	[tilespmem:$0x1FC30] =	vst v23;
	v23 =	vmul.f32 v18, v13;
	v18 =	vmul.f32 v32, v17  }
0x1b7: {  	v10 =	vadd.f32 v10, v3;
	v27 =	vmul.f32 v25, v13;
	[tilespmem:$0x1FEA0] =	vst v39;
	v39 =	vmul.f32 v37, v14;
	v37 =	vld [tilespmem:$0x1F920]  }
0x1b8: {  	v15 =	vld [tilespmem:s3+$0x85B0];
	v2 =	vadd.f32 v59, v23;
	v23 =	vmul.f32 v49, v17;
	v3 =	vadd.f32 v18, v16  }
0x1b9: {  	v55 =	vld [tilespmem:s3+$0x7B0];
	v40 =	vmul.f32 v38, v12;
	[tilespmem:$0x1FEB0] =	vst v10;
	v32 =	vmul.f32 v30, v13;
	v10 =	vadd.f32 v29, v27  }
0x1ba: {  	v9 =	vmul.f32 v8, v17;
	v27 =	vld [tilespmem:$0x1F910];
	[tilespmem:$0x1FC80] =	vst v24;
	v2 =	vadd.f32 v23, v2;
	v24 =	vadd.f32 v7, v3  }
0x1bb: {  	v11 =	vld [tilespmem:$0x1F940];
	v25 =	vadd.f32 v39, v32  }
0x1bc: {  	v32 =	vadd.f32 v9, v10;
	[tilespmem:$0x1FEC0] =	vst v24;
	v30 =	vadd.f32 v40, v2;
	v38 =	vmul.f32 v37, v12;
	v24 =	vld [tilespmem:$0x1F960]  }
0x1bd: {  	[tilespmem:$0x1FBF0] =	vst v15;
	v18 =	vld [tilespmem:$0x1F950]  }
0x1be: {  	[tilespmem:$0x1FED0] =	vst v30;
	v15 =	vadd.f32 v38, v32;
	v30 =	vld [tilespmem:$0x1F970]  }
0x1bf: {  	v39 =	vld [tilespmem:$0x1F930];
	v28 =	vmul.f32 v27, v17  }
0x1c0: {  	[tilespmem:$0x1FEE0] =	vst v15;
	v15 =	vld [tilespmem:$0x1F980]  }
0x1c1: {  	v3 =	vadd.f32 v28, v25;
	v25 =	vmul.f32 v24, v14;
	v24 =	vld [tilespmem:$0x1F990]  }
0x1c2: {  	v54 =	vld [tilespmem:s3+$0x31B0]  }
0x1c3: {  	v32 =	vmul.f32 v30, v14;
	v30 =	vld [tilespmem:$0x1F9B0]  }
0x1c4: {  	v11 =	vmul.f32 v11, v13;
	v2 =	vmul.f32 v18, v13;
	v27 =	vld [tilespmem:$0x1F9A0]  }
0x1c5: {  	v40 =	vmul.f32 v39, v12;
	v18 =	vmul.f32 v15, v17;
	v15 =	vld [tilespmem:$0x1F9C0]  }
0x1c6: {  	[tilespmem:$0x1FE60] =	vst v53;
	v53 =	vld [tilespmem:s3+$0x5BC0];
	v10 =	vadd.f32 v25, v11;
	v2 =	vadd.f32 v32, v2;
	v25 =	vmul.f32 v24, v17  }
0x1c7: {  	v1 =	vbroadcast v20, $0x8;
	v47 =	vld [tilespmem:s3+$0x5BD0];
	v28 =	vadd.f32 v40, v3  }
0x1c8: {  	v41 =	vld [tilespmem:s3+$0x31C0];
	v13 =	vbroadcast v19, $0x8;
	v32 =	vmul.f32 v30, v12;
	v2 =	vadd.f32 v25, v2  }
0x1c9: {  	[tilespmem:$0x1FEF0] =	vst v28;
	v28 =	vmul.f32 v27, v12;
	v27 =	vld [tilespmem:$0x1F9E0];
	v7 =	vadd.f32 v18, v10  }
0x1ca: {  	v18 =	vmul.f32 v4, v1;
	v25 =	vld [tilespmem:$0x1F9D0];
	v17 =	vmul.f32 v15, v13;
	v2 =	vadd.f32 v32, v2  }
0x1cb: {  	v30 =	vld [tilespmem:$0x1F9F0]  }
0x1cc: {  	[tilespmem:$0x1FF10] =	vst v2;
	v2 =	vadd.f32 v18, v17;
	v18 =	vld [tilespmem:$0x1FA10]  }
0x1cd: {  	v35 =	vld [tilespmem:s3+$0x31D0]  }
0x1ce: {  	v0 =	vbroadcast v22, $0x8;
	v14 =	vld [tilespmem:$0x1FA00];
	v3 =	vadd.f32 v28, v7  }
0x1cf: {  	v33 =	vld [tilespmem:s3+$0x7C0];
	v28 =	vmul.f32 v27, v1  }
0x1d0: {  	v43 =	vld [tilespmem:s3+$0x7D0];
	[tilespmem:$0x1FF00] =	vst v3;
	v3 =	vmul.f32 v25, v13;
	v32 =	vmul.f32 v30, v0  }
0x1d1: {  	v31 =	vld [tilespmem:s3+$0x7E0];
	v30 =	vmul.f32 v5, v1;
	v25 =	vmul.f32 v18, v13  }
0x1d2: {  	v26 =	vld [tilespmem:s3+$0x31E0]  }
0x1d3: {  	v17 =	vmul.f32 v14, v0;
	v3 =	vadd.f32 v28, v3;
	v10 =	vadd.f32 v30, v25;
	v30 =	vld [tilespmem:$0x1FA30]  }
0x1d4: {  	v8 =	vadd.f32 v32, v2;
	v32 =	vld [tilespmem:s3+$0x8620]  }
0x1d5: {  	v5 =	vadd.f32 v17, v3;
	v17 =	vld [tilespmem:$0x1FA60]  }
0x1d6: {  	v25 =	vld [tilespmem:$0x1FA20]  }
0x1d7: {  	v34 =	vld [tilespmem:s3+$0x5BE0]  }
0x1d8: {  	v49 =	vld [tilespmem:s3+$0x7F0];
	v7 =	vbroadcast v21, $0x8;
	v2 =	vmul.f32 v30, v0  }
0x1d9: {  	v59 =	vld [tilespmem:s3+$0x31F0]  }
0x1da: {  	v9 =	vld [tilespmem:$0x1FA50];
	v18 =	vmul.f32 v17, v7;
	v14 =	vadd.f32 v2, v10  }
0x1db: {  	[tilespmem:$0x1FD90] =	vst v32;
	v32 =	vld [tilespmem:$0x1FA40];
	v27 =	vmul.f32 v25, v7  }
0x1dc: {  	v14 =	vadd.f32 v18, v14;
	v18 =	vld [tilespmem:$0x1FA90]  }
0x1dd: {  	v6 =	vmul.f32 v6, v13;
	v4 =	vmul.f32 v48, v1;
	v8 =	vadd.f32 v27, v8;
	v27 =	vld [tilespmem:$0x1FA70]  }
0x1de: {  	v29 =	vld [tilespmem:s3+$0x85F0]  }
0x1df: {  	v6 =	vadd.f32 v4, v6;
	v4 =	vmul.f32 v9, v0;
	v9 =	vld [tilespmem:$0x1FAD0]  }
0x1e0: {  	v17 =	vld [tilespmem:$0x1FA80];
	v3 =	vmul.f32 v32, v7  }
0x1e1: {  	[tilespmem:$0x1FF20] =	vst v8;
	v8 =	vmul.f32 v18, v1;
	v18 =	vld [tilespmem:$0x1FAA0]  }
0x1e2: {  	v25 =	vadd.f32 v3, v5;
	v3 =	vadd.f32 v4, v6;
	[tilespmem:$0x1FF40] =	vst v14;
	v14 =	vld [tilespmem:$0x1FAB0];
	v32 =	vmul.f32 v27, v7  }
0x1e3: {  	v6 =	vld [tilespmem:$0x1FAC0]  }
0x1e4: {  	v10 =	vld [tilespmem:$0x1FAE0];
	v27 =	vadd.f32 v32, v3;
	v32 =	vmul.f32 v61, v13;
	v1 =	vmul.f32 v50, v1  }
0x1e5: {  	v16 =	vld [tilespmem:s3+$0x800];
	v5 =	vmul.f32 v17, v13;
	v4 =	vbroadcast v19, $0x9  }
0x1e6: {  	v23 =	vld [tilespmem:s3+$0x5BF0];
	v50 =	vmul.f32 v60, v0;
	[tilespmem:$0x1FF50] =	vst v27;
	v1 =	vadd.f32 v1, v32;
	v27 =	vmul.f32 v18, v0  }
0x1e7: {  	v37 =	vld [tilespmem:s3+$0x3210];
	v5 =	vadd.f32 v8, v5;
	v0 =	vbroadcast v20, $0x9;
	v18 =	vmul.f32 v14, v7  }
0x1e8: {  	v1 =	vadd.f32 v50, v1;
	v7 =	vmul.f32 v6, v7;
	v6 =	vmul.f32 v9, v4;
	v9 =	vld [tilespmem:$0x1FB00]  }
0x1e9: {  	v14 =	vmul.f32 v10, v0;
	v10 =	vld [tilespmem:$0x1FB10]  }
0x1ea: {  	v5 =	vadd.f32 v27, v5;
	v1 =	vadd.f32 v7, v1;
	v7 =	vld [tilespmem:$0x1FAF0]  }
0x1eb: {  	v6 =	vadd.f32 v14, v6;
	v14 =	vld [tilespmem:$0x1FB20]  }
0x1ec: {  	[tilespmem:$0x1FCE0] =	vst v29;
	v29 =	vld [tilespmem:s3+$0x5C00];
	v8 =	vbroadcast v22, $0x9;
	v5 =	vadd.f32 v18, v5  }
0x1ed: {  	v39 =	vld [tilespmem:s3+$0x8600];
	[tilespmem:$0x1FCB0] =	vst v23  }
0x1ee: {  	v38 =	vld [tilespmem:s3+$0x810];
	[tilespmem:$0x1FF60] =	vst v5;
	v5 =	vbroadcast v21, $0x9;
	v3 =	vmul.f32 v10, v8  }
0x1ef: {  	v23 =	vld [tilespmem:s3+$0x3200];
	[tilespmem:$0x1FF70] =	vst v1;
	v1 =	vmul.f32 v9, v0  }
0x1f0: {  	v9 =	vld [tilespmem:$0x1FB30];
	v2 =	vmul.f32 v7, v4;
	v7 =	vmul.f32 v14, v5;
	v3 =	vadd.f32 v3, v6  }
0x1f1: {  	v40 =	vld [tilespmem:s3+$0x5C10]  }
0x1f2: {  	v14 =	vld [tilespmem:$0x1FB40];
	v6 =	vmul.f32 v62, v4;
	v62 =	vmul.f32 v58, v0;
	v3 =	vadd.f32 v7, v3  }
0x1f3: {  	v24 =	vld [tilespmem:s3+$0x8610]  }
0x1f4: {  	[tilespmem:$0x1FF80] =	vst v3;
	v3 =	vadd.f32 v62, v6;
	v62 =	vld [tilespmem:$0x1FB50]  }
0x1f5: {  	v11 =	vld [tilespmem:s3+$0x3230];
	v2 =	vadd.f32 v1, v2;
	v1 =	vmul.f32 v9, v8  }
0x1f6: {  	v48 =	vld [tilespmem:s3+$0x8630];
	v56 =	vmul.f32 v56, v4  }
0x1f7: {  	v12 =	vld [tilespmem:s3+$0x830];
	v46 =	vmul.f32 v46, v0;
	v2 =	vadd.f32 v1, v2;
	v9 =	vmul.f32 v14, v5  }
0x1f8: {  	v15 =	vld [tilespmem:s3+$0x3220]  }
0x1f9: {  	[tilespmem:$0x1FD70] =	vst v24;
	v24 =	vld [tilespmem:s3+$0x820];
	v56 =	vadd.f32 v46, v56;
	v2 =	vadd.f32 v9, v2;
	v7 =	vmul.f32 v62, v8  }
0x1fa: {  	v9 =	vld [tilespmem:$0x1FB60]  }
0x1fb: {  	[tilespmem:$0x1FF90] =	vst v2;
	v2 =	vadd.f32 v7, v56;
	v56 =	vld [tilespmem:$0x1FB70]  }
0x1fc: {  	v28 =	vld [tilespmem:s3+$0x5C20]  }
0x1fd: {  	v30 =	vld [tilespmem:s3+$0x5C30];
	v6 =	vmul.f32 v63, v8  }
0x1fe: {  	v17 =	vld [tilespmem:s3+$0x3240]  }
0x1ff: {  	[tilespmem:$0x1FF30] =	vst v25;
	v25 =	vld [tilespmem:s3+$0x840];
	v3 =	vadd.f32 v6, v3;
	v6 =	vmul.f32 v9, v5  }
0x200: {  	v13 =	vld [tilespmem:s3+$0x5C40];
	v7 =	vmul.f32 v56, v5  }
0x201: {  	v62 =	vmul.f32 v42, v8;
	v42 =	vld [tilespmem:$0x1FB80];
	v3 =	vadd.f32 v6, v3  }
0x202: {  	v61 =	vld [tilespmem:s3+$0x8640];
	v57 =	vmul.f32 v57, v0;
	v9 =	vmul.f32 v51, v4;
	v2 =	vadd.f32 v7, v2  }
0x203: {  	v60 =	vld [tilespmem:s3+$0x5C50];
	v0 =	vmul.f32 v44, v0;
	[tilespmem:$0x1FFA0] =	vst v3  }
0x204: {  	v32 =	vld [tilespmem:s3+$0x850];
	v4 =	vmul.f32 v36, v4;
	v3 =	vadd.f32 v57, v9;
	[tilespmem:$0x1FFB0] =	vst v2;
	v2 =	vmul.f32 v52, v8  }
0x205: {  	v50 =	vld [tilespmem:s3+$0x8650]  }
0x206: {  	v27 =	vld [tilespmem:s3+$0x3250];
	v0 =	vadd.f32 v0, v4;
	v4 =	vmul.f32 v42, v5;
	v2 =	vadd.f32 v2, v3  }
0x207: {  	v18 =	vld [tilespmem:s3+$0x860]  }
0x208: {  	v46 =	vld [tilespmem:s3+$0x5C70];
	v9 =	vbroadcast v20, $0xA;
	v2 =	vadd.f32 v4, v2  }
0x209: {  	v10 =	vld [tilespmem:s3+$0x3260];
	v7 =	vbroadcast v19, $0xA  }
0x20a: {  	[tilespmem:$0x1FFC0] =	vst v2;
	v2 =	vmul.f32 v41, v9;
	v41 =	vld [tilespmem:$0x1FBF0]  }
0x20b: {  	v3 =	vmul.f32 v55, v7;
	v55 =	vld [tilespmem:$0x1FBB0]  }
0x20c: {  	v58 =	vld [tilespmem:s3+$0x8660]  }
0x20d: {  	v44 =	vld [tilespmem:$0x1FB90];
	v5 =	vmul.f32 v45, v5;
	v0 =	vadd.f32 v62, v0;
	v4 =	vbroadcast v21, $0xA  }
0x20e: {  	v1 =	vld [tilespmem:s3+$0x870]  }
0x20f: {  	v0 =	vadd.f32 v5, v0;
	v5 =	vmul.f32 v41, v4;
	v41 =	vld [tilespmem:$0x1FC10]  }
0x210: {  	v8 =	vmul.f32 v54, v9;
	[tilespmem:s3+$0xAC10] =	vst v55;
	v55 =	vld [tilespmem:$0x1FBD0]  }
0x211: {  	v63 =	vld [tilespmem:s3+$0x3270]  }
0x212: {  	[tilespmem:$0x1FFD0] =	vst v0;
	v0 =	vadd.f32 v8, v3;
	v8 =	vld [tilespmem:$0x1FBE0]  }
0x213: {  	v14 =	vld [tilespmem:s3+$0x5C60];
	v62 =	vbroadcast v22, $0xA  }
0x214: {  	v6 =	vmul.f32 v33, v7;
	[tilespmem:s3+$0xAC50] =	vst v41;
	v41 =	vld [tilespmem:$0x1FC30]  }
0x215: {  	[tilespmem:s3+$0xABF0] =	vst v44;
	v44 =	vld [tilespmem:s3+$0x3290];
	v3 =	vmul.f32 v55, v62  }
0x216: {  	v51 =	vld [tilespmem:s3+$0x8670];
	v2 =	vadd.f32 v2, v6;
	v6 =	vmul.f32 v53, v62  }
0x217: {  	v36 =	vld [tilespmem:s3+$0x3280];
	[tilespmem:s3+$0xAC30] =	vst v8;
	v8 =	vmul.f32 v35, v9;
	v0 =	vadd.f32 v3, v0;
	v3 =	vmul.f32 v43, v7  }
0x218: {  	v42 =	vld [tilespmem:s3+$0x5C90]  }
0x219: {  	v56 =	vld [tilespmem:s3+$0x880];
	v2 =	vadd.f32 v6, v2;
	v3 =	vadd.f32 v8, v3;
	v8 =	vmul.f32 v41, v4  }
0x21a: {  	v57 =	vld [tilespmem:s3+$0x8680]  }
0x21b: {  	v54 =	vld [tilespmem:$0x1FBA0];
	v6 =	vmul.f32 v31, v7;
	v31 =	vmul.f32 v47, v62;
	v2 =	vadd.f32 v8, v2  }
0x21c: {  	v45 =	vld [tilespmem:s3+$0x890]  }
0x21d: {  	[tilespmem:$0x1FFF0] =	vst v2;
	v2 =	vadd.f32 v31, v3;
	v31 =	vld [tilespmem:$0x1FC60]  }
0x21e: {  	v52 =	vld [tilespmem:s3+$0x5C80]  }
0x21f: {  	v33 =	vld [tilespmem:s3+$0x8690]  }
0x220: {  	v26 =	vmul.f32 v26, v9;
	[tilespmem:s3+$0xAC00] =	vst v54;
	v54 =	vld [tilespmem:$0x1FBC0];
	v0 =	vadd.f32 v5, v0  }
0x221: {  	v53 =	vld [tilespmem:$0x1FC00]  }
0x222: {  	[tilespmem:$0x1FFE0] =	vst v0;
	v0 =	vadd.f32 v26, v6;
	v26 =	vld [tilespmem:$0x1FC50];
	v3 =	vmul.f32 v31, v4  }
0x223: {  	v6 =	vmul.f32 v49, v7;
	v49 =	vld [tilespmem:$0x1FCB0]  }
0x224: {  	v8 =	vadd.f32 v3, v2;
	v3 =	vmul.f32 v59, v9;
	v59 =	vld [tilespmem:$0x1FCC0]  }
0x225: {  	v35 =	vld [tilespmem:s3+$0x86A0]  }
0x226: {  	[tilespmem:s3+$0xAC20] =	vst v54;
	v54 =	vld [tilespmem:s3+$0x32A0]  }
0x227: {  	v47 =	vld [tilespmem:$0x1FC40]  }
0x228: {  	v5 =	vmul.f32 v34, v62;
	[tilespmem:s3+$0xAC80] =	vst v26;
	v26 =	vld [tilespmem:$0x1FC80];
	v2 =	vmul.f32 v16, v7  }
0x229: {  	v34 =	vld [tilespmem:$0x1FC70];
	v7 =	vmul.f32 v49, v62;
	v3 =	vadd.f32 v3, v6;
	[tilespmem:s3+$0xACC0] =	vst v59;
	v59 =	vbroadcast v19, $0xB  }
0x22a: {  	v55 =	vld [tilespmem:s3+$0x8A0]  }
0x22b: {  	v3 =	vadd.f32 v7, v3;
	v7 =	vmul.f32 v39, v4;
	v39 =	vmul.f32 v38, v59;
	v38 =	vld [tilespmem:$0x1FD10]  }
0x22c: {  	[tilespmem:s3+$0xAC40] =	vst v53;
	v53 =	vld [tilespmem:$0x1FC20]  }
0x22d: {  	v43 =	vld [tilespmem:s3+$0x5CA0];
	v0 =	vadd.f32 v5, v0;
	v5 =	vmul.f32 v26, v4  }
0x22e: {  	[tilespmem:s3+$0xAC90] =	vst v34;
	v34 =	vld [tilespmem:$0x1FCA0]  }
0x22f: {  	[tilespmem:s3+$0xAC70] =	vst v47;
	v47 =	vld [tilespmem:s3+$0x5CB0];
	v5 =	vadd.f32 v5, v0;
	v0 =	vmul.f32 v23, v9  }
0x230: {  	[tilespmem:s3+$0xAD00] =	vst v38;
	v38 =	vld [tilespmem:$0x1FD20]  }
0x231: {  	[tilespmem:s3+$0xAC60] =	vst v53;
	v53 =	vld [tilespmem:s3+$0x8B0];
	v6 =	vmul.f32 v29, v62;
	v0 =	vadd.f32 v0, v2;
	v62 =	vbroadcast v20, $0xB  }
0x232: {  	v41 =	vld [tilespmem:s3+$0x32B0]  }
0x233: {  	[tilespmem:s3+$0xACB0] =	vst v34;
	v34 =	vld [tilespmem:s3+$0x5CC0];
	v0 =	vadd.f32 v6, v0;
	v6 =	vmul.f32 v37, v62;
	v37 =	vbroadcast v22, $0xB  }
0x234: {  	v26 =	vld [tilespmem:s3+$0x86B0]  }
0x235: {  	[tilespmem:s3+$0xAD10] =	vst v38;
	v38 =	vadd.f32 v7, v0;
	v0 =	vadd.f32 v6, v39;
	v6 =	vmul.f32 v40, v37;
	v40 =	vld [tilespmem:$0x1FD30]  }
0x236: {  	v31 =	vld [tilespmem:$0x1FC90]  }
0x237: {  	v23 =	vld [tilespmem:$0x1FCD0]  }
0x238: {  	v29 =	vld [tilespmem:$0x1FCE0]  }
0x239: {  	v49 =	vld [tilespmem:$0x1FCF0]  }
0x23a: {  	[tilespmem:s3+$0xAD20] =	vst v40;
	v40 =	vld [tilespmem:$0x1FD50]  }
0x23b: {  	v16 =	vld [tilespmem:s3+$0x8C0]  }
0x23c: {  	v9 =	vld [tilespmem:s3+$0x8D0]  }
0x23d: {  	[tilespmem:s3+$0xACA0] =	vst v31;
	v2 =	vmul.f32 v29, v4;
	v39 =	vld [tilespmem:$0x1FD40]  }
0x23e: {  	v31 =	vld [tilespmem:s3+$0x32C0];
	[tilespmem:s3+$0xACE0] =	vst v49  }
0x23f: {  	v49 =	vmul.f32 v15, v62;
	v4 =	vadd.f32 v2, v3;
	v2 =	vmul.f32 v24, v59;
	[tilespmem:s3+$0xAD40] =	vst v40;
	v40 =	vld [tilespmem:$0x1FD70]  }
0x240: {  	[tilespmem:s3+$0xACD0] =	vst v23;
	v23 =	vld [tilespmem:$0x1FD00]  }
0x241: {  	v15 =	vld [tilespmem:s3+$0x5CD0];
	v2 =	vadd.f32 v49, v2;
	v49 =	vmul.f32 v28, v37;
	v7 =	vmul.f32 v12, v59  }
0x242: {  	v29 =	vld [tilespmem:s3+$0x86C0];
	v0 =	vadd.f32 v6, v0;
	v6 =	vmul.f32 v11, v62;
	[tilespmem:s3+$0xAD30] =	vst v39;
	v39 =	vbroadcast v21, $0xB  }
0x243: {  	v2 =	vadd.f32 v49, v2;
	v49 =	vld [tilespmem:$0x1FD60]  }
0x244: {  	v6 =	vadd.f32 v6, v7;
	v7 =	vmul.f32 v40, v39;
	v40 =	vmul.f32 v30, v37;
	v30 =	vld [tilespmem:$0x1FD90]  }
0x245: {  	[tilespmem:s3+$0xACF0] =	vst v23;
	v23 =	vld [tilespmem:s3+$0x32D0]  }
0x246: {  	v24 =	vld [tilespmem:s3+$0x86D0]  }
0x247: {  	v3 =	vmul.f32 v25, v59;
	v25 =	vmul.f32 v17, v62;
	v17 =	vld [tilespmem:s3+$0x86E0]  }
0x248: {  	[tilespmem:s3+$0xAD50] =	vst v49;
	v49 =	vld [tilespmem:$0x1FD80]  }
0x249: {  	v3 =	vadd.f32 v25, v3;
	v25 =	vmul.f32 v30, v39;
	v30 =	vld [tilespmem:$0x1FDA0]  }
0x24a: {  	v28 =	vld [tilespmem:s3+$0x5CE0]  }
0x24b: {  	v12 =	vld [tilespmem:s3+$0x8E0]  }
0x24c: {  	v11 =	vld [tilespmem:s3+$0x32E0]  }
0x24d: {  	v13 =	vmul.f32 v13, v37;
	[tilespmem:s3+$0xAD60] =	vst v49;
	v49 =	vld [tilespmem:s3+$0x8F0]  }
0x24e: {  	[tilespmem:s3+$0xAD70] =	vst v30;
	v30 =	vadd.f32 v7, v0;
	v0 =	vadd.f32 v40, v6;
	v7 =	vmul.f32 v48, v39;
	v48 =	vld [tilespmem:$0x1FDB0]  }
0x24f: {  	v6 =	vadd.f32 v25, v2;
	v2 =	vadd.f32 v13, v3;
	v3 =	vmul.f32 v61, v39;
	v61 =	vld [tilespmem:$0x1FDC0]  }
0x250: {  	[tilespmem:s3+$0xB000] =	vst v38;
	v38 =	vld [tilespmem:s3+$0x8790]  }
0x251: {  	v40 =	vld [tilespmem:s3+$0x32F0]  }
0x252: {  	v25 =	vld [tilespmem:s3+$0x5CF0]  }
0x253: {  	v13 =	vld [tilespmem:s3+$0x86F0];
	[tilespmem:s3+$0xAD80] =	vst v48  }
0x254: {  	[tilespmem:s3+$0xAD90] =	vst v61;
	v61 =	vadd.f32 v7, v0;
	v0 =	vmul.f32 v32, v59;
	v48 =	vld [tilespmem:$0x1FDD0]  }
0x255: {  	v7 =	vmul.f32 v27, v62;
	v32 =	vmul.f32 v10, v62;
	v27 =	vld [tilespmem:s3+$0x900]  }
0x256: {  	v62 =	vmul.f32 v60, v37;
	v10 =	vmul.f32 v14, v37;
	v37 =	vld [tilespmem:$0x1FDF0]  }
0x257: {  	v14 =	vld [tilespmem:s3+$0x3300];
	v0 =	vadd.f32 v7, v0  }
0x258: {  	v7 =	vld [tilespmem:$0x1FE30]  }
0x259: {  	v0 =	vadd.f32 v62, v0;
	v62 =	vld [tilespmem:$0x1FE10]  }
0x25a: {  	v60 =	vmul.f32 v50, v39;
	[tilespmem:s3+$0xADA0] =	vst v48;
	v48 =	vadd.f32 v3, v2;
	v2 =	vmul.f32 v18, v59;
	v59 =	vld [tilespmem:$0x1FDE0]  }
0x25b: {  	[tilespmem:s3+$0xADC0] =	vst v37;
	v18 =	vbroadcast v20, $0xC;
	v37 =	vmul.f32 v58, v39;
	v39 =	vld [tilespmem:s3+$0x8700]  }
0x25c: {  	v58 =	vld [tilespmem:s3+$0x910]  }
0x25d: {  	v2 =	vadd.f32 v32, v2;
	v50 =	vmul.f32 v63, v18;
	v63 =	vld [tilespmem:$0x1FE20]  }
0x25e: {  	v3 =	vbroadcast v19, $0xC;
	v32 =	vld [tilespmem:s3+$0x5D00]  }
0x25f: {  	v2 =	vadd.f32 v10, v2;
	[tilespmem:s3+$0xADB0] =	vst v59;
	v59 =	vld [tilespmem:$0x1FE00]  }
0x260: {  	v10 =	vmul.f32 v1, v3;
	v1 =	vadd.f32 v60, v0;
	v0 =	vmul.f32 v56, v3;
	v56 =	vld [tilespmem:$0x1FE50]  }
0x261: {  	[tilespmem:s3+$0xADE0] =	vst v62;
	v62 =	vld [tilespmem:s3+$0x3310]  }
0x262: {  	[tilespmem:s3+$0xADF0] =	vst v63;
	v63 =	vld [tilespmem:$0x1FE40]  }
0x263: {  	[tilespmem:s3+$0xAE00] =	vst v7;
	v7 =	vadd.f32 v37, v2;
	v2 =	vmul.f32 v36, v18;
	v36 =	vld [tilespmem:s3+$0x5D10]  }
0x264: {  	v10 =	vadd.f32 v50, v10;
	v50 =	vld [tilespmem:s3+$0x8710];
	[tilespmem:s3+$0xADD0] =	vst v59;
	v59 =	vbroadcast v22, $0xC  }
0x265: {  	v60 =	vbroadcast v21, $0xC;
	[tilespmem:s3+$0xAE20] =	vst v56;
	v56 =	vld [tilespmem:s3+$0x5D20]  }
0x266: {  	v0 =	vadd.f32 v2, v0;
	v37 =	vmul.f32 v46, v59;
	v2 =	vmul.f32 v52, v59;
	v52 =	vld [tilespmem:s3+$0x920]  }
0x267: {  	v44 =	vmul.f32 v44, v18;
	[tilespmem:s3+$0xAE10] =	vst v63;
	v46 =	vmul.f32 v51, v60;
	v63 =	vld [tilespmem:$0x1FE60]  }
0x268: {  	v51 =	vmul.f32 v57, v60;
	v57 =	vld [tilespmem:$0x1FE80];
	v10 =	vadd.f32 v37, v10;
	v37 =	vmul.f32 v45, v3  }
0x269: {  	v45 =	vld [tilespmem:s3+$0x3320];
	v2 =	vadd.f32 v2, v0  }
0x26a: {  	v0 =	vadd.f32 v46, v10;
	v10 =	vadd.f32 v44, v37;
	v37 =	vmul.f32 v42, v59;
	v42 =	vld [tilespmem:s3+$0x8720]  }
0x26b: {  	v55 =	vmul.f32 v55, v3;
	v54 =	vmul.f32 v54, v18;
	v46 =	vld [tilespmem:s3+$0x930]  }
0x26c: {  	v2 =	vadd.f32 v51, v2;
	v51 =	vld [tilespmem:s3+$0x3330]  }
0x26d: {  	v44 =	vadd.f32 v54, v55;
	v54 =	vmul.f32 v41, v18;
	v18 =	vmul.f32 v31, v18;
	v31 =	vld [tilespmem:s3+$0x8730]  }
0x26e: {  	v55 =	vld [tilespmem:$0x1FED0]  }
0x26f: {  	v41 =	vld [tilespmem:s3+$0x940]  }
0x270: {  	v43 =	vmul.f32 v43, v59;
	[tilespmem:s3+$0xAE30] =	vst v63;
	v63 =	vld [tilespmem:$0x1FE70]  }
0x271: {  	v33 =	vmul.f32 v33, v60;
	[tilespmem:s3+$0xAE50] =	vst v57;
	v57 =	vld [tilespmem:$0x1FEA0]  }
0x272: {  	v35 =	vmul.f32 v35, v60;
	v10 =	vadd.f32 v37, v10;
	v43 =	vadd.f32 v43, v44;
	v44 =	vld [tilespmem:s3+$0x5D30]  }
0x273: {  	v16 =	vmul.f32 v16, v3;
	v37 =	vmul.f32 v53, v3;
	v53 =	vld [tilespmem:$0x1FEC0]  }
0x274: {  	v3 =	vadd.f32 v33, v10;
	v10 =	vadd.f32 v35, v43;
	v35 =	vmul.f32 v47, v59;
	v47 =	vld [tilespmem:s3+$0x3340]  }
0x275: {  	v34 =	vmul.f32 v34, v59;
	v59 =	vld [tilespmem:$0x1FEF0]  }
0x276: {  	[tilespmem:s3+$0xAE40] =	vst v63;
	v63 =	vld [tilespmem:$0x1FE90]  }
0x277: {  	v33 =	vadd.f32 v54, v37;
	v54 =	vld [tilespmem:s3+$0x950]  }
0x278: {  	[tilespmem:s3+$0xAE70] =	vst v57;
	v57 =	vld [tilespmem:$0x1FEE0]  }
0x279: {  	[tilespmem:s3+$0xAEA0] =	vst v55;
	v55 =	vld [tilespmem:s3+$0x3350]  }
0x27a: {  	v37 =	vbroadcast v19, $0xD;
	v43 =	vbroadcast v20, $0xD;
	[tilespmem:s3+$0xAEC0] =	vst v59;
	v59 =	vld [tilespmem:$0x1FF10]  }
0x27b: {  	[tilespmem:s3+$0xAE60] =	vst v63;
	v63 =	vld [tilespmem:$0x1FEB0]  }
0x27c: {  	v33 =	vadd.f32 v35, v33;
	v9 =	vmul.f32 v9, v37;
	v23 =	vmul.f32 v23, v43;
	v35 =	vld [tilespmem:s3+$0x8740]  }
0x27d: {  	[tilespmem:s3+$0xAEB0] =	vst v57;
	v57 =	vld [tilespmem:$0x1FF00]  }
0x27e: {  	[tilespmem:s3+$0xAE90] =	vst v53;
	v9 =	vadd.f32 v23, v9;
	v23 =	vld [tilespmem:s3+$0x5D50]  }
0x27f: {  	v53 =	vbroadcast v22, $0xD;
	[tilespmem:s3+$0xAEE0] =	vst v59;
	v59 =	vld [tilespmem:$0x1FF50]  }
0x280: {  	v16 =	vadd.f32 v18, v16;
	[tilespmem:s3+$0xAE80] =	vst v63;
	v63 =	vmul.f32 v26, v60;
	v26 =	vmul.f32 v29, v60;
	v29 =	vld [tilespmem:s3+$0x5D40]  }
0x281: {  	v12 =	vmul.f32 v12, v37;
	v60 =	vld [tilespmem:$0x1FF20]  }
0x282: {  	v34 =	vadd.f32 v34, v16;
	v11 =	vmul.f32 v11, v43;
	[tilespmem:s3+$0xAED0] =	vst v57;
	v57 =	vmul.f32 v28, v53;
	v28 =	vld [tilespmem:s3+$0x5D60]  }
0x283: {  	v16 =	vadd.f32 v63, v33;
	v63 =	vld [tilespmem:$0x1FF30]  }
0x284: {  	v11 =	vadd.f32 v11, v12;
	v18 =	vadd.f32 v26, v34;
	v34 =	vld [tilespmem:$0x1FF40]  }
0x285: {  	v26 =	vld [tilespmem:s3+$0x8750]  }
0x286: {  	v33 =	vbroadcast v21, $0xD;
	v11 =	vadd.f32 v57, v11;
	v57 =	vmul.f32 v27, v37;
	v27 =	vld [tilespmem:s3+$0x3360]  }
0x287: {  	[tilespmem:s3+$0xAF20] =	vst v59;
	v59 =	vld [tilespmem:$0x1FF70]  }
0x288: {  	v12 =	vmul.f32 v24, v33;
	v17 =	vmul.f32 v17, v33;
	v24 =	vld [tilespmem:s3+$0x8760]  }
0x289: {  	[tilespmem:s3+$0xAEF0] =	vst v60;
	v60 =	vmul.f32 v49, v37;
	v49 =	vld [tilespmem:$0x1FF60]  }
0x28a: {  	v11 =	vadd.f32 v17, v11;
	v17 =	vld [tilespmem:s3+$0x970];
	[tilespmem:s3+$0xAF00] =	vst v63  }
0x28b: {  	v15 =	vmul.f32 v15, v53;
	[tilespmem:s3+$0xAF10] =	vst v34;
	v63 =	vmul.f32 v40, v43;
	v34 =	vld [tilespmem:s3+$0x960]  }
0x28c: {  	v14 =	vmul.f32 v14, v43;
	v40 =	vmul.f32 v32, v53;
	v32 =	vld [tilespmem:s3+$0x3370]  }
0x28d: {  	v9 =	vadd.f32 v15, v9;
	v15 =	vadd.f32 v63, v60;
	v60 =	vld [tilespmem:$0x1FF80]  }
0x28e: {  	[tilespmem:s3+$0xB0A0] =	vst v10;
	v63 =	vadd.f32 v14, v57;
	v57 =	vld [tilespmem:$0x1FFA0]  }
0x28f: {  	v10 =	vbroadcast v19, $0xF;
	v9 =	vadd.f32 v12, v9;
	[tilespmem:s3+$0xAF30] =	vst v49;
	v49 =	vld [tilespmem:$0x1FF90]  }
0x290: {  	v25 =	vmul.f32 v25, v53;
	[tilespmem:s3+$0xAF40] =	vst v59;
	v59 =	vmul.f32 v39, v33;
	v39 =	vld [tilespmem:s3+$0x5D70]  }
0x291: {  	v13 =	vmul.f32 v13, v33;
	[tilespmem:s3+$0xB0D0] =	vst v9;
	v9 =	vbroadcast v21, $0xF;
	v12 =	vadd.f32 v40, v63;
	v63 =	vld [tilespmem:$0x1FFB0]  }
0x292: {  	v15 =	vadd.f32 v25, v15;
	v40 =	vld [tilespmem:s3+$0x8770];
	v25 =	vmul.f32 v50, v33;
	[tilespmem:s3+$0xAF50] =	vst v60;
	v60 =	vmul.f32 v58, v37  }
0x293: {  	v50 =	vld [tilespmem:s3+$0x3380];
	[tilespmem:s3+$0xAF70] =	vst v57;
	v37 =	vmul.f32 v52, v37;
	v58 =	vmul.f32 v45, v43  }
0x294: {  	v12 =	vadd.f32 v59, v12;
	v59 =	vld [tilespmem:$0x1FFD0];
	v57 =	vmul.f32 v36, v53;
	[tilespmem:s3+$0xAF60] =	vst v49;
	v49 =	vmul.f32 v62, v43  }
0x295: {  	v52 =	vld [tilespmem:$0x1FFC0];
	v43 =	vbroadcast v19, $0xE;
	v36 =	vadd.f32 v58, v37;
	v37 =	vbroadcast v22, $0xE  }
0x296: {  	v13 =	vadd.f32 v13, v15;
	v45 =	vld [tilespmem:s3+$0x980];
	v62 =	vmul.f32 v56, v53;
	v56 =	vmul.f32 v42, v33  }
0x297: {  	[tilespmem:s3+$0xAFD0] =	vst v8;
	v42 =	vld [tilespmem:s3+$0x5D80];
	v15 =	vadd.f32 v49, v60;
	v49 =	vbroadcast v20, $0xE;
	v44 =	vmul.f32 v44, v37  }
0x298: {  	v33 =	vld [tilespmem:s3+$0x3390];
	[tilespmem:s3+$0xAF80] =	vst v63;
	v58 =	vadd.f32 v62, v36;
	v36 =	vbroadcast v21, $0xE;
	v23 =	vmul.f32 v23, v37  }
0x299: {  	v63 =	vld [tilespmem:$0x1FFF0];
	[tilespmem:s3+$0xAFA0] =	vst v59;
	v14 =	vadd.f32 v57, v15;
	v57 =	vmul.f32 v46, v43;
	v59 =	vmul.f32 v51, v49  }
0x29a: {  	[tilespmem:s3+$0xAFE0] =	vst v5;
	v60 =	vld [tilespmem:$0x1FFE0];
	v62 =	vmul.f32 v47, v49;
	v47 =	vmul.f32 v29, v37  }
0x29b: {  	[tilespmem:s3+$0xAF90] =	vst v52;
	v46 =	vld [tilespmem:s3+$0x8780];
	v51 =	vmul.f32 v54, v43;
	v52 =	vmul.f32 v55, v49  }
0x29c: {  	[tilespmem:s3+$0xAFF0] =	vst v4;
	v29 =	vld [tilespmem:s3+$0x5D90];
	v54 =	vmul.f32 v34, v43;
	v55 =	vmul.f32 v27, v49  }
0x29d: {  	[tilespmem:s3+$0xB030] =	vst v61;
	v32 =	vmul.f32 v32, v49;
	v34 =	vld [tilespmem:s3+$0x33B0];
	v31 =	vmul.f32 v31, v36  }
0x29e: {  	[tilespmem:s3+$0xB040] =	vst v48;
	v4 =	vadd.f32 v56, v58;
	v56 =	vld [tilespmem:s3+$0x9A0];
	v58 =	vmul.f32 v35, v36;
	v61 =	vmul.f32 v26, v36  }
0x29f: {  	v35 =	vmul.f32 v45, v43;
	v48 =	vmul.f32 v42, v37;
	v26 =	vld [tilespmem:s3+$0x87B0];
	[tilespmem:s3+$0xAFC0] =	vst v63;
	v63 =	vadd.f32 v59, v57  }
0x2a0: {  	v5 =	vadd.f32 v25, v14;
	v15 =	vadd.f32 v52, v51;
	v57 =	vld [tilespmem:s3+$0x33A0];
	[tilespmem:s3+$0xAFB0] =	vst v60;
	v60 =	vmul.f32 v41, v43  }
0x2a1: {  	[tilespmem:s3+$0xB010] =	vst v30;
	v59 =	vmul.f32 v28, v37;
	v28 =	vld [tilespmem:s3+$0x5DA0];
	v8 =	vadd.f32 v44, v63;
	v63 =	vmul.f32 v24, v36  }
0x2a2: {  	[tilespmem:s3+$0xB020] =	vst v6;
	v41 =	vld [tilespmem:s3+$0x990];
	v14 =	vadd.f32 v62, v60;
	v60 =	vadd.f32 v23, v15;
	v51 =	vmul.f32 v46, v36  }
0x2a3: {  	[tilespmem:s3+$0xB050] =	vst v1;
	v24 =	vld [tilespmem:s3+$0x9B0];
	v1 =	vadd.f32 v31, v8;
	v31 =	vmul.f32 v17, v43;
	v43 =	vmul.f32 v50, v49  }
0x2a4: {  	[tilespmem:s3+$0xB060] =	vst v7;
	v44 =	vld [tilespmem:s3+$0x5DB0];
	v50 =	vmul.f32 v40, v36;
	v8 =	vbroadcast v22, $0xF;
	v53 =	vadd.f32 v47, v14  }
0x2a5: {  	[tilespmem:s3+$0xB070] =	vst v0;
	v52 =	vld [tilespmem:s3+$0x33C0];
	v56 =	vmul.f32 v56, v10;
	v14 =	vadd.f32 v55, v54;
	v0 =	vadd.f32 v61, v60  }
0x2a6: {  	[tilespmem:s3+$0xB080] =	vst v2;
	v23 =	vld [tilespmem:s3+$0x87A0];
	v47 =	vmul.f32 v39, v37;
	v61 =	vmul.f32 v38, v9;
	v45 =	vadd.f32 v32, v31  }
0x2a7: {  	[tilespmem:s3+$0xB090] =	vst v3;
	v49 =	vld [tilespmem:s3+$0x9C0];
	v7 =	vadd.f32 v43, v35;
	v60 =	vmul.f32 v29, v8;
	v6 =	vadd.f32 v58, v53  }
0x2a8: {  	[tilespmem:s3+$0xB0B0] =	vst v16;
	v55 =	vld [tilespmem:s3+$0x5DC0];
	v62 =	vadd.f32 v59, v14;
	v14 =	vbroadcast v20, $0xF;
	v53 =	vmul.f32 v41, v10  }
0x2a9: {  	[tilespmem:s3+$0xB0C0] =	vst v18;
	v38 =	vld [tilespmem:s3+$0x5DD0];
	v32 =	vmul.f32 v24, v10;
	v41 =	vmul.f32 v44, v8;
	v3 =	vadd.f32 v47, v45  }
0x2aa: {  	[tilespmem:s3+$0xB0E0] =	vst v11;
	v29 =	vld [tilespmem:s3+$0x9E0];
	v7 =	vadd.f32 v48, v7;
	v54 =	vmul.f32 v33, v14;
	v57 =	vmul.f32 v57, v14  }
0x2ab: {  	[tilespmem:s3+$0xB0F0] =	vst v13;
	v58 =	vld [tilespmem:s3+$0x9D0];
	v2 =	vadd.f32 v63, v62;
	v63 =	vmul.f32 v28, v8;
	v28 =	vmul.f32 v23, v9  }
0x2ac: {  	[tilespmem:s3+$0xB100] =	vst v12;
	v62 =	vld [tilespmem:s3+$0x33D0];
	v33 =	vmul.f32 v34, v14;
	v36 =	vmul.f32 v49, v10  }
0x2ad: {  	[tilespmem:s3+$0xB120] =	vst v4;
	v34 =	vld [tilespmem:s3+$0x33E0];
	v37 =	vmul.f32 v52, v14;
	v3 =	vadd.f32 v50, v3;
	v7 =	vadd.f32 v51, v7  }
0x2ae: {  	v42 =	vld [tilespmem:s3+$0x5DE0];
	[tilespmem:s3+$0xB110] =	vst v5;
	v44 =	vmul.f32 v55, v8;
	v55 =	vmul.f32 v38, v8;
	v59 =	vadd.f32 v54, v53  }
0x2af: {  	v21 =	vld [tilespmem:s3+$0x87C0];
	[tilespmem:s3+$0xB130] =	vst v1;
	v11 =	vadd.f32 v57, v56;
	v40 =	vadd.f32 v33, v32;
	v51 =	vmul.f32 v29, v10  }
0x2b0: {  	[tilespmem:s3+$0xB150] =	vst v0;
	v45 =	vld [tilespmem:s3+$0x87D0];
	v43 =	vadd.f32 v37, v36;
	v54 =	vmul.f32 v26, v9;
	v47 =	vmul.f32 v58, v10  }
0x2b1: {  	[tilespmem:s3+$0xB140] =	vst v6;
	v49 =	vld [tilespmem:s3+$0x87E0];
	v30 =	vadd.f32 v60, v59;
	v35 =	vadd.f32 v63, v11;
	v48 =	vmul.f32 v62, v14  }
0x2b2: {  	[tilespmem:s3+$0xB160] =	vst v2;
	v46 =	vadd.f32 v41, v40;
	v50 =	vadd.f32 v44, v43;
	v52 =	vmul.f32 v34, v14  }
0x2b3: {  	v56 =	vmul.f32 v42, v8;
	[tilespmem:s3+$0xB170] =	vst v3;
	v39 =	vadd.f32 v61, v30;
	v53 =	vadd.f32 v48, v47  }
0x2b4: {  	v57 =	vmul.f32 v21, v9;
	[tilespmem:s3+$0xB180] =	vst v7;
	v4 =	vadd.f32 v28, v35;
	v6 =	vadd.f32 v52, v51  }
0x2b5: {  	p0 =	sne.s32 s0, $0x6;
	v59 =	vmul.f32 v45, v9;
	v0 =	vadd.f32 v54, v46;
	[tilespmem:s3+$0xB190] =	vst v39;
	v58 =	vadd.f32 v55, v53  }
.Ltmp0:
0x2b6: {  	v2 =	vadd.f32 v57, v50;
	v61 =	vmul.f32 v49, v9;
	[tilespmem:s3+$0xB1A0] =	vst v4;
	v60 =	vadd.f32 v56, v6;
	(pc) =	sbr.rel @p0 .LBB2_3-.Ltmp0, $4  }
0x2b7: {  	[tilespmem:s3+$0xB1B0] =	vst v0;
	v62 =	vadd.f32 v59, v58  }
0x2b8: {  	[tilespmem:s3+$0xB1C0] =	vst v2;
	v63 =	vadd.f32 v61, v60  }
0x2b9: {  	[tilespmem:s3+$0xB1D0] =	vst v62  }
0x2ba: {  	s0 =	sadd.s32 $0x1, s0;
	[tilespmem:s3+$0xB1E0] =	vst v63  }
0x2bb: {  	s0 =	smul.u32 $0xC, s15;
	s8 =	sadd.s32 $0x1, s8  }
0x2bc: {  	p0 =	sne.s32 s8, $0x38  }
.Ltmp1:
0x2bd: {  	s2 =	simm.s32 $0x0;
	s0 =	sadd.s32 s21, s0;
	(pc) =	sbr.rel @p0 .LBB2_2-.Ltmp1, $4  }
0x2be: {  	[hbm4b:s0+s2] =	stream.linear.scatter [tilespmem:s31], [sflag:$0x2], $0x2A00, $0x38;
	[tilespmem:$0xD5F0] =	vst v63  }
0x2bf: {  	_ =	swait.ge [sflag:s16], $0x2A00  }
0x2c0: {  	[sflag:s16] =	ssyncset.done $0x0  }
0x2c1: {  	[sflag:s16] =	ssyncadd.s32 $0xFFFFD600  }
0x2c2: {  	s2 =	rddreg [dreg:$0x4]  }
0x2c3: {  	s0 =	rddreg [dreg:$0x3];
	s2 =	sadd.s32 $0x1, s2  }
0x2c4: {  	p0 =	sne.s32 s2, s0  }
.Ltmp2:
0x2c5: {  	_ = 	snop;
	(pc) =	sbr.rel @p0 .LBB2_1-.Ltmp2, $1  }
0x2c6: {  	_ =	sdelay $0x3  }
0x2c7: {  	_ =	sfence.sel $0x180000  }
0x2c8: {  	[bflag:$0x0] =	sbarrier.arrive $0xFFFF  }
0x2c9: {  	_ =	strace $0x9000004A  }
0x2ca: {  	s0 =	stileid.u32;
	[bflag:$0x2] =	sbarrier.arrive $0xFFFF  }
0x2cb: {  	p0 =	sne.s32 s0, $0x0;
	s0 =	rddreg [dreg:$0x2]  }
0x2cc: {  	s0 =	sadd.s32 @!p0 $0x100000, s0  }
0x2cd: {  	[sflag:s0] =	ssyncadd.tile.s32 @!p0 $0x1;
	_ =	shalt  }
.Lfunc_end2:
_tile_overlayer_lowered:
.L_overlay_start_2:
0x2ce: {  	(tag) =	ssettag $0x2  }
0x2cf: {  	s0 =	rddreg [dreg:$0x0];
	s2 =	stileid.u32  }
0x2d0: {  	s1 =	rddreg [dreg:$0x1];
	p0 =	sne.s32 s2, $0x0  }
0x2d1: {  	s3 =	rddreg [dreg:$0x2];
	[bflag:$0x3] =	sbarrier.arrive $0xFFFF;
	s2 =	simm.s32 @!p0 $0x1C02  }
0x2d2: {  	[timem:s3], [sflag:s2] =	dma.local @!p0 [hbm:s0], s1  }
0x2d3: {  	s0 =	simm.s32 @!p0 $0x2  }
0x2d4: {  	_ =	swait.ge @!p0 [sflag:s0], s1  }
0x2d5: {  	s1 =	ssub.s32 @!p0 $0x0, s1;
	[sflag:s0] =	ssyncset.done @!p0 $0x0  }
0x2d6: {  	[sflag:s0] =	ssyncadd.s32 @!p0 s1  }
0x2d7: {  	[bflag:$0x3] =	sbarrier.arrive $0xFFFF  }
0x2d8: {  	_ =	shalt  }

// kernel: sparse-core-data-format-call.1.cloned.1.call-start
scs
called_computation.1_lowered:
.L_overlay_start_0:
0x0: {  	s2 =	sld [smem:$0x3FD9]  }
0x1: {  	s3 =	sld [smem:$0x3FFE];
	_ =	sdelay $0x1  }
0x2: {  	s1 =	srdreg.scid  }
0x3: {  	s0 =	sand.u32 $0x1, s1  }
0x4: {  	s18 =	sshll.u32 s0, $0xA;
	s2 =	sadd.s32 s3, s2  }
0x5: {  	s2 =	sadd.s32 s2, s18  }
0x6: {  	[smem:$0x3FC5] =	sst s2  }
0x7: {  	_ = 	snop  }
0x8: {  	s2 =	sld [smem:$0x3FC9];
	(tm) =	ssettm $0x1  }
0x9: {  	s19 =	sld [smem:$0x3FFB];
	_ =	sdelay $0x3  }
0xa: {  	_ =	strace s19  }
0xb: {  	s3 =	sld [smem:$0x3FFC];
	_ =	sdelay $0x3  }
0xc: {  	_ =	strace s3  }
0xd: {  	s3 =	sld [smem:$0x3FFD];
	_ =	sdelay $0x3  }
0xe: {  	_ =	strace s3  }
0xf: {  	_ =	strace $0x8FFFFFFF  }
0x10: {  	s20 =	sld [smem:$0x3FDB];
	_ =	sdelay $0x1  }
0x11: {  	s4 =	simm.s32 $_scs_section_size  }
0x12: {  	s5 =	simm.s32 $_size__tile_overlayer_lowered;
	s6 =	simm.s32 $_tile_overlayer_lowered  }
0x13: {  	s23 =	simm.s32 $0x1BFF;
	s22 =	sshll.u32 s6, $0x1;
	s3 =	sadd.s32 s4, s20  }
0x14: {  	s7 =	simm.s32 $0x0;
	s21 =	sshll.u32 s5, $0x1;
	s5 =	sadd.s32 s22, s3  }
0x15: {  	[timem:s7], [sflag:s23] =	dma.local [hbm:s5], s21  }
0x16: {  	_ =	swait.ge [sflag:s23], s21  }
0x17: {  	s4 =	ssub.s32 $0x0, s21;
	[sflag:s23] =	ssyncset.done $0x0  }
0x18: {  	[sflag:s23] =	ssyncadd.s32 s4;
	_ =	sdelay $0x1  }
0x19: {  	s24 =	simm.s32 $0x1B8B  }
0x1a: {  	_ =	swait.ge [sflag:s24], $0x1  }
0x1b: {  	[sflag:s24] =	ssyncset.done $0x0  }
0x1c: {  	s26 =	simm.s32 $0x1B8E;
	s25 =	sld [smem:$0x3FFE];
	[sflag:s24] =	ssyncadd.s32 $0xFFFFFFFF  }
0x1d: {  	s27 =	simm.s32 $execute0_lowered;
	[smem:$0x3FD2] =	sst s26  }
0x1e: {  	s5 =	sshll.u32 s27, $0x1;
	_ =	strace $0x80000046;
	[dreg:$0x1] =	wrdreg $0xFFFFFFFF  }
0x1f: {  	s28 =	simm.s32 $_size_execute0_lowered;
	s3 =	sadd.s32 s3, s5;
	[dreg:$0x0] =	wrdreg $0x0  }
0x20: {  	s5 =	sshll.u32 s28, $0x1;
	[dreg:$0x2] =	wrdreg s3  }
0x21: {  	[dreg:$0x3] =	wrdreg s5  }
0x22: {  	[dreg:$0x4] =	wrdreg $0xC0  }
0x23: {  	_ =	task [dreg:s7], $0x5FFFF  }
0x24: {  	[dreg:$0x1] =	wrdreg $0xFFFFFFFF  }
0x25: {  	[dreg:$0x0] =	wrdreg $0x60  }
0x26: {  	[dreg:$0x2] =	wrdreg s2  }
0x27: {  	[dreg:$0x3] =	wrdreg s25  }
0x28: {  	[dreg:$0x4] =	wrdreg $0x9  }
0x29: {  	_ =	task.clear_ibuf [dreg:s7], $0x5FFFF;
	_ =	strace $0x90000046  }
0x2a: {  	s29 =	simm.s32 $0x9;
	_ =	strace $0x80000048  }
0x2b: {  	_ =	swait.ge [sflag:s29], $0x1  }
0x2c: {  	[sflag:s29] =	ssyncadd.s32 $0xFFFFFFFF  }
0x2d: {  	_ =	strace $0x90000048  }
0x2e: {  	_ =	sfence  }
0x2f: {  	s30 =	sld [smem:$0x0];
	_ =	sdelay $0x2  }
0x30: {  	s31 =	sshll.u32 s1, $0xD;
	s1 =	sshrl.u32 s1, $0x2  }
0x31: {  	s3 =	sand.u32 $0x4000, s31;
	s1 =	sadd.s32 s1, s30  }
0x32: {  	s0 =	sor.u32 s3, s0;
	s1 =	sshll.u32 s1, $0x11  }
0x33: {  	s0 =	sor.u32 s1, s0  }
0x34: {  	s0 =	sadd.s32 $0x8F2B, s0  }
0x35: {  	[sflag:s0] =	ssyncadd.remote.s32 $0x1  }
0x36: {  	_ =	sfence.sel $0xFFFF  }
0x37: {  	[dreg:$0x0] =	wrdreg $0xFFFFFFFF;
	(pc) =	sbr.abs _section_cstart, $3  }
0x38: {  	[dreg:$0x1] =	wrdreg $0xFFFFFFFF  }
0x39: {  	_ =	task.clear_ibuf [dreg:s7], $0x2FFFF;
	_ =	strace $0x9FFFFFFF  }
0x3a: {  	(tm) =	ssettm $0x7FFFFFFF  }
0x3b: {  	_ =	shalt  }
tec
execute0_lowered:
.L_overlay_start_1:
0x0: {  	(tag) =	ssettag $0x1  }
0x1: {  	s0 =	srdreg.scid  }
0x2: {  	_ =	strace $0x80000047;
	s2 =	stileid.u32;
	s1 =	simm.s32 $0x1  }
0x3: {  	s31 =	simm.s32 $0x2;
	s19 =	simm.s32 $0x0;
	s21 =	simm.s32 $0x0  }
0x4: {  	s20 =	simm.s32 $0x0;
	s22 =	simm.s32 $0x0;
	s10 =	simm.s32 $0x0  }
0x5: {  	s11 =	simm.s32 $0x0;
	s13 =	simm.s32 $0x0;
	s15 =	simm.s32 $0x0  }
.Ltmp0:
0x6: {  	s14 =	simm.s32 $0x0;
	s0 =	sshll.u32 s0, $0x4;
	(pc) =	sbr.rel .LBB1_1-.Ltmp0, $4  }
0x7: {  	s17 =	simm.s32 $0x0;
	s12 =	simm.s32 $0x0;
	s0 =	sand.u32 $0x10, s0  }
0x8: {  	[sflag:s1] =	ssyncpa.u1 $0x0;
	s8 =	sand.u32 $0x3, s2;
	s0 =	sor.u32 s2, s0  }
0x9: {  	[sflag:s31] =	ssyncpa.u1 $0x0;
	[dreg:$0x3] =	wrdreg s8;
	s9 =	sshrl.u32 s0, $0x2  }
0xa: {  	s18 =	smov.u32 s8;
	s16 =	smov.u32 s9;
	[dreg:$0x4] =	wrdreg s9  }
.LBB1_18:
0xb: {  	s10 =	rddreg [dreg:$0x5]  }
0xc: {  	s13 =	rddreg [dreg:$0x8]  }
0xd: {  	s22 =	rddreg [dreg:$0x13]  }
0xe: {  	s4 =	rddreg [dreg:$0x12]  }
0xf: {  	s24 =	rddreg [dreg:$0x15]  }
0x10: {  	s5 =	rddreg [dreg:$0x14]  }
0x11: {  	s15 =	rddreg [dreg:$0xa]  }
0x12: {  	s11 =	rddreg [dreg:$0x6]  }
0x13: {  	s6 =	rddreg [dreg:$0x1]  }
0x14: {  	s30 =	rddreg [dreg:$0x16]  }
0x15: {  	s8 =	rddreg [dreg:$0x3]  }
0x16: {  	s9 =	rddreg [dreg:$0x4]  }
0x17: {  	s12 =	rddreg [dreg:$0x7]  }
0x18: {  	s14 =	rddreg [dreg:$0x9]  }
0x19: {  	s16 =	rddreg [dreg:$0xb]  }
0x1a: {  	s17 =	rddreg [dreg:$0xc]  }
0x1b: {  	s18 =	rddreg [dreg:$0xd]  }
0x1c: {  	s19 =	rddreg [dreg:$0xe]  }
0x1d: {  	s20 =	rddreg [dreg:$0xf];
	s0 =	sshll.u32 s10, $0x7;
	s1 =	sshll.u32 s13, $0x3  }
0x1e: {  	s21 =	rddreg [dreg:$0x10];
	s2 =	sand.u32 $0xFFFFFC00, s0;
	s1 =	sand.u32 $0xFFFFFC00, s1  }
0x1f: {  	p0 =	sgt.s32 s13, $0x0;
	s1 =	sadd.s32 s1, s2;
	s2 =	smov.u32 s13  }
0x20: {  	s3 =	smov.u32 s10;
	s0 =	sand.u32 $0x380, s0;
	s2 =	simm.s32 @!p0 $0x0  }
0x21: {  	s25 =	smul.u32 $0xC4000, s15;
	s0 =	sor.u32 s0, s1;
	s1 =	sadd.s32 s2, s22  }
0x22: {  	s0 =	sshrl.u32 s0, $0x7;
	p0 =	sgt.s32 s1, $0x7F;
	s1 =	ssub.s32 $0x80, s1  }
0x23: {  	s23 =	smulhi.u32 $0x2492493, s0;
	s1 =	simm.s32 @p0 $0x0;
	p0 =	sgt.s32 s10, $0x60  }
0x24: {  	s26 =	smul.u32 $0xE00, s11;
	s27 =	sshrl.u32 s13, $0x3;
	s3 =	simm.s32 @!p0 $0x60  }
0x25: {  	s2 =	sshrl.u32 s23, $0x1;
	s1 =	smul.u32 s4, s1;
	s3 =	sadd.s32 s24, s3  }
0x26: {  	s31 =	sand.u32 $0x7, s13;
	s2 =	smul.u32 $0xE0, s2;
	s4 =	sadd.s32 $0xFFFFFFA0, s3  }
0x27: {  	s1 =	smul.u32 s5, s1;
	s3 =	ssub.s32 $0xE0, s3;
	p0 =	sgt.s32 s4, $0x7F  }
0x28: {  	s28 =	sand.u32 $0xF, s27;
	s4 =	sadd.s32 s6, s25;
	s3 =	simm.s32 @p0 $0x0  }
0x29: {  	s0 =	ssub.s32 s0, s2;
	s29 =	sadd.s32 s26, s4;
	s1 =	smul.u32 s3, s1  }
0x2a: {  	s22 =	rddreg [dreg:$0x11];
	s0 =	sshll.u32 s0, $0x4;
	s2 =	sadd.s32 s28, s29  }
0x2b: {  	s3 =	sor.u32 $0x8000, s30;
	s0 =	sadd.s32 s0, s2;
	s1 =	sand.u32 $0x3FFFFFFF, s1  }
0x2c: {  	[hbm4b:s0+s31] =	stream.linear.scatter [tilespmem:s3], [sflag:$0x2], s1, $0x20;
	[tilespmem:$0x10100] =	vst v63  }
.LBB1_19:
0x2d: {  	p0 =	slt.u32 s12, $0x2  }
0x2e: {  	s0 =	smov.u32 s22;
	s5 =	smov.u32 s16;
	s12 =	sadd.s32 $0x1, s12  }
0x2f: {  	p1 =	sgt.s32 @!p0 s22, $0x3;
	s1 =	sshra.s32 @!p0 s22, $0x1F;
	s2 =	sshra.s32 @!p0 s21, $0x1F  }
0x30: {  	p2 =	sgt.s32 @!p0 s19, $0x60;
	s4 =	sshra.s32 @!p0 s19, $0x1F;
	p1 =	por !p1, p0  }
0x31: {  	s1 =	sand.u32 @!p0 s1, s22;
	s2 =	sand.u32 @!p0 s2, s21;
	p2 =	por !p2, p0  }
0x32: {  	s4 =	sand.u32 @!p0 s4, s19;
	s0 =	simm.s32 @p1 $0x3;
	p1 =	sgt.s32 @!p0 s21, $0xDF  }
0x33: {  	s0 =	ssub.s32 @!p0 s0, s1;
	p1 =	por !p1, p0;
	s1 =	smov.u32 s21  }
0x34: {  	s22 =	smov.u32 s15;
	s3 =	sadd.s32 @!p0 $0xFFFFFFFD, s0;
	s1 =	simm.s32 @p1 $0xDF  }
0x35: {  	s0 =	ssub.s32 @!p0 $0x4, s0;
	p1 =	sgt.s32 @!p0 s3, $0x0;
	s1 =	ssub.s32 @!p0 s1, s2  }
0x36: {  	s3 =	smov.u32 s19;
	p1 =	por !p1, p0;
	s2 =	sadd.s32 @!p0 $0xFFFFFF21, s1  }
0x37: {  	s0 =	simm.s32 @!p1 $0x0;
	p1 =	sgt.s32 @!p0 s2, $0x0;
	s2 =	ssub.s32 @!p0 $0x0, s20  }
0x38: {  	s1 =	ssub.s32 @!p0 $0xE0, s1;
	s3 =	simm.s32 @p2 $0x60;
	s2 =	smin.u32 @!p0 s20, s2  }
0x39: {  	s3 =	ssub.s32 @!p0 s3, s4;
	p1 =	por !p1, p0;
	p2 =	sgt.s32 @!p0 s2, $0x7F  }
0x3a: {  	s4 =	sadd.s32 @!p0 $0xFFFFFFA0, s3;
	s2 =	ssub.s32 @!p0 $0x80, s2;
	p2 =	por !p2, p0  }
0x3b: {  	s3 =	ssub.s32 @!p0 $0xE0, s3;
	s1 =	simm.s32 @!p1 $0x0;
	s2 =	simm.s32 @!p2 $0x0  }
0x3c: {  	p1 =	sgt.s32 @!p0 s4, $0x7F;
	s0 =	smul.u32 @!p0 s0, s2;
	s2 =	sadd.s32 $0x80, s14  }
0x3d: {  	s4 =	sadd.s32 $0x8, s16;
	p1 =	por !p1, p0;
	p2 =	sgt.s32 s2, $0xDF  }
0x3e: {  	s3 =	simm.s32 @!p1 $0x0;
	s0 =	smul.u32 @!p0 s1, s0;
	s5 =	smov.u32 @p2 s4  }
0x3f: {  	s1 =	sadd.s32 $0x80, s17;
	s4 =	smov.u32 s17;
	p1 =	sgt.s32 s5, $0xDF  }
0x40: {  	s2 =	simm.s32 @p2 $0x0;
	s0 =	smul.u32 @!p0 s3, s0;
	s4 =	smov.u32 @p1 s1  }
0x41: {  	s1 =	sadd.s32 $0x4, s18;
	s3 =	smov.u32 s18;
	p2 =	sgt.s32 s4, $0x5F  }
0x42: {  	s15 =	smov.u32 s18;
	s21 =	smov.u32 s11;
	s3 =	smov.u32 @p2 s1  }
0x43: {  	s11 =	smov.u32 s16;
	s5 =	smov.u32 @p1 s9;
	p1 =	sgt.s32 s3, $0x3  }
0x44: {  	s19 =	smov.u32 s10;
	s3 =	smov.u32 @p1 s8;
	p1 =	sne.s32 s12, $0x3A  }
.Ltmp1:
0x45: {  	s10 =	smov.u32 s14;
	s20 =	smov.u32 s13;
	(pc) =	sbr.rel @!p1 .LBB1_20-.Ltmp1, $4  }
0x46: {  	s13 =	smov.u32 s17;
	s0 =	sand.u32 @!p0 $0x3FFFFFFF, s0;
	s1 =	simm.s32 @!p0 $0x2  }
0x47: {  	s14 =	smov.u32 s2;
	s16 =	smov.u32 s5;
	_ =	swait.ge @!p0 [sflag:s1], s0  }
0x48: {  	s4 =	simm.s32 @p2 $0x0;
	s0 =	ssub.s32 @!p0 $0x0, s0;
	[sflag:s1] =	ssyncset.done @!p0 $0x0  }
0x49: {  	s17 =	smov.u32 s4;
	[sflag:s1] =	ssyncadd.s32 @!p0 s0;
	s18 =	smov.u32 s3  }
.LBB1_1:
0x4a: {  	p0 =	sgt.u32 s12, $0x37  }
.Ltmp2:
0x4b: {  	_ = 	snop;
	(pc) =	sbr.rel @p0 .LBB1_3-.Ltmp2, $1  }
0x4c: {  	_ =	sdelay $0x3  }
0x4d: {  	s0 =	sand.u32 $0x78, s14;
	s1 =	sshll.u32 s16, $0x8;
	s2 =	sshll.u32 s14, $0x3  }
0x4e: {  	s3 =	sshll.u32 s16, $0x7;
	p0 =	sgt.s32 s18, $0x3;
	s26 =	sshra.s32 s18, $0x1F  }
0x4f: {  	s4 =	smov.u32 s17;
	s5 =	sshra.s32 s17, $0x1F;
	s29 =	sshra.s32 s16, $0x1F  }
0x50: {  	s31 =	sshra.s32 s14, $0x1F;
	s24 =	smul.u32 $0xA8000, s18;
	s1 =	sand.u32 $0xFFFFF800, s1  }
0x51: {  	s2 =	sand.u32 $0xFFFFFC00, s2;
	s25 =	sand.u32 $0x300, s3;
	s3 =	sand.u32 $0x80, s3  }
0x52: {  	s27 =	sand.u32 s5, s17;
	s30 =	sand.u32 s29, s16;
	s1 =	sadd.s32 s1, s2  }
0x53: {  	s0 =	sor.u32 s0, s3;
	s2 =	smov.u32 s18;
	s3 =	sand.u32 s26, s18  }
0x54: {  	s1 =	sor.u32 s25, s1;
	s2 =	simm.s32 @!p0 $0x3;
	p0 =	sgt.s32 s17, $0xFFFFFFE0  }
0x55: {  	s25 =	smul.u32 $0x1C00, s17;
	s0 =	sshrl.u32 s0, $0x3;
	s1 =	sshrl.u32 s1, $0x8  }
0x56: {  	s2 =	ssub.s32 s2, s3;
	s4 =	simm.s32 @!p0 $0xFFFFFFE0;
	s28 =	smulhi.u32 $0x124924A, s1  }
0x57: {  	s6 =	sadd.s32 $0xFFFFFFFD, s2;
	s3 =	ssub.s32 s4, s27;
	s2 =	ssub.s32 $0x4, s2  }
0x58: {  	s27 =	rddreg [dreg:$0x0];
	p0 =	sgt.s32 s6, $0x0;
	s4 =	sadd.s32 $0x20, s3  }
0x59: {  	s3 =	ssub.s32 $0x60, s3;
	s6 =	sand.u32 s31, s14;
	s31 =	simm.s32 $0xE000  }
0x5a: {  	s2 =	simm.s32 @p0 $0x0;
	p0 =	sgt.s32 s4, $0x7F;
	s4 =	smov.u32 s16  }
0x5b: {  	s5 =	smul.u32 $0xE0, s28;
	s3 =	simm.s32 @p0 $0x0;
	p0 =	sgt.s32 s16, $0xDF  }
0x5c: {  	s28 =	sand.u32 $0x7, s14;
	s2 =	smul.u32 s2, s3;
	s4 =	simm.s32 @!p0 $0xDF  }
0x5d: {  	p0 =	sgt.s32 s14, $0x80;
	s3 =	ssub.s32 s4, s30;
	s4 =	smov.u32 s14  }
0x5e: {  	s29 =	sshll.u32 s28, $0x12;
	s7 =	sadd.s32 $0xFFFFFF21, s3;
	s4 =	simm.s32 @!p0 $0x80  }
0x5f: {  	s3 =	ssub.s32 $0xE0, s3;
	p0 =	sgt.s32 s7, $0x0;
	s4 =	ssub.s32 s4, s6  }
0x60: {  	s1 =	ssub.s32 s1, s5;
	s3 =	simm.s32 @p0 $0x0;
	s23 =	sadd.s32 $0xFFFFFF80, s4  }
0x61: {  	s2 =	smul.u32 s3, s2;
	p0 =	sgt.s32 s23, $0x7F;
	s3 =	ssub.s32 $0x100, s4  }
0x62: {  	s1 =	sshll.u32 s1, $0x5;
	s4 =	sadd.s32 s27, s24;
	s3 =	simm.s32 @p0 $0x0  }
0x63: {  	s7 =	sxor.u32 $0xFFFFFFFF, s12;
	s4 =	sadd.s32 s25, s4;
	s2 =	smul.u32 s3, s2  }
0x64: {  	s30 =	sor.u32 $0x80, s29;
	s6 =	sshll.u32 s7, $0xE;
	s0 =	sadd.s32 s0, s4  }
0x65: {  	s26 =	sand.u32 $0x4000, s6;
	s0 =	sadd.s32 s1, s0;
	s2 =	sand.u32 $0x3FFFFFFF, s2  }
0x66: {  	[tilespmem:s26], [sflag:$0x1] =	stream.strided.gather [hbm4b:s0+s30], s2, s31, s30, $0x38;
	[tilespmem:$0x10100] =	vst v63  }
.LBB1_3:
0x67: {  	p0 =	seq.s32 s12, $0x0  }
0x68: {  	p1 =	seq.s32 @!p0 s12, $0x39  }
0x69: {  	p0 =	por p0, p1  }
.Ltmp3:
0x6a: {  	_ = 	snop;
	(pc) =	sbr.rel @p0 .LBB1_19-.Ltmp3, $1  }
0x6b: {  	_ =	sdelay $0x3  }
0x6c: {  	[dreg:$0x11] =	wrdreg s22  }
0x6d: {  	[dreg:$0x10] =	wrdreg s21  }
0x6e: {  	[dreg:$0xf] =	wrdreg s20  }
0x6f: {  	[dreg:$0xe] =	wrdreg s19  }
0x70: {  	[dreg:$0xd] =	wrdreg s18  }
0x71: {  	[dreg:$0xc] =	wrdreg s17  }
0x72: {  	[dreg:$0xb] =	wrdreg s16  }
0x73: {  	[dreg:$0x9] =	wrdreg s14;
	p0 =	sgt.s32 s15, $0x3  }
0x74: {  	s0 =	smov.u32 s15;
	s1 =	sshra.s32 s15, $0x1F;
	s17 =	ssub.s32 $0x0, s13  }
0x75: {  	s2 =	sshra.s32 s13, $0x1F;
	p1 =	sgt.s32 s11, $0xDF;
	s3 =	smov.u32 s11  }
0x76: {  	s4 =	sshra.s32 s11, $0x1F;
	p2 =	sgt.s32 s13, $0xFFFFFFE0;
	[dreg:$0x5] =	wrdreg s10  }
0x77: {  	s5 =	smov.u32 s13;
	s22 =	ssub.s32 $0x0, s10;
	[dreg:$0xa] =	wrdreg s15  }
0x78: {  	s23 =	sshra.s32 s10, $0x1F;
	[dreg:$0x8] =	wrdreg s13;
	s0 =	simm.s32 @!p0 $0x3  }
0x79: {  	s1 =	sand.u32 s1, s15;
	s3 =	simm.s32 @!p1 $0xDF;
	s4 =	sand.u32 s4, s11  }
0x7a: {  	s2 =	sand.u32 s17, s2;
	s5 =	simm.s32 @!p2 $0xFFFFFFE0;
	p1 =	sgt.s32 s10, $0x80  }
0x7b: {  	s24 =	sand.u32 s22, s23;
	s0 =	ssub.s32 s0, s1;
	s18 =	ssub.s32 s3, s4  }
0x7c: {  	[dreg:$0x13] =	wrdreg s2;
	s19 =	sadd.s32 s2, s5;
	s5 =	smov.u32 s10  }
0x7d: {  	s2 =	sadd.s32 $0x1, s15;
	s1 =	sadd.s32 $0xFFFFFFFD, s0;
	s6 =	ssub.s32 $0x4, s0  }
0x7e: {  	s20 =	sadd.s32 $0xFFFFFF21, s18;
	s21 =	sadd.s32 $0x20, s19;
	s7 =	ssub.s32 $0xE0, s18  }
0x7f: {  	s5 =	simm.s32 @!p1 $0x80;
	s0 =	ssub.s32 $0x60, s19;
	p0 =	sgt.s32 s1, $0x0  }
0x80: {  	s1 =	sadd.s32 s24, s5;
	s6 =	simm.s32 @p0 $0x0;
	p0 =	sgt.s32 s20, $0x0  }
0x81: {  	p1 =	sgt.s32 s21, $0x7F;
	s25 =	sadd.s32 $0xFFFFFF80, s1;
	s7 =	simm.s32 @p0 $0x0  }
0x82: {  	s1 =	ssub.s32 $0x100, s1;
	p0 =	sgt.s32 s25, $0x7F;
	s26 =	smul.u32 s6, s7  }
0x83: {  	s0 =	simm.s32 @p1 $0x0;
	s1 =	simm.s32 @p0 $0x0;
	p0 =	slt.s32 s2, $0x4  }
0x84: {  	s3 =	sadd.s32 $0x80, s13;
	s2 =	simm.s32 @!p0 $0x4;
	s0 =	smul.u32 s0, s26  }
0x85: {  	[dreg:$0x6] =	wrdreg s11;
	p0 =	slt.s32 s3, $0x60;
	s2 =	ssub.s32 s2, s15  }
0x86: {  	s3 =	simm.s32 @!p0 $0x60;
	s0 =	smul.u32 s1, s0;
	s1 =	sadd.s32 $0x1, s11  }
0x87: {  	s3 =	ssub.s32 s3, s13;
	p0 =	slt.s32 s2, $0x1;
	p1 =	slt.s32 s1, $0xE0  }
0x88: {  	[dreg:$0x7] =	wrdreg s12;
	s1 =	simm.s32 @!p1 $0xE0;
	p1 =	slt.s32 @!p0 s3, $0x1  }
0x89: {  	[dreg:$0x15] =	wrdreg s24;
	s28 =	ssub.s32 s1, s11;
	p1 =	por p0, p1  }
0x8a: {  	[dreg:$0x12] =	wrdreg s6;
	p2 =	slt.s32 @!p1 s28, $0x1  }
0x8b: {  	[dreg:$0x14] =	wrdreg s7;
	p1 =	por p1, p2  }
.Ltmp4:
0x8c: {  	s29 =	simm.s32 $0x1;
	[dreg:$0x17] =	wrdreg s2;
	(pc) =	sbr.rel @p1 .LBB1_18-.Ltmp4, $4  }
0x8d: {  	[dreg:$0x18] =	wrdreg s3;
	s27 =	sand.u32 $0x3FFFFFFF, s0;
	s0 =	sand.u32 $0x1, s12  }
0x8e: {  	_ =	swait.ge [sflag:s29], s27;
	s31 =	smul.u32 $0x4080, s0  }
0x8f: {  	s30 =	ssub.s32 $0x0, s27;
	[sflag:s29] =	ssyncset.done $0x0  }
0x90: {  	[sflag:s29] =	ssyncadd.s32 s30;
	[dreg:$0x16] =	wrdreg s31  }
0x91: {  	s2 =	rddreg [dreg:$0x5]  }
0x92: {  	s1 =	sadd.s32 $0x80, s2  }
0x93: {  	p1 =	slt.s32 s1, $0xE0  }
.Ltmp5:
0x94: {  	s0 =	sshll.u32 @!p0 s0, $0xE;
	s1 =	simm.s32 @!p1 $0xE0;
	(pc) =	sbr.rel .LBB1_6-.Ltmp5, $4  }
0x95: {  	[dreg:$0x19] =	wrdreg s0;
	s1 =	ssub.s32 s1, s2  }
0x96: {  	s0 =	rddreg [dreg:$0x16];
	s2 =	sadd.s32 $0xF, s1  }
0x97: {  	s0 =	sor.u32 @!p0 $0x8000, s0;
	s29 =	sand.u32 $0xFFFFFFF0, s2;
	s30 =	sand.u32 @!p0 $0xFFFFFF00, s2  }
0x98: {  	s1 =	simm.s32 $0x0;
	p0 =	slt.s32 s2, $0x100;
	p1 =	sge.s32 s30, s29  }
.LBB1_17:
0x99: {  	s1 =	sadd.s32 $0x1, s1;
	s2 =	rddreg [dreg:$0x17]  }
0x9a: {  	p2 =	sne.s32 s1, s2  }
.Ltmp6:
0x9b: {  	_ = 	snop;
	(pc) =	sbr.rel @!p2 .LBB1_18-.Ltmp6, $1  }
0x9c: {  	_ =	sdelay $0x3  }
.LBB1_6:
.Ltmp7:
0x9d: {  	(pc) =	sbr.rel .LBB1_7-.Ltmp7, $4  }
0x9e: {  	_ = 	snop  }
0x9f: {  	s2 =	sshll.u32 s1, $0x10  }
0xa0: {  	s3 =	rddreg [dreg:$0x19];
	s2 =	sshra.s32 s2, $0x2  }
0xa1: {  	s2 =	sadd.s32 s2, s3;
	s3 =	simm.s32 $0x0  }
.LBB1_16:
0xa2: {  	s3 =	sadd.s32 $0x1, s3;
	s4 =	rddreg [dreg:$0x18]  }
0xa3: {  	p2 =	sne.s32 s3, s4  }
.Ltmp8:
0xa4: {  	_ = 	snop;
	(pc) =	sbr.rel @!p2 .LBB1_17-.Ltmp8, $1  }
0xa5: {  	_ =	sdelay $0x3  }
.LBB1_7:
0xa6: {  	s7 =	sshrl.u32 s3, $0x4;
	s4 =	sshll.u32 s3, $0x3;
	s5 =	sshll.u32 s3, $0x9  }
0xa7: {  	s6 =	sand.u32 $0x78, s7;
	s8 =	sadd.s32 $0x800, s4;
	s10 =	sadd.s32 $0x1000, s4  }
0xa8: {  	s11 =	sadd.s32 $0x1800, s4;
	s12 =	sadd.s32 $0x2800, s4;
	s25 =	sadd.s32 $0x3000, s4  }
0xa9: {  	s9 =	smul.u32 $0x204, s6;
	s8 =	sshrl.u32 s8, $0x7;
	s6 =	sxor.u32 $0x40, s6  }
0xaa: {  	s10 =	sshrl.u32 s10, $0x7;
	s8 =	sand.u32 $0x78, s8;
	s13 =	smul.u32 $0x204, s6  }
0xab: {  	s11 =	sshrl.u32 s11, $0x7;
	s10 =	sand.u32 $0x78, s10;
	s8 =	smul.u32 $0x204, s8  }
0xac: {  	s24 =	sshrl.u32 s12, $0x7;
	s11 =	sand.u32 $0x78, s11;
	s10 =	smul.u32 $0x204, s10  }
0xad: {  	s12 =	sshrl.u32 s25, $0x7;
	s6 =	sand.u32 $0x78, s24;
	s11 =	smul.u32 $0x204, s11  }
0xae: {  	s4 =	sadd.s32 $0x3800, s4;
	s26 =	sand.u32 $0x78, s12;
	s14 =	smul.u32 $0x204, s6  }
0xaf: {  	s5 =	sshra.s32 s5, $0x2;
	s27 =	sshrl.u32 s4, $0x7;
	s15 =	smul.u32 $0x204, s26  }
.Ltmp9:
0xb0: {  	s4 =	sand.u32 $0x7F, s3;
	s31 =	sand.u32 $0x78, s27;
	(pc) =	sbr.rel .LBB1_8-.Ltmp9, $4  }
0xb1: {  	s5 =	sadd.s32 s5, s2;
	s25 =	simm.s32 $0x0;
	s12 =	smul.u32 $0x204, s31  }
0xb2: {  	s6 =	sadd.s32 s4, s0;
	s22 =	sshrl.u32 s9, $0x2;
	s18 =	sshrl.u32 s13, $0x2  }
0xb3: {  	s24 =	sshrl.u32 s8, $0x2;
	s21 =	sshrl.u32 s10, $0x2;
	s23 =	sshrl.u32 s11, $0x2  }
0xb4: {  	s17 =	sshrl.u32 s14, $0x2;
	s9 =	sshrl.u32 s15, $0x2;
	s13 =	sshrl.u32 s12, $0x2  }
.LBB1_15:
0xb5: {  	s25 =	sadd.s32 $0x1, s25  }
0xb6: {  	p2 =	sne.s32 s25, s28  }
.Ltmp10:
0xb7: {  	_ = 	snop;
	(pc) =	sbr.rel @!p2 .LBB1_16-.Ltmp10, $1  }
0xb8: {  	_ =	sdelay $0x3  }
.LBB1_8:
.Ltmp11:
0xb9: {  	(pc) =	sbr.rel @p0 .LBB1_12-.Ltmp11, $2  }
0xba: {  	_ =	sdelay $0x2  }
0xbb: {  	s19 =	sshll.u32 s25, $0x7;
	s20 =	sadd.s32 s1, s25  }
0xbc: {  	s8 =	smul.u32 $0x10200, s20;
	_ =	sdelay $0x1  }
0xbd: {  	s12 =	sand.u32 $0x380, s19;
	s8 =	sshra.s32 s8, $0x2  }
0xbe: {  	s10 =	sadd.s32 s8, s0;
	s8 =	sadd.s32 s12, s5  }
0xbf: {  	v0 =	vld [tilespmem:s8+$0x70]  }
0xc0: {  	s11 =	sadd.s32 s22, s10;
	s14 =	sadd.s32 s24, s10;
	s26 =	sadd.s32 s18, s10;
	v3 =	vld [tilespmem:s8+$0x60]  }
0xc1: {  	s27 =	sadd.s32 s9, s10;
	s31 =	sadd.s32 s13, s10;
	v1 =	vld [tilespmem:s8+$0x50];
	s12 =	sadd.s32 s4, s11  }
0xc2: {  	v2 =	vld [tilespmem:s8+$0x40];
	s15 =	sadd.s32 s4, s14;
	s14 =	sadd.s32 s21, s10;
	s31 =	sadd.s32 s4, s31  }
0xc3: {  	v4 =	vld [tilespmem:s8+$0x30];
	s11 =	sadd.s32 s4, s14;
	s14 =	sadd.s32 s4, s26;
	s26 =	sadd.s32 s17, s10  }
0xc4: {  	s16 =	sadd.s32 s23, s10;
	v5 =	vld [tilespmem:s8+$0x20];
	s10 =	sadd.s32 s4, s26;
	s26 =	sadd.s32 s4, s27;
	[tilespmem:s31+$0x0 ss:$0x81] =	vst.msk $0xffff, v0  }
0xc5: {  	v6 =	vld [tilespmem:s8+$0x10];
	[tilespmem:s26+$0x0 ss:$0x81] =	vst.msk $0xffff, v3  }
0xc6: {  	v7 =	vld [tilespmem:s8+$0x0];
	[tilespmem:s10+$0x0 ss:$0x81] =	vst.msk $0xffff, v1  }
0xc7: {  	s16 =	sadd.s32 s4, s16;
	[tilespmem:s14+$0x0 ss:$0x81] =	vst.msk $0xffff, v2  }
0xc8: {  	[tilespmem:s16+$0x0 ss:$0x81] =	vst.msk $0xffff, v4  }
0xc9: {  	p2 =	sgt.s32 s30, $0x100;
	[tilespmem:s11+$0x0 ss:$0x81] =	vst.msk $0xffff, v5  }
.Ltmp12:
0xca: {  	[tilespmem:s15+$0x0 ss:$0x81] =	vst.msk $0xffff, v6;
	(pc) =	sbr.rel @!p2 .LBB1_11-.Ltmp12, $4  }
0xcb: {  	[tilespmem:s12+$0x0 ss:$0x81] =	vst.msk $0xffff, v7  }
0xcc: {  	[tilespmem:s12+$0x0 ss:$0x81] =	vst.msk $0xffff, v7  }
0xcd: {  	[tilespmem:s15+$0x0 ss:$0x81] =	vst.msk $0xffff, v6  }
0xce: {  	s27 =	simm.s32 $0x100;
	[tilespmem:s11+$0x0 ss:$0x81] =	vst.msk $0xffff, v5  }
.LBB1_10:
0xcf: {  	v5 =	vld [tilespmem:s8+$0x70];
	[tilespmem:s16+$0x0 ss:$0x81] =	vst.msk $0xffff, v4  }
0xd0: {  	v6 =	vld [tilespmem:s8+$0x60];
	[tilespmem:s14+$0x0 ss:$0x81] =	vst.msk $0xffff, v2  }
0xd1: {  	[tilespmem:s10+$0x0 ss:$0x81] =	vst.msk $0xffff, v1;
	v1 =	vld [tilespmem:s8+$0x50]  }
0xd2: {  	v2 =	vld [tilespmem:s8+$0x40];
	[tilespmem:s26+$0x0 ss:$0x81] =	vst.msk $0xffff, v3  }
0xd3: {  	v4 =	vld [tilespmem:s8+$0x30];
	[tilespmem:s31+$0x0 ss:$0x81] =	vst.msk $0xffff, v0  }
0xd4: {  	v7 =	vld [tilespmem:s8+$0x20];
	[tilespmem:s31+$0x0 ss:$0x81] =	vst.msk $0xffff, v5;
	v0 =	vmov v5  }
0xd5: {  	v5 =	vld [tilespmem:s8+$0x10];
	[tilespmem:s26+$0x0 ss:$0x81] =	vst.msk $0xffff, v6;
	v3 =	vmov v6  }
0xd6: {  	s27 =	sadd.s32 $0x100, s27;
	v6 =	vld [tilespmem:s8+$0x0];
	[tilespmem:s10+$0x0 ss:$0x81] =	vst.msk $0xffff, v1  }
0xd7: {  	p2 =	slt.s32 s27, s30;
	[tilespmem:s14+$0x0 ss:$0x81] =	vst.msk $0xffff, v2  }
0xd8: {  	[tilespmem:s16+$0x0 ss:$0x81] =	vst.msk $0xffff, v4  }
0xd9: {  	[tilespmem:s11+$0x0 ss:$0x81] =	vst.msk $0xffff, v7  }
.Ltmp13:
0xda: {  	[tilespmem:s15+$0x0 ss:$0x81] =	vst.msk $0xffff, v5;
	(pc) =	sbr.rel @p2 .LBB1_10-.Ltmp13, $4  }
0xdb: {  	[tilespmem:s12+$0x0 ss:$0x81] =	vst.msk $0xffff, v6  }
0xdc: {  	[tilespmem:s12+$0x0 ss:$0x81] =	vst.msk $0xffff, v6  }
0xdd: {  	[tilespmem:s15+$0x0 ss:$0x81] =	vst.msk $0xffff, v5  }
0xde: {  	[tilespmem:s11+$0x0 ss:$0x81] =	vst.msk $0xffff, v7  }
.LBB1_11:
0xdf: {  	[tilespmem:s16+$0x0 ss:$0x81] =	vst.msk $0xffff, v4  }
0xe0: {  	[tilespmem:s14+$0x0 ss:$0x81] =	vst.msk $0xffff, v2  }
0xe1: {  	[tilespmem:s10+$0x0 ss:$0x81] =	vst.msk $0xffff, v1  }
0xe2: {  	[tilespmem:s26+$0x0 ss:$0x81] =	vst.msk $0xffff, v3  }
0xe3: {  	[tilespmem:s31+$0x0 ss:$0x81] =	vst.msk $0xffff, v0  }
.LBB1_12:
.Ltmp14:
0xe4: {  	(pc) =	sbr.rel @p1 .LBB1_15-.Ltmp14, $1  }
0xe5: {  	_ =	sdelay $0x3  }
0xe6: {  	s10 =	sand.u32 $0x380, s19  }
0xe7: {  	s8 =	smul.u32 $0x10200, s20;
	s10 =	sadd.s32 s10, s5  }
0xe8: {  	v0 =	vmov s10  }
0xe9: {  	s8 =	sshra.s32 s8, $0x2  }
0xea: {  	s10 =	smov.u32 s30;
	s8 =	sadd.s32 s8, s6  }
.LBB1_14:
0xeb: {  	s12 =	sadd.s32 s10, s7  }
0xec: {  	s11 =	sand.u32 $0x70, s10;
	s10 =	sadd.s32 $0x10, s10;
	s31 =	sand.u32 $0x78, s12  }
0xed: {  	v1 =	vld.idx.msk [tilespmem:v0+s11+$0x0 ss:$0x1], $0xffff;
	p2 =	slt.s32 s10, s29;
	s11 =	smul.u32 $0x204, s31  }
.Ltmp15:
0xee: {  	_ = 	snop;
	(pc) =	sbr.rel @p2 .LBB1_14-.Ltmp15, $4  }
0xef: {  	_ = 	snop  }
0xf0: {  	s11 =	sshrl.u32 s11, $0x2  }
0xf1: {  	s11 =	sadd.s32 s11, s8  }
0xf2: {  	[tilespmem:s11+$0x0 ss:$0x81] =	vst.msk $0xffff, v1  }
.Ltmp16:
0xf3: {  	_ = 	snop;
	(pc) =	sbr.rel .LBB1_15-.Ltmp16, $1  }
0xf4: {  	_ =	sdelay $0x3  }
.LBB1_20:
0xf5: {  	_ =	sfence.sel $0x180000  }
0xf6: {  	s0 =	simm.s32 $0x1;
	[bflag:$0x0] =	sbarrier.arrive $0xFFFF  }
0xf7: {  	s30 =	simm.s32 $0x2;
	[sflag:s0] =	ssyncpa.u1 $0x1  }
0xf8: {  	[sflag:s30] =	ssyncpa.u1 $0x1  }
0xf9: {  	_ =	strace $0x90000047  }
0xfa: {  	s31 =	stileid.u32;
	[bflag:$0x2] =	sbarrier.arrive $0xFFFF  }
0xfb: {  	p0 =	sne.s32 s31, $0x0;
	s0 =	rddreg [dreg:$0x2]  }
0xfc: {  	s0 =	sadd.s32 @!p0 $0x100000, s0  }
0xfd: {  	[sflag:s0] =	ssyncadd.tile.s32 @!p0 $0x1;
	_ =	shalt  }
.Lfunc_end1:
_tile_overlayer_lowered:
.L_overlay_start_2:
0xfe: {  	(tag) =	ssettag $0x2  }
0xff: {  	s0 =	rddreg [dreg:$0x0];
	s2 =	stileid.u32  }
0x100: {  	s1 =	rddreg [dreg:$0x1];
	p0 =	sne.s32 s2, $0x0  }
0x101: {  	s3 =	rddreg [dreg:$0x2];
	[bflag:$0x3] =	sbarrier.arrive $0xFFFF;
	s2 =	simm.s32 @!p0 $0x1C01  }
0x102: {  	[timem:s3], [sflag:s2] =	dma.local @!p0 [hbm:s0], s1  }
0x103: {  	s0 =	simm.s32 @!p0 $0x1  }
0x104: {  	_ =	swait.ge @!p0 [sflag:s0], s1  }
0x105: {  	s1 =	ssub.s32 @!p0 $0x0, s1;
	[sflag:s0] =	ssyncset.done @!p0 $0x0  }
0x106: {  	[sflag:s0] =	ssyncadd.s32 @!p0 s1  }
0x107: {  	[bflag:$0x3] =	sbarrier.arrive $0xFFFF  }
0x108: {  	_ =	shalt  }

// kernel: sparse-core-data-format-call.cloned.1.call-start
scs
called_computation_lowered:
.L_overlay_start_0:
0x0: {  	s2 =	sld [smem:$0x3FD9]  }
0x1: {  	s3 =	sld [smem:$0x3FFE];
	_ =	sdelay $0x1  }
0x2: {  	s1 =	srdreg.scid  }
0x3: {  	s0 =	sand.u32 $0x1, s1  }
0x4: {  	s18 =	sshll.u32 s0, $0xA;
	s2 =	sadd.s32 s3, s2  }
0x5: {  	s2 =	sadd.s32 s2, s18  }
0x6: {  	[smem:$0x3FC5] =	sst s2  }
0x7: {  	_ = 	snop  }
0x8: {  	s2 =	sld [smem:$0x3FD0];
	(tm) =	ssettm $0x1  }
0x9: {  	s19 =	sld [smem:$0x3FFB];
	_ =	sdelay $0x3  }
0xa: {  	_ =	strace s19  }
0xb: {  	s3 =	sld [smem:$0x3FFC];
	_ =	sdelay $0x3  }
0xc: {  	_ =	strace s3  }
0xd: {  	s3 =	sld [smem:$0x3FFD];
	_ =	sdelay $0x3  }
0xe: {  	_ =	strace s3  }
0xf: {  	_ =	strace $0x8FFFFFFF  }
0x10: {  	s20 =	sld [smem:$0x3FDB];
	_ =	sdelay $0x1  }
0x11: {  	s4 =	simm.s32 $_scs_section_size  }
0x12: {  	s5 =	simm.s32 $_size__tile_overlayer_lowered;
	s6 =	simm.s32 $_tile_overlayer_lowered  }
0x13: {  	s23 =	simm.s32 $0x1BFF;
	s22 =	sshll.u32 s6, $0x1;
	s3 =	sadd.s32 s4, s20  }
0x14: {  	s7 =	simm.s32 $0x0;
	s21 =	sshll.u32 s5, $0x1;
	s5 =	sadd.s32 s22, s3  }
0x15: {  	[timem:s7], [sflag:s23] =	dma.local [hbm:s5], s21  }
0x16: {  	_ =	swait.ge [sflag:s23], s21  }
0x17: {  	s4 =	ssub.s32 $0x0, s21;
	[sflag:s23] =	ssyncset.done $0x0  }
0x18: {  	[sflag:s23] =	ssyncadd.s32 s4;
	_ =	sdelay $0x1  }
0x19: {  	s24 =	simm.s32 $0x1B8B  }
0x1a: {  	_ =	swait.ge [sflag:s24], $0x1  }
0x1b: {  	[sflag:s24] =	ssyncset.done $0x0  }
0x1c: {  	s26 =	simm.s32 $0x1B8E;
	s25 =	sld [smem:$0x3FFE];
	[sflag:s24] =	ssyncadd.s32 $0xFFFFFFFF  }
0x1d: {  	s27 =	simm.s32 $execute0_lowered;
	[smem:$0x3FD2] =	sst s26  }
0x1e: {  	s5 =	sshll.u32 s27, $0x1;
	_ =	strace $0x8000004C;
	[dreg:$0x1] =	wrdreg $0xFFFFFFFF  }
0x1f: {  	s28 =	simm.s32 $_size_execute0_lowered;
	s3 =	sadd.s32 s3, s5;
	[dreg:$0x0] =	wrdreg $0x0  }
0x20: {  	s5 =	sshll.u32 s28, $0x1;
	[dreg:$0x2] =	wrdreg s3  }
0x21: {  	[dreg:$0x3] =	wrdreg s5  }
0x22: {  	[dreg:$0x4] =	wrdreg $0xC0  }
0x23: {  	_ =	task [dreg:s7], $0x5FFFF  }
0x24: {  	[dreg:$0x1] =	wrdreg $0xFFFFFFFF  }
0x25: {  	[dreg:$0x0] =	wrdreg $0x60  }
0x26: {  	[dreg:$0x2] =	wrdreg s25  }
0x27: {  	[dreg:$0x3] =	wrdreg s2  }
0x28: {  	[dreg:$0x4] =	wrdreg $0x9  }
0x29: {  	_ =	task.clear_ibuf [dreg:s7], $0x5FFFF;
	_ =	strace $0x9000004C  }
0x2a: {  	s29 =	simm.s32 $0x9;
	_ =	strace $0x8000004E  }
0x2b: {  	_ =	swait.ge [sflag:s29], $0x1  }
0x2c: {  	[sflag:s29] =	ssyncadd.s32 $0xFFFFFFFF  }
0x2d: {  	_ =	strace $0x9000004E  }
0x2e: {  	_ =	sfence  }
0x2f: {  	s30 =	sld [smem:$0x0];
	_ =	sdelay $0x2  }
0x30: {  	s31 =	sshll.u32 s1, $0xD;
	s1 =	sshrl.u32 s1, $0x2  }
0x31: {  	s3 =	sand.u32 $0x4000, s31;
	s1 =	sadd.s32 s1, s30  }
0x32: {  	s0 =	sor.u32 s3, s0;
	s1 =	sshll.u32 s1, $0x11  }
0x33: {  	s0 =	sor.u32 s1, s0  }
0x34: {  	s0 =	sadd.s32 $0x8F2B, s0  }
0x35: {  	[sflag:s0] =	ssyncadd.remote.s32 $0x1  }
0x36: {  	_ =	sfence.sel $0xFFFF  }
0x37: {  	[dreg:$0x0] =	wrdreg $0xFFFFFFFF;
	(pc) =	sbr.abs _section_cstart, $3  }
0x38: {  	[dreg:$0x1] =	wrdreg $0xFFFFFFFF  }
0x39: {  	_ =	task.clear_ibuf [dreg:s7], $0x2FFFF;
	_ =	strace $0x9FFFFFFF  }
0x3a: {  	(tm) =	ssettm $0x7FFFFFFF  }
0x3b: {  	_ =	shalt  }
tec
execute0_lowered:
.L_overlay_start_1:
0x0: {  	(tag) =	ssettag $0x1  }
0x1: {  	s0 =	stileid.u32  }
0x2: {  	s1 =	srdreg.scid;
	s4 =	rddreg [dreg:$0x0];
	s8 =	simm.s32 $0x1  }
0x3: {  	s9 =	simm.s32 $0x2;
	s15 =	simm.s32 $0x0;
	s16 =	simm.s32 $0x0  }
0x4: {  	s10 =	simm.s32 $0x0;
	s2 =	sshll.u32 s0, $0x5;
	s1 =	sshll.u32 s1, $0x9  }
0x5: {  	s11 =	simm.s32 $0x0;
	s14 =	simm.s32 $0x0;
	s1 =	sor.u32 s2, s1  }
0x6: {  	s4 =	sadd.s32 $0x24C000, s4;
	s5 =	sand.u32 $0x3, s0;
	s3 =	sand.u32 $0x380, s1  }
0x7: {  	s2 =	rddreg [dreg:$0x1];
	s13 =	smov.u32 s5;
	s7 =	ssub.s32 $0xC400, s3  }
.Ltmp0:
0x8: {  	s1 =	rddreg [dreg:$0x2];
	s6 =	sand.u32 $0x380, s7;
	(pc) =	sbr.rel .LBB1_1-.Ltmp0, $4  }
0x9: {  	_ =	strace $0x8000004D;
	s12 =	smov.u32 s3;
	p0 =	sne.s32 s6, $0x0  }
0xa: {  	s7 =	sshrl.u32 s7, $0xA;
	s6 =	simm.s32 $0x1;
	s8 =	simm.s32 @!p0 $0x0  }
0xb: {  	[sflag:s6] =	ssyncpa.u1 $0x0;
	p0 =	por $0x0, $0x0;
	s7 =	sadd.s32 s8, s7  }
0xc: {  	[sflag:s9] =	ssyncpa.u1 $0x0;
	s9 =	simm.s32 $0x62000;
	s8 =	sadd.s32 $0x1, s7  }
.LBB1_4:
0xd: {  	s22 =	sshll.u32 s10, $0x3;
	s23 =	sand.u32 $0x7F, s10  }
0xe: {  	s21 =	sshra.s32 s21, $0x2;
	p1 =	sgt.s32 s11, $0x3;
	s25 =	smov.u32 s11  }
0xf: {  	s26 =	sshra.s32 s11, $0x1F;
	s31 =	sshra.s32 s10, $0x1F;
	s24 =	sand.u32 $0xFFFFFC00, s22  }
0x10: {  	s22 =	smulhi.u32 $0x5397829D, s22;
	s25 =	simm.s32 @!p1 $0x3;
	s26 =	sand.u32 s26, s11  }
0x11: {  	v5 =	vld [tilespmem:s18+$0xFFFFFFD0];
	[tilespmem:s19+$0x2040 ss:$0x81] =	vst.msk $0xffff, v4;
	s20 =	sadd.s32 s21, s20;
	p1 =	sgt.s32 s10, $0xC380;
	s23 =	sor.u32 s23, s24  }
0x12: {  	v58 =	vld [tilespmem:s18+$0xFFFFFFE0];
	[tilespmem:s19+$0x2850 ss:$0x81] =	vst.msk $0xffff, v3;
	s28 =	ssub.s32 s25, s26;
	s24 =	smulhi.u32 $0x5397829D, s23;
	s22 =	sshrl.u32 s22, $0xE  }
0x13: {  	v59 =	vld [tilespmem:s18+$0xFFFFFFF0];
	[tilespmem:s19+$0x3060 ss:$0x81] =	vst.msk $0xffff, v2;
	s21 =	smov.u32 s10;
	s30 =	ssub.s32 $0x4, s28;
	s27 =	smulhi.u32 $0x2AAAAAB, s22  }
0x14: {  	v60 =	vld [tilespmem:s18+$0x0];
	[tilespmem:s19+$0x0 ss:$0x81] =	vst.msk $0xffff, v1;
	s21 =	simm.s32 @!p1 $0xC380;
	s26 =	sadd.s32 $0xFFFFFFFD, s28;
	s19 =	smul.u32 $0x60, s30  }
0x15: {  	v61 =	vld [tilespmem:s18+$0x10];
	[tilespmem:s20+$0x3870 ss:$0x81] =	vst.msk $0xffff, v0;
	s24 =	sshrl.u32 s24, $0xE;
	s29 =	smul.u32 $0x60, s27;
	s27 =	sand.u32 s31, s10  }
0x16: {  	v62 =	vld [tilespmem:s18+$0x20];
	p1 =	sgt.s32 s26, $0x0;
	[tilespmem:s20+$0x810 ss:$0x81] =	vst.msk $0xffff, v5;
	s24 =	smul.u32 $0xC400, s24;
	s21 =	ssub.s32 s21, s27  }
0x17: {  	v63 =	vld [tilespmem:s18+$0xFFFFFFC0];
	[tilespmem:s20+$0x1020 ss:$0x81] =	vst.msk $0xffff, v58;
	s19 =	simm.s32 @p1 $0x0;
	s27 =	smul.u32 $0x93000, s11;
	s26 =	sadd.s32 $0xFFFF3C80, s21  }
0x18: {  	[tilespmem:s20+$0x1830 ss:$0x81] =	vst.msk $0xffff, v59;
	s25 =	ssub.s32 s22, s29;
	s21 =	ssub.s32 $0xC400, s21;
	p1 =	sgt.s32 s26, $0x7F  }
0x19: {  	[tilespmem:s20+$0x2040 ss:$0x81] =	vst.msk $0xffff, v60;
	s23 =	ssub.s32 s23, s24;
	s18 =	smul.u32 $0x1880, s25;
	s21 =	simm.s32 @p1 $0x0  }
0x1a: {  	[tilespmem:s20+$0x2850 ss:$0x81] =	vst.msk $0xffff, v61;
	s28 =	sadd.s32 s2, s27;
	s29 =	sand.u32 $0x7, s23;
	s19 =	smul.u32 s21, s19  }
0x1b: {  	[tilespmem:s20+$0x3060 ss:$0x81] =	vst.msk $0xffff, v62;
	s30 =	sshrl.u32 s23, $0x3;
	s22 =	sshll.u32 s29, $0x12;
	s18 =	sadd.s32 s18, s28  }
0x1c: {  	[tilespmem:s20+$0x0 ss:$0x81] =	vst.msk $0xffff, v63;
	s31 =	sor.u32 $0x400, s22;
	s18 =	sadd.s32 s30, s18;
	s19 =	sand.u32 $0x3FFFFFE0, s19  }
0x1d: {  	[hbm4b:s18+s31] =	stream.strided.scatter [tilespmem:s17], [sflag:$0x2], s19, s9, s31, $0x20;
	[tilespmem:$0x10100] =	vst v63  }
.LBB1_5:
0x1e: {  	p1 =	slt.u32 s14, $0x2  }
0x1f: {  	s18 =	smov.u32 s16;
	p2 =	sgt.s32 @!p1 s16, $0x3;
	s17 =	sshra.s32 @!p1 s16, $0x1F  }
0x20: {  	p3 =	sgt.s32 @!p1 s15, $0xC380;
	s19 =	sshra.s32 @!p1 s15, $0x1F;
	p2 =	por !p2, p1  }
0x21: {  	s16 =	sand.u32 @!p1 s17, s16;
	p3 =	por !p3, p1;
	s17 =	smov.u32 s15  }
0x22: {  	s15 =	sand.u32 @!p1 s19, s15;
	s18 =	simm.s32 @p2 $0x3;
	s17 =	simm.s32 @p3 $0xC380  }
0x23: {  	s19 =	smov.u32 s13;
	s16 =	ssub.s32 @!p1 s18, s16;
	s15 =	ssub.s32 @!p1 s17, s15  }
0x24: {  	s17 =	sadd.s32 @!p1 $0xFFFFFFFD, s16;
	s16 =	ssub.s32 @!p1 $0x4, s16;
	s18 =	sadd.s32 @!p1 $0xFFFF3C80, s15  }
0x25: {  	p2 =	sgt.s32 @!p1 s17, $0x0;
	s16 =	smul.u32 @!p1 $0x60, s16;
	p3 =	sgt.s32 @!p1 s18, $0x7F  }
0x26: {  	s15 =	ssub.s32 @!p1 $0xC400, s15;
	p2 =	por !p2, p1;
	p3 =	por !p3, p1  }
0x27: {  	s17 =	sadd.s32 $0x400, s12;
	s16 =	simm.s32 @!p2 $0x0;
	s15 =	simm.s32 @!p3 $0x0  }
0x28: {  	p2 =	sgt.s32 s17, $0xC3FF;
	s15 =	smul.u32 @!p1 s15, s16;
	s16 =	sadd.s32 $0x4, s13  }
0x29: {  	s19 =	smov.u32 @p2 s16  }
0x2a: {  	s17 =	smov.u32 @p2 s3;
	p2 =	sgt.s32 s19, $0x3  }
0x2b: {  	s19 =	smov.u32 @p2 s5;
	p2 =	sne.s32 s14, s8  }
.Ltmp1:
0x2c: {  	p0 =	por !p0, !p0;
	s18 =	simm.s32 @!p1 $0x2;
	(pc) =	sbr.rel @!p2 .LBB1_6-.Ltmp1, $4  }
0x2d: {  	s16 =	smov.u32 s11;
	s11 =	smov.u32 s13;
	s15 =	sand.u32 @!p1 $0x3FFFFFE0, s15  }
0x2e: {  	_ =	swait.ge @!p1 [sflag:s18], s15;
	s20 =	ssub.s32 @!p1 $0x0, s15;
	s15 =	smov.u32 s10  }
0x2f: {  	s14 =	sadd.s32 $0x1, s14;
	s10 =	smov.u32 s12;
	[sflag:s18] =	ssyncset.done @!p1 $0x0  }
0x30: {  	s12 =	smov.u32 s17;
	s13 =	smov.u32 s19;
	[sflag:s18] =	ssyncadd.s32 @!p1 s20  }
.LBB1_1:
0x31: {  	p1 =	sge.u32 s14, s7  }
0x32: {  	s17 =	sand.u32 @!p1 $0x1FFFFFF, s12  }
0x33: {  	s18 =	smulhi.u32 @!p1 $0x14E5E0B, s17;
	_ =	sdelay $0x1  }
0x34: {  	s18 =	sshrl.u32 @!p1 s18, $0x8  }
0x35: {  	s18 =	smul.u32 @!p1 $0xC400, s18  }
0x36: {  	s19 =	smul.u32 @!p1 $0xC4000, s13  }
0x37: {  	s31 =	sadd.s32 $0xFFFFFFFF, s14;
	s17 =	ssub.s32 @!p1 s17, s18;
	s18 =	sxor.u32 @!p1 $0xFFFFFFFF, s14  }
0x38: {  	s19 =	sadd.s32 @!p1 s4, s19;
	s18 =	sshll.u32 @!p1 s18, $0xE;
	s17 =	sshll.u32 @!p1 s17, $0x4  }
0x39: {  	s18 =	sand.u32 @!p1 $0x4000, s18;
	s17 =	sadd.s32 @!p1 s17, s19;
	s19 =	simm.s32 @!p1 $0x0  }
0x3a: {  	[tilespmem:s18], [sflag:$0x1] =	stream.linear.gather @!p1 [hbm4b:s17+s19], $0x4000, $0x38;
	[tilespmem:$0x10100] =	vst v63  }
0x3b: {  	p1 =	sge.u32 s31, s7  }
.Ltmp2:
0x3c: {  	_ = 	snop;
	(pc) =	sbr.rel @p1 .LBB1_5-.Ltmp2, $1  }
0x3d: {  	_ =	sdelay $0x3  }
0x3e: {  	s17 =	simm.s32 $0x1  }
0x3f: {  	_ =	swait.ge [sflag:s6], $0x4000;
	s17 =	simm.s32 @!p0 $0x0  }
0x40: {  	[sflag:s6] =	ssyncset.done $0x0;
	s18 =	sshll.u32 s17, $0xE  }
0x41: {  	[sflag:s6] =	ssyncadd.s32 $0xFFFFC000;
	s18 =	sor.u32 $0x40, s18  }
0x42: {  	s17 =	smul.u32 $0x10200, s17;
	v0 =	vld [tilespmem:s18+$0x30]  }
0x43: {  	v1 =	vld [tilespmem:s18+$0xFFFFFFD0]  }
0x44: {  	s17 =	sshrl.u32 s17, $0x2;
	v5 =	vld [tilespmem:s18+$0xFFFFFFE0]  }
0x45: {  	v6 =	vld [tilespmem:s18+$0xFFFFFFF0];
	s20 =	sor.u32 $0x8000, s17  }
0x46: {  	s31 =	sand.u32 $0x1, s14;
	v4 =	vld [tilespmem:s18+$0x0];
	s19 =	sadd.s32 $0x0, s20  }
0x47: {  	v3 =	vld [tilespmem:s18+$0x10];
	s17 =	smul.u32 $0x10200, s31;
	[tilespmem:s19+$0x3870 ss:$0x81] =	vst.msk $0xffff, v0  }
0x48: {  	v2 =	vld [tilespmem:s18+$0x20];
	[tilespmem:s19+$0x810 ss:$0x81] =	vst.msk $0xffff, v1  }
0x49: {  	s17 =	sshrl.u32 s17, $0x2;
	v1 =	vld [tilespmem:s18+$0xFFFFFFC0];
	[tilespmem:s19+$0x1020 ss:$0x81] =	vst.msk $0xffff, v5;
	s18 =	sadd.s32 $0x80, s18  }
0x4a: {  	s21 =	simm.s32 $0x4;
	s22 =	simm.s32 $0x8;
	s17 =	sor.u32 $0x8000, s17;
	[tilespmem:s19+$0x1830 ss:$0x81] =	vst.msk $0xffff, v6;
	v0 =	vld [tilespmem:s18+$0x30]  }
.LBB1_3:
0x4b: {  	p1 =	sne.s32 s22, $0x1FC;
	v5 =	vld [tilespmem:s18+$0xFFFFFFD0];
	[tilespmem:s19+$0x2040 ss:$0x81] =	vst.msk $0xffff, v4  }
0x4c: {  	v6 =	vld [tilespmem:s18+$0xFFFFFFE0];
	[tilespmem:s19+$0x2850 ss:$0x81] =	vst.msk $0xffff, v3  }
0x4d: {  	s23 =	sshra.s32 s21, $0x2;
	s21 =	smov.u32 s22;
	v7 =	vld [tilespmem:s18+$0xFFFFFFF0];
	[tilespmem:s19+$0x3060 ss:$0x81] =	vst.msk $0xffff, v2  }
.Ltmp3:
0x4e: {  	v4 =	vld [tilespmem:s18+$0x0];
	[tilespmem:s19+$0x0 ss:$0x81] =	vst.msk $0xffff, v1;
	s19 =	sadd.s32 s23, s20;
	(pc) =	sbr.rel @p1 .LBB1_3-.Ltmp3, $4  }
0x4f: {  	v3 =	vld [tilespmem:s18+$0x10];
	[tilespmem:s19+$0x3870 ss:$0x81] =	vst.msk $0xffff, v0  }
0x50: {  	[tilespmem:s19+$0x810 ss:$0x81] =	vst.msk $0xffff, v5;
	v2 =	vld [tilespmem:s18+$0x20]  }
0x51: {  	v1 =	vld [tilespmem:s18+$0xFFFFFFC0];
	[tilespmem:s19+$0x1020 ss:$0x81] =	vst.msk $0xffff, v6;
	s18 =	sadd.s32 $0x80, s18  }
0x52: {  	s22 =	sadd.s32 $0x4, s22;
	v0 =	vld [tilespmem:s18+$0x30];
	[tilespmem:s19+$0x1830 ss:$0x81] =	vst.msk $0xffff, v7  }
.Ltmp4:
0x53: {  	_ = 	snop;
	(pc) =	sbr.rel .LBB1_4-.Ltmp4, $1  }
0x54: {  	_ =	sdelay $0x3  }
.LBB1_6:
0x55: {  	_ =	sfence.sel $0x180000  }
0x56: {  	s2 =	simm.s32 $0x1;
	[bflag:$0x0] =	sbarrier.arrive $0xFFFF  }
0x57: {  	s31 =	simm.s32 $0x2;
	[sflag:s2] =	ssyncpa.u1 $0x1  }
0x58: {  	[sflag:s31] =	ssyncpa.u1 $0x1  }
0x59: {  	p0 =	sne.s32 s0, $0x0;
	_ =	strace $0x9000004D  }
0x5a: {  	s0 =	sadd.s32 @!p0 $0x100000, s1;
	[bflag:$0x2] =	sbarrier.arrive $0xFFFF  }
0x5b: {  	[sflag:s0] =	ssyncadd.tile.s32 @!p0 $0x1;
	_ =	shalt  }
.Lfunc_end1:
_tile_overlayer_lowered:
.L_overlay_start_2:
0x5c: {  	(tag) =	ssettag $0x2  }
0x5d: {  	s0 =	rddreg [dreg:$0x0];
	s2 =	stileid.u32  }
0x5e: {  	s1 =	rddreg [dreg:$0x1];
	p0 =	sne.s32 s2, $0x0  }
0x5f: {  	s3 =	rddreg [dreg:$0x2];
	[bflag:$0x3] =	sbarrier.arrive $0xFFFF;
	s2 =	simm.s32 @!p0 $0x1C01  }
0x60: {  	[timem:s3], [sflag:s2] =	dma.local @!p0 [hbm:s0], s1  }
0x61: {  	s0 =	simm.s32 @!p0 $0x1  }
0x62: {  	_ =	swait.ge @!p0 [sflag:s0], s1  }
0x63: {  	s1 =	ssub.s32 @!p0 $0x0, s1;
	[sflag:s0] =	ssyncset.done @!p0 $0x0  }
0x64: {  	[sflag:s0] =	ssyncadd.s32 @!p0 s1  }
0x65: {  	[bflag:$0x3] =	sbarrier.arrive $0xFFFF  }
0x66: {  	_ =	shalt  }

</sc_bundles>
